<compile_context>
chip_gen: v7x
topology: tpu7x:2x2x1
jax: 0.10.2.dev20260603
libtpu: 0.0.44.dev20260713+nightly
codegen_flags: <defaults>
</compile_context>

<pallas_src>
import functools

import jax
import jax.numpy as jnp
from jax import lax
from jax.experimental import pallas as pl
from jax.experimental.pallas import tpu as pltpu
from jax.experimental.pallas import tpu_sc as plsc

HEADS = 12
D_K = 64
D_V = 64
L = 2048
BUCKET = 64
N_BUCKETS = 32
N_CHUNKS = L // BUCKET
DM = HEADS * D_K
RB = 128
N_RB = L // RB
NEG_MASK = -1e15
NEG_DIAG = -1e5
SCCHUNK = 64


def _iota(shape, dim):
    return jax.lax.broadcasted_iota(jnp.int32, shape, dim).astype(jnp.float32)


def _dot(a, b, dims, prec):
    return jax.lax.dot_general(a, b, (dims, ((), ())),
                               preferred_element_type=jnp.float32,
                               precision=prec)


def _sort_body(r_ref, q_ref, cidx_ref, offs_row_ref, offs_col_ref,
               pos_ref, o_ref):
    ib = pl.program_id(0)
    ir = pl.program_id(1)
    nb = pl.num_programs(0)
    f32 = jnp.float32
    hi = jax.lax.Precision.HIGHEST

    r2 = r_ref[0]
    lane = _iota((RB, N_BUCKETS), 1)

    def hblk(a, carry):
        qb = q_ref[0, pl.ds(a * RB, RB), :]
        rotb = jax.lax.dot_general(qb, r2, ((((1,), (0,))), ((), ())),
                                   preferred_element_type=f32)
        rot = jnp.concatenate([rotb, -rotb], axis=1)
        mx = jnp.max(rot, axis=1, keepdims=True)
        amin = jnp.min(jnp.where(rot == mx, lane, 1e9), axis=1, keepdims=True)
        o_ref[pl.ds(a * RB, RB), :] = (lane == amin).astype(f32)
        return carry

    jax.lax.fori_loop(0, N_RB, hblk, 0)

    onehot = o_ref[:]
    cnt_row = jnp.sum(onehot, axis=0, keepdims=True)
    slt = (_iota((N_BUCKETS, N_BUCKETS), 0)
           < _iota((N_BUCKETS, N_BUCKETS), 1)).astype(f32)
    offs_row = _dot(cnt_row, slt, ((1,), (0,)), hi)
    offs_row_ref[0, 0] = offs_row
    ones_col = jnp.ones((L, 1), f32)
    cnt_col = _dot(onehot, ones_col, ((0,), (0,)), hi)
    offs_col_ref[0, 0] = _dot(slt, cnt_col, ((0,), (0,)), hi)

    t128 = (_iota((RB, RB), 1) < _iota((RB, RB), 0)).astype(f32)
    base = (ib * L).astype(f32)

    def blk(a, run):
        ob = o_ref[pl.ds(a * RB, RB), :]
        excl = _dot(t128, ob, ((1,), (0,)), jax.lax.Precision.DEFAULT) + run
        posb = jnp.sum((excl + offs_row) * ob, axis=1, keepdims=True)
        pos_ref[pl.ds(a * RB, RB), :] = posb
        cidx_ref[0, 0, pl.ds(a * RB, RB), :] = (posb + base).astype(jnp.int32)
        return run + jnp.sum(ob, axis=0, keepdims=True)

    jax.lax.fori_loop(0, N_RB, blk, jnp.zeros((1, N_BUCKETS), f32))


def _attn_body(qc_ref, kc_ref, kp_ref, vc_ref, vp_ref,
               offs_row_ref, offs_col_ref, out_ref):
    ic = pl.program_id(1)
    f32 = jnp.float32

    qcur = qc_ref[0, 0]
    k3 = jnp.concatenate([kp_ref[0, 0, BUCKET:], kc_ref[0, 0]], axis=0)
    v3 = jnp.concatenate([vp_ref[0, 0, BUCKET:], vc_ref[0, 0]], axis=0)

    base = (ic * 2 * BUCKET).astype(f32)
    i128 = _iota((2 * BUCKET, 1), 0)
    hs_q = jnp.sum(((base + i128) >= offs_row_ref[0]).astype(f32),
                   axis=1, keepdims=True)
    j192 = _iota((1, 3 * BUCKET), 1)
    tk = base - BUCKET + j192
    tk = jnp.where(tk < 0, tk + L, tk)
    hs_k = jnp.sum((tk >= offs_col_ref[0]).astype(f32),
                   axis=0, keepdims=True)
    in_win = jnp.where(i128 < BUCKET, (j192 < 2 * BUCKET).astype(f32),
                       (j192 >= BUCKET).astype(f32))
    not_ok = 1.0 - (hs_q == hs_k).astype(f32) * in_win
    diag = (j192 == i128 + BUCKET).astype(f32)
    bias = not_ok * NEG_MASK + diag * NEG_DIAG

    df = jax.lax.Precision.DEFAULT
    probs = []
    for h in range(HEADS):
        sl = slice(h * D_K, (h + 1) * D_K)
        logits = _dot(qcur[:, sl], k3[:, sl], ((1,), (1,)), df) * (1.0 / 8.0)
        logits = logits + bias
        m = jnp.max(logits, axis=1, keepdims=True)
        e = jnp.exp(logits - m)
        probs.append(e * (1.0 / jnp.sum(e, axis=1, keepdims=True)))
    outs = [_dot(probs[h], v3[:, h * D_V:(h + 1) * D_V], ((1,), (0,)), df)
            for h in range(HEADS)]
    out_ref[0, 0] = jnp.concatenate(outs, axis=1)


def _make_sc_scatter(n_rows_total, nw):
    rows_per_w = n_rows_total // nw
    n_ch = rows_per_w // SCCHUNK
    mesh = plsc.VectorSubcoreMesh(core_axis_name="c", subcore_axis_name="s")

    @functools.partial(
        pl.kernel, mesh=mesh,
        out_type=[jax.ShapeDtypeStruct((n_rows_total, DM), jnp.float32)
                  for _ in range(3)],
        scratch_types=[
            pltpu.VMEM((n_ch, SCCHUNK), jnp.int32),
            pltpu.VMEM((SCCHUNK, DM), jnp.float32),
            pltpu.VMEM((SCCHUNK, DM), jnp.float32),
            pltpu.SemaphoreType.DMA,
            pltpu.SemaphoreType.DMA,
        ],
    )
    def sc_scatter(q_hbm, k_hbm, v_hbm, idx_hbm, qs_hbm, ks_hbm, vs_hbm,
                   idx_v, buf0, buf1, sem0, sem1):
        nc = lax.axis_index("c")
        ns = lax.axis_index("s")
        wid = ns * 2 + nc
        n_src = q_hbm.shape[0]
        pltpu.sync_copy(idx_hbm.at[wid], idx_v)
        bufs = (buf0, buf1)
        sems = (sem0, sem1)
        seq = [(tbl, dst, j)
               for tbl, dst in ((q_hbm, qs_hbm), (k_hbm, ks_hbm),
                                (v_hbm, vs_hbm))
               for j in range(n_ch)]
        pending = [None, None]
        for t, (tbl, dst, j) in enumerate(seq):
            bi = t % 2
            if pending[bi] is not None:
                pending[bi].wait()
            src_row = lax.rem(wid * rows_per_w + j * SCCHUNK, n_src)
            pltpu.sync_copy(tbl.at[pl.ds(src_row, SCCHUNK)], bufs[bi])
            pending[bi] = pltpu.async_copy(bufs[bi], dst.at[idx_v.at[j]],
                                           sems[bi])
        pending[0].wait()
        pending[1].wait()

    return sc_scatter


def _make_sc_combine(n_out_rows, nw):
    rows_per_w = n_out_rows // nw
    n_ch = rows_per_w // SCCHUNK
    mesh = plsc.VectorSubcoreMesh(core_axis_name="c", subcore_axis_name="s")

    @functools.partial(
        pl.kernel, mesh=mesh,
        out_type=jax.ShapeDtypeStruct((n_out_rows, DM), jnp.float32),
        scratch_types=[
            pltpu.VMEM((rows_per_w,), jnp.int32),
            pltpu.VMEM((rows_per_w,), jnp.int32),
            pltpu.VMEM((SCCHUNK, DM), jnp.float32),
            pltpu.VMEM((SCCHUNK, DM), jnp.float32),
            pltpu.SemaphoreType.DMA,
            pltpu.SemaphoreType.DMA,
        ],
    )
    def sc_combine(outs0_hbm, outs1_hbm, idx0_hbm, idx1_hbm, outf_hbm,
                   i0_v, i1_v, buf0, buf1, sem0, sem1):
        nc = lax.axis_index("c")
        ns = lax.axis_index("s")
        wid = ns * 2 + nc
        base = wid * rows_per_w
        pltpu.sync_copy(idx0_hbm.at[pl.ds(base, rows_per_w)], i0_v)
        pltpu.sync_copy(idx1_hbm.at[pl.ds(base, rows_per_w)], i1_v)
        for j in range(n_ch):
            c0 = pltpu.async_copy(
                outs0_hbm.at[i0_v.at[pl.ds(j * SCCHUNK, SCCHUNK)]], buf0, sem0)
            c1 = pltpu.async_copy(
                outs1_hbm.at[i1_v.at[pl.ds(j * SCCHUNK, SCCHUNK)]], buf1, sem1)
            c0.wait()
            c1.wait()

            def row_add(i, carry):
                for cc in range(DM // 16):
                    s = pl.ds(cc * 16, 16)
                    buf0[i, s] = buf0[i, s] + buf1[i, s]
                return carry

            lax.fori_loop(0, SCCHUNK, row_add, 0)
            pltpu.sync_copy(buf0, outf_hbm.at[pl.ds(base + j * SCCHUNK,
                                                    SCCHUNK)])

    return sc_combine


def kernel(q, k, v, R):
    b = q.shape[0]
    rnd = R.shape[1]
    rt = jnp.transpose(R, (1, 0, 2))
    f32 = jnp.float32
    i32 = jnp.int32

    cidx, offs_row, offs_col = pl.pallas_call(
        _sort_body,
        grid=(b, rnd),
        in_specs=[
            pl.BlockSpec((1, DM, N_BUCKETS // 2), lambda ib, ir: (ir, 0, 0)),
            pl.BlockSpec((1, L, DM), lambda ib, ir: (ib, 0, 0)),
        ],
        out_specs=[
            pl.BlockSpec((1, 1, L, 1), lambda ib, ir: (ir, ib, 0, 0)),
            pl.BlockSpec((1, 1, 1, N_BUCKETS), lambda ib, ir: (ir, ib, 0, 0)),
            pl.BlockSpec((1, 1, N_BUCKETS, 1), lambda ib, ir: (ir, ib, 0, 0)),
        ],
        out_shape=[
            jax.ShapeDtypeStruct((rnd, b, L, 1), i32),
            jax.ShapeDtypeStruct((rnd, b, 1, N_BUCKETS), f32),
            jax.ShapeDtypeStruct((rnd, b, N_BUCKETS, 1), f32),
        ],
        scratch_shapes=[
            pltpu.VMEM((L, 1), f32),
            pltpu.VMEM((L, N_BUCKETS), f32),
        ],
    )(rt, q)

    info = plsc.get_sparse_core_info()
    nw = info.num_cores * info.num_subcores
    nrows = b * L

    qt = q.reshape(nrows, DM)
    kt = k.reshape(nrows, DM)
    vt = v.reshape(nrows, DM)
    sc_scatter = _make_sc_scatter(nrows, nw)
    npair = N_CHUNKS // 2
    ch2 = 2 * BUCKET
    cur = lambda i, c: (i, c, 0, 0)
    prv = lambda i, c: (i, (c + npair - 1) % npair, 0, 0)
    cidx_r = cidx.reshape(rnd, nw, (nrows // nw) // SCCHUNK, SCCHUNK)
    orow = offs_row.reshape(rnd * b, 1, N_BUCKETS)
    ocol = offs_col.reshape(rnd * b, N_BUCKETS, 1)
    round_outs = []
    for r in range(rnd):
        qs, ks, vs = sc_scatter(qt, kt, vt, cidx_r[r])
        qs4 = qs.reshape(b, npair, ch2, DM)
        ks4 = ks.reshape(b, npair, ch2, DM)
        vs4 = vs.reshape(b, npair, ch2, DM)
        outs = pl.pallas_call(
            _attn_body,
            grid=(b, npair),
            in_specs=[
                pl.BlockSpec((1, 1, ch2, DM), cur),
                pl.BlockSpec((1, 1, ch2, DM), cur),
                pl.BlockSpec((1, 1, ch2, DM), prv),
                pl.BlockSpec((1, 1, ch2, DM), cur),
                pl.BlockSpec((1, 1, ch2, DM), prv),
                pl.BlockSpec((1, 1, N_BUCKETS), lambda i, c: (i, 0, 0)),
                pl.BlockSpec((1, N_BUCKETS, 1), lambda i, c: (i, 0, 0)),
            ],
            out_specs=pl.BlockSpec((1, 1, ch2, DM), cur),
            out_shape=jax.ShapeDtypeStruct((b, npair, ch2, DM), f32),
        )(qs4, ks4, ks4, vs4, vs4,
          lax.slice_in_dim(orow, r * b, (r + 1) * b),
          lax.slice_in_dim(ocol, r * b, (r + 1) * b))
        round_outs.append(outs.reshape(nrows, DM))

    cflat = cidx.reshape(rnd, nrows)
    out = _make_sc_combine(nrows, nw)(
        round_outs[0], round_outs[1], cflat[0], cflat[1])
    return out.reshape(b, L, HEADS, D_V)

# --- scband reference (transcript-rebuilt; emitter-appended) ---
"""Pipeline reference for scband-lshscaled-dot-product-19164144075427 (READ-ONLY COPY).

The authoritative reference and input builder live on the scoring server;
editing this copy changes nothing except your own understanding.
"""

import jax, jax.numpy as jnp
import numpy as np

HEADS = 12; D_K = 64; D_V = 64; N_ROUNDS = 2
MAX_LEN = 2048; BUCKET = 64; BATCH = 2
N_BUCKETS = MAX_LEN // BUCKET  # 32
SCALE = 8.0


def setup_inputs(seed: int = 0) -> dict:
    key = jax.random.key(seed)
    k1, k2, k3, k4 = jax.random.split(key, 4)
    q = jax.random.normal(k1, (BATCH, MAX_LEN, HEADS * D_K), dtype=jnp.float32)
    k = jax.random.normal(k2, (BATCH, MAX_LEN, HEADS * D_K), dtype=jnp.float32)
    v = jax.random.normal(k3, (BATCH, MAX_LEN, HEADS * D_V), dtype=jnp.float32)
    # random projection buffer of the angular LSH (n_buckets//2 hyperplanes per round)
    R = jax.random.normal(k4, (HEADS * D_K, N_ROUNDS, N_BUCKETS // 2), dtype=jnp.float32)
    return {"q": q, "k": k, "v": v, "R": R}


def _hash(x, R):
    # angular LSH: rotate, concat with negation, argmax -> bucket id in 1..N_BUCKETS (0 reserved for padding)
    rot = jnp.einsum('bld,drn->rbln', x, R)
    rot = jnp.concatenate([rot, -rot], axis=-1)
    return jnp.argmax(rot, axis=-1) + 1  # (r, b, L)


def _sort_by(x, idx):
    # x: (b, L, d); idx: (r, b, L) -> (r, b, L, d)
    xb = jnp.broadcast_to(x[None], (idx.shape[0],) + x.shape)
    return jnp.take_along_axis(xb, idx[..., None], axis=2)


def _chunk(x):
    # chunk sequence into buckets of size BUCKET with circular look-back of one chunk
    r, b, L = x.shape[0], x.shape[1], x.shape[2]
    n = L // BUCKET
    xc = x.reshape((r, b, n, BUCKET) + x.shape[3:])
    prev = jnp.concatenate([xc[:, :, -1:], xc[:, :, :-1]], axis=2)
    return jnp.concatenate([prev, xc], axis=3)  # (r, b, n, 2*BUCKET, ...)


def _forward(q, k, v, R):
    # max_len divisible by bucket_size -> pad_dim = 0
    h = _hash(q, R)                                  # (r, b, L)
    sorted_idx = jnp.argsort(h, axis=-1)             # stable sort by bucket id
    hs = jnp.take_along_axis(h, sorted_idx, axis=-1)
    qs = _sort_by(q, sorted_idx)
    ks = _sort_by(k, sorted_idx)
    vs = _sort_by(v, sorted_idx)
    r, b, L, _ = qs.shape
    qs = qs.reshape(r, b, L, HEADS, D_K)
    ks = ks.reshape(r, b, L, HEADS, D_K)
    vs = vs.reshape(r, b, L, HEADS, D_V)
    qc = _chunk(qs); kc = _chunk(ks); vc = _chunk(vs); hc = _chunk(hs)
    rb = r * b
    n = qc.shape[2]
    qc = qc.reshape((rb,) + qc.shape[2:])
    kc = kc.reshape((rb,) + kc.shape[2:])
    vc = vc.reshape((rb,) + vc.shape[2:])
    hc = hc.reshape((rb,) + hc.shape[2:])
    attn = jnp.einsum('xnqhd,xnkhd->xnhqk', qc, kc) / SCALE
    hm = (hc[..., :, None] == hc[..., None, :]) & (hc[..., :, None] != 0)
    hm = hm[:, :, None, :, :].astype(jnp.int32)      # (rb, n, 1, L2, L2)
    ncnt = hm * hm.sum(axis=3, keepdims=True)
    nlog = -jnp.log(jnp.maximum(ncnt, 1).astype(jnp.float32))
    m = (1 - hm).astype(jnp.float32) * -1e15
    attn = attn + m + nlog
    L2 = hm.shape[-1]
    eye = jnp.eye(L2, dtype=jnp.float32).reshape(1, 1, 1, L2, L2)
    attn = attn + eye * -1e5                         # self_attn_mask=True
    attn = jax.nn.softmax(attn, axis=-1)             # dropout p=0.0 -> identity
    out = jnp.einsum('xnhml,xnlhd->xnmhd', attn, vc)
    out = out[:, :, BUCKET:, :, :]                   # keep second half (current chunk)
    out = out.reshape(r, b, L, HEADS * D_V)
    inv = jnp.argsort(sorted_idx, axis=-1)           # inverse permutation (original_sort)
    out = jnp.take_along_axis(out, inv[..., None], axis=2)
    out = out.reshape(r, b, L, HEADS, D_V)
    return out.sum(axis=0)                           # sum over rounds -> (b, L, heads, d_v)


def reference(q, k, v, R):
    return _forward(q, k, v, R)

if __name__ == "__main__":
    import jax
    _d = setup_inputs()
    print(jax.jit(kernel)(*tuple(_d.values())))

</pallas_src>

<mosaic_0001>
#map = affine_map<(d0, d1) -> (0, 0)>
#map1 = affine_map<(d0, d1) -> (0, 0, 0)>
module attributes {stable_mosaic.version = 14 : i64} {
  func.func @sc_scatter(%arg0: i32, %arg1: i32, %arg2: memref<4096x768xf32, #tpu.memory_space<hbm>>, %arg3: memref<4096x768xf32, #tpu.memory_space<hbm>>, %arg4: memref<4096x768xf32, #tpu.memory_space<hbm>>, %arg5: memref<32x2x64xi32, #tpu.memory_space<hbm>>, %arg6: memref<4096x768xf32, #tpu.memory_space<hbm>>, %arg7: memref<4096x768xf32, #tpu.memory_space<hbm>>, %arg8: memref<4096x768xf32, #tpu.memory_space<hbm>>, %arg9: memref<2x64xi32, #tpu.memory_space<vmem>>, %arg10: memref<64x768xf32, #tpu.memory_space<vmem>>, %arg11: memref<64x768xf32, #tpu.memory_space<vmem>>, %arg12: memref<!tpu.dma_semaphore, #tpu.memory_space<semaphore_mem>>, %arg13: memref<!tpu.dma_semaphore, #tpu.memory_space<semaphore_mem>>) attributes {dimension_semantics = [#tpu.dimension_semantics<core_parallel>, #tpu.dimension_semantics<subcore_parallel>], iteration_bounds = array<i64: 2, 16>, scalar_prefetch = 0 : i64, scratch_operands = 5 : i64, tpu.core_type = #tpu.core_type<sc_vector_subcore>, window_params = [{transform_indices = #map}, {transform_indices = #map}, {transform_indices = #map}, {transform_indices = #map1}, {transform_indices = #map}, {transform_indices = #map}, {transform_indices = #map}]} {
    %mul3A = arith.constant 2 : i32
    %mul3A_0 = arith.muli %arg1, %mul3A : i32
    %add3A = arith.addi %mul3A_0, %arg0 : i32
    "tpu.region"() ({
      %run_scoped3A = tpu.sem_alloc : memref<!tpu.dma_semaphore, #tpu.memory_space<semaphore_mem>>
      %dma_start3A_118 = arith.constant 0 : i32
      %dma_start3A_119 = arith.constant 0 : i32
      %dma_start3A_120 = tpu.memref_slice %arg5[%add3A, %dma_start3A_118, %dma_start3A_119] : memref<32x2x64xi32, #tpu.memory_space<hbm>> -> memref<1x2x64xi32, #tpu.memory_space<hbm>>
      %dma_start3A_121 = tpu.memref_squeeze %dma_start3A_120 : memref<1x2x64xi32, #tpu.memory_space<hbm>> -> memref<2x64xi32, #tpu.memory_space<hbm>>
      %dma_start3A_122 = arith.constant 0 : i32
      %dma_start3A_123 = arith.constant 0 : i32
      %dma_start3A_124 = tpu.memref_slice %arg5[%add3A, %dma_start3A_122, %dma_start3A_123] : memref<32x2x64xi32, #tpu.memory_space<hbm>> -> memref<1x2x64xi32, #tpu.memory_space<hbm>>
      %dma_start3A_125 = tpu.memref_squeeze %dma_start3A_124 : memref<1x2x64xi32, #tpu.memory_space<hbm>> -> memref<2x64xi32, #tpu.memory_space<hbm>>
      tpu.enqueue_dma source(%dma_start3A_125 : memref<2x64xi32, #tpu.memory_space<hbm>>) target(%arg9 : memref<2x64xi32, #tpu.memory_space<vmem>>) target_semaphore(%run_scoped3A : memref<!tpu.dma_semaphore, #tpu.memory_space<semaphore_mem>>)
      %dma_wait3A_126 = arith.constant 0 : i32
      %dma_wait3A_127 = arith.constant 0 : i32
      %dma_wait3A_128 = tpu.memref_slice %arg5[%add3A, %dma_wait3A_126, %dma_wait3A_127] : memref<32x2x64xi32, #tpu.memory_space<hbm>> -> memref<1x2x64xi32, #tpu.memory_space<hbm>>
      %dma_wait3A_129 = tpu.memref_squeeze %dma_wait3A_128 : memref<1x2x64xi32, #tpu.memory_space<hbm>> -> memref<2x64xi32, #tpu.memory_space<hbm>>
      %dma_wait3A_130 = arith.constant 0 : i32
      %dma_wait3A_131 = arith.constant 0 : i32
      %dma_wait3A_132 = tpu.memref_slice %arg5[%add3A, %dma_wait3A_130, %dma_wait3A_131] : memref<32x2x64xi32, #tpu.memory_space<hbm>> -> memref<1x2x64xi32, #tpu.memory_space<hbm>>
      %dma_wait3A_133 = tpu.memref_squeeze %dma_wait3A_132 : memref<1x2x64xi32, #tpu.memory_space<hbm>> -> memref<2x64xi32, #tpu.memory_space<hbm>>
      tpu.wait_dma2 semaphore(%run_scoped3A : memref<!tpu.dma_semaphore, #tpu.memory_space<semaphore_mem>>) src(%dma_wait3A_133 : memref<2x64xi32, #tpu.memory_space<hbm>>) dst(%arg9 : memref<2x64xi32, #tpu.memory_space<vmem>>)
      tpu.yield
    }) : () -> ()
    %mul3A_1 = arith.constant 128 : i32
    %mul3A_2 = arith.muli %add3A, %mul3A_1 : i32
    %add3A_3 = arith.constant 0 : i32
    %add3A_4 = arith.addi %mul3A_2, %add3A_3 : i32
    %rem3A = arith.constant 4096 : i32
    %rem3A_5 = arith.remsi %add3A_4, %rem3A : i32
    "tpu.region"() ({
      %run_scoped3A = tpu.sem_alloc : memref<!tpu.dma_semaphore, #tpu.memory_space<semaphore_mem>>
      %dma_start3A_118 = arith.constant 0 : i32
      %dma_start3A_119 = tpu.memref_slice %arg2[%rem3A_5, %dma_start3A_118] : memref<4096x768xf32, #tpu.memory_space<hbm>> -> memref<64x768xf32, #tpu.memory_space<hbm>>
      %dma_start3A_120 = arith.constant 0 : i32
      %dma_start3A_121 = tpu.memref_slice %arg2[%rem3A_5, %dma_start3A_120] : memref<4096x768xf32, #tpu.memory_space<hbm>> -> memref<64x768xf32, #tpu.memory_space<hbm>>
      tpu.enqueue_dma source(%dma_start3A_121 : memref<64x768xf32, #tpu.memory_space<hbm>>) target(%arg10 : memref<64x768xf32, #tpu.memory_space<vmem>>) target_semaphore(%run_scoped3A : memref<!tpu.dma_semaphore, #tpu.memory_space<semaphore_mem>>)
      %dma_wait3A_122 = arith.constant 0 : i32
      %dma_wait3A_123 = tpu.memref_slice %arg2[%rem3A_5, %dma_wait3A_122] : memref<4096x768xf32, #tpu.memory_space<hbm>> -> memref<64x768xf32, #tpu.memory_space<hbm>>
      %dma_wait3A_124 = arith.constant 0 : i32
      %dma_wait3A_125 = tpu.memref_slice %arg2[%rem3A_5, %dma_wait3A_124] : memref<4096x768xf32, #tpu.memory_space<hbm>> -> memref<64x768xf32, #tpu.memory_space<hbm>>
      tpu.wait_dma2 semaphore(%run_scoped3A : memref<!tpu.dma_semaphore, #tpu.memory_space<semaphore_mem>>) src(%dma_wait3A_125 : memref<64x768xf32, #tpu.memory_space<hbm>>) dst(%arg10 : memref<64x768xf32, #tpu.memory_space<vmem>>)
      tpu.yield
    }) : () -> ()
    %dma_start3A = arith.constant 0 : i32
    %dma_start3A_6 = arith.constant 0 : i32
    %dma_start3A_7 = tpu.memref_slice %arg9[%dma_start3A, %dma_start3A_6] : memref<2x64xi32, #tpu.memory_space<vmem>> -> memref<1x64xi32, #tpu.memory_space<vmem>>
    %dma_start3A_8 = tpu.memref_squeeze %dma_start3A_7 : memref<1x64xi32, #tpu.memory_space<vmem>> -> memref<64xi32, #tpu.memory_space<vmem>>
    %dma_start3A_9 = arith.constant 0 : i32
    %dma_start3A_10 = arith.constant 0 : i32
    %dma_start3A_11 = tpu.memref_slice %arg6[%dma_start3A_9, %dma_start3A_10] : memref<4096x768xf32, #tpu.memory_space<hbm>> -> memref<4096x768xf32, #tpu.memory_space<hbm>>
    tpu.enqueue_indirect_dma source(%arg10 : memref<64x768xf32, #tpu.memory_space<vmem>>) target(%dma_start3A_11 : memref<4096x768xf32, #tpu.memory_space<hbm>>) offsets(%dma_start3A_8 : memref<64xi32, #tpu.memory_space<vmem>>) semaphore(%arg12 : memref<!tpu.dma_semaphore, #tpu.memory_space<semaphore_mem>>)
    %mul3A_12 = arith.constant 128 : i32
    %mul3A_13 = arith.muli %add3A, %mul3A_12 : i32
    %add3A_14 = arith.constant 64 : i32
    %add3A_15 = arith.addi %mul3A_13, %add3A_14 : i32
    %rem3A_16 = arith.constant 4096 : i32
    %rem3A_17 = arith.remsi %add3A_15, %rem3A_16 : i32
    "tpu.region"() ({
      %run_scoped3A = tpu.sem_alloc : memref<!tpu.dma_semaphore, #tpu.memory_space<semaphore_mem>>
      %dma_start3A_118 = arith.constant 0 : i32
      %dma_start3A_119 = tpu.memref_slice %arg2[%rem3A_17, %dma_start3A_118] : memref<4096x768xf32, #tpu.memory_space<hbm>> -> memref<64x768xf32, #tpu.memory_space<hbm>>
      %dma_start3A_120 = arith.constant 0 : i32
      %dma_start3A_121 = tpu.memref_slice %arg2[%rem3A_17, %dma_start3A_120] : memref<4096x768xf32, #tpu.memory_space<hbm>> -> memref<64x768xf32, #tpu.memory_space<hbm>>
      tpu.enqueue_dma source(%dma_start3A_121 : memref<64x768xf32, #tpu.memory_space<hbm>>) target(%arg11 : memref<64x768xf32, #tpu.memory_space<vmem>>) target_semaphore(%run_scoped3A : memref<!tpu.dma_semaphore, #tpu.memory_space<semaphore_mem>>)
      %dma_wait3A_122 = arith.constant 0 : i32
      %dma_wait3A_123 = tpu.memref_slice %arg2[%rem3A_17, %dma_wait3A_122] : memref<4096x768xf32, #tpu.memory_space<hbm>> -> memref<64x768xf32, #tpu.memory_space<hbm>>
      %dma_wait3A_124 = arith.constant 0 : i32
      %dma_wait3A_125 = tpu.memref_slice %arg2[%rem3A_17, %dma_wait3A_124] : memref<4096x768xf32, #tpu.memory_space<hbm>> -> memref<64x768xf32, #tpu.memory_space<hbm>>
      tpu.wait_dma2 semaphore(%run_scoped3A : memref<!tpu.dma_semaphore, #tpu.memory_space<semaphore_mem>>) src(%dma_wait3A_125 : memref<64x768xf32, #tpu.memory_space<hbm>>) dst(%arg11 : memref<64x768xf32, #tpu.memory_space<vmem>>)
      tpu.yield
    }) : () -> ()
    %dma_start3A_18 = arith.constant 1 : i32
    %dma_start3A_19 = arith.constant 0 : i32
    %dma_start3A_20 = tpu.memref_slice %arg9[%dma_start3A_18, %dma_start3A_19] : memref<2x64xi32, #tpu.memory_space<vmem>> -> memref<1x64xi32, #tpu.memory_space<vmem>>
    %dma_start3A_21 = tpu.memref_squeeze %dma_start3A_20 : memref<1x64xi32, #tpu.memory_space<vmem>> -> memref<64xi32, #tpu.memory_space<vmem>>
    %dma_start3A_22 = arith.constant 0 : i32
    %dma_start3A_23 = arith.constant 0 : i32
    %dma_start3A_24 = tpu.memref_slice %arg6[%dma_start3A_22, %dma_start3A_23] : memref<4096x768xf32, #tpu.memory_space<hbm>> -> memref<4096x768xf32, #tpu.memory_space<hbm>>
    tpu.enqueue_indirect_dma source(%arg11 : memref<64x768xf32, #tpu.memory_space<vmem>>) target(%dma_start3A_24 : memref<4096x768xf32, #tpu.memory_space<hbm>>) offsets(%dma_start3A_21 : memref<64xi32, #tpu.memory_space<vmem>>) semaphore(%arg13 : memref<!tpu.dma_semaphore, #tpu.memory_space<semaphore_mem>>)
    %dma_wait3A = arith.constant 0 : i32
    %dma_wait3A_25 = arith.constant 0 : i32
    %dma_wait3A_26 = tpu.memref_slice %arg9[%dma_wait3A, %dma_wait3A_25] : memref<2x64xi32, #tpu.memory_space<vmem>> -> memref<1x64xi32, #tpu.memory_space<vmem>>
    %dma_wait3A_27 = tpu.memref_squeeze %dma_wait3A_26 : memref<1x64xi32, #tpu.memory_space<vmem>> -> memref<64xi32, #tpu.memory_space<vmem>>
    %dma_wait3A_28 = arith.constant 0 : i32
    %dma_wait3A_29 = arith.constant 0 : i32
    %dma_wait3A_30 = tpu.memref_slice %arg6[%dma_wait3A_28, %dma_wait3A_29] : memref<4096x768xf32, #tpu.memory_space<hbm>> -> memref<4096x768xf32, #tpu.memory_space<hbm>>
    tpu.wait_indirect_dma semaphore(%arg12 : memref<!tpu.dma_semaphore, #tpu.memory_space<semaphore_mem>>) src(%arg10 : memref<64x768xf32, #tpu.memory_space<vmem>>) dst(%dma_wait3A_30 : memref<4096x768xf32, #tpu.memory_space<hbm>>)
    %mul3A_31 = arith.constant 128 : i32
    %mul3A_32 = arith.muli %add3A, %mul3A_31 : i32
    %add3A_33 = arith.constant 0 : i32
    %add3A_34 = arith.addi %mul3A_32, %add3A_33 : i32
    %rem3A_35 = arith.constant 4096 : i32
    %rem3A_36 = arith.remsi %add3A_34, %rem3A_35 : i32
    "tpu.region"() ({
      %run_scoped3A = tpu.sem_alloc : memref<!tpu.dma_semaphore, #tpu.memory_space<semaphore_mem>>
      %dma_start3A_118 = arith.constant 0 : i32
      %dma_start3A_119 = tpu.memref_slice %arg3[%rem3A_36, %dma_start3A_118] : memref<4096x768xf32, #tpu.memory_space<hbm>> -> memref<64x768xf32, #tpu.memory_space<hbm>>
      %dma_start3A_120 = arith.constant 0 : i32
      %dma_start3A_121 = tpu.memref_slice %arg3[%rem3A_36, %dma_start3A_120] : memref<4096x768xf32, #tpu.memory_space<hbm>> -> memref<64x768xf32, #tpu.memory_space<hbm>>
      tpu.enqueue_dma source(%dma_start3A_121 : memref<64x768xf32, #tpu.memory_space<hbm>>) target(%arg10 : memref<64x768xf32, #tpu.memory_space<vmem>>) target_semaphore(%run_scoped3A : memref<!tpu.dma_semaphore, #tpu.memory_space<semaphore_mem>>)
      %dma_wait3A_122 = arith.constant 0 : i32
      %dma_wait3A_123 = tpu.memref_slice %arg3[%rem3A_36, %dma_wait3A_122] : memref<4096x768xf32, #tpu.memory_space<hbm>> -> memref<64x768xf32, #tpu.memory_space<hbm>>
      %dma_wait3A_124 = arith.constant 0 : i32
      %dma_wait3A_125 = tpu.memref_slice %arg3[%rem3A_36, %dma_wait3A_124] : memref<4096x768xf32, #tpu.memory_space<hbm>> -> memref<64x768xf32, #tpu.memory_space<hbm>>
      tpu.wait_dma2 semaphore(%run_scoped3A : memref<!tpu.dma_semaphore, #tpu.memory_space<semaphore_mem>>) src(%dma_wait3A_125 : memref<64x768xf32, #tpu.memory_space<hbm>>) dst(%arg10 : memref<64x768xf32, #tpu.memory_space<vmem>>)
      tpu.yield
    }) : () -> ()
    %dma_start3A_37 = arith.constant 0 : i32
    %dma_start3A_38 = arith.constant 0 : i32
    %dma_start3A_39 = tpu.memref_slice %arg9[%dma_start3A_37, %dma_start3A_38] : memref<2x64xi32, #tpu.memory_space<vmem>> -> memref<1x64xi32, #tpu.memory_space<vmem>>
    %dma_start3A_40 = tpu.memref_squeeze %dma_start3A_39 : memref<1x64xi32, #tpu.memory_space<vmem>> -> memref<64xi32, #tpu.memory_space<vmem>>
    %dma_start3A_41 = arith.constant 0 : i32
    %dma_start3A_42 = arith.constant 0 : i32
    %dma_start3A_43 = tpu.memref_slice %arg7[%dma_start3A_41, %dma_start3A_42] : memref<4096x768xf32, #tpu.memory_space<hbm>> -> memref<4096x768xf32, #tpu.memory_space<hbm>>
    tpu.enqueue_indirect_dma source(%arg10 : memref<64x768xf32, #tpu.memory_space<vmem>>) target(%dma_start3A_43 : memref<4096x768xf32, #tpu.memory_space<hbm>>) offsets(%dma_start3A_40 : memref<64xi32, #tpu.memory_space<vmem>>) semaphore(%arg12 : memref<!tpu.dma_semaphore, #tpu.memory_space<semaphore_mem>>)
    %dma_wait3A_44 = arith.constant 1 : i32
    %dma_wait3A_45 = arith.constant 0 : i32
    %dma_wait3A_46 = tpu.memref_slice %arg9[%dma_wait3A_44, %dma_wait3A_45] : memref<2x64xi32, #tpu.memory_space<vmem>> -> memref<1x64xi32, #tpu.memory_space<vmem>>
    %dma_wait3A_47 = tpu.memref_squeeze %dma_wait3A_46 : memref<1x64xi32, #tpu.memory_space<vmem>> -> memref<64xi32, #tpu.memory_space<vmem>>
    %dma_wait3A_48 = arith.constant 0 : i32
    %dma_wait3A_49 = arith.constant 0 : i32
    %dma_wait3A_50 = tpu.memref_slice %arg6[%dma_wait3A_48, %dma_wait3A_49] : memref<4096x768xf32, #tpu.memory_space<hbm>> -> memref<4096x768xf32, #tpu.memory_space<hbm>>
    tpu.wait_indirect_dma semaphore(%arg13 : memref<!tpu.dma_semaphore, #tpu.memory_space<semaphore_mem>>) src(%arg11 : memref<64x768xf32, #tpu.memory_space<vmem>>) dst(%dma_wait3A_50 : memref<4096x768xf32, #tpu.memory_space<hbm>>)
    %mul3A_51 = arith.constant 128 : i32
    %mul3A_52 = arith.muli %add3A, %mul3A_51 : i32
    %add3A_53 = arith.constant 64 : i32
    %add3A_54 = arith.addi %mul3A_52, %add3A_53 : i32
    %rem3A_55 = arith.constant 4096 : i32
    %rem3A_56 = arith.remsi %add3A_54, %rem3A_55 : i32
    "tpu.region"() ({
      %run_scoped3A = tpu.sem_alloc : memref<!tpu.dma_semaphore, #tpu.memory_space<semaphore_mem>>
      %dma_start3A_118 = arith.constant 0 : i32
      %dma_start3A_119 = tpu.memref_slice %arg3[%rem3A_56, %dma_start3A_118] : memref<4096x768xf32, #tpu.memory_space<hbm>> -> memref<64x768xf32, #tpu.memory_space<hbm>>
      %dma_start3A_120 = arith.constant 0 : i32
      %dma_start3A_121 = tpu.memref_slice %arg3[%rem3A_56, %dma_start3A_120] : memref<4096x768xf32, #tpu.memory_space<hbm>> -> memref<64x768xf32, #tpu.memory_space<hbm>>
      tpu.enqueue_dma source(%dma_start3A_121 : memref<64x768xf32, #tpu.memory_space<hbm>>) target(%arg11 : memref<64x768xf32, #tpu.memory_space<vmem>>) target_semaphore(%run_scoped3A : memref<!tpu.dma_semaphore, #tpu.memory_space<semaphore_mem>>)
      %dma_wait3A_122 = arith.constant 0 : i32
      %dma_wait3A_123 = tpu.memref_slice %arg3[%rem3A_56, %dma_wait3A_122] : memref<4096x768xf32, #tpu.memory_space<hbm>> -> memref<64x768xf32, #tpu.memory_space<hbm>>
      %dma_wait3A_124 = arith.constant 0 : i32
      %dma_wait3A_125 = tpu.memref_slice %arg3[%rem3A_56, %dma_wait3A_124] : memref<4096x768xf32, #tpu.memory_space<hbm>> -> memref<64x768xf32, #tpu.memory_space<hbm>>
      tpu.wait_dma2 semaphore(%run_scoped3A : memref<!tpu.dma_semaphore, #tpu.memory_space<semaphore_mem>>) src(%dma_wait3A_125 : memref<64x768xf32, #tpu.memory_space<hbm>>) dst(%arg11 : memref<64x768xf32, #tpu.memory_space<vmem>>)
      tpu.yield
    }) : () -> ()
    %dma_start3A_57 = arith.constant 1 : i32
    %dma_start3A_58 = arith.constant 0 : i32
    %dma_start3A_59 = tpu.memref_slice %arg9[%dma_start3A_57, %dma_start3A_58] : memref<2x64xi32, #tpu.memory_space<vmem>> -> memref<1x64xi32, #tpu.memory_space<vmem>>
    %dma_start3A_60 = tpu.memref_squeeze %dma_start3A_59 : memref<1x64xi32, #tpu.memory_space<vmem>> -> memref<64xi32, #tpu.memory_space<vmem>>
    %dma_start3A_61 = arith.constant 0 : i32
    %dma_start3A_62 = arith.constant 0 : i32
    %dma_start3A_63 = tpu.memref_slice %arg7[%dma_start3A_61, %dma_start3A_62] : memref<4096x768xf32, #tpu.memory_space<hbm>> -> memref<4096x768xf32, #tpu.memory_space<hbm>>
    tpu.enqueue_indirect_dma source(%arg11 : memref<64x768xf32, #tpu.memory_space<vmem>>) target(%dma_start3A_63 : memref<4096x768xf32, #tpu.memory_space<hbm>>) offsets(%dma_start3A_60 : memref<64xi32, #tpu.memory_space<vmem>>) semaphore(%arg13 : memref<!tpu.dma_semaphore, #tpu.memory_space<semaphore_mem>>)
    %dma_wait3A_64 = arith.constant 0 : i32
    %dma_wait3A_65 = arith.constant 0 : i32
    %dma_wait3A_66 = tpu.memref_slice %arg9[%dma_wait3A_64, %dma_wait3A_65] : memref<2x64xi32, #tpu.memory_space<vmem>> -> memref<1x64xi32, #tpu.memory_space<vmem>>
    %dma_wait3A_67 = tpu.memref_squeeze %dma_wait3A_66 : memref<1x64xi32, #tpu.memory_space<vmem>> -> memref<64xi32, #tpu.memory_space<vmem>>
    %dma_wait3A_68 = arith.constant 0 : i32
    %dma_wait3A_69 = arith.constant 0 : i32
    %dma_wait3A_70 = tpu.memref_slice %arg7[%dma_wait3A_68, %dma_wait3A_69] : memref<4096x768xf32, #tpu.memory_space<hbm>> -> memref<4096x768xf32, #tpu.memory_space<hbm>>
    tpu.wait_indirect_dma semaphore(%arg12 : memref<!tpu.dma_semaphore, #tpu.memory_space<semaphore_mem>>) src(%arg10 : memref<64x768xf32, #tpu.memory_space<vmem>>) dst(%dma_wait3A_70 : memref<4096x768xf32, #tpu.memory_space<hbm>>)
    %mul3A_71 = arith.constant 128 : i32
    %mul3A_72 = arith.muli %add3A, %mul3A_71 : i32
    %add3A_73 = arith.constant 0 : i32
    %add3A_74 = arith.addi %mul3A_72, %add3A_73 : i32
    %rem3A_75 = arith.constant 4096 : i32
    %rem3A_76 = arith.remsi %add3A_74, %rem3A_75 : i32
    "tpu.region"() ({
      %run_scoped3A = tpu.sem_alloc : memref<!tpu.dma_semaphore, #tpu.memory_space<semaphore_mem>>
      %dma_start3A_118 = arith.constant 0 : i32
      %dma_start3A_119 = tpu.memref_slice %arg4[%rem3A_76, %dma_start3A_118] : memref<4096x768xf32, #tpu.memory_space<hbm>> -> memref<64x768xf32, #tpu.memory_space<hbm>>
      %dma_start3A_120 = arith.constant 0 : i32
      %dma_start3A_121 = tpu.memref_slice %arg4[%rem3A_76, %dma_start3A_120] : memref<4096x768xf32, #tpu.memory_space<hbm>> -> memref<64x768xf32, #tpu.memory_space<hbm>>
      tpu.enqueue_dma source(%dma_start3A_121 : memref<64x768xf32, #tpu.memory_space<hbm>>) target(%arg10 : memref<64x768xf32, #tpu.memory_space<vmem>>) target_semaphore(%run_scoped3A : memref<!tpu.dma_semaphore, #tpu.memory_space<semaphore_mem>>)
      %dma_wait3A_122 = arith.constant 0 : i32
      %dma_wait3A_123 = tpu.memref_slice %arg4[%rem3A_76, %dma_wait3A_122] : memref<4096x768xf32, #tpu.memory_space<hbm>> -> memref<64x768xf32, #tpu.memory_space<hbm>>
      %dma_wait3A_124 = arith.constant 0 : i32
      %dma_wait3A_125 = tpu.memref_slice %arg4[%rem3A_76, %dma_wait3A_124] : memref<4096x768xf32, #tpu.memory_space<hbm>> -> memref<64x768xf32, #tpu.memory_space<hbm>>
      tpu.wait_dma2 semaphore(%run_scoped3A : memref<!tpu.dma_semaphore, #tpu.memory_space<semaphore_mem>>) src(%dma_wait3A_125 : memref<64x768xf32, #tpu.memory_space<hbm>>) dst(%arg10 : memref<64x768xf32, #tpu.memory_space<vmem>>)
      tpu.yield
    }) : () -> ()
    %dma_start3A_77 = arith.constant 0 : i32
    %dma_start3A_78 = arith.constant 0 : i32
    %dma_start3A_79 = tpu.memref_slice %arg9[%dma_start3A_77, %dma_start3A_78] : memref<2x64xi32, #tpu.memory_space<vmem>> -> memref<1x64xi32, #tpu.memory_space<vmem>>
    %dma_start3A_80 = tpu.memref_squeeze %dma_start3A_79 : memref<1x64xi32, #tpu.memory_space<vmem>> -> memref<64xi32, #tpu.memory_space<vmem>>
    %dma_start3A_81 = arith.constant 0 : i32
    %dma_start3A_82 = arith.constant 0 : i32
    %dma_start3A_83 = tpu.memref_slice %arg8[%dma_start3A_81, %dma_start3A_82] : memref<4096x768xf32, #tpu.memory_space<hbm>> -> memref<4096x768xf32, #tpu.memory_space<hbm>>
    tpu.enqueue_indirect_dma source(%arg10 : memref<64x768xf32, #tpu.memory_space<vmem>>) target(%dma_start3A_83 : memref<4096x768xf32, #tpu.memory_space<hbm>>) offsets(%dma_start3A_80 : memref<64xi32, #tpu.memory_space<vmem>>) semaphore(%arg12 : memref<!tpu.dma_semaphore, #tpu.memory_space<semaphore_mem>>)
    %dma_wait3A_84 = arith.constant 1 : i32
    %dma_wait3A_85 = arith.constant 0 : i32
    %dma_wait3A_86 = tpu.memref_slice %arg9[%dma_wait3A_84, %dma_wait3A_85] : memref<2x64xi32, #tpu.memory_space<vmem>> -> memref<1x64xi32, #tpu.memory_space<vmem>>
    %dma_wait3A_87 = tpu.memref_squeeze %dma_wait3A_86 : memref<1x64xi32, #tpu.memory_space<vmem>> -> memref<64xi32, #tpu.memory_space<vmem>>
    %dma_wait3A_88 = arith.constant 0 : i32
    %dma_wait3A_89 = arith.constant 0 : i32
    %dma_wait3A_90 = tpu.memref_slice %arg7[%dma_wait3A_88, %dma_wait3A_89] : memref<4096x768xf32, #tpu.memory_space<hbm>> -> memref<4096x768xf32, #tpu.memory_space<hbm>>
    tpu.wait_indirect_dma semaphore(%arg13 : memref<!tpu.dma_semaphore, #tpu.memory_space<semaphore_mem>>) src(%arg11 : memref<64x768xf32, #tpu.memory_space<vmem>>) dst(%dma_wait3A_90 : memref<4096x768xf32, #tpu.memory_space<hbm>>)
    %mul3A_91 = arith.constant 128 : i32
    %mul3A_92 = arith.muli %add3A, %mul3A_91 : i32
    %add3A_93 = arith.constant 64 : i32
    %add3A_94 = arith.addi %mul3A_92, %add3A_93 : i32
    %rem3A_95 = arith.constant 4096 : i32
    %rem3A_96 = arith.remsi %add3A_94, %rem3A_95 : i32
    "tpu.region"() ({
      %run_scoped3A = tpu.sem_alloc : memref<!tpu.dma_semaphore, #tpu.memory_space<semaphore_mem>>
      %dma_start3A_118 = arith.constant 0 : i32
      %dma_start3A_119 = tpu.memref_slice %arg4[%rem3A_96, %dma_start3A_118] : memref<4096x768xf32, #tpu.memory_space<hbm>> -> memref<64x768xf32, #tpu.memory_space<hbm>>
      %dma_start3A_120 = arith.constant 0 : i32
      %dma_start3A_121 = tpu.memref_slice %arg4[%rem3A_96, %dma_start3A_120] : memref<4096x768xf32, #tpu.memory_space<hbm>> -> memref<64x768xf32, #tpu.memory_space<hbm>>
      tpu.enqueue_dma source(%dma_start3A_121 : memref<64x768xf32, #tpu.memory_space<hbm>>) target(%arg11 : memref<64x768xf32, #tpu.memory_space<vmem>>) target_semaphore(%run_scoped3A : memref<!tpu.dma_semaphore, #tpu.memory_space<semaphore_mem>>)
      %dma_wait3A_122 = arith.constant 0 : i32
      %dma_wait3A_123 = tpu.memref_slice %arg4[%rem3A_96, %dma_wait3A_122] : memref<4096x768xf32, #tpu.memory_space<hbm>> -> memref<64x768xf32, #tpu.memory_space<hbm>>
      %dma_wait3A_124 = arith.constant 0 : i32
      %dma_wait3A_125 = tpu.memref_slice %arg4[%rem3A_96, %dma_wait3A_124] : memref<4096x768xf32, #tpu.memory_space<hbm>> -> memref<64x768xf32, #tpu.memory_space<hbm>>
      tpu.wait_dma2 semaphore(%run_scoped3A : memref<!tpu.dma_semaphore, #tpu.memory_space<semaphore_mem>>) src(%dma_wait3A_125 : memref<64x768xf32, #tpu.memory_space<hbm>>) dst(%arg11 : memref<64x768xf32, #tpu.memory_space<vmem>>)
      tpu.yield
    }) : () -> ()
    %dma_start3A_97 = arith.constant 1 : i32
    %dma_start3A_98 = arith.constant 0 : i32
    %dma_start3A_99 = tpu.memref_slice %arg9[%dma_start3A_97, %dma_start3A_98] : memref<2x64xi32, #tpu.memory_space<vmem>> -> memref<1x64xi32, #tpu.memory_space<vmem>>
    %dma_start3A_100 = tpu.memref_squeeze %dma_start3A_99 : memref<1x64xi32, #tpu.memory_space<vmem>> -> memref<64xi32, #tpu.memory_space<vmem>>
    %dma_start3A_101 = arith.constant 0 : i32
    %dma_start3A_102 = arith.constant 0 : i32
    %dma_start3A_103 = tpu.memref_slice %arg8[%dma_start3A_101, %dma_start3A_102] : memref<4096x768xf32, #tpu.memory_space<hbm>> -> memref<4096x768xf32, #tpu.memory_space<hbm>>
    tpu.enqueue_indirect_dma source(%arg11 : memref<64x768xf32, #tpu.memory_space<vmem>>) target(%dma_start3A_103 : memref<4096x768xf32, #tpu.memory_space<hbm>>) offsets(%dma_start3A_100 : memref<64xi32, #tpu.memory_space<vmem>>) semaphore(%arg13 : memref<!tpu.dma_semaphore, #tpu.memory_space<semaphore_mem>>)
    %dma_wait3A_104 = arith.constant 0 : i32
    %dma_wait3A_105 = arith.constant 0 : i32
    %dma_wait3A_106 = tpu.memref_slice %arg9[%dma_wait3A_104, %dma_wait3A_105] : memref<2x64xi32, #tpu.memory_space<vmem>> -> memref<1x64xi32, #tpu.memory_space<vmem>>
    %dma_wait3A_107 = tpu.memref_squeeze %dma_wait3A_106 : memref<1x64xi32, #tpu.memory_space<vmem>> -> memref<64xi32, #tpu.memory_space<vmem>>
    %dma_wait3A_108 = arith.constant 0 : i32
    %dma_wait3A_109 = arith.constant 0 : i32
    %dma_wait3A_110 = tpu.memref_slice %arg8[%dma_wait3A_108, %dma_wait3A_109] : memref<4096x768xf32, #tpu.memory_space<hbm>> -> memref<4096x768xf32, #tpu.memory_space<hbm>>
    tpu.wait_indirect_dma semaphore(%arg12 : memref<!tpu.dma_semaphore, #tpu.memory_space<semaphore_mem>>) src(%arg10 : memref<64x768xf32, #tpu.memory_space<vmem>>) dst(%dma_wait3A_110 : memref<4096x768xf32, #tpu.memory_space<hbm>>)
    %dma_wait3A_111 = arith.constant 1 : i32
    %dma_wait3A_112 = arith.constant 0 : i32
    %dma_wait3A_113 = tpu.memref_slice %arg9[%dma_wait3A_111, %dma_wait3A_112] : memref<2x64xi32, #tpu.memory_space<vmem>> -> memref<1x64xi32, #tpu.memory_space<vmem>>
    %dma_wait3A_114 = tpu.memref_squeeze %dma_wait3A_113 : memref<1x64xi32, #tpu.memory_space<vmem>> -> memref<64xi32, #tpu.memory_space<vmem>>
    %dma_wait3A_115 = arith.constant 0 : i32
    %dma_wait3A_116 = arith.constant 0 : i32
    %dma_wait3A_117 = tpu.memref_slice %arg8[%dma_wait3A_115, %dma_wait3A_116] : memref<4096x768xf32, #tpu.memory_space<hbm>> -> memref<4096x768xf32, #tpu.memory_space<hbm>>
    tpu.wait_indirect_dma semaphore(%arg13 : memref<!tpu.dma_semaphore, #tpu.memory_space<semaphore_mem>>) src(%arg11 : memref<64x768xf32, #tpu.memory_space<vmem>>) dst(%dma_wait3A_117 : memref<4096x768xf32, #tpu.memory_space<hbm>>)
    return
  }
}

#map = affine_map<(d0, d1) -> (0, 0)>
#map1 = affine_map<(d0, d1) -> (0, 0, 0)>
module attributes {stable_mosaic.version = 14 : i64} {
  func.func @sc_scatter(%arg0: i32, %arg1: i32, %arg2: memref<4096x768xf32, #tpu.memory_space<hbm>>, %arg3: memref<4096x768xf32, #tpu.memory_space<hbm>>, %arg4: memref<4096x768xf32, #tpu.memory_space<hbm>>, %arg5: memref<32x2x64xi32, #tpu.memory_space<hbm>>, %arg6: memref<4096x768xf32, #tpu.memory_space<hbm>>, %arg7: memref<4096x768xf32, #tpu.memory_space<hbm>>, %arg8: memref<4096x768xf32, #tpu.memory_space<hbm>>, %arg9: memref<2x64xi32, #tpu.memory_space<vmem>>, %arg10: memref<64x768xf32, #tpu.memory_space<vmem>>, %arg11: memref<64x768xf32, #tpu.memory_space<vmem>>, %arg12: memref<!tpu.dma_semaphore, #tpu.memory_space<semaphore_mem>>, %arg13: memref<!tpu.dma_semaphore, #tpu.memory_space<semaphore_mem>>) attributes {dimension_semantics = [#tpu.dimension_semantics<core_parallel>, #tpu.dimension_semantics<subcore_parallel>], iteration_bounds = array<i64: 2, 16>, scalar_prefetch = 0 : i64, scratch_operands = 5 : i64, tpu.core_type = #tpu.core_type<sc_vector_subcore>, window_params = [{transform_indices = #map}, {transform_indices = #map}, {transform_indices = #map}, {transform_indices = #map1}, {transform_indices = #map}, {transform_indices = #map}, {transform_indices = #map}]} {
    %mul3A = arith.constant 2 : i32
    %mul3A_0 = arith.muli %arg1, %mul3A : i32
    %add3A = arith.addi %mul3A_0, %arg0 : i32
    "tpu.region"() ({
      %run_scoped3A = tpu.sem_alloc : memref<!tpu.dma_semaphore, #tpu.memory_space<semaphore_mem>>
      %dma_start3A_118 = arith.constant 0 : i32
      %dma_start3A_119 = arith.constant 0 : i32
      %dma_start3A_120 = tpu.memref_slice %arg5[%add3A, %dma_start3A_118, %dma_start3A_119] : memref<32x2x64xi32, #tpu.memory_space<hbm>> -> memref<1x2x64xi32, #tpu.memory_space<hbm>>
      %dma_start3A_121 = tpu.memref_squeeze %dma_start3A_120 : memref<1x2x64xi32, #tpu.memory_space<hbm>> -> memref<2x64xi32, #tpu.memory_space<hbm>>
      %dma_start3A_122 = arith.constant 0 : i32
      %dma_start3A_123 = arith.constant 0 : i32
      %dma_start3A_124 = tpu.memref_slice %arg5[%add3A, %dma_start3A_122, %dma_start3A_123] : memref<32x2x64xi32, #tpu.memory_space<hbm>> -> memref<1x2x64xi32, #tpu.memory_space<hbm>>
      %dma_start3A_125 = tpu.memref_squeeze %dma_start3A_124 : memref<1x2x64xi32, #tpu.memory_space<hbm>> -> memref<2x64xi32, #tpu.memory_space<hbm>>
      tpu.enqueue_dma source(%dma_start3A_125 : memref<2x64xi32, #tpu.memory_space<hbm>>) target(%arg9 : memref<2x64xi32, #tpu.memory_space<vmem>>) target_semaphore(%run_scoped3A : memref<!tpu.dma_semaphore, #tpu.memory_space<semaphore_mem>>)
      %dma_wait3A_126 = arith.constant 0 : i32
      %dma_wait3A_127 = arith.constant 0 : i32
      %dma_wait3A_128 = tpu.memref_slice %arg5[%add3A, %dma_wait3A_126, %dma_wait3A_127] : memref<32x2x64xi32, #tpu.memory_space<hbm>> -> memref<1x2x64xi32, #tpu.memory_space<hbm>>
      %dma_wait3A_129 = tpu.memref_squeeze %dma_wait3A_128 : memref<1x2x64xi32, #tpu.memory_space<hbm>> -> memref<2x64xi32, #tpu.memory_space<hbm>>
      %dma_wait3A_130 = arith.constant 0 : i32
      %dma_wait3A_131 = arith.constant 0 : i32
      %dma_wait3A_132 = tpu.memref_slice %arg5[%add3A, %dma_wait3A_130, %dma_wait3A_131] : memref<32x2x64xi32, #tpu.memory_space<hbm>> -> memref<1x2x64xi32, #tpu.memory_space<hbm>>
      %dma_wait3A_133 = tpu.memref_squeeze %dma_wait3A_132 : memref<1x2x64xi32, #tpu.memory_space<hbm>> -> memref<2x64xi32, #tpu.memory_space<hbm>>
      tpu.wait_dma2 semaphore(%run_scoped3A : memref<!tpu.dma_semaphore, #tpu.memory_space<semaphore_mem>>) src(%dma_wait3A_133 : memref<2x64xi32, #tpu.memory_space<hbm>>) dst(%arg9 : memref<2x64xi32, #tpu.memory_space<vmem>>)
      tpu.yield
    }) : () -> ()
    %mul3A_1 = arith.constant 128 : i32
    %mul3A_2 = arith.muli %add3A, %mul3A_1 : i32
    %add3A_3 = arith.constant 0 : i32
    %add3A_4 = arith.addi %mul3A_2, %add3A_3 : i32
    %rem3A = arith.constant 4096 : i32
    %rem3A_5 = arith.remsi %add3A_4, %rem3A : i32
    "tpu.region"() ({
      %run_scoped3A = tpu.sem_alloc : memref<!tpu.dma_semaphore, #tpu.memory_space<semaphore_mem>>
      %dma_start3A_118 = arith.constant 0 : i32
      %dma_start3A_119 = tpu.memref_slice %arg2[%rem3A_5, %dma_start3A_118] : memref<4096x768xf32, #tpu.memory_space<hbm>> -> memref<64x768xf32, #tpu.memory_space<hbm>>
      %dma_start3A_120 = arith.constant 0 : i32
      %dma_start3A_121 = tpu.memref_slice %arg2[%rem3A_5, %dma_start3A_120] : memref<4096x768xf32, #tpu.memory_space<hbm>> -> memref<64x768xf32, #tpu.memory_space<hbm>>
      tpu.enqueue_dma source(%dma_start3A_121 : memref<64x768xf32, #tpu.memory_space<hbm>>) target(%arg10 : memref<64x768xf32, #tpu.memory_space<vmem>>) target_semaphore(%run_scoped3A : memref<!tpu.dma_semaphore, #tpu.memory_space<semaphore_mem>>)
      %dma_wait3A_122 = arith.constant 0 : i32
      %dma_wait3A_123 = tpu.memref_slice %arg2[%rem3A_5, %dma_wait3A_122] : memref<4096x768xf32, #tpu.memory_space<hbm>> -> memref<64x768xf32, #tpu.memory_space<hbm>>
      %dma_wait3A_124 = arith.constant 0 : i32
      %dma_wait3A_125 = tpu.memref_slice %arg2[%rem3A_5, %dma_wait3A_124] : memref<4096x768xf32, #tpu.memory_space<hbm>> -> memref<64x768xf32, #tpu.memory_space<hbm>>
      tpu.wait_dma2 semaphore(%run_scoped3A : memref<!tpu.dma_semaphore, #tpu.memory_space<semaphore_mem>>) src(%dma_wait3A_125 : memref<64x768xf32, #tpu.memory_space<hbm>>) dst(%arg10 : memref<64x768xf32, #tpu.memory_space<vmem>>)
      tpu.yield
    }) : () -> ()
    %dma_start3A = arith.constant 0 : i32
    %dma_start3A_6 = arith.constant 0 : i32
    %dma_start3A_7 = tpu.memref_slice %arg9[%dma_start3A, %dma_start3A_6] : memref<2x64xi32, #tpu.memory_space<vmem>> -> memref<1x64xi32, #tpu.memory_space<vmem>>
    %dma_start3A_8 = tpu.memref_squeeze %dma_start3A_7 : memref<1x64xi32, #tpu.memory_space<vmem>> -> memref<64xi32, #tpu.memory_space<vmem>>
    %dma_start3A_9 = arith.constant 0 : i32
    %dma_start3A_10 = arith.constant 0 : i32
    %dma_start3A_11 = tpu.memref_slice %arg6[%dma_start3A_9, %dma_start3A_10] : memref<4096x768xf32, #tpu.memory_space<hbm>> -> memref<4096x768xf32, #tpu.memory_space<hbm>>
    tpu.enqueue_indirect_dma source(%arg10 : memref<64x768xf32, #tpu.memory_space<vmem>>) target(%dma_start3A_11 : memref<4096x768xf32, #tpu.memory_space<hbm>>) offsets(%dma_start3A_8 : memref<64xi32, #tpu.memory_space<vmem>>) semaphore(%arg12 : memref<!tpu.dma_semaphore, #tpu.memory_space<semaphore_mem>>)
    %mul3A_12 = arith.constant 128 : i32
    %mul3A_13 = arith.muli %add3A, %mul3A_12 : i32
    %add3A_14 = arith.constant 64 : i32
    %add3A_15 = arith.addi %mul3A_13, %add3A_14 : i32
    %rem3A_16 = arith.constant 4096 : i32
    %rem3A_17 = arith.remsi %add3A_15, %rem3A_16 : i32
    "tpu.region"() ({
      %run_scoped3A = tpu.sem_alloc : memref<!tpu.dma_semaphore, #tpu.memory_space<semaphore_mem>>
      %dma_start3A_118 = arith.constant 0 : i32
      %dma_start3A_119 = tpu.memref_slice %arg2[%rem3A_17, %dma_start3A_118] : memref<4096x768xf32, #tpu.memory_space<hbm>> -> memref<64x768xf32, #tpu.memory_space<hbm>>
      %dma_start3A_120 = arith.constant 0 : i32
      %dma_start3A_121 = tpu.memref_slice %arg2[%rem3A_17, %dma_start3A_120] : memref<4096x768xf32, #tpu.memory_space<hbm>> -> memref<64x768xf32, #tpu.memory_space<hbm>>
      tpu.enqueue_dma source(%dma_start3A_121 : memref<64x768xf32, #tpu.memory_space<hbm>>) target(%arg11 : memref<64x768xf32, #tpu.memory_space<vmem>>) target_semaphore(%run_scoped3A : memref<!tpu.dma_semaphore, #tpu.memory_space<semaphore_mem>>)
      %dma_wait3A_122 = arith.constant 0 : i32
      %dma_wait3A_123 = tpu.memref_slice %arg2[%rem3A_17, %dma_wait3A_122] : memref<4096x768xf32, #tpu.memory_space<hbm>> -> memref<64x768xf32, #tpu.memory_space<hbm>>
      %dma_wait3A_124 = arith.constant 0 : i32
      %dma_wait3A_125 = tpu.memref_slice %arg2[%rem3A_17, %dma_wait3A_124] : memref<4096x768xf32, #tpu.memory_space<hbm>> -> memref<64x768xf32, #tpu.memory_space<hbm>>
      tpu.wait_dma2 semaphore(%run_scoped3A : memref<!tpu.dma_semaphore, #tpu.memory_space<semaphore_mem>>) src(%dma_wait3A_125 : memref<64x768xf32, #tpu.memory_space<hbm>>) dst(%arg11 : memref<64x768xf32, #tpu.memory_space<vmem>>)
      tpu.yield
    }) : () -> ()
    %dma_start3A_18 = arith.constant 1 : i32
    %dma_start3A_19 = arith.constant 0 : i32
    %dma_start3A_20 = tpu.memref_slice %arg9[%dma_start3A_18, %dma_start3A_19] : memref<2x64xi32, #tpu.memory_space<vmem>> -> memref<1x64xi32, #tpu.memory_space<vmem>>
    %dma_start3A_21 = tpu.memref_squeeze %dma_start3A_20 : memref<1x64xi32, #tpu.memory_space<vmem>> -> memref<64xi32, #tpu.memory_space<vmem>>
    %dma_start3A_22 = arith.constant 0 : i32
    %dma_start3A_23 = arith.constant 0 : i32
    %dma_start3A_24 = tpu.memref_slice %arg6[%dma_start3A_22, %dma_start3A_23] : memref<4096x768xf32, #tpu.memory_space<hbm>> -> memref<4096x768xf32, #tpu.memory_space<hbm>>
    tpu.enqueue_indirect_dma source(%arg11 : memref<64x768xf32, #tpu.memory_space<vmem>>) target(%dma_start3A_24 : memref<4096x768xf32, #tpu.memory_space<hbm>>) offsets(%dma_start3A_21 : memref<64xi32, #tpu.memory_space<vmem>>) semaphore(%arg13 : memref<!tpu.dma_semaphore, #tpu.memory_space<semaphore_mem>>)
    %dma_wait3A = arith.constant 0 : i32
    %dma_wait3A_25 = arith.constant 0 : i32
    %dma_wait3A_26 = tpu.memref_slice %arg9[%dma_wait3A, %dma_wait3A_25] : memref<2x64xi32, #tpu.memory_space<vmem>> -> memref<1x64xi32, #tpu.memory_space<vmem>>
    %dma_wait3A_27 = tpu.memref_squeeze %dma_wait3A_26 : memref<1x64xi32, #tpu.memory_space<vmem>> -> memref<64xi32, #tpu.memory_space<vmem>>
    %dma_wait3A_28 = arith.constant 0 : i32
    %dma_wait3A_29 = arith.constant 0 : i32
    %dma_wait3A_30 = tpu.memref_slice %arg6[%dma_wait3A_28, %dma_wait3A_29] : memref<4096x768xf32, #tpu.memory_space<hbm>> -> memref<4096x768xf32, #tpu.memory_space<hbm>>
    tpu.wait_indirect_dma semaphore(%arg12 : memref<!tpu.dma_semaphore, #tpu.memory_space<semaphore_mem>>) src(%arg10 : memref<64x768xf32, #tpu.memory_space<vmem>>) dst(%dma_wait3A_30 : memref<4096x768xf32, #tpu.memory_space<hbm>>)
    %mul3A_31 = arith.constant 128 : i32
    %mul3A_32 = arith.muli %add3A, %mul3A_31 : i32
    %add3A_33 = arith.constant 0 : i32
    %add3A_34 = arith.addi %mul3A_32, %add3A_33 : i32
    %rem3A_35 = arith.constant 4096 : i32
    %rem3A_36 = arith.remsi %add3A_34, %rem3A_35 : i32
    "tpu.region"() ({
      %run_scoped3A = tpu.sem_alloc : memref<!tpu.dma_semaphore, #tpu.memory_space<semaphore_mem>>
      %dma_start3A_118 = arith.constant 0 : i32
      %dma_start3A_119 = tpu.memref_slice %arg3[%rem3A_36, %dma_start3A_118] : memref<4096x768xf32, #tpu.memory_space<hbm>> -> memref<64x768xf32, #tpu.memory_space<hbm>>
      %dma_start3A_120 = arith.constant 0 : i32
      %dma_start3A_121 = tpu.memref_slice %arg3[%rem3A_36, %dma_start3A_120] : memref<4096x768xf32, #tpu.memory_space<hbm>> -> memref<64x768xf32, #tpu.memory_space<hbm>>
      tpu.enqueue_dma source(%dma_start3A_121 : memref<64x768xf32, #tpu.memory_space<hbm>>) target(%arg10 : memref<64x768xf32, #tpu.memory_space<vmem>>) target_semaphore(%run_scoped3A : memref<!tpu.dma_semaphore, #tpu.memory_space<semaphore_mem>>)
      %dma_wait3A_122 = arith.constant 0 : i32
      %dma_wait3A_123 = tpu.memref_slice %arg3[%rem3A_36, %dma_wait3A_122] : memref<4096x768xf32, #tpu.memory_space<hbm>> -> memref<64x768xf32, #tpu.memory_space<hbm>>
      %dma_wait3A_124 = arith.constant 0 : i32
      %dma_wait3A_125 = tpu.memref_slice %arg3[%rem3A_36, %dma_wait3A_124] : memref<4096x768xf32, #tpu.memory_space<hbm>> -> memref<64x768xf32, #tpu.memory_space<hbm>>
      tpu.wait_dma2 semaphore(%run_scoped3A : memref<!tpu.dma_semaphore, #tpu.memory_space<semaphore_mem>>) src(%dma_wait3A_125 : memref<64x768xf32, #tpu.memory_space<hbm>>) dst(%arg10 : memref<64x768xf32, #tpu.memory_space<vmem>>)
      tpu.yield
    }) : () -> ()
    %dma_start3A_37 = arith.constant 0 : i32
    %dma_start3A_38 = arith.constant 0 : i32
    %dma_start3A_39 = tpu.memref_slice %arg9[%dma_start3A_37, %dma_start3A_38] : memref<2x64xi32, #tpu.memory_space<vmem>> -> memref<1x64xi32, #tpu.memory_space<vmem>>
    %dma_start3A_40 = tpu.memref_squeeze %dma_start3A_39 : memref<1x64xi32, #tpu.memory_space<vmem>> -> memref<64xi32, #tpu.memory_space<vmem>>
    %dma_start3A_41 = arith.constant 0 : i32
    %dma_start3A_42 = arith.constant 0 : i32
    %dma_start3A_43 = tpu.memref_slice %arg7[%dma_start3A_41, %dma_start3A_42] : memref<4096x768xf32, #tpu.memory_space<hbm>> -> memref<4096x768xf32, #tpu.memory_space<hbm>>
    tpu.enqueue_indirect_dma source(%arg10 : memref<64x768xf32, #tpu.memory_space<vmem>>) target(%dma_start3A_43 : memref<4096x768xf32, #tpu.memory_space<hbm>>) offsets(%dma_start3A_40 : memref<64xi32, #tpu.memory_space<vmem>>) semaphore(%arg12 : memref<!tpu.dma_semaphore, #tpu.memory_space<semaphore_mem>>)
    %dma_wait3A_44 = arith.constant 1 : i32
    %dma_wait3A_45 = arith.constant 0 : i32
    %dma_wait3A_46 = tpu.memref_slice %arg9[%dma_wait3A_44, %dma_wait3A_45] : memref<2x64xi32, #tpu.memory_space<vmem>> -> memref<1x64xi32, #tpu.memory_space<vmem>>
    %dma_wait3A_47 = tpu.memref_squeeze %dma_wait3A_46 : memref<1x64xi32, #tpu.memory_space<vmem>> -> memref<64xi32, #tpu.memory_space<vmem>>
    %dma_wait3A_48 = arith.constant 0 : i32
    %dma_wait3A_49 = arith.constant 0 : i32
    %dma_wait3A_50 = tpu.memref_slice %arg6[%dma_wait3A_48, %dma_wait3A_49] : memref<4096x768xf32, #tpu.memory_space<hbm>> -> memref<4096x768xf32, #tpu.memory_space<hbm>>
    tpu.wait_indirect_dma semaphore(%arg13 : memref<!tpu.dma_semaphore, #tpu.memory_space<semaphore_mem>>) src(%arg11 : memref<64x768xf32, #tpu.memory_space<vmem>>) dst(%dma_wait3A_50 : memref<4096x768xf32, #tpu.memory_space<hbm>>)
    %mul3A_51 = arith.constant 128 : i32
    %mul3A_52 = arith.muli %add3A, %mul3A_51 : i32
    %add3A_53 = arith.constant 64 : i32
    %add3A_54 = arith.addi %mul3A_52, %add3A_53 : i32
    %rem3A_55 = arith.constant 4096 : i32
    %rem3A_56 = arith.remsi %add3A_54, %rem3A_55 : i32
    "tpu.region"() ({
      %run_scoped3A = tpu.sem_alloc : memref<!tpu.dma_semaphore, #tpu.memory_space<semaphore_mem>>
      %dma_start3A_118 = arith.constant 0 : i32
      %dma_start3A_119 = tpu.memref_slice %arg3[%rem3A_56, %dma_start3A_118] : memref<4096x768xf32, #tpu.memory_space<hbm>> -> memref<64x768xf32, #tpu.memory_space<hbm>>
      %dma_start3A_120 = arith.constant 0 : i32
      %dma_start3A_121 = tpu.memref_slice %arg3[%rem3A_56, %dma_start3A_120] : memref<4096x768xf32, #tpu.memory_space<hbm>> -> memref<64x768xf32, #tpu.memory_space<hbm>>
      tpu.enqueue_dma source(%dma_start3A_121 : memref<64x768xf32, #tpu.memory_space<hbm>>) target(%arg11 : memref<64x768xf32, #tpu.memory_space<vmem>>) target_semaphore(%run_scoped3A : memref<!tpu.dma_semaphore, #tpu.memory_space<semaphore_mem>>)
      %dma_wait3A_122 = arith.constant 0 : i32
      %dma_wait3A_123 = tpu.memref_slice %arg3[%rem3A_56, %dma_wait3A_122] : memref<4096x768xf32, #tpu.memory_space<hbm>> -> memref<64x768xf32, #tpu.memory_space<hbm>>
      %dma_wait3A_124 = arith.constant 0 : i32
      %dma_wait3A_125 = tpu.memref_slice %arg3[%rem3A_56, %dma_wait3A_124] : memref<4096x768xf32, #tpu.memory_space<hbm>> -> memref<64x768xf32, #tpu.memory_space<hbm>>
      tpu.wait_dma2 semaphore(%run_scoped3A : memref<!tpu.dma_semaphore, #tpu.memory_space<semaphore_mem>>) src(%dma_wait3A_125 : memref<64x768xf32, #tpu.memory_space<hbm>>) dst(%arg11 : memref<64x768xf32, #tpu.memory_space<vmem>>)
      tpu.yield
    }) : () -> ()
    %dma_start3A_57 = arith.constant 1 : i32
    %dma_start3A_58 = arith.constant 0 : i32
    %dma_start3A_59 = tpu.memref_slice %arg9[%dma_start3A_57, %dma_start3A_58] : memref<2x64xi32, #tpu.memory_space<vmem>> -> memref<1x64xi32, #tpu.memory_space<vmem>>
    %dma_start3A_60 = tpu.memref_squeeze %dma_start3A_59 : memref<1x64xi32, #tpu.memory_space<vmem>> -> memref<64xi32, #tpu.memory_space<vmem>>
    %dma_start3A_61 = arith.constant 0 : i32
    %dma_start3A_62 = arith.constant 0 : i32
    %dma_start3A_63 = tpu.memref_slice %arg7[%dma_start3A_61, %dma_start3A_62] : memref<4096x768xf32, #tpu.memory_space<hbm>> -> memref<4096x768xf32, #tpu.memory_space<hbm>>
    tpu.enqueue_indirect_dma source(%arg11 : memref<64x768xf32, #tpu.memory_space<vmem>>) target(%dma_start3A_63 : memref<4096x768xf32, #tpu.memory_space<hbm>>) offsets(%dma_start3A_60 : memref<64xi32, #tpu.memory_space<vmem>>) semaphore(%arg13 : memref<!tpu.dma_semaphore, #tpu.memory_space<semaphore_mem>>)
    %dma_wait3A_64 = arith.constant 0 : i32
    %dma_wait3A_65 = arith.constant 0 : i32
    %dma_wait3A_66 = tpu.memref_slice %arg9[%dma_wait3A_64, %dma_wait3A_65] : memref<2x64xi32, #tpu.memory_space<vmem>> -> memref<1x64xi32, #tpu.memory_space<vmem>>
    %dma_wait3A_67 = tpu.memref_squeeze %dma_wait3A_66 : memref<1x64xi32, #tpu.memory_space<vmem>> -> memref<64xi32, #tpu.memory_space<vmem>>
    %dma_wait3A_68 = arith.constant 0 : i32
    %dma_wait3A_69 = arith.constant 0 : i32
    %dma_wait3A_70 = tpu.memref_slice %arg7[%dma_wait3A_68, %dma_wait3A_69] : memref<4096x768xf32, #tpu.memory_space<hbm>> -> memref<4096x768xf32, #tpu.memory_space<hbm>>
    tpu.wait_indirect_dma semaphore(%arg12 : memref<!tpu.dma_semaphore, #tpu.memory_space<semaphore_mem>>) src(%arg10 : memref<64x768xf32, #tpu.memory_space<vmem>>) dst(%dma_wait3A_70 : memref<4096x768xf32, #tpu.memory_space<hbm>>)
    %mul3A_71 = arith.constant 128 : i32
    %mul3A_72 = arith.muli %add3A, %mul3A_71 : i32
    %add3A_73 = arith.constant 0 : i32
    %add3A_74 = arith.addi %mul3A_72, %add3A_73 : i32
    %rem3A_75 = arith.constant 4096 : i32
    %rem3A_76 = arith.remsi %add3A_74, %rem3A_75 : i32
    "tpu.region"() ({
      %run_scoped3A = tpu.sem_alloc : memref<!tpu.dma_semaphore, #tpu.memory_space<semaphore_mem>>
      %dma_start3A_118 = arith.constant 0 : i32
      %dma_start3A_119 = tpu.memref_slice %arg4[%rem3A_76, %dma_start3A_118] : memref<4096x768xf32, #tpu.memory_space<hbm>> -> memref<64x768xf32, #tpu.memory_space<hbm>>
      %dma_start3A_120 = arith.constant 0 : i32
      %dma_start3A_121 = tpu.memref_slice %arg4[%rem3A_76, %dma_start3A_120] : memref<4096x768xf32, #tpu.memory_space<hbm>> -> memref<64x768xf32, #tpu.memory_space<hbm>>
      tpu.enqueue_dma source(%dma_start3A_121 : memref<64x768xf32, #tpu.memory_space<hbm>>) target(%arg10 : memref<64x768xf32, #tpu.memory_space<vmem>>) target_semaphore(%run_scoped3A : memref<!tpu.dma_semaphore, #tpu.memory_space<semaphore_mem>>)
      %dma_wait3A_122 = arith.constant 0 : i32
      %dma_wait3A_123 = tpu.memref_slice %arg4[%rem3A_76, %dma_wait3A_122] : memref<4096x768xf32, #tpu.memory_space<hbm>> -> memref<64x768xf32, #tpu.memory_space<hbm>>
      %dma_wait3A_124 = arith.constant 0 : i32
      %dma_wait3A_125 = tpu.memref_slice %arg4[%rem3A_76, %dma_wait3A_124] : memref<4096x768xf32, #tpu.memory_space<hbm>> -> memref<64x768xf32, #tpu.memory_space<hbm>>
      tpu.wait_dma2 semaphore(%run_scoped3A : memref<!tpu.dma_semaphore, #tpu.memory_space<semaphore_mem>>) src(%dma_wait3A_125 : memref<64x768xf32, #tpu.memory_space<hbm>>) dst(%arg10 : memref<64x768xf32, #tpu.memory_space<vmem>>)
      tpu.yield
    }) : () -> ()
    %dma_start3A_77 = arith.constant 0 : i32
    %dma_start3A_78 = arith.constant 0 : i32
    %dma_start3A_79 = tpu.memref_slice %arg9[%dma_start3A_77, %dma_start3A_78] : memref<2x64xi32, #tpu.memory_space<vmem>> -> memref<1x64xi32, #tpu.memory_space<vmem>>
    %dma_start3A_80 = tpu.memref_squeeze %dma_start3A_79 : memref<1x64xi32, #tpu.memory_space<vmem>> -> memref<64xi32, #tpu.memory_space<vmem>>
    %dma_start3A_81 = arith.constant 0 : i32
    %dma_start3A_82 = arith.constant 0 : i32
    %dma_start3A_83 = tpu.memref_slice %arg8[%dma_start3A_81, %dma_start3A_82] : memref<4096x768xf32, #tpu.memory_space<hbm>> -> memref<4096x768xf32, #tpu.memory_space<hbm>>
    tpu.enqueue_indirect_dma source(%arg10 : memref<64x768xf32, #tpu.memory_space<vmem>>) target(%dma_start3A_83 : memref<4096x768xf32, #tpu.memory_space<hbm>>) offsets(%dma_start3A_80 : memref<64xi32, #tpu.memory_space<vmem>>) semaphore(%arg12 : memref<!tpu.dma_semaphore, #tpu.memory_space<semaphore_mem>>)
    %dma_wait3A_84 = arith.constant 1 : i32
    %dma_wait3A_85 = arith.constant 0 : i32
    %dma_wait3A_86 = tpu.memref_slice %arg9[%dma_wait3A_84, %dma_wait3A_85] : memref<2x64xi32, #tpu.memory_space<vmem>> -> memref<1x64xi32, #tpu.memory_space<vmem>>
    %dma_wait3A_87 = tpu.memref_squeeze %dma_wait3A_86 : memref<1x64xi32, #tpu.memory_space<vmem>> -> memref<64xi32, #tpu.memory_space<vmem>>
    %dma_wait3A_88 = arith.constant 0 : i32
    %dma_wait3A_89 = arith.constant 0 : i32
    %dma_wait3A_90 = tpu.memref_slice %arg7[%dma_wait3A_88, %dma_wait3A_89] : memref<4096x768xf32, #tpu.memory_space<hbm>> -> memref<4096x768xf32, #tpu.memory_space<hbm>>
    tpu.wait_indirect_dma semaphore(%arg13 : memref<!tpu.dma_semaphore, #tpu.memory_space<semaphore_mem>>) src(%arg11 : memref<64x768xf32, #tpu.memory_space<vmem>>) dst(%dma_wait3A_90 : memref<4096x768xf32, #tpu.memory_space<hbm>>)
    %mul3A_91 = arith.constant 128 : i32
    %mul3A_92 = arith.muli %add3A, %mul3A_91 : i32
    %add3A_93 = arith.constant 64 : i32
    %add3A_94 = arith.addi %mul3A_92, %add3A_93 : i32
    %rem3A_95 = arith.constant 4096 : i32
    %rem3A_96 = arith.remsi %add3A_94, %rem3A_95 : i32
    "tpu.region"() ({
      %run_scoped3A = tpu.sem_alloc : memref<!tpu.dma_semaphore, #tpu.memory_space<semaphore_mem>>
      %dma_start3A_118 = arith.constant 0 : i32
      %dma_start3A_119 = tpu.memref_slice %arg4[%rem3A_96, %dma_start3A_118] : memref<4096x768xf32, #tpu.memory_space<hbm>> -> memref<64x768xf32, #tpu.memory_space<hbm>>
      %dma_start3A_120 = arith.constant 0 : i32
      %dma_start3A_121 = tpu.memref_slice %arg4[%rem3A_96, %dma_start3A_120] : memref<4096x768xf32, #tpu.memory_space<hbm>> -> memref<64x768xf32, #tpu.memory_space<hbm>>
      tpu.enqueue_dma source(%dma_start3A_121 : memref<64x768xf32, #tpu.memory_space<hbm>>) target(%arg11 : memref<64x768xf32, #tpu.memory_space<vmem>>) target_semaphore(%run_scoped3A : memref<!tpu.dma_semaphore, #tpu.memory_space<semaphore_mem>>)
      %dma_wait3A_122 = arith.constant 0 : i32
      %dma_wait3A_123 = tpu.memref_slice %arg4[%rem3A_96, %dma_wait3A_122] : memref<4096x768xf32, #tpu.memory_space<hbm>> -> memref<64x768xf32, #tpu.memory_space<hbm>>
      %dma_wait3A_124 = arith.constant 0 : i32
      %dma_wait3A_125 = tpu.memref_slice %arg4[%rem3A_96, %dma_wait3A_124] : memref<4096x768xf32, #tpu.memory_space<hbm>> -> memref<64x768xf32, #tpu.memory_space<hbm>>
      tpu.wait_dma2 semaphore(%run_scoped3A : memref<!tpu.dma_semaphore, #tpu.memory_space<semaphore_mem>>) src(%dma_wait3A_125 : memref<64x768xf32, #tpu.memory_space<hbm>>) dst(%arg11 : memref<64x768xf32, #tpu.memory_space<vmem>>)
      tpu.yield
    }) : () -> ()
    %dma_start3A_97 = arith.constant 1 : i32
    %dma_start3A_98 = arith.constant 0 : i32
    %dma_start3A_99 = tpu.memref_slice %arg9[%dma_start3A_97, %dma_start3A_98] : memref<2x64xi32, #tpu.memory_space<vmem>> -> memref<1x64xi32, #tpu.memory_space<vmem>>
    %dma_start3A_100 = tpu.memref_squeeze %dma_start3A_99 : memref<1x64xi32, #tpu.memory_space<vmem>> -> memref<64xi32, #tpu.memory_space<vmem>>
    %dma_start3A_101 = arith.constant 0 : i32
    %dma_start3A_102 = arith.constant 0 : i32
    %dma_start3A_103 = tpu.memref_slice %arg8[%dma_start3A_101, %dma_start3A_102] : memref<4096x768xf32, #tpu.memory_space<hbm>> -> memref<4096x768xf32, #tpu.memory_space<hbm>>
    tpu.enqueue_indirect_dma source(%arg11 : memref<64x768xf32, #tpu.memory_space<vmem>>) target(%dma_start3A_103 : memref<4096x768xf32, #tpu.memory_space<hbm>>) offsets(%dma_start3A_100 : memref<64xi32, #tpu.memory_space<vmem>>) semaphore(%arg13 : memref<!tpu.dma_semaphore, #tpu.memory_space<semaphore_mem>>)
    %dma_wait3A_104 = arith.constant 0 : i32
    %dma_wait3A_105 = arith.constant 0 : i32
    %dma_wait3A_106 = tpu.memref_slice %arg9[%dma_wait3A_104, %dma_wait3A_105] : memref<2x64xi32, #tpu.memory_space<vmem>> -> memref<1x64xi32, #tpu.memory_space<vmem>>
    %dma_wait3A_107 = tpu.memref_squeeze %dma_wait3A_106 : memref<1x64xi32, #tpu.memory_space<vmem>> -> memref<64xi32, #tpu.memory_space<vmem>>
    %dma_wait3A_108 = arith.constant 0 : i32
    %dma_wait3A_109 = arith.constant 0 : i32
    %dma_wait3A_110 = tpu.memref_slice %arg8[%dma_wait3A_108, %dma_wait3A_109] : memref<4096x768xf32, #tpu.memory_space<hbm>> -> memref<4096x768xf32, #tpu.memory_space<hbm>>
    tpu.wait_indirect_dma semaphore(%arg12 : memref<!tpu.dma_semaphore, #tpu.memory_space<semaphore_mem>>) src(%arg10 : memref<64x768xf32, #tpu.memory_space<vmem>>) dst(%dma_wait3A_110 : memref<4096x768xf32, #tpu.memory_space<hbm>>)
    %dma_wait3A_111 = arith.constant 1 : i32
    %dma_wait3A_112 = arith.constant 0 : i32
    %dma_wait3A_113 = tpu.memref_slice %arg9[%dma_wait3A_111, %dma_wait3A_112] : memref<2x64xi32, #tpu.memory_space<vmem>> -> memref<1x64xi32, #tpu.memory_space<vmem>>
    %dma_wait3A_114 = tpu.memref_squeeze %dma_wait3A_113 : memref<1x64xi32, #tpu.memory_space<vmem>> -> memref<64xi32, #tpu.memory_space<vmem>>
    %dma_wait3A_115 = arith.constant 0 : i32
    %dma_wait3A_116 = arith.constant 0 : i32
    %dma_wait3A_117 = tpu.memref_slice %arg8[%dma_wait3A_115, %dma_wait3A_116] : memref<4096x768xf32, #tpu.memory_space<hbm>> -> memref<4096x768xf32, #tpu.memory_space<hbm>>
    tpu.wait_indirect_dma semaphore(%arg13 : memref<!tpu.dma_semaphore, #tpu.memory_space<semaphore_mem>>) src(%arg11 : memref<64x768xf32, #tpu.memory_space<vmem>>) dst(%dma_wait3A_117 : memref<4096x768xf32, #tpu.memory_space<hbm>>)
    return
  }
}

#map = affine_map<(d0, d1) -> (0, 0)>
#map1 = affine_map<(d0, d1) -> (0)>
module attributes {stable_mosaic.version = 14 : i64} {
  func.func @sc_combine(%arg0: i32, %arg1: i32, %arg2: memref<4096x768xf32, #tpu.memory_space<hbm>>, %arg3: memref<4096x768xf32, #tpu.memory_space<hbm>>, %arg4: memref<4096xi32, #tpu.memory_space<hbm>>, %arg5: memref<4096xi32, #tpu.memory_space<hbm>>, %arg6: memref<4096x768xf32, #tpu.memory_space<hbm>>, %arg7: memref<128xi32, #tpu.memory_space<vmem>>, %arg8: memref<128xi32, #tpu.memory_space<vmem>>, %arg9: memref<64x768xf32, #tpu.memory_space<vmem>>, %arg10: memref<64x768xf32, #tpu.memory_space<vmem>>, %arg11: memref<!tpu.dma_semaphore, #tpu.memory_space<semaphore_mem>>, %arg12: memref<!tpu.dma_semaphore, #tpu.memory_space<semaphore_mem>>) attributes {dimension_semantics = [#tpu.dimension_semantics<core_parallel>, #tpu.dimension_semantics<subcore_parallel>], iteration_bounds = array<i64: 2, 16>, scalar_prefetch = 0 : i64, scratch_operands = 6 : i64, tpu.core_type = #tpu.core_type<sc_vector_subcore>, window_params = [{transform_indices = #map}, {transform_indices = #map}, {transform_indices = #map1}, {transform_indices = #map1}, {transform_indices = #map}]} {
    %mul3A = arith.constant 2 : i32
    %mul3A_0 = arith.muli %arg1, %mul3A : i32
    %add3A = arith.addi %mul3A_0, %arg0 : i32
    %mul3A_1 = arith.constant 128 : i32
    %mul3A_2 = arith.muli %add3A, %mul3A_1 : i32
    "tpu.region"() ({
      %run_scoped3A = tpu.sem_alloc : memref<!tpu.dma_semaphore, #tpu.memory_space<semaphore_mem>>
      %dma_start3A_56 = tpu.memref_slice %arg4[%mul3A_2] : memref<4096xi32, #tpu.memory_space<hbm>> -> memref<128xi32, #tpu.memory_space<hbm>>
      %dma_start3A_57 = tpu.memref_slice %arg4[%mul3A_2] : memref<4096xi32, #tpu.memory_space<hbm>> -> memref<128xi32, #tpu.memory_space<hbm>>
      tpu.enqueue_dma source(%dma_start3A_57 : memref<128xi32, #tpu.memory_space<hbm>>) target(%arg7 : memref<128xi32, #tpu.memory_space<vmem>>) target_semaphore(%run_scoped3A : memref<!tpu.dma_semaphore, #tpu.memory_space<semaphore_mem>>)
      %dma_wait3A_58 = tpu.memref_slice %arg4[%mul3A_2] : memref<4096xi32, #tpu.memory_space<hbm>> -> memref<128xi32, #tpu.memory_space<hbm>>
      %dma_wait3A_59 = tpu.memref_slice %arg4[%mul3A_2] : memref<4096xi32, #tpu.memory_space<hbm>> -> memref<128xi32, #tpu.memory_space<hbm>>
      tpu.wait_dma2 semaphore(%run_scoped3A : memref<!tpu.dma_semaphore, #tpu.memory_space<semaphore_mem>>) src(%dma_wait3A_59 : memref<128xi32, #tpu.memory_space<hbm>>) dst(%arg7 : memref<128xi32, #tpu.memory_space<vmem>>)
      tpu.yield
    }) : () -> ()
    "tpu.region"() ({
      %run_scoped3A = tpu.sem_alloc : memref<!tpu.dma_semaphore, #tpu.memory_space<semaphore_mem>>
      %dma_start3A_56 = tpu.memref_slice %arg5[%mul3A_2] : memref<4096xi32, #tpu.memory_space<hbm>> -> memref<128xi32, #tpu.memory_space<hbm>>
      %dma_start3A_57 = tpu.memref_slice %arg5[%mul3A_2] : memref<4096xi32, #tpu.memory_space<hbm>> -> memref<128xi32, #tpu.memory_space<hbm>>
      tpu.enqueue_dma source(%dma_start3A_57 : memref<128xi32, #tpu.memory_space<hbm>>) target(%arg8 : memref<128xi32, #tpu.memory_space<vmem>>) target_semaphore(%run_scoped3A : memref<!tpu.dma_semaphore, #tpu.memory_space<semaphore_mem>>)
      %dma_wait3A_58 = tpu.memref_slice %arg5[%mul3A_2] : memref<4096xi32, #tpu.memory_space<hbm>> -> memref<128xi32, #tpu.memory_space<hbm>>
      %dma_wait3A_59 = tpu.memref_slice %arg5[%mul3A_2] : memref<4096xi32, #tpu.memory_space<hbm>> -> memref<128xi32, #tpu.memory_space<hbm>>
      tpu.wait_dma2 semaphore(%run_scoped3A : memref<!tpu.dma_semaphore, #tpu.memory_space<semaphore_mem>>) src(%dma_wait3A_59 : memref<128xi32, #tpu.memory_space<hbm>>) dst(%arg8 : memref<128xi32, #tpu.memory_space<vmem>>)
      tpu.yield
    }) : () -> ()
    %dma_start3A = arith.constant 0 : i32
    %dma_start3A_3 = tpu.memref_slice %arg7[%dma_start3A] : memref<128xi32, #tpu.memory_space<vmem>> -> memref<64xi32, #tpu.memory_space<vmem>>
    %dma_start3A_4 = arith.constant 0 : i32
    %dma_start3A_5 = arith.constant 0 : i32
    %dma_start3A_6 = tpu.memref_slice %arg2[%dma_start3A_4, %dma_start3A_5] : memref<4096x768xf32, #tpu.memory_space<hbm>> -> memref<4096x768xf32, #tpu.memory_space<hbm>>
    tpu.enqueue_indirect_dma source(%dma_start3A_6 : memref<4096x768xf32, #tpu.memory_space<hbm>>) target(%arg9 : memref<64x768xf32, #tpu.memory_space<vmem>>) offsets(%dma_start3A_3 : memref<64xi32, #tpu.memory_space<vmem>>) semaphore(%arg11 : memref<!tpu.dma_semaphore, #tpu.memory_space<semaphore_mem>>)
    %dma_start3A_7 = arith.constant 0 : i32
    %dma_start3A_8 = tpu.memref_slice %arg8[%dma_start3A_7] : memref<128xi32, #tpu.memory_space<vmem>> -> memref<64xi32, #tpu.memory_space<vmem>>
    %dma_start3A_9 = arith.constant 0 : i32
    %dma_start3A_10 = arith.constant 0 : i32
    %dma_start3A_11 = tpu.memref_slice %arg3[%dma_start3A_9, %dma_start3A_10] : memref<4096x768xf32, #tpu.memory_space<hbm>> -> memref<4096x768xf32, #tpu.memory_space<hbm>>
    tpu.enqueue_indirect_dma source(%dma_start3A_11 : memref<4096x768xf32, #tpu.memory_space<hbm>>) target(%arg10 : memref<64x768xf32, #tpu.memory_space<vmem>>) offsets(%dma_start3A_8 : memref<64xi32, #tpu.memory_space<vmem>>) semaphore(%arg12 : memref<!tpu.dma_semaphore, #tpu.memory_space<semaphore_mem>>)
    %dma_wait3A = arith.constant 0 : i32
    %dma_wait3A_12 = tpu.memref_slice %arg7[%dma_wait3A] : memref<128xi32, #tpu.memory_space<vmem>> -> memref<64xi32, #tpu.memory_space<vmem>>
    %dma_wait3A_13 = arith.constant 0 : i32
    %dma_wait3A_14 = arith.constant 0 : i32
    %dma_wait3A_15 = tpu.memref_slice %arg2[%dma_wait3A_13, %dma_wait3A_14] : memref<4096x768xf32, #tpu.memory_space<hbm>> -> memref<4096x768xf32, #tpu.memory_space<hbm>>
    tpu.wait_indirect_dma semaphore(%arg11 : memref<!tpu.dma_semaphore, #tpu.memory_space<semaphore_mem>>) src(%dma_wait3A_15 : memref<4096x768xf32, #tpu.memory_space<hbm>>) dst(%arg9 : memref<64x768xf32, #tpu.memory_space<vmem>>)
    %dma_wait3A_16 = arith.constant 0 : i32
    %dma_wait3A_17 = tpu.memref_slice %arg8[%dma_wait3A_16] : memref<128xi32, #tpu.memory_space<vmem>> -> memref<64xi32, #tpu.memory_space<vmem>>
    %dma_wait3A_18 = arith.constant 0 : i32
    %dma_wait3A_19 = arith.constant 0 : i32
    %dma_wait3A_20 = tpu.memref_slice %arg3[%dma_wait3A_18, %dma_wait3A_19] : memref<4096x768xf32, #tpu.memory_space<hbm>> -> memref<4096x768xf32, #tpu.memory_space<hbm>>
    tpu.wait_indirect_dma semaphore(%arg12 : memref<!tpu.dma_semaphore, #tpu.memory_space<semaphore_mem>>) src(%dma_wait3A_20 : memref<4096x768xf32, #tpu.memory_space<hbm>>) dst(%arg10 : memref<64x768xf32, #tpu.memory_space<vmem>>)
    %scan3A = arith.constant 0 : i32
    %scan3A_21 = arith.constant 0 : i32
    %scan3A_22 = arith.constant 64 : i32
    %scan3A_23 = arith.addi %scan3A_21, %scan3A_22 : i32
    %scan3A_24 = arith.constant 1 : i32
    scf.for %scan3A_56 = %scan3A_21 to %scan3A_23 step %scan3A_24  : i32 {
      %get3A = arith.index_cast %scan3A_56 : i32 to index
      %get3A_57 = arith.constant 0 : index
      %get3A_58 = tpu.vector_load %arg9[%get3A, %get3A_57] {strides = array<i32>} : memref<64x768xf32, #tpu.memory_space<vmem>>, vector<1x16xf32>,
      %get3A_59 = vector.shape_cast %get3A_58 : vector<1x16xf32> to vector<16xf32>
      %get3A_60 = arith.index_cast %scan3A_56 : i32 to index
      %get3A_61 = arith.constant 0 : index
      %get3A_62 = tpu.vector_load %arg10[%get3A_60, %get3A_61] {strides = array<i32>} : memref<64x768xf32, #tpu.memory_space<vmem>>, vector<1x16xf32>,
      %get3A_63 = vector.shape_cast %get3A_62 : vector<1x16xf32> to vector<16xf32>
      %add3A_64 = arith.addf %get3A_59, %get3A_63 : vector<16xf32>
      %swap3A = arith.index_cast %scan3A_56 : i32 to index
      %swap3A_65 = arith.constant 0 : index
      %swap3A_66 = tpu.vector_load %arg9[%swap3A, %swap3A_65] {strides = array<i32>} : memref<64x768xf32, #tpu.memory_space<vmem>>, vector<1x16xf32>,
      %swap3A_67 = vector.shape_cast %swap3A_66 : vector<1x16xf32> to vector<16xf32>
      %swap3A_68 = vector.shape_cast %add3A_64 : vector<16xf32> to vector<1x16xf32>
      tpu.vector_store %arg9[%swap3A, %swap3A_65], %swap3A_68 {strides = array<i32>} : memref<64x768xf32, #tpu.memory_space<vmem>>, vector<1x16xf32>,
      %get3A_69 = arith.index_cast %scan3A_56 : i32 to index
      %get3A_70 = arith.constant 16 : index
      %get3A_71 = tpu.vector_load %arg9[%get3A_69, %get3A_70] {strides = array<i32>} : memref<64x768xf32, #tpu.memory_space<vmem>>, vector<1x16xf32>,
      %get3A_72 = vector.shape_cast %get3A_71 : vector<1x16xf32> to vector<16xf32>
      %get3A_73 = arith.index_cast %scan3A_56 : i32 to index
      %get3A_74 = arith.constant 16 : index
      %get3A_75 = tpu.vector_load %arg10[%get3A_73, %get3A_74] {strides = array<i32>} : memref<64x768xf32, #tpu.memory_space<vmem>>, vector<1x16xf32>,
      %get3A_76 = vector.shape_cast %get3A_75 : vector<1x16xf32> to vector<16xf32>
      %add3A_77 = arith.addf %get3A_72, %get3A_76 : vector<16xf32>
      %swap3A_78 = arith.index_cast %scan3A_56 : i32 to index
      %swap3A_79 = arith.constant 16 : index
      %swap3A_80 = tpu.vector_load %arg9[%swap3A_78, %swap3A_79] {strides = array<i32>} : memref<64x768xf32, #tpu.memory_space<vmem>>, vector<1x16xf32>,
      %swap3A_81 = vector.shape_cast %swap3A_80 : vector<1x16xf32> to vector<16xf32>
      %swap3A_82 = vector.shape_cast %add3A_77 : vector<16xf32> to vector<1x16xf32>
      tpu.vector_store %arg9[%swap3A_78, %swap3A_79], %swap3A_82 {strides = array<i32>} : memref<64x768xf32, #tpu.memory_space<vmem>>, vector<1x16xf32>,
      %get3A_83 = arith.index_cast %scan3A_56 : i32 to index
      %get3A_84 = arith.constant 32 : index
      %get3A_85 = tpu.vector_load %arg9[%get3A_83, %get3A_84] {strides = array<i32>} : memref<64x768xf32, #tpu.memory_space<vmem>>, vector<1x16xf32>,
      %get3A_86 = vector.shape_cast %get3A_85 : vector<1x16xf32> to vector<16xf32>
      %get3A_87 = arith.index_cast %scan3A_56 : i32 to index
      %get3A_88 = arith.constant 32 : index
      %get3A_89 = tpu.vector_load %arg10[%get3A_87, %get3A_88] {strides = array<i32>} : memref<64x768xf32, #tpu.memory_space<vmem>>, vector<1x16xf32>,
      %get3A_90 = vector.shape_cast %get3A_89 : vector<1x16xf32> to vector<16xf32>
      %add3A_91 = arith.addf %get3A_86, %get3A_90 : vector<16xf32>
      %swap3A_92 = arith.index_cast %scan3A_56 : i32 to index
      %swap3A_93 = arith.constant 32 : index
      %swap3A_94 = tpu.vector_load %arg9[%swap3A_92, %swap3A_93] {strides = array<i32>} : memref<64x768xf32, #tpu.memory_space<vmem>>, vector<1x16xf32>,
      %swap3A_95 = vector.shape_cast %swap3A_94 : vector<1x16xf32> to vector<16xf32>
      %swap3A_96 = vector.shape_cast %add3A_91 : vector<16xf32> to vector<1x16xf32>
      tpu.vector_store %arg9[%swap3A_92, %swap3A_93], %swap3A_96 {strides = array<i32>} : memref<64x768xf32, #tpu.memory_space<vmem>>, vector<1x16xf32>,
      %get3A_97 = arith.index_cast %scan3A_56 : i32 to index
      %get3A_98 = arith.constant 48 : index
      %get3A_99 = tpu.vector_load %arg9[%get3A_97, %get3A_98] {strides = array<i32>} : memref<64x768xf32, #tpu.memory_space<vmem>>, vector<1x16xf32>,
      %get3A_100 = vector.shape_cast %get3A_99 : vector<1x16xf32> to vector<16xf32>
      %get3A_101 = arith.index_cast %scan3A_56 : i32 to index
      %get3A_102 = arith.constant 48 : index
      %get3A_103 = tpu.vector_load %arg10[%get3A_101, %get3A_102] {strides = array<i32>} : memref<64x768xf32, #tpu.memory_space<vmem>>, vector<1x16xf32>,
      %get3A_104 = vector.shape_cast %get3A_103 : vector<1x16xf32> to vector<16xf32>
      %add3A_105 = arith.addf %get3A_100, %get3A_104 : vector<16xf32>
      %swap3A_106 = arith.index_cast %scan3A_56 : i32 to index
      %swap3A_107 = arith.constant 48 : index
      %swap3A_108 = tpu.vector_load %arg9[%swap3A_106, %swap3A_107] {strides = array<i32>} : memref<64x768xf32, #tpu.memory_space<vmem>>, vector<1x16xf32>,
      %swap3A_109 = vector.shape_cast %swap3A_108 : vector<1x16xf32> to vector<16xf32>
      %swap3A_110 = vector.shape_cast %add3A_105 : vector<16xf32> to vector<1x16xf32>
      tpu.vector_store %arg9[%swap3A_106, %swap3A_107], %swap3A_110 {strides = array<i32>} : memref<64x768xf32, #tpu.memory_space<vmem>>, vector<1x16xf32>,
      %get3A_111 = arith.index_cast %scan3A_56 : i32 to index
      %get3A_112 = arith.constant 64 : index
      %get3A_113 = tpu.vector_load %arg9[%get3A_111, %get3A_112] {strides = array<i32>} : memref<64x768xf32, #tpu.memory_space<vmem>>, vector<1x16xf32>,
      %get3A_114 = vector.shape_cast %get3A_113 : vector<1x16xf32> to vector<16xf32>
      %get3A_115 = arith.index_cast %scan3A_56 : i32 to index
      %get3A_116 = arith.constant 64 : index
      %get3A_117 = tpu.vector_load %arg10[%get3A_115, %get3A_116] {strides = array<i32>} : memref<64x768xf32, #tpu.memory_space<vmem>>, vector<1x16xf32>,
      %get3A_118 = vector.shape_cast %get3A_117 : vector<1x16xf32> to vector<16xf32>
      %add3A_119 = arith.addf %get3A_114, %get3A_118 : vector<16xf32>
      %swap3A_120 = arith.index_cast %scan3A_56 : i32 to index
      %swap3A_121 = arith.constant 64 : index
      %swap3A_122 = tpu.vector_load %arg9[%swap3A_120, %swap3A_121] {strides = array<i32>} : memref<64x768xf32, #tpu.memory_space<vmem>>, vector<1x16xf32>,
      %swap3A_123 = vector.shape_cast %swap3A_122 : vector<1x16xf32> to vector<16xf32>
      %swap3A_124 = vector.shape_cast %add3A_119 : vector<16xf32> to vector<1x16xf32>
      tpu.vector_store %arg9[%swap3A_120, %swap3A_121], %swap3A_124 {strides = array<i32>} : memref<64x768xf32, #tpu.memory_space<vmem>>, vector<1x16xf32>,
      %get3A_125 = arith.index_cast %scan3A_56 : i32 to index
      %get3A_126 = arith.constant 80 : index
      %get3A_127 = tpu.vector_load %arg9[%get3A_125, %get3A_126] {strides = array<i32>} : memref<64x768xf32, #tpu.memory_space<vmem>>, vector<1x16xf32>,
      %get3A_128 = vector.shape_cast %get3A_127 : vector<1x16xf32> to vector<16xf32>
      %get3A_129 = arith.index_cast %scan3A_56 : i32 to index
      %get3A_130 = arith.constant 80 : index
      %get3A_131 = tpu.vector_load %arg10[%get3A_129, %get3A_130] {strides = array<i32>} : memref<64x768xf32, #tpu.memory_space<vmem>>, vector<1x16xf32>,
      %get3A_132 = vector.shape_cast %get3A_131 : vector<1x16xf32> to vector<16xf32>
      %add3A_133 = arith.addf %get3A_128, %get3A_132 : vector<16xf32>
      %swap3A_134 = arith.index_cast %scan3A_56 : i32 to index
      %swap3A_135 = arith.constant 80 : index
      %swap3A_136 = tpu.vector_load %arg9[%swap3A_134, %swap3A_135] {strides = array<i32>} : memref<64x768xf32, #tpu.memory_space<vmem>>, vector<1x16xf32>,
      %swap3A_137 = vector.shape_cast %swap3A_136 : vector<1x16xf32> to vector<16xf32>
      %swap3A_138 = vector.shape_cast %add3A_133 : vector<16xf32> to vector<1x16xf32>
      tpu.vector_store %arg9[%swap3A_134, %swap3A_135], %swap3A_138 {strides = array<i32>} : memref<64x768xf32, #tpu.memory_space<vmem>>, vector<1x16xf32>,
      %get3A_139 = arith.index_cast %scan3A_56 : i32 to index
      %get3A_140 = arith.constant 96 : index
      %get3A_141 = tpu.vector_load %arg9[%get3A_139, %get3A_140] {strides = array<i32>} : memref<64x768xf32, #tpu.memory_space<vmem>>, vector<1x16xf32>,
      %get3A_142 = vector.shape_cast %get3A_141 : vector<1x16xf32> to vector<16xf32>
      %get3A_143 = arith.index_cast %scan3A_56 : i32 to index
      %get3A_144 = arith.constant 96 : index
      %get3A_145 = tpu.vector_load %arg10[%get3A_143, %get3A_144] {strides = array<i32>} : memref<64x768xf32, #tpu.memory_space<vmem>>, vector<1x16xf32>,
      %get3A_146 = vector.shape_cast %get3A_145 : vector<1x16xf32> to vector<16xf32>
      %add3A_147 = arith.addf %get3A_142, %get3A_146 : vector<16xf32>
      %swap3A_148 = arith.index_cast %scan3A_56 : i32 to index
      %swap3A_149 = arith.constant 96 : index
      %swap3A_150 = tpu.vector_load %arg9[%swap3A_148, %swap3A_149] {strides = array<i32>} : memref<64x768xf32, #tpu.memory_space<vmem>>, vector<1x16xf32>,
      %swap3A_151 = vector.shape_cast %swap3A_150 : vector<1x16xf32> to vector<16xf32>
      %swap3A_152 = vector.shape_cast %add3A_147 : vector<16xf32> to vector<1x16xf32>
      tpu.vector_store %arg9[%swap3A_148, %swap3A_149], %swap3A_152 {strides = array<i32>} : memref<64x768xf32, #tpu.memory_space<vmem>>, vector<1x16xf32>,
      %get3A_153 = arith.index_cast %scan3A_56 : i32 to index
      %get3A_154 = arith.constant 112 : index
      %get3A_155 = tpu.vector_load %arg9[%get3A_153, %get3A_154] {strides = array<i32>} : memref<64x768xf32, #tpu.memory_space<vmem>>, vector<1x16xf32>,
      %get3A_156 = vector.shape_cast %get3A_155 : vector<1x16xf32> to vector<16xf32>
      %get3A_157 = arith.index_cast %scan3A_56 : i32 to index
      %get3A_158 = arith.constant 112 : index
      %get3A_159 = tpu.vector_load %arg10[%get3A_157, %get3A_158] {strides = array<i32>} : memref<64x768xf32, #tpu.memory_space<vmem>>, vector<1x16xf32>,
      %get3A_160 = vector.shape_cast %get3A_159 : vector<1x16xf32> to vector<16xf32>
      %add3A_161 = arith.addf %get3A_156, %get3A_160 : vector<16xf32>
      %swap3A_162 = arith.index_cast %scan3A_56 : i32 to index
      %swap3A_163 = arith.constant 112 : index
      %swap3A_164 = tpu.vector_load %arg9[%swap3A_162, %swap3A_163] {strides = array<i32>} : memref<64x768xf32, #tpu.memory_space<vmem>>, vector<1x16xf32>,
      %swap3A_165 = vector.shape_cast %swap3A_164 : vector<1x16xf32> to vector<16xf32>
      %swap3A_166 = vector.shape_cast %add3A_161 : vector<16xf32> to vector<1x16xf32>
      tpu.vector_store %arg9[%swap3A_162, %swap3A_163], %swap3A_166 {strides = array<i32>} : memref<64x768xf32, #tpu.memory_space<vmem>>, vector<1x16xf32>,
      %get3A_167 = arith.index_cast %scan3A_56 : i32 to index
      %get3A_168 = arith.constant 128 : index
      %get3A_169 = tpu.vector_load %arg9[%get3A_167, %get3A_168] {strides = array<i32>} : memref<64x768xf32, #tpu.memory_space<vmem>>, vector<1x16xf32>,
      %get3A_170 = vector.shape_cast %get3A_169 : vector<1x16xf32> to vector<16xf32>
      %get3A_171 = arith.index_cast %scan3A_56 : i32 to index
      %get3A_172 = arith.constant 128 : index
      %get3A_173 = tpu.vector_load %arg10[%get3A_171, %get3A_172] {strides = array<i32>} : memref<64x768xf32, #tpu.memory_space<vmem>>, vector<1x16xf32>,
      %get3A_174 = vector.shape_cast %get3A_173 : vector<1x16xf32> to vector<16xf32>
      %add3A_175 = arith.addf %get3A_170, %get3A_174 : vector<16xf32>
      %swap3A_176 = arith.index_cast %scan3A_56 : i32 to index
      %swap3A_177 = arith.constant 128 : index
      %swap3A_178 = tpu.vector_load %arg9[%swap3A_176, %swap3A_177] {strides = array<i32>} : memref<64x768xf32, #tpu.memory_space<vmem>>, vector<1x16xf32>,
      %swap3A_179 = vector.shape_cast %swap3A_178 : vector<1x16xf32> to vector<16xf32>
      %swap3A_180 = vector.shape_cast %add3A_175 : vector<16xf32> to vector<1x16xf32>
      tpu.vector_store %arg9[%swap3A_176, %swap3A_177], %swap3A_180 {strides = array<i32>} : memref<64x768xf32, #tpu.memory_space<vmem>>, vector<1x16xf32>,
      %get3A_181 = arith.index_cast %scan3A_56 : i32 to index
      %get3A_182 = arith.constant 144 : index
      %get3A_183 = tpu.vector_load %arg9[%get3A_181, %get3A_182] {strides = array<i32>} : memref<64x768xf32, #tpu.memory_space<vmem>>, vector<1x16xf32>,
      %get3A_184 = vector.shape_cast %get3A_183 : vector<1x16xf32> to vector<16xf32>
      %get3A_185 = arith.index_cast %scan3A_56 : i32 to index
      %get3A_186 = arith.constant 144 : index
      %get3A_187 = tpu.vector_load %arg10[%get3A_185, %get3A_186] {strides = array<i32>} : memref<64x768xf32, #tpu.memory_space<vmem>>, vector<1x16xf32>,
      %get3A_188 = vector.shape_cast %get3A_187 : vector<1x16xf32> to vector<16xf32>
      %add3A_189 = arith.addf %get3A_184, %get3A_188 : vector<16xf32>
      %swap3A_190 = arith.index_cast %scan3A_56 : i32 to index
      %swap3A_191 = arith.constant 144 : index
      %swap3A_192 = tpu.vector_load %arg9[%swap3A_190, %swap3A_191] {strides = array<i32>} : memref<64x768xf32, #tpu.memory_space<vmem>>, vector<1x16xf32>,
      %swap3A_193 = vector.shape_cast %swap3A_192 : vector<1x16xf32> to vector<16xf32>
      %swap3A_194 = vector.shape_cast %add3A_189 : vector<16xf32> to vector<1x16xf32>
      tpu.vector_store %arg9[%swap3A_190, %swap3A_191], %swap3A_194 {strides = array<i32>} : memref<64x768xf32, #tpu.memory_space<vmem>>, vector<1x16xf32>,
      %get3A_195 = arith.index_cast %scan3A_56 : i32 to index
      %get3A_196 = arith.constant 160 : index
      %get3A_197 = tpu.vector_load %arg9[%get3A_195, %get3A_196] {strides = array<i32>} : memref<64x768xf32, #tpu.memory_space<vmem>>, vector<1x16xf32>,
      %get3A_198 = vector.shape_cast %get3A_197 : vector<1x16xf32> to vector<16xf32>
      %get3A_199 = arith.index_cast %scan3A_56 : i32 to index
      %get3A_200 = arith.constant 160 : index
      %get3A_201 = tpu.vector_load %arg10[%get3A_199, %get3A_200] {strides = array<i32>} : memref<64x768xf32, #tpu.memory_space<vmem>>, vector<1x16xf32>,
      %get3A_202 = vector.shape_cast %get3A_201 : vector<1x16xf32> to vector<16xf32>
      %add3A_203 = arith.addf %get3A_198, %get3A_202 : vector<16xf32>
      %swap3A_204 = arith.index_cast %scan3A_56 : i32 to index
      %swap3A_205 = arith.constant 160 : index
      %swap3A_206 = tpu.vector_load %arg9[%swap3A_204, %swap3A_205] {strides = array<i32>} : memref<64x768xf32, #tpu.memory_space<vmem>>, vector<1x16xf32>,
      %swap3A_207 = vector.shape_cast %swap3A_206 : vector<1x16xf32> to vector<16xf32>
      %swap3A_208 = vector.shape_cast %add3A_203 : vector<16xf32> to vector<1x16xf32>
      tpu.vector_store %arg9[%swap3A_204, %swap3A_205], %swap3A_208 {strides = array<i32>} : memref<64x768xf32, #tpu.memory_space<vmem>>, vector<1x16xf32>,
      %get3A_209 = arith.index_cast %scan3A_56 : i32 to index
      %get3A_210 = arith.constant 176 : index
      %get3A_211 = tpu.vector_load %arg9[%get3A_209, %get3A_210] {strides = array<i32>} : memref<64x768xf32, #tpu.memory_space<vmem>>, vector<1x16xf32>,
      %get3A_212 = vector.shape_cast %get3A_211 : vector<1x16xf32> to vector<16xf32>
      %get3A_213 = arith.index_cast %scan3A_56 : i32 to index
      %get3A_214 = arith.constant 176 : index
      %get3A_215 = tpu.vector_load %arg10[%get3A_213, %get3A_214] {strides = array<i32>} : memref<64x768xf32, #tpu.memory_space<vmem>>, vector<1x16xf32>,
      %get3A_216 = vector.shape_cast %get3A_215 : vector<1x16xf32> to vector<16xf32>
      %add3A_217 = arith.addf %get3A_212, %get3A_216 : vector<16xf32>
      %swap3A_218 = arith.index_cast %scan3A_56 : i32 to index
      %swap3A_219 = arith.constant 176 : index
      %swap3A_220 = tpu.vector_load %arg9[%swap3A_218, %swap3A_219] {strides = array<i32>} : memref<64x768xf32, #tpu.memory_space<vmem>>, vector<1x16xf32>,
      %swap3A_221 = vector.shape_cast %swap3A_220 : vector<1x16xf32> to vector<16xf32>
      %swap3A_222 = vector.shape_cast %add3A_217 : vector<16xf32> to vector<1x16xf32>
      tpu.vector_store %arg9[%swap3A_218, %swap3A_219], %swap3A_222 {strides = array<i32>} : memref<64x768xf32, #tpu.memory_space<vmem>>, vector<1x16xf32>,
      %get3A_223 = arith.index_cast %scan3A_56 : i32 to index
      %get3A_224 = arith.constant 192 : index
      %get3A_225 = tpu.vector_load %arg9[%get3A_223, %get3A_224] {strides = array<i32>} : memref<64x768xf32, #tpu.memory_space<vmem>>, vector<1x16xf32>,
      %get3A_226 = vector.shape_cast %get3A_225 : vector<1x16xf32> to vector<16xf32>
      %get3A_227 = arith.index_cast %scan3A_56 : i32 to index
      %get3A_228 = arith.constant 192 : index
      %get3A_229 = tpu.vector_load %arg10[%get3A_227, %get3A_228] {strides = array<i32>} : memref<64x768xf32, #tpu.memory_space<vmem>>, vector<1x16xf32>,
      %get3A_230 = vector.shape_cast %get3A_229 : vector<1x16xf32> to vector<16xf32>
      %add3A_231 = arith.addf %get3A_226, %get3A_230 : vector<16xf32>
      %swap3A_232 = arith.index_cast %scan3A_56 : i32 to index
      %swap3A_233 = arith.constant 192 : index
      %swap3A_234 = tpu.vector_load %arg9[%swap3A_232, %swap3A_233] {strides = array<i32>} : memref<64x768xf32, #tpu.memory_space<vmem>>, vector<1x16xf32>,
      %swap3A_235 = vector.shape_cast %swap3A_234 : vector<1x16xf32> to vector<16xf32>
      %swap3A_236 = vector.shape_cast %add3A_231 : vector<16xf32> to vector<1x16xf32>
      tpu.vector_store %arg9[%swap3A_232, %swap3A_233], %swap3A_236 {strides = array<i32>} : memref<64x768xf32, #tpu.memory_space<vmem>>, vector<1x16xf32>,
      %get3A_237 = arith.index_cast %scan3A_56 : i32 to index
      %get3A_238 = arith.constant 208 : index
      %get3A_239 = tpu.vector_load %arg9[%get3A_237, %get3A_238] {strides = array<i32>} : memref<64x768xf32, #tpu.memory_space<vmem>>, vector<1x16xf32>,
      %get3A_240 = vector.shape_cast %get3A_239 : vector<1x16xf32> to vector<16xf32>
      %get3A_241 = arith.index_cast %scan3A_56 : i32 to index
      %get3A_242 = arith.constant 208 : index
      %get3A_243 = tpu.vector_load %arg10[%get3A_241, %get3A_242] {strides = array<i32>} : memref<64x768xf32, #tpu.memory_space<vmem>>, vector<1x16xf32>,
      %get3A_244 = vector.shape_cast %get3A_243 : vector<1x16xf32> to vector<16xf32>
      %add3A_245 = arith.addf %get3A_240, %get3A_244 : vector<16xf32>
      %swap3A_246 = arith.index_cast %scan3A_56 : i32 to index
      %swap3A_247 = arith.constant 208 : index
      %swap3A_248 = tpu.vector_load %arg9[%swap3A_246, %swap3A_247] {strides = array<i32>} : memref<64x768xf32, #tpu.memory_space<vmem>>, vector<1x16xf32>,
      %swap3A_249 = vector.shape_cast %swap3A_248 : vector<1x16xf32> to vector<16xf32>
      %swap3A_250 = vector.shape_cast %add3A_245 : vector<16xf32> to vector<1x16xf32>
      tpu.vector_store %arg9[%swap3A_246, %swap3A_247], %swap3A_250 {strides = array<i32>} : memref<64x768xf32, #tpu.memory_space<vmem>>, vector<1x16xf32>,
      %get3A_251 = arith.index_cast %scan3A_56 : i32 to index
      %get3A_252 = arith.constant 224 : index
      %get3A_253 = tpu.vector_load %arg9[%get3A_251, %get3A_252] {strides = array<i32>} : memref<64x768xf32, #tpu.memory_space<vmem>>, vector<1x16xf32>,
      %get3A_254 = vector.shape_cast %get3A_253 : vector<1x16xf32> to vector<16xf32>
      %get3A_255 = arith.index_cast %scan3A_56 : i32 to index
      %get3A_256 = arith.constant 224 : index
      %get3A_257 = tpu.vector_load %arg10[%get3A_255, %get3A_256] {strides = array<i32>} : memref<64x768xf32, #tpu.memory_space<vmem>>, vector<1x16xf32>,
      %get3A_258 = vector.shape_cast %get3A_257 : vector<1x16xf32> to vector<16xf32>
      %add3A_259 = arith.addf %get3A_254, %get3A_258 : vector<16xf32>
      %swap3A_260 = arith.index_cast %scan3A_56 : i32 to index
      %swap3A_261 = arith.constant 224 : index
      %swap3A_262 = tpu.vector_load %arg9[%swap3A_260, %swap3A_261] {strides = array<i32>} : memref<64x768xf32, #tpu.memory_space<vmem>>, vector<1x16xf32>,
      %swap3A_263 = vector.shape_cast %swap3A_262 : vector<1x16xf32> to vector<16xf32>
      %swap3A_264 = vector.shape_cast %add3A_259 : vector<16xf32> to vector<1x16xf32>
      tpu.vector_store %arg9[%swap3A_260, %swap3A_261], %swap3A_264 {strides = array<i32>} : memref<64x768xf32, #tpu.memory_space<vmem>>, vector<1x16xf32>,
      %get3A_265 = arith.index_cast %scan3A_56 : i32 to index
      %get3A_266 = arith.constant 240 : index
      %get3A_267 = tpu.vector_load %arg9[%get3A_265, %get3A_266] {strides = array<i32>} : memref<64x768xf32, #tpu.memory_space<vmem>>, vector<1x16xf32>,
      %get3A_268 = vector.shape_cast %get3A_267 : vector<1x16xf32> to vector<16xf32>
      %get3A_269 = arith.index_cast %scan3A_56 : i32 to index
      %get3A_270 = arith.constant 240 : index
      %get3A_271 = tpu.vector_load %arg10[%get3A_269, %get3A_270] {strides = array<i32>} : memref<64x768xf32, #tpu.memory_space<vmem>>, vector<1x16xf32>,
      %get3A_272 = vector.shape_cast %get3A_271 : vector<1x16xf32> to vector<16xf32>
      %add3A_273 = arith.addf %get3A_268, %get3A_272 : vector<16xf32>
      %swap3A_274 = arith.index_cast %scan3A_56 : i32 to index
      %swap3A_275 = arith.constant 240 : index
      %swap3A_276 = tpu.vector_load %arg9[%swap3A_274, %swap3A_275] {strides = array<i32>} : memref<64x768xf32, #tpu.memory_space<vmem>>, vector<1x16xf32>,
      %swap3A_277 = vector.shape_cast %swap3A_276 : vector<1x16xf32> to vector<16xf32>
      %swap3A_278 = vector.shape_cast %add3A_273 : vector<16xf32> to vector<1x16xf32>
      tpu.vector_store %arg9[%swap3A_274, %swap3A_275], %swap3A_278 {strides = array<i32>} : memref<64x768xf32, #tpu.memory_space<vmem>>, vector<1x16xf32>,
      %get3A_279 = arith.index_cast %scan3A_56 : i32 to index
      %get3A_280 = arith.constant 256 : index
      %get3A_281 = tpu.vector_load %arg9[%get3A_279, %get3A_280] {strides = array<i32>} : memref<64x768xf32, #tpu.memory_space<vmem>>, vector<1x16xf32>,
      %get3A_282 = vector.shape_cast %get3A_281 : vector<1x16xf32> to vector<16xf32>
      %get3A_283 = arith.index_cast %scan3A_56 : i32 to index
      %get3A_284 = arith.constant 256 : index
      %get3A_285 = tpu.vector_load %arg10[%get3A_283, %get3A_284] {strides = array<i32>} : memref<64x768xf32, #tpu.memory_space<vmem>>, vector<1x16xf32>,
      %get3A_286 = vector.shape_cast %get3A_285 : vector<1x16xf32> to vector<16xf32>
      %add3A_287 = arith.addf %get3A_282, %get3A_286 : vector<16xf32>
      %swap3A_288 = arith.index_cast %scan3A_56 : i32 to index
      %swap3A_289 = arith.constant 256 : index
      %swap3A_290 = tpu.vector_load %arg9[%swap3A_288, %swap3A_289] {strides = array<i32>} : memref<64x768xf32, #tpu.memory_space<vmem>>, vector<1x16xf32>,
      %swap3A_291 = vector.shape_cast %swap3A_290 : vector<1x16xf32> to vector<16xf32>
      %swap3A_292 = vector.shape_cast %add3A_287 : vector<16xf32> to vector<1x16xf32>
      tpu.vector_store %arg9[%swap3A_288, %swap3A_289], %swap3A_292 {strides = array<i32>} : memref<64x768xf32, #tpu.memory_space<vmem>>, vector<1x16xf32>,
      %get3A_293 = arith.index_cast %scan3A_56 : i32 to index
      %get3A_294 = arith.constant 272 : index
      %get3A_295 = tpu.vector_load %arg9[%get3A_293, %get3A_294] {strides = array<i32>} : memref<64x768xf32, #tpu.memory_space<vmem>>, vector<1x16xf32>,
      %get3A_296 = vector.shape_cast %get3A_295 : vector<1x16xf32> to vector<16xf32>
      %get3A_297 = arith.index_cast %scan3A_56 : i32 to index
      %get3A_298 = arith.constant 272 : index
      %get3A_299 = tpu.vector_load %arg10[%get3A_297, %get3A_298] {strides = array<i32>} : memref<64x768xf32, #tpu.memory_space<vmem>>, vector<1x16xf32>,
      %get3A_300 = vector.shape_cast %get3A_299 : vector<1x16xf32> to vector<16xf32>
      %add3A_301 = arith.addf %get3A_296, %get3A_300 : vector<16xf32>
      %swap3A_302 = arith.index_cast %scan3A_56 : i32 to index
      %swap3A_303 = arith.constant 272 : index
      %swap3A_304 = tpu.vector_load %arg9[%swap3A_302, %swap3A_303] {strides = array<i32>} : memref<64x768xf32, #tpu.memory_space<vmem>>, vector<1x16xf32>,
      %swap3A_305 = vector.shape_cast %swap3A_304 : vector<1x16xf32> to vector<16xf32>
      %swap3A_306 = vector.shape_cast %add3A_301 : vector<16xf32> to vector<1x16xf32>
      tpu.vector_store %arg9[%swap3A_302, %swap3A_303], %swap3A_306 {strides = array<i32>} : memref<64x768xf32, #tpu.memory_space<vmem>>, vector<1x16xf32>,
      %get3A_307 = arith.index_cast %scan3A_56 : i32 to index
      %get3A_308 = arith.constant 288 : index
      %get3A_309 = tpu.vector_load %arg9[%get3A_307, %get3A_308] {strides = array<i32>} : memref<64x768xf32, #tpu.memory_space<vmem>>, vector<1x16xf32>,
      %get3A_310 = vector.shape_cast %get3A_309 : vector<1x16xf32> to vector<16xf32>
      %get3A_311 = arith.index_cast %scan3A_56 : i32 to index
      %get3A_312 = arith.constant 288 : index
      %get3A_313 = tpu.vector_load %arg10[%get3A_311, %get3A_312] {strides = array<i32>} : memref<64x768xf32, #tpu.memory_space<vmem>>, vector<1x16xf32>,
      %get3A_314 = vector.shape_cast %get3A_313 : vector<1x16xf32> to vector<16xf32>
      %add3A_315 = arith.addf %get3A_310, %get3A_314 : vector<16xf32>
      %swap3A_316 = arith.index_cast %scan3A_56 : i32 to index
      %swap3A_317 = arith.constant 288 : index
      %swap3A_318 = tpu.vector_load %arg9[%swap3A_316, %swap3A_317] {strides = array<i32>} : memref<64x768xf32, #tpu.memory_space<vmem>>, vector<1x16xf32>,
      %swap3A_319 = vector.shape_cast %swap3A_318 : vector<1x16xf32> to vector<16xf32>
      %swap3A_320 = vector.shape_cast %add3A_315 : vector<16xf32> to vector<1x16xf32>
      tpu.vector_store %arg9[%swap3A_316, %swap3A_317], %swap3A_320 {strides = array<i32>} : memref<64x768xf32, #tpu.memory_space<vmem>>, vector<1x16xf32>,
      %get3A_321 = arith.index_cast %scan3A_56 : i32 to index
      %get3A_322 = arith.constant 304 : index
      %get3A_323 = tpu.vector_load %arg9[%get3A_321, %get3A_322] {strides = array<i32>} : memref<64x768xf32, #tpu.memory_space<vmem>>, vector<1x16xf32>,
      %get3A_324 = vector.shape_cast %get3A_323 : vector<1x16xf32> to vector<16xf32>
      %get3A_325 = arith.index_cast %scan3A_56 : i32 to index
      %get3A_326 = arith.constant 304 : index
      %get3A_327 = tpu.vector_load %arg10[%get3A_325, %get3A_326] {strides = array<i32>} : memref<64x768xf32, #tpu.memory_space<vmem>>, vector<1x16xf32>,
      %get3A_328 = vector.shape_cast %get3A_327 : vector<1x16xf32> to vector<16xf32>
      %add3A_329 = arith.addf %get3A_324, %get3A_328 : vector<16xf32>
      %swap3A_330 = arith.index_cast %scan3A_56 : i32 to index
      %swap3A_331 = arith.constant 304 : index
      %swap3A_332 = tpu.vector_load %arg9[%swap3A_330, %swap3A_331] {strides = array<i32>} : memref<64x768xf32, #tpu.memory_space<vmem>>, vector<1x16xf32>,
      %swap3A_333 = vector.shape_cast %swap3A_332 : vector<1x16xf32> to vector<16xf32>
      %swap3A_334 = vector.shape_cast %add3A_329 : vector<16xf32> to vector<1x16xf32>
      tpu.vector_store %arg9[%swap3A_330, %swap3A_331], %swap3A_334 {strides = array<i32>} : memref<64x768xf32, #tpu.memory_space<vmem>>, vector<1x16xf32>,
      %get3A_335 = arith.index_cast %scan3A_56 : i32 to index
      %get3A_336 = arith.constant 320 : index
      %get3A_337 = tpu.vector_load %arg9[%get3A_335, %get3A_336] {strides = array<i32>} : memref<64x768xf32, #tpu.memory_space<vmem>>, vector<1x16xf32>,
      %get3A_338 = vector.shape_cast %get3A_337 : vector<1x16xf32> to vector<16xf32>
      %get3A_339 = arith.index_cast %scan3A_56 : i32 to index
      %get3A_340 = arith.constant 320 : index
      %get3A_341 = tpu.vector_load %arg10[%get3A_339, %get3A_340] {strides = array<i32>} : memref<64x768xf32, #tpu.memory_space<vmem>>, vector<1x16xf32>,
      %get3A_342 = vector.shape_cast %get3A_341 : vector<1x16xf32> to vector<16xf32>
      %add3A_343 = arith.addf %get3A_338, %get3A_342 : vector<16xf32>
      %swap3A_344 = arith.index_cast %scan3A_56 : i32 to index
      %swap3A_345 = arith.constant 320 : index
      %swap3A_346 = tpu.vector_load %arg9[%swap3A_344, %swap3A_345] {strides = array<i32>} : memref<64x768xf32, #tpu.memory_space<vmem>>, vector<1x16xf32>,
      %swap3A_347 = vector.shape_cast %swap3A_346 : vector<1x16xf32> to vector<16xf32>
      %swap3A_348 = vector.shape_cast %add3A_343 : vector<16xf32> to vector<1x16xf32>
      tpu.vector_store %arg9[%swap3A_344, %swap3A_345], %swap3A_348 {strides = array<i32>} : memref<64x768xf32, #tpu.memory_space<vmem>>, vector<1x16xf32>,
      %get3A_349 = arith.index_cast %scan3A_56 : i32 to index
      %get3A_350 = arith.constant 336 : index
      %get3A_351 = tpu.vector_load %arg9[%get3A_349, %get3A_350] {strides = array<i32>} : memref<64x768xf32, #tpu.memory_space<vmem>>, vector<1x16xf32>,
      %get3A_352 = vector.shape_cast %get3A_351 : vector<1x16xf32> to vector<16xf32>
      %get3A_353 = arith.index_cast %scan3A_56 : i32 to index
      %get3A_354 = arith.constant 336 : index
      %get3A_355 = tpu.vector_load %arg10[%get3A_353, %get3A_354] {strides = array<i32>} : memref<64x768xf32, #tpu.memory_space<vmem>>, vector<1x16xf32>,
      %get3A_356 = vector.shape_cast %get3A_355 : vector<1x16xf32> to vector<16xf32>
      %add3A_357 = arith.addf %get3A_352, %get3A_356 : vector<16xf32>
      %swap3A_358 = arith.index_cast %scan3A_56 : i32 to index
      %swap3A_359 = arith.constant 336 : index
      %swap3A_360 = tpu.vector_load %arg9[%swap3A_358, %swap3A_359] {strides = array<i32>} : memref<64x768xf32, #tpu.memory_space<vmem>>, vector<1x16xf32>,
      %swap3A_361 = vector.shape_cast %swap3A_360 : vector<1x16xf32> to vector<16xf32>
      %swap3A_362 = vector.shape_cast %add3A_357 : vector<16xf32> to vector<1x16xf32>
      tpu.vector_store %arg9[%swap3A_358, %swap3A_359], %swap3A_362 {strides = array<i32>} : memref<64x768xf32, #tpu.memory_space<vmem>>, vector<1x16xf32>,
      %get3A_363 = arith.index_cast %scan3A_56 : i32 to index
      %get3A_364 = arith.constant 352 : index
      %get3A_365 = tpu.vector_load %arg9[%get3A_363, %get3A_364] {strides = array<i32>} : memref<64x768xf32, #tpu.memory_space<vmem>>, vector<1x16xf32>,
      %get3A_366 = vector.shape_cast %get3A_365 : vector<1x16xf32> to vector<16xf32>
      %get3A_367 = arith.index_cast %scan3A_56 : i32 to index
      %get3A_368 = arith.constant 352 : index
      %get3A_369 = tpu.vector_load %arg10[%get3A_367, %get3A_368] {strides = array<i32>} : memref<64x768xf32, #tpu.memory_space<vmem>>, vector<1x16xf32>,
      %get3A_370 = vector.shape_cast %get3A_369 : vector<1x16xf32> to vector<16xf32>
      %add3A_371 = arith.addf %get3A_366, %get3A_370 : vector<16xf32>
      %swap3A_372 = arith.index_cast %scan3A_56 : i32 to index
      %swap3A_373 = arith.constant 352 : index
      %swap3A_374 = tpu.vector_load %arg9[%swap3A_372, %swap3A_373] {strides = array<i32>} : memref<64x768xf32, #tpu.memory_space<vmem>>, vector<1x16xf32>,
      %swap3A_375 = vector.shape_cast %swap3A_374 : vector<1x16xf32> to vector<16xf32>
      %swap3A_376 = vector.shape_cast %add3A_371 : vector<16xf32> to vector<1x16xf32>
      tpu.vector_store %arg9[%swap3A_372, %swap3A_373], %swap3A_376 {strides = array<i32>} : memref<64x768xf32, #tpu.memory_space<vmem>>, vector<1x16xf32>,
      %get3A_377 = arith.index_cast %scan3A_56 : i32 to index
      %get3A_378 = arith.constant 368 : index
      %get3A_379 = tpu.vector_load %arg9[%get3A_377, %get3A_378] {strides = array<i32>} : memref<64x768xf32, #tpu.memory_space<vmem>>, vector<1x16xf32>,
      %get3A_380 = vector.shape_cast %get3A_379 : vector<1x16xf32> to vector<16xf32>
      %get3A_381 = arith.index_cast %scan3A_56 : i32 to index
      %get3A_382 = arith.constant 368 : index
      %get3A_383 = tpu.vector_load %arg10[%get3A_381, %get3A_382] {strides = array<i32>} : memref<64x768xf32, #tpu.memory_space<vmem>>, vector<1x16xf32>,
      %get3A_384 = vector.shape_cast %get3A_383 : vector<1x16xf32> to vector<16xf32>
      %add3A_385 = arith.addf %get3A_380, %get3A_384 : vector<16xf32>
      %swap3A_386 = arith.index_cast %scan3A_56 : i32 to index
      %swap3A_387 = arith.constant 368 : index
      %swap3A_388 = tpu.vector_load %arg9[%swap3A_386, %swap3A_387] {strides = array<i32>} : memref<64x768xf32, #tpu.memory_space<vmem>>, vector<1x16xf32>,
      %swap3A_389 = vector.shape_cast %swap3A_388 : vector<1x16xf32> to vector<16xf32>
      %swap3A_390 = vector.shape_cast %add3A_385 : vector<16xf32> to vector<1x16xf32>
      tpu.vector_store %arg9[%swap3A_386, %swap3A_387], %swap3A_390 {strides = array<i32>} : memref<64x768xf32, #tpu.memory_space<vmem>>, vector<1x16xf32>,
      %get3A_391 = arith.index_cast %scan3A_56 : i32 to index
      %get3A_392 = arith.constant 384 : index
      %get3A_393 = tpu.vector_load %arg9[%get3A_391, %get3A_392] {strides = array<i32>} : memref<64x768xf32, #tpu.memory_space<vmem>>, vector<1x16xf32>,
      %get3A_394 = vector.shape_cast %get3A_393 : vector<1x16xf32> to vector<16xf32>
      %get3A_395 = arith.index_cast %scan3A_56 : i32 to index
      %get3A_396 = arith.constant 384 : index
      %get3A_397 = tpu.vector_load %arg10[%get3A_395, %get3A_396] {strides = array<i32>} : memref<64x768xf32, #tpu.memory_space<vmem>>, vector<1x16xf32>,
      %get3A_398 = vector.shape_cast %get3A_397 : vector<1x16xf32> to vector<16xf32>
      %add3A_399 = arith.addf %get3A_394, %get3A_398 : vector<16xf32>
      %swap3A_400 = arith.index_cast %scan3A_56 : i32 to index
      %swap3A_401 = arith.constant 384 : index
      %swap3A_402 = tpu.vector_load %arg9[%swap3A_400, %swap3A_401] {strides = array<i32>} : memref<64x768xf32, #tpu.memory_space<vmem>>, vector<1x16xf32>,
      %swap3A_403 = vector.shape_cast %swap3A_402 : vector<1x16xf32> to vector<16xf32>
      %swap3A_404 = vector.shape_cast %add3A_399 : vector<16xf32> to vector<1x16xf32>
      tpu.vector_store %arg9[%swap3A_400, %swap3A_401], %swap3A_404 {strides = array<i32>} : memref<64x768xf32, #tpu.memory_space<vmem>>, vector<1x16xf32>,
      %get3A_405 = arith.index_cast %scan3A_56 : i32 to index
      %get3A_406 = arith.constant 400 : index
      %get3A_407 = tpu.vector_load %arg9[%get3A_405, %get3A_406] {strides = array<i32>} : memref<64x768xf32, #tpu.memory_space<vmem>>, vector<1x16xf32>,
      %get3A_408 = vector.shape_cast %get3A_407 : vector<1x16xf32> to vector<16xf32>
      %get3A_409 = arith.index_cast %scan3A_56 : i32 to index
      %get3A_410 = arith.constant 400 : index
      %get3A_411 = tpu.vector_load %arg10[%get3A_409, %get3A_410] {strides = array<i32>} : memref<64x768xf32, #tpu.memory_space<vmem>>, vector<1x16xf32>,
      %get3A_412 = vector.shape_cast %get3A_411 : vector<1x16xf32> to vector<16xf32>
      %add3A_413 = arith.addf %get3A_408, %get3A_412 : vector<16xf32>
      %swap3A_414 = arith.index_cast %scan3A_56 : i32 to index
      %swap3A_415 = arith.constant 400 : index
      %swap3A_416 = tpu.vector_load %arg9[%swap3A_414, %swap3A_415] {strides = array<i32>} : memref<64x768xf32, #tpu.memory_space<vmem>>, vector<1x16xf32>,
      %swap3A_417 = vector.shape_cast %swap3A_416 : vector<1x16xf32> to vector<16xf32>
      %swap3A_418 = vector.shape_cast %add3A_413 : vector<16xf32> to vector<1x16xf32>
      tpu.vector_store %arg9[%swap3A_414, %swap3A_415], %swap3A_418 {strides = array<i32>} : memref<64x768xf32, #tpu.memory_space<vmem>>, vector<1x16xf32>,
      %get3A_419 = arith.index_cast %scan3A_56 : i32 to index
      %get3A_420 = arith.constant 416 : index
      %get3A_421 = tpu.vector_load %arg9[%get3A_419, %get3A_420] {strides = array<i32>} : memref<64x768xf32, #tpu.memory_space<vmem>>, vector<1x16xf32>,
      %get3A_422 = vector.shape_cast %get3A_421 : vector<1x16xf32> to vector<16xf32>
      %get3A_423 = arith.index_cast %scan3A_56 : i32 to index
      %get3A_424 = arith.constant 416 : index
      %get3A_425 = tpu.vector_load %arg10[%get3A_423, %get3A_424] {strides = array<i32>} : memref<64x768xf32, #tpu.memory_space<vmem>>, vector<1x16xf32>,
      %get3A_426 = vector.shape_cast %get3A_425 : vector<1x16xf32> to vector<16xf32>
      %add3A_427 = arith.addf %get3A_422, %get3A_426 : vector<16xf32>
      %swap3A_428 = arith.index_cast %scan3A_56 : i32 to index
      %swap3A_429 = arith.constant 416 : index
      %swap3A_430 = tpu.vector_load %arg9[%swap3A_428, %swap3A_429] {strides = array<i32>} : memref<64x768xf32, #tpu.memory_space<vmem>>, vector<1x16xf32>,
      %swap3A_431 = vector.shape_cast %swap3A_430 : vector<1x16xf32> to vector<16xf32>
      %swap3A_432 = vector.shape_cast %add3A_427 : vector<16xf32> to vector<1x16xf32>
      tpu.vector_store %arg9[%swap3A_428, %swap3A_429], %swap3A_432 {strides = array<i32>} : memref<64x768xf32, #tpu.memory_space<vmem>>, vector<1x16xf32>,
      %get3A_433 = arith.index_cast %scan3A_56 : i32 to index
      %get3A_434 = arith.constant 432 : index
      %get3A_435 = tpu.vector_load %arg9[%get3A_433, %get3A_434] {strides = array<i32>} : memref<64x768xf32, #tpu.memory_space<vmem>>, vector<1x16xf32>,
      %get3A_436 = vector.shape_cast %get3A_435 : vector<1x16xf32> to vector<16xf32>
      %get3A_437 = arith.index_cast %scan3A_56 : i32 to index
      %get3A_438 = arith.constant 432 : index
      %get3A_439 = tpu.vector_load %arg10[%get3A_437, %get3A_438] {strides = array<i32>} : memref<64x768xf32, #tpu.memory_space<vmem>>, vector<1x16xf32>,
      %get3A_440 = vector.shape_cast %get3A_439 : vector<1x16xf32> to vector<16xf32>
      %add3A_441 = arith.addf %get3A_436, %get3A_440 : vector<16xf32>
      %swap3A_442 = arith.index_cast %scan3A_56 : i32 to index
      %swap3A_443 = arith.constant 432 : index
      %swap3A_444 = tpu.vector_load %arg9[%swap3A_442, %swap3A_443] {strides = array<i32>} : memref<64x768xf32, #tpu.memory_space<vmem>>, vector<1x16xf32>,
      %swap3A_445 = vector.shape_cast %swap3A_444 : vector<1x16xf32> to vector<16xf32>
      %swap3A_446 = vector.shape_cast %add3A_441 : vector<16xf32> to vector<1x16xf32>
      tpu.vector_store %arg9[%swap3A_442, %swap3A_443], %swap3A_446 {strides = array<i32>} : memref<64x768xf32, #tpu.memory_space<vmem>>, vector<1x16xf32>,
      %get3A_447 = arith.index_cast %scan3A_56 : i32 to index
      %get3A_448 = arith.constant 448 : index
      %get3A_449 = tpu.vector_load %arg9[%get3A_447, %get3A_448] {strides = array<i32>} : memref<64x768xf32, #tpu.memory_space<vmem>>, vector<1x16xf32>,
      %get3A_450 = vector.shape_cast %get3A_449 : vector<1x16xf32> to vector<16xf32>
      %get3A_451 = arith.index_cast %scan3A_56 : i32 to index
      %get3A_452 = arith.constant 448 : index
      %get3A_453 = tpu.vector_load %arg10[%get3A_451, %get3A_452] {strides = array<i32>} : memref<64x768xf32, #tpu.memory_space<vmem>>, vector<1x16xf32>,
      %get3A_454 = vector.shape_cast %get3A_453 : vector<1x16xf32> to vector<16xf32>
      %add3A_455 = arith.addf %get3A_450, %get3A_454 : vector<16xf32>
      %swap3A_456 = arith.index_cast %scan3A_56 : i32 to index
      %swap3A_457 = arith.constant 448 : index
      %swap3A_458 = tpu.vector_load %arg9[%swap3A_456, %swap3A_457] {strides = array<i32>} : memref<64x768xf32, #tpu.memory_space<vmem>>, vector<1x16xf32>,
      %swap3A_459 = vector.shape_cast %swap3A_458 : vector<1x16xf32> to vector<16xf32>
      %swap3A_460 = vector.shape_cast %add3A_455 : vector<16xf32> to vector<1x16xf32>
      tpu.vector_store %arg9[%swap3A_456, %swap3A_457], %swap3A_460 {strides = array<i32>} : memref<64x768xf32, #tpu.memory_space<vmem>>, vector<1x16xf32>,
      %get3A_461 = arith.index_cast %scan3A_56 : i32 to index
      %get3A_462 = arith.constant 464 : index
      %get3A_463 = tpu.vector_load %arg9[%get3A_461, %get3A_462] {strides = array<i32>} : memref<64x768xf32, #tpu.memory_space<vmem>>, vector<1x16xf32>,
      %get3A_464 = vector.shape_cast %get3A_463 : vector<1x16xf32> to vector<16xf32>
      %get3A_465 = arith.index_cast %scan3A_56 : i32 to index
      %get3A_466 = arith.constant 464 : index
      %get3A_467 = tpu.vector_load %arg10[%get3A_465, %get3A_466] {strides = array<i32>} : memref<64x768xf32, #tpu.memory_space<vmem>>, vector<1x16xf32>,
      %get3A_468 = vector.shape_cast %get3A_467 : vector<1x16xf32> to vector<16xf32>
      %add3A_469 = arith.addf %get3A_464, %get3A_468 : vector<16xf32>
      %swap3A_470 = arith.index_cast %scan3A_56 : i32 to index
      %swap3A_471 = arith.constant 464 : index
      %swap3A_472 = tpu.vector_load %arg9[%swap3A_470, %swap3A_471] {strides = array<i32>} : memref<64x768xf32, #tpu.memory_space<vmem>>, vector<1x16xf32>,
      %swap3A_473 = vector.shape_cast %swap3A_472 : vector<1x16xf32> to vector<16xf32>
      %swap3A_474 = vector.shape_cast %add3A_469 : vector<16xf32> to vector<1x16xf32>
      tpu.vector_store %arg9[%swap3A_470, %swap3A_471], %swap3A_474 {strides = array<i32>} : memref<64x768xf32, #tpu.memory_space<vmem>>, vector<1x16xf32>,
      %get3A_475 = arith.index_cast %scan3A_56 : i32 to index
      %get3A_476 = arith.constant 480 : index
      %get3A_477 = tpu.vector_load %arg9[%get3A_475, %get3A_476] {strides = array<i32>} : memref<64x768xf32, #tpu.memory_space<vmem>>, vector<1x16xf32>,
      %get3A_478 = vector.shape_cast %get3A_477 : vector<1x16xf32> to vector<16xf32>
      %get3A_479 = arith.index_cast %scan3A_56 : i32 to index
      %get3A_480 = arith.constant 480 : index
      %get3A_481 = tpu.vector_load %arg10[%get3A_479, %get3A_480] {strides = array<i32>} : memref<64x768xf32, #tpu.memory_space<vmem>>, vector<1x16xf32>,
      %get3A_482 = vector.shape_cast %get3A_481 : vector<1x16xf32> to vector<16xf32>
      %add3A_483 = arith.addf %get3A_478, %get3A_482 : vector<16xf32>
      %swap3A_484 = arith.index_cast %scan3A_56 : i32 to index
      %swap3A_485 = arith.constant 480 : index
      %swap3A_486 = tpu.vector_load %arg9[%swap3A_484, %swap3A_485] {strides = array<i32>} : memref<64x768xf32, #tpu.memory_space<vmem>>, vector<1x16xf32>,
      %swap3A_487 = vector.shape_cast %swap3A_486 : vector<1x16xf32> to vector<16xf32>
      %swap3A_488 = vector.shape_cast %add3A_483 : vector<16xf32> to vector<1x16xf32>
      tpu.vector_store %arg9[%swap3A_484, %swap3A_485], %swap3A_488 {strides = array<i32>} : memref<64x768xf32, #tpu.memory_space<vmem>>, vector<1x16xf32>,
      %get3A_489 = arith.index_cast %scan3A_56 : i32 to index
      %get3A_490 = arith.constant 496 : index
      %get3A_491 = tpu.vector_load %arg9[%get3A_489, %get3A_490] {strides = array<i32>} : memref<64x768xf32, #tpu.memory_space<vmem>>, vector<1x16xf32>,
      %get3A_492 = vector.shape_cast %get3A_491 : vector<1x16xf32> to vector<16xf32>
      %get3A_493 = arith.index_cast %scan3A_56 : i32 to index
      %get3A_494 = arith.constant 496 : index
      %get3A_495 = tpu.vector_load %arg10[%get3A_493, %get3A_494] {strides = array<i32>} : memref<64x768xf32, #tpu.memory_space<vmem>>, vector<1x16xf32>,
      %get3A_496 = vector.shape_cast %get3A_495 : vector<1x16xf32> to vector<16xf32>
      %add3A_497 = arith.addf %get3A_492, %get3A_496 : vector<16xf32>
      %swap3A_498 = arith.index_cast %scan3A_56 : i32 to index
      %swap3A_499 = arith.constant 496 : index
      %swap3A_500 = tpu.vector_load %arg9[%swap3A_498, %swap3A_499] {strides = array<i32>} : memref<64x768xf32, #tpu.memory_space<vmem>>, vector<1x16xf32>,
      %swap3A_501 = vector.shape_cast %swap3A_500 : vector<1x16xf32> to vector<16xf32>
      %swap3A_502 = vector.shape_cast %add3A_497 : vector<16xf32> to vector<1x16xf32>
      tpu.vector_store %arg9[%swap3A_498, %swap3A_499], %swap3A_502 {strides = array<i32>} : memref<64x768xf32, #tpu.memory_space<vmem>>, vector<1x16xf32>,
      %get3A_503 = arith.index_cast %scan3A_56 : i32 to index
      %get3A_504 = arith.constant 512 : index
      %get3A_505 = tpu.vector_load %arg9[%get3A_503, %get3A_504] {strides = array<i32>} : memref<64x768xf32, #tpu.memory_space<vmem>>, vector<1x16xf32>,
      %get3A_506 = vector.shape_cast %get3A_505 : vector<1x16xf32> to vector<16xf32>
      %get3A_507 = arith.index_cast %scan3A_56 : i32 to index
      %get3A_508 = arith.constant 512 : index
      %get3A_509 = tpu.vector_load %arg10[%get3A_507, %get3A_508] {strides = array<i32>} : memref<64x768xf32, #tpu.memory_space<vmem>>, vector<1x16xf32>,
      %get3A_510 = vector.shape_cast %get3A_509 : vector<1x16xf32> to vector<16xf32>
      %add3A_511 = arith.addf %get3A_506, %get3A_510 : vector<16xf32>
      %swap3A_512 = arith.index_cast %scan3A_56 : i32 to index
      %swap3A_513 = arith.constant 512 : index
      %swap3A_514 = tpu.vector_load %arg9[%swap3A_512, %swap3A_513] {strides = array<i32>} : memref<64x768xf32, #tpu.memory_space<vmem>>, vector<1x16xf32>,
      %swap3A_515 = vector.shape_cast %swap3A_514 : vector<1x16xf32> to vector<16xf32>
      %swap3A_516 = vector.shape_cast %add3A_511 : vector<16xf32> to vector<1x16xf32>
      tpu.vector_store %arg9[%swap3A_512, %swap3A_513], %swap3A_516 {strides = array<i32>} : memref<64x768xf32, #tpu.memory_space<vmem>>, vector<1x16xf32>,
      %get3A_517 = arith.index_cast %scan3A_56 : i32 to index
      %get3A_518 = arith.constant 528 : index
      %get3A_519 = tpu.vector_load %arg9[%get3A_517, %get3A_518] {strides = array<i32>} : memref<64x768xf32, #tpu.memory_space<vmem>>, vector<1x16xf32>,
      %get3A_520 = vector.shape_cast %get3A_519 : vector<1x16xf32> to vector<16xf32>
      %get3A_521 = arith.index_cast %scan3A_56 : i32 to index
      %get3A_522 = arith.constant 528 : index
      %get3A_523 = tpu.vector_load %arg10[%get3A_521, %get3A_522] {strides = array<i32>} : memref<64x768xf32, #tpu.memory_space<vmem>>, vector<1x16xf32>,
      %get3A_524 = vector.shape_cast %get3A_523 : vector<1x16xf32> to vector<16xf32>
      %add3A_525 = arith.addf %get3A_520, %get3A_524 : vector<16xf32>
      %swap3A_526 = arith.index_cast %scan3A_56 : i32 to index
      %swap3A_527 = arith.constant 528 : index
      %swap3A_528 = tpu.vector_load %arg9[%swap3A_526, %swap3A_527] {strides = array<i32>} : memref<64x768xf32, #tpu.memory_space<vmem>>, vector<1x16xf32>,
      %swap3A_529 = vector.shape_cast %swap3A_528 : vector<1x16xf32> to vector<16xf32>
      %swap3A_530 = vector.shape_cast %add3A_525 : vector<16xf32> to vector<1x16xf32>
      tpu.vector_store %arg9[%swap3A_526, %swap3A_527], %swap3A_530 {strides = array<i32>} : memref<64x768xf32, #tpu.memory_space<vmem>>, vector<1x16xf32>,
      %get3A_531 = arith.index_cast %scan3A_56 : i32 to index
      %get3A_532 = arith.constant 544 : index
      %get3A_533 = tpu.vector_load %arg9[%get3A_531, %get3A_532] {strides = array<i32>} : memref<64x768xf32, #tpu.memory_space<vmem>>, vector<1x16xf32>,
      %get3A_534 = vector.shape_cast %get3A_533 : vector<1x16xf32> to vector<16xf32>
      %get3A_535 = arith.index_cast %scan3A_56 : i32 to index
      %get3A_536 = arith.constant 544 : index
      %get3A_537 = tpu.vector_load %arg10[%get3A_535, %get3A_536] {strides = array<i32>} : memref<64x768xf32, #tpu.memory_space<vmem>>, vector<1x16xf32>,
      %get3A_538 = vector.shape_cast %get3A_537 : vector<1x16xf32> to vector<16xf32>
      %add3A_539 = arith.addf %get3A_534, %get3A_538 : vector<16xf32>
      %swap3A_540 = arith.index_cast %scan3A_56 : i32 to index
      %swap3A_541 = arith.constant 544 : index
      %swap3A_542 = tpu.vector_load %arg9[%swap3A_540, %swap3A_541] {strides = array<i32>} : memref<64x768xf32, #tpu.memory_space<vmem>>, vector<1x16xf32>,
      %swap3A_543 = vector.shape_cast %swap3A_542 : vector<1x16xf32> to vector<16xf32>
      %swap3A_544 = vector.shape_cast %add3A_539 : vector<16xf32> to vector<1x16xf32>
      tpu.vector_store %arg9[%swap3A_540, %swap3A_541], %swap3A_544 {strides = array<i32>} : memref<64x768xf32, #tpu.memory_space<vmem>>, vector<1x16xf32>,
      %get3A_545 = arith.index_cast %scan3A_56 : i32 to index
      %get3A_546 = arith.constant 560 : index
      %get3A_547 = tpu.vector_load %arg9[%get3A_545, %get3A_546] {strides = array<i32>} : memref<64x768xf32, #tpu.memory_space<vmem>>, vector<1x16xf32>,
      %get3A_548 = vector.shape_cast %get3A_547 : vector<1x16xf32> to vector<16xf32>
      %get3A_549 = arith.index_cast %scan3A_56 : i32 to index
      %get3A_550 = arith.constant 560 : index
      %get3A_551 = tpu.vector_load %arg10[%get3A_549, %get3A_550] {strides = array<i32>} : memref<64x768xf32, #tpu.memory_space<vmem>>, vector<1x16xf32>,
      %get3A_552 = vector.shape_cast %get3A_551 : vector<1x16xf32> to vector<16xf32>
      %add3A_553 = arith.addf %get3A_548, %get3A_552 : vector<16xf32>
      %swap3A_554 = arith.index_cast %scan3A_56 : i32 to index
      %swap3A_555 = arith.constant 560 : index
      %swap3A_556 = tpu.vector_load %arg9[%swap3A_554, %swap3A_555] {strides = array<i32>} : memref<64x768xf32, #tpu.memory_space<vmem>>, vector<1x16xf32>,
      %swap3A_557 = vector.shape_cast %swap3A_556 : vector<1x16xf32> to vector<16xf32>
      %swap3A_558 = vector.shape_cast %add3A_553 : vector<16xf32> to vector<1x16xf32>
      tpu.vector_store %arg9[%swap3A_554, %swap3A_555], %swap3A_558 {strides = array<i32>} : memref<64x768xf32, #tpu.memory_space<vmem>>, vector<1x16xf32>,
      %get3A_559 = arith.index_cast %scan3A_56 : i32 to index
      %get3A_560 = arith.constant 576 : index
      %get3A_561 = tpu.vector_load %arg9[%get3A_559, %get3A_560] {strides = array<i32>} : memref<64x768xf32, #tpu.memory_space<vmem>>, vector<1x16xf32>,
      %get3A_562 = vector.shape_cast %get3A_561 : vector<1x16xf32> to vector<16xf32>
      %get3A_563 = arith.index_cast %scan3A_56 : i32 to index
      %get3A_564 = arith.constant 576 : index
      %get3A_565 = tpu.vector_load %arg10[%get3A_563, %get3A_564] {strides = array<i32>} : memref<64x768xf32, #tpu.memory_space<vmem>>, vector<1x16xf32>,
      %get3A_566 = vector.shape_cast %get3A_565 : vector<1x16xf32> to vector<16xf32>
      %add3A_567 = arith.addf %get3A_562, %get3A_566 : vector<16xf32>
      %swap3A_568 = arith.index_cast %scan3A_56 : i32 to index
      %swap3A_569 = arith.constant 576 : index
      %swap3A_570 = tpu.vector_load %arg9[%swap3A_568, %swap3A_569] {strides = array<i32>} : memref<64x768xf32, #tpu.memory_space<vmem>>, vector<1x16xf32>,
      %swap3A_571 = vector.shape_cast %swap3A_570 : vector<1x16xf32> to vector<16xf32>
      %swap3A_572 = vector.shape_cast %add3A_567 : vector<16xf32> to vector<1x16xf32>
      tpu.vector_store %arg9[%swap3A_568, %swap3A_569], %swap3A_572 {strides = array<i32>} : memref<64x768xf32, #tpu.memory_space<vmem>>, vector<1x16xf32>,
      %get3A_573 = arith.index_cast %scan3A_56 : i32 to index
      %get3A_574 = arith.constant 592 : index
      %get3A_575 = tpu.vector_load %arg9[%get3A_573, %get3A_574] {strides = array<i32>} : memref<64x768xf32, #tpu.memory_space<vmem>>, vector<1x16xf32>,
      %get3A_576 = vector.shape_cast %get3A_575 : vector<1x16xf32> to vector<16xf32>
      %get3A_577 = arith.index_cast %scan3A_56 : i32 to index
      %get3A_578 = arith.constant 592 : index
      %get3A_579 = tpu.vector_load %arg10[%get3A_577, %get3A_578] {strides = array<i32>} : memref<64x768xf32, #tpu.memory_space<vmem>>, vector<1x16xf32>,
      %get3A_580 = vector.shape_cast %get3A_579 : vector<1x16xf32> to vector<16xf32>
      %add3A_581 = arith.addf %get3A_576, %get3A_580 : vector<16xf32>
      %swap3A_582 = arith.index_cast %scan3A_56 : i32 to index
      %swap3A_583 = arith.constant 592 : index
      %swap3A_584 = tpu.vector_load %arg9[%swap3A_582, %swap3A_583] {strides = array<i32>} : memref<64x768xf32, #tpu.memory_space<vmem>>, vector<1x16xf32>,
      %swap3A_585 = vector.shape_cast %swap3A_584 : vector<1x16xf32> to vector<16xf32>
      %swap3A_586 = vector.shape_cast %add3A_581 : vector<16xf32> to vector<1x16xf32>
      tpu.vector_store %arg9[%swap3A_582, %swap3A_583], %swap3A_586 {strides = array<i32>} : memref<64x768xf32, #tpu.memory_space<vmem>>, vector<1x16xf32>,
      %get3A_587 = arith.index_cast %scan3A_56 : i32 to index
      %get3A_588 = arith.constant 608 : index
      %get3A_589 = tpu.vector_load %arg9[%get3A_587, %get3A_588] {strides = array<i32>} : memref<64x768xf32, #tpu.memory_space<vmem>>, vector<1x16xf32>,
      %get3A_590 = vector.shape_cast %get3A_589 : vector<1x16xf32> to vector<16xf32>
      %get3A_591 = arith.index_cast %scan3A_56 : i32 to index
      %get3A_592 = arith.constant 608 : index
      %get3A_593 = tpu.vector_load %arg10[%get3A_591, %get3A_592] {strides = array<i32>} : memref<64x768xf32, #tpu.memory_space<vmem>>, vector<1x16xf32>,
      %get3A_594 = vector.shape_cast %get3A_593 : vector<1x16xf32> to vector<16xf32>
      %add3A_595 = arith.addf %get3A_590, %get3A_594 : vector<16xf32>
      %swap3A_596 = arith.index_cast %scan3A_56 : i32 to index
      %swap3A_597 = arith.constant 608 : index
      %swap3A_598 = tpu.vector_load %arg9[%swap3A_596, %swap3A_597] {strides = array<i32>} : memref<64x768xf32, #tpu.memory_space<vmem>>, vector<1x16xf32>,
      %swap3A_599 = vector.shape_cast %swap3A_598 : vector<1x16xf32> to vector<16xf32>
      %swap3A_600 = vector.shape_cast %add3A_595 : vector<16xf32> to vector<1x16xf32>
      tpu.vector_store %arg9[%swap3A_596, %swap3A_597], %swap3A_600 {strides = array<i32>} : memref<64x768xf32, #tpu.memory_space<vmem>>, vector<1x16xf32>,
      %get3A_601 = arith.index_cast %scan3A_56 : i32 to index
      %get3A_602 = arith.constant 624 : index
      %get3A_603 = tpu.vector_load %arg9[%get3A_601, %get3A_602] {strides = array<i32>} : memref<64x768xf32, #tpu.memory_space<vmem>>, vector<1x16xf32>,
      %get3A_604 = vector.shape_cast %get3A_603 : vector<1x16xf32> to vector<16xf32>
      %get3A_605 = arith.index_cast %scan3A_56 : i32 to index
      %get3A_606 = arith.constant 624 : index
      %get3A_607 = tpu.vector_load %arg10[%get3A_605, %get3A_606] {strides = array<i32>} : memref<64x768xf32, #tpu.memory_space<vmem>>, vector<1x16xf32>,
      %get3A_608 = vector.shape_cast %get3A_607 : vector<1x16xf32> to vector<16xf32>
      %add3A_609 = arith.addf %get3A_604, %get3A_608 : vector<16xf32>
      %swap3A_610 = arith.index_cast %scan3A_56 : i32 to index
      %swap3A_611 = arith.constant 624 : index
      %swap3A_612 = tpu.vector_load %arg9[%swap3A_610, %swap3A_611] {strides = array<i32>} : memref<64x768xf32, #tpu.memory_space<vmem>>, vector<1x16xf32>,
      %swap3A_613 = vector.shape_cast %swap3A_612 : vector<1x16xf32> to vector<16xf32>
      %swap3A_614 = vector.shape_cast %add3A_609 : vector<16xf32> to vector<1x16xf32>
      tpu.vector_store %arg9[%swap3A_610, %swap3A_611], %swap3A_614 {strides = array<i32>} : memref<64x768xf32, #tpu.memory_space<vmem>>, vector<1x16xf32>,
      %get3A_615 = arith.index_cast %scan3A_56 : i32 to index
      %get3A_616 = arith.constant 640 : index
      %get3A_617 = tpu.vector_load %arg9[%get3A_615, %get3A_616] {strides = array<i32>} : memref<64x768xf32, #tpu.memory_space<vmem>>, vector<1x16xf32>,
      %get3A_618 = vector.shape_cast %get3A_617 : vector<1x16xf32> to vector<16xf32>
      %get3A_619 = arith.index_cast %scan3A_56 : i32 to index
      %get3A_620 = arith.constant 640 : index
      %get3A_621 = tpu.vector_load %arg10[%get3A_619, %get3A_620] {strides = array<i32>} : memref<64x768xf32, #tpu.memory_space<vmem>>, vector<1x16xf32>,
      %get3A_622 = vector.shape_cast %get3A_621 : vector<1x16xf32> to vector<16xf32>
      %add3A_623 = arith.addf %get3A_618, %get3A_622 : vector<16xf32>
      %swap3A_624 = arith.index_cast %scan3A_56 : i32 to index
      %swap3A_625 = arith.constant 640 : index
      %swap3A_626 = tpu.vector_load %arg9[%swap3A_624, %swap3A_625] {strides = array<i32>} : memref<64x768xf32, #tpu.memory_space<vmem>>, vector<1x16xf32>,
      %swap3A_627 = vector.shape_cast %swap3A_626 : vector<1x16xf32> to vector<16xf32>
      %swap3A_628 = vector.shape_cast %add3A_623 : vector<16xf32> to vector<1x16xf32>
      tpu.vector_store %arg9[%swap3A_624, %swap3A_625], %swap3A_628 {strides = array<i32>} : memref<64x768xf32, #tpu.memory_space<vmem>>, vector<1x16xf32>,
      %get3A_629 = arith.index_cast %scan3A_56 : i32 to index
      %get3A_630 = arith.constant 656 : index
      %get3A_631 = tpu.vector_load %arg9[%get3A_629, %get3A_630] {strides = array<i32>} : memref<64x768xf32, #tpu.memory_space<vmem>>, vector<1x16xf32>,
      %get3A_632 = vector.shape_cast %get3A_631 : vector<1x16xf32> to vector<16xf32>
      %get3A_633 = arith.index_cast %scan3A_56 : i32 to index
      %get3A_634 = arith.constant 656 : index
      %get3A_635 = tpu.vector_load %arg10[%get3A_633, %get3A_634] {strides = array<i32>} : memref<64x768xf32, #tpu.memory_space<vmem>>, vector<1x16xf32>,
      %get3A_636 = vector.shape_cast %get3A_635 : vector<1x16xf32> to vector<16xf32>
      %add3A_637 = arith.addf %get3A_632, %get3A_636 : vector<16xf32>
      %swap3A_638 = arith.index_cast %scan3A_56 : i32 to index
      %swap3A_639 = arith.constant 656 : index
      %swap3A_640 = tpu.vector_load %arg9[%swap3A_638, %swap3A_639] {strides = array<i32>} : memref<64x768xf32, #tpu.memory_space<vmem>>, vector<1x16xf32>,
      %swap3A_641 = vector.shape_cast %swap3A_640 : vector<1x16xf32> to vector<16xf32>
      %swap3A_642 = vector.shape_cast %add3A_637 : vector<16xf32> to vector<1x16xf32>
      tpu.vector_store %arg9[%swap3A_638, %swap3A_639], %swap3A_642 {strides = array<i32>} : memref<64x768xf32, #tpu.memory_space<vmem>>, vector<1x16xf32>,
      %get3A_643 = arith.index_cast %scan3A_56 : i32 to index
      %get3A_644 = arith.constant 672 : index
      %get3A_645 = tpu.vector_load %arg9[%get3A_643, %get3A_644] {strides = array<i32>} : memref<64x768xf32, #tpu.memory_space<vmem>>, vector<1x16xf32>,
      %get3A_646 = vector.shape_cast %get3A_645 : vector<1x16xf32> to vector<16xf32>
      %get3A_647 = arith.index_cast %scan3A_56 : i32 to index
      %get3A_648 = arith.constant 672 : index
      %get3A_649 = tpu.vector_load %arg10[%get3A_647, %get3A_648] {strides = array<i32>} : memref<64x768xf32, #tpu.memory_space<vmem>>, vector<1x16xf32>,
      %get3A_650 = vector.shape_cast %get3A_649 : vector<1x16xf32> to vector<16xf32>
      %add3A_651 = arith.addf %get3A_646, %get3A_650 : vector<16xf32>
      %swap3A_652 = arith.index_cast %scan3A_56 : i32 to index
      %swap3A_653 = arith.constant 672 : index
      %swap3A_654 = tpu.vector_load %arg9[%swap3A_652, %swap3A_653] {strides = array<i32>} : memref<64x768xf32, #tpu.memory_space<vmem>>, vector<1x16xf32>,
      %swap3A_655 = vector.shape_cast %swap3A_654 : vector<1x16xf32> to vector<16xf32>
      %swap3A_656 = vector.shape_cast %add3A_651 : vector<16xf32> to vector<1x16xf32>
      tpu.vector_store %arg9[%swap3A_652, %swap3A_653], %swap3A_656 {strides = array<i32>} : memref<64x768xf32, #tpu.memory_space<vmem>>, vector<1x16xf32>,
      %get3A_657 = arith.index_cast %scan3A_56 : i32 to index
      %get3A_658 = arith.constant 688 : index
      %get3A_659 = tpu.vector_load %arg9[%get3A_657, %get3A_658] {strides = array<i32>} : memref<64x768xf32, #tpu.memory_space<vmem>>, vector<1x16xf32>,
      %get3A_660 = vector.shape_cast %get3A_659 : vector<1x16xf32> to vector<16xf32>
      %get3A_661 = arith.index_cast %scan3A_56 : i32 to index
      %get3A_662 = arith.constant 688 : index
      %get3A_663 = tpu.vector_load %arg10[%get3A_661, %get3A_662] {strides = array<i32>} : memref<64x768xf32, #tpu.memory_space<vmem>>, vector<1x16xf32>,
      %get3A_664 = vector.shape_cast %get3A_663 : vector<1x16xf32> to vector<16xf32>
      %add3A_665 = arith.addf %get3A_660, %get3A_664 : vector<16xf32>
      %swap3A_666 = arith.index_cast %scan3A_56 : i32 to index
      %swap3A_667 = arith.constant 688 : index
      %swap3A_668 = tpu.vector_load %arg9[%swap3A_666, %swap3A_667] {strides = array<i32>} : memref<64x768xf32, #tpu.memory_space<vmem>>, vector<1x16xf32>,
      %swap3A_669 = vector.shape_cast %swap3A_668 : vector<1x16xf32> to vector<16xf32>
      %swap3A_670 = vector.shape_cast %add3A_665 : vector<16xf32> to vector<1x16xf32>
      tpu.vector_store %arg9[%swap3A_666, %swap3A_667], %swap3A_670 {strides = array<i32>} : memref<64x768xf32, #tpu.memory_space<vmem>>, vector<1x16xf32>,
      %get3A_671 = arith.index_cast %scan3A_56 : i32 to index
      %get3A_672 = arith.constant 704 : index
      %get3A_673 = tpu.vector_load %arg9[%get3A_671, %get3A_672] {strides = array<i32>} : memref<64x768xf32, #tpu.memory_space<vmem>>, vector<1x16xf32>,
      %get3A_674 = vector.shape_cast %get3A_673 : vector<1x16xf32> to vector<16xf32>
      %get3A_675 = arith.index_cast %scan3A_56 : i32 to index
      %get3A_676 = arith.constant 704 : index
      %get3A_677 = tpu.vector_load %arg10[%get3A_675, %get3A_676] {strides = array<i32>} : memref<64x768xf32, #tpu.memory_space<vmem>>, vector<1x16xf32>,
      %get3A_678 = vector.shape_cast %get3A_677 : vector<1x16xf32> to vector<16xf32>
      %add3A_679 = arith.addf %get3A_674, %get3A_678 : vector<16xf32>
      %swap3A_680 = arith.index_cast %scan3A_56 : i32 to index
      %swap3A_681 = arith.constant 704 : index
      %swap3A_682 = tpu.vector_load %arg9[%swap3A_680, %swap3A_681] {strides = array<i32>} : memref<64x768xf32, #tpu.memory_space<vmem>>, vector<1x16xf32>,
      %swap3A_683 = vector.shape_cast %swap3A_682 : vector<1x16xf32> to vector<16xf32>
      %swap3A_684 = vector.shape_cast %add3A_679 : vector<16xf32> to vector<1x16xf32>
      tpu.vector_store %arg9[%swap3A_680, %swap3A_681], %swap3A_684 {strides = array<i32>} : memref<64x768xf32, #tpu.memory_space<vmem>>, vector<1x16xf32>,
      %get3A_685 = arith.index_cast %scan3A_56 : i32 to index
      %get3A_686 = arith.constant 720 : index
      %get3A_687 = tpu.vector_load %arg9[%get3A_685, %get3A_686] {strides = array<i32>} : memref<64x768xf32, #tpu.memory_space<vmem>>, vector<1x16xf32>,
      %get3A_688 = vector.shape_cast %get3A_687 : vector<1x16xf32> to vector<16xf32>
      %get3A_689 = arith.index_cast %scan3A_56 : i32 to index
      %get3A_690 = arith.constant 720 : index
      %get3A_691 = tpu.vector_load %arg10[%get3A_689, %get3A_690] {strides = array<i32>} : memref<64x768xf32, #tpu.memory_space<vmem>>, vector<1x16xf32>,
      %get3A_692 = vector.shape_cast %get3A_691 : vector<1x16xf32> to vector<16xf32>
      %add3A_693 = arith.addf %get3A_688, %get3A_692 : vector<16xf32>
      %swap3A_694 = arith.index_cast %scan3A_56 : i32 to index
      %swap3A_695 = arith.constant 720 : index
      %swap3A_696 = tpu.vector_load %arg9[%swap3A_694, %swap3A_695] {strides = array<i32>} : memref<64x768xf32, #tpu.memory_space<vmem>>, vector<1x16xf32>,
      %swap3A_697 = vector.shape_cast %swap3A_696 : vector<1x16xf32> to vector<16xf32>
      %swap3A_698 = vector.shape_cast %add3A_693 : vector<16xf32> to vector<1x16xf32>
      tpu.vector_store %arg9[%swap3A_694, %swap3A_695], %swap3A_698 {strides = array<i32>} : memref<64x768xf32, #tpu.memory_space<vmem>>, vector<1x16xf32>,
      %get3A_699 = arith.index_cast %scan3A_56 : i32 to index
      %get3A_700 = arith.constant 736 : index
      %get3A_701 = tpu.vector_load %arg9[%get3A_699, %get3A_700] {strides = array<i32>} : memref<64x768xf32, #tpu.memory_space<vmem>>, vector<1x16xf32>,
      %get3A_702 = vector.shape_cast %get3A_701 : vector<1x16xf32> to vector<16xf32>
      %get3A_703 = arith.index_cast %scan3A_56 : i32 to index
      %get3A_704 = arith.constant 736 : index
      %get3A_705 = tpu.vector_load %arg10[%get3A_703, %get3A_704] {strides = array<i32>} : memref<64x768xf32, #tpu.memory_space<vmem>>, vector<1x16xf32>,
      %get3A_706 = vector.shape_cast %get3A_705 : vector<1x16xf32> to vector<16xf32>
      %add3A_707 = arith.addf %get3A_702, %get3A_706 : vector<16xf32>
      %swap3A_708 = arith.index_cast %scan3A_56 : i32 to index
      %swap3A_709 = arith.constant 736 : index
      %swap3A_710 = tpu.vector_load %arg9[%swap3A_708, %swap3A_709] {strides = array<i32>} : memref<64x768xf32, #tpu.memory_space<vmem>>, vector<1x16xf32>,
      %swap3A_711 = vector.shape_cast %swap3A_710 : vector<1x16xf32> to vector<16xf32>
      %swap3A_712 = vector.shape_cast %add3A_707 : vector<16xf32> to vector<1x16xf32>
      tpu.vector_store %arg9[%swap3A_708, %swap3A_709], %swap3A_712 {strides = array<i32>} : memref<64x768xf32, #tpu.memory_space<vmem>>, vector<1x16xf32>,
      %get3A_713 = arith.index_cast %scan3A_56 : i32 to index
      %get3A_714 = arith.constant 752 : index
      %get3A_715 = tpu.vector_load %arg9[%get3A_713, %get3A_714] {strides = array<i32>} : memref<64x768xf32, #tpu.memory_space<vmem>>, vector<1x16xf32>,
      %get3A_716 = vector.shape_cast %get3A_715 : vector<1x16xf32> to vector<16xf32>
      %get3A_717 = arith.index_cast %scan3A_56 : i32 to index
      %get3A_718 = arith.constant 752 : index
      %get3A_719 = tpu.vector_load %arg10[%get3A_717, %get3A_718] {strides = array<i32>} : memref<64x768xf32, #tpu.memory_space<vmem>>, vector<1x16xf32>,
      %get3A_720 = vector.shape_cast %get3A_719 : vector<1x16xf32> to vector<16xf32>
      %add3A_721 = arith.addf %get3A_716, %get3A_720 : vector<16xf32>
      %swap3A_722 = arith.index_cast %scan3A_56 : i32 to index
      %swap3A_723 = arith.constant 752 : index
      %swap3A_724 = tpu.vector_load %arg9[%swap3A_722, %swap3A_723] {strides = array<i32>} : memref<64x768xf32, #tpu.memory_space<vmem>>, vector<1x16xf32>,
      %swap3A_725 = vector.shape_cast %swap3A_724 : vector<1x16xf32> to vector<16xf32>
      %swap3A_726 = vector.shape_cast %add3A_721 : vector<16xf32> to vector<1x16xf32>
      tpu.vector_store %arg9[%swap3A_722, %swap3A_723], %swap3A_726 {strides = array<i32>} : memref<64x768xf32, #tpu.memory_space<vmem>>, vector<1x16xf32>,
    }
    %scan3A_25 = arith.constant 64 : i32
    %add3A_26 = arith.constant 0 : i32
    %add3A_27 = arith.addi %mul3A_2, %add3A_26 : i32
    "tpu.region"() ({
      %run_scoped3A = tpu.sem_alloc : memref<!tpu.dma_semaphore, #tpu.memory_space<semaphore_mem>>
      %dma_start3A_56 = arith.constant 0 : i32
      %dma_start3A_57 = tpu.memref_slice %arg6[%add3A_27, %dma_start3A_56] : memref<4096x768xf32, #tpu.memory_space<hbm>> -> memref<64x768xf32, #tpu.memory_space<hbm>>
      %dma_start3A_58 = arith.constant 0 : i32
      %dma_start3A_59 = tpu.memref_slice %arg6[%add3A_27, %dma_start3A_58] : memref<4096x768xf32, #tpu.memory_space<hbm>> -> memref<64x768xf32, #tpu.memory_space<hbm>>
      tpu.enqueue_dma source(%arg9 : memref<64x768xf32, #tpu.memory_space<vmem>>) target(%dma_start3A_59 : memref<64x768xf32, #tpu.memory_space<hbm>>) target_semaphore(%run_scoped3A : memref<!tpu.dma_semaphore, #tpu.memory_space<semaphore_mem>>)
      %dma_wait3A_60 = arith.constant 0 : i32
      %dma_wait3A_61 = tpu.memref_slice %arg6[%add3A_27, %dma_wait3A_60] : memref<4096x768xf32, #tpu.memory_space<hbm>> -> memref<64x768xf32, #tpu.memory_space<hbm>>
      %dma_wait3A_62 = arith.constant 0 : i32
      %dma_wait3A_63 = tpu.memref_slice %arg6[%add3A_27, %dma_wait3A_62] : memref<4096x768xf32, #tpu.memory_space<hbm>> -> memref<64x768xf32, #tpu.memory_space<hbm>>
      tpu.wait_dma2 semaphore(%run_scoped3A : memref<!tpu.dma_semaphore, #tpu.memory_space<semaphore_mem>>) src(%arg9 : memref<64x768xf32, #tpu.memory_space<vmem>>) dst(%dma_wait3A_63 : memref<64x768xf32, #tpu.memory_space<hbm>>)
      tpu.yield
    }) : () -> ()
    %dma_start3A_28 = arith.constant 64 : i32
    %dma_start3A_29 = tpu.memref_slice %arg7[%dma_start3A_28] : memref<128xi32, #tpu.memory_space<vmem>> -> memref<64xi32, #tpu.memory_space<vmem>>
    %dma_start3A_30 = arith.constant 0 : i32
    %dma_start3A_31 = arith.constant 0 : i32
    %dma_start3A_32 = tpu.memref_slice %arg2[%dma_start3A_30, %dma_start3A_31] : memref<4096x768xf32, #tpu.memory_space<hbm>> -> memref<4096x768xf32, #tpu.memory_space<hbm>>
    tpu.enqueue_indirect_dma source(%dma_start3A_32 : memref<4096x768xf32, #tpu.memory_space<hbm>>) target(%arg9 : memref<64x768xf32, #tpu.memory_space<vmem>>) offsets(%dma_start3A_29 : memref<64xi32, #tpu.memory_space<vmem>>) semaphore(%arg11 : memref<!tpu.dma_semaphore, #tpu.memory_space<semaphore_mem>>)
    %dma_start3A_33 = arith.constant 64 : i32
    %dma_start3A_34 = tpu.memref_slice %arg8[%dma_start3A_33] : memref<128xi32, #tpu.memory_space<vmem>> -> memref<64xi32, #tpu.memory_space<vmem>>
    %dma_start3A_35 = arith.constant 0 : i32
    %dma_start3A_36 = arith.constant 0 : i32
    %dma_start3A_37 = tpu.memref_slice %arg3[%dma_start3A_35, %dma_start3A_36] : memref<4096x768xf32, #tpu.memory_space<hbm>> -> memref<4096x768xf32, #tpu.memory_space<hbm>>
    tpu.enqueue_indirect_dma source(%dma_start3A_37 : memref<4096x768xf32, #tpu.memory_space<hbm>>) target(%arg10 : memref<64x768xf32, #tpu.memory_space<vmem>>) offsets(%dma_start3A_34 : memref<64xi32, #tpu.memory_space<vmem>>) semaphore(%arg12 : memref<!tpu.dma_semaphore, #tpu.memory_space<semaphore_mem>>)
    %dma_wait3A_38 = arith.constant 64 : i32
    %dma_wait3A_39 = tpu.memref_slice %arg7[%dma_wait3A_38] : memref<128xi32, #tpu.memory_space<vmem>> -> memref<64xi32, #tpu.memory_space<vmem>>
    %dma_wait3A_40 = arith.constant 0 : i32
    %dma_wait3A_41 = arith.constant 0 : i32
    %dma_wait3A_42 = tpu.memref_slice %arg2[%dma_wait3A_40, %dma_wait3A_41] : memref<4096x768xf32, #tpu.memory_space<hbm>> -> memref<4096x768xf32, #tpu.memory_space<hbm>>
    tpu.wait_indirect_dma semaphore(%arg11 : memref<!tpu.dma_semaphore, #tpu.memory_space<semaphore_mem>>) src(%dma_wait3A_42 : memref<4096x768xf32, #tpu.memory_space<hbm>>) dst(%arg9 : memref<64x768xf32, #tpu.memory_space<vmem>>)
    %dma_wait3A_43 = arith.constant 64 : i32
    %dma_wait3A_44 = tpu.memref_slice %arg8[%dma_wait3A_43] : memref<128xi32, #tpu.memory_space<vmem>> -> memref<64xi32, #tpu.memory_space<vmem>>
    %dma_wait3A_45 = arith.constant 0 : i32
    %dma_wait3A_46 = arith.constant 0 : i32
    %dma_wait3A_47 = tpu.memref_slice %arg3[%dma_wait3A_45, %dma_wait3A_46] : memref<4096x768xf32, #tpu.memory_space<hbm>> -> memref<4096x768xf32, #tpu.memory_space<hbm>>
    tpu.wait_indirect_dma semaphore(%arg12 : memref<!tpu.dma_semaphore, #tpu.memory_space<semaphore_mem>>) src(%dma_wait3A_47 : memref<4096x768xf32, #tpu.memory_space<hbm>>) dst(%arg10 : memref<64x768xf32, #tpu.memory_space<vmem>>)
    %scan3A_48 = arith.constant 0 : i32
    %scan3A_49 = arith.constant 0 : i32
    %scan3A_50 = arith.constant 64 : i32
    %scan3A_51 = arith.addi %scan3A_49, %scan3A_50 : i32
    %scan3A_52 = arith.constant 1 : i32
    scf.for %scan3A_56 = %scan3A_49 to %scan3A_51 step %scan3A_52  : i32 {
      %get3A = arith.index_cast %scan3A_56 : i32 to index
      %get3A_57 = arith.constant 0 : index
      %get3A_58 = tpu.vector_load %arg9[%get3A, %get3A_57] {strides = array<i32>} : memref<64x768xf32, #tpu.memory_space<vmem>>, vector<1x16xf32>,
      %get3A_59 = vector.shape_cast %get3A_58 : vector<1x16xf32> to vector<16xf32>
      %get3A_60 = arith.index_cast %scan3A_56 : i32 to index
      %get3A_61 = arith.constant 0 : index
      %get3A_62 = tpu.vector_load %arg10[%get3A_60, %get3A_61] {strides = array<i32>} : memref<64x768xf32, #tpu.memory_space<vmem>>, vector<1x16xf32>,
      %get3A_63 = vector.shape_cast %get3A_62 : vector<1x16xf32> to vector<16xf32>
      %add3A_64 = arith.addf %get3A_59, %get3A_63 : vector<16xf32>
      %swap3A = arith.index_cast %scan3A_56 : i32 to index
      %swap3A_65 = arith.constant 0 : index
      %swap3A_66 = tpu.vector_load %arg9[%swap3A, %swap3A_65] {strides = array<i32>} : memref<64x768xf32, #tpu.memory_space<vmem>>, vector<1x16xf32>,
      %swap3A_67 = vector.shape_cast %swap3A_66 : vector<1x16xf32> to vector<16xf32>
      %swap3A_68 = vector.shape_cast %add3A_64 : vector<16xf32> to vector<1x16xf32>
      tpu.vector_store %arg9[%swap3A, %swap3A_65], %swap3A_68 {strides = array<i32>} : memref<64x768xf32, #tpu.memory_space<vmem>>, vector<1x16xf32>,
      %get3A_69 = arith.index_cast %scan3A_56 : i32 to index
      %get3A_70 = arith.constant 16 : index
      %get3A_71 = tpu.vector_load %arg9[%get3A_69, %get3A_70] {strides = array<i32>} : memref<64x768xf32, #tpu.memory_space<vmem>>, vector<1x16xf32>,
      %get3A_72 = vector.shape_cast %get3A_71 : vector<1x16xf32> to vector<16xf32>
      %get3A_73 = arith.index_cast %scan3A_56 : i32 to index
      %get3A_74 = arith.constant 16 : index
      %get3A_75 = tpu.vector_load %arg10[%get3A_73, %get3A_74] {strides = array<i32>} : memref<64x768xf32, #tpu.memory_space<vmem>>, vector<1x16xf32>,
      %get3A_76 = vector.shape_cast %get3A_75 : vector<1x16xf32> to vector<16xf32>
      %add3A_77 = arith.addf %get3A_72, %get3A_76 : vector<16xf32>
      %swap3A_78 = arith.index_cast %scan3A_56 : i32 to index
      %swap3A_79 = arith.constant 16 : index
      %swap3A_80 = tpu.vector_load %arg9[%swap3A_78, %swap3A_79] {strides = array<i32>} : memref<64x768xf32, #tpu.memory_space<vmem>>, vector<1x16xf32>,
      %swap3A_81 = vector.shape_cast %swap3A_80 : vector<1x16xf32> to vector<16xf32>
      %swap3A_82 = vector.shape_cast %add3A_77 : vector<16xf32> to vector<1x16xf32>
      tpu.vector_store %arg9[%swap3A_78, %swap3A_79], %swap3A_82 {strides = array<i32>} : memref<64x768xf32, #tpu.memory_space<vmem>>, vector<1x16xf32>,
      %get3A_83 = arith.index_cast %scan3A_56 : i32 to index
      %get3A_84 = arith.constant 32 : index
      %get3A_85 = tpu.vector_load %arg9[%get3A_83, %get3A_84] {strides = array<i32>} : memref<64x768xf32, #tpu.memory_space<vmem>>, vector<1x16xf32>,
      %get3A_86 = vector.shape_cast %get3A_85 : vector<1x16xf32> to vector<16xf32>
      %get3A_87 = arith.index_cast %scan3A_56 : i32 to index
      %get3A_88 = arith.constant 32 : index
      %get3A_89 = tpu.vector_load %arg10[%get3A_87, %get3A_88] {strides = array<i32>} : memref<64x768xf32, #tpu.memory_space<vmem>>, vector<1x16xf32>,
      %get3A_90 = vector.shape_cast %get3A_89 : vector<1x16xf32> to vector<16xf32>
      %add3A_91 = arith.addf %get3A_86, %get3A_90 : vector<16xf32>
      %swap3A_92 = arith.index_cast %scan3A_56 : i32 to index
      %swap3A_93 = arith.constant 32 : index
      %swap3A_94 = tpu.vector_load %arg9[%swap3A_92, %swap3A_93] {strides = array<i32>} : memref<64x768xf32, #tpu.memory_space<vmem>>, vector<1x16xf32>,
      %swap3A_95 = vector.shape_cast %swap3A_94 : vector<1x16xf32> to vector<16xf32>
      %swap3A_96 = vector.shape_cast %add3A_91 : vector<16xf32> to vector<1x16xf32>
      tpu.vector_store %arg9[%swap3A_92, %swap3A_93], %swap3A_96 {strides = array<i32>} : memref<64x768xf32, #tpu.memory_space<vmem>>, vector<1x16xf32>,
      %get3A_97 = arith.index_cast %scan3A_56 : i32 to index
      %get3A_98 = arith.constant 48 : index
      %get3A_99 = tpu.vector_load %arg9[%get3A_97, %get3A_98] {strides = array<i32>} : memref<64x768xf32, #tpu.memory_space<vmem>>, vector<1x16xf32>,
      %get3A_100 = vector.shape_cast %get3A_99 : vector<1x16xf32> to vector<16xf32>
      %get3A_101 = arith.index_cast %scan3A_56 : i32 to index
      %get3A_102 = arith.constant 48 : index
      %get3A_103 = tpu.vector_load %arg10[%get3A_101, %get3A_102] {strides = array<i32>} : memref<64x768xf32, #tpu.memory_space<vmem>>, vector<1x16xf32>,
      %get3A_104 = vector.shape_cast %get3A_103 : vector<1x16xf32> to vector<16xf32>
      %add3A_105 = arith.addf %get3A_100, %get3A_104 : vector<16xf32>
      %swap3A_106 = arith.index_cast %scan3A_56 : i32 to index
      %swap3A_107 = arith.constant 48 : index
      %swap3A_108 = tpu.vector_load %arg9[%swap3A_106, %swap3A_107] {strides = array<i32>} : memref<64x768xf32, #tpu.memory_space<vmem>>, vector<1x16xf32>,
      %swap3A_109 = vector.shape_cast %swap3A_108 : vector<1x16xf32> to vector<16xf32>
      %swap3A_110 = vector.shape_cast %add3A_105 : vector<16xf32> to vector<1x16xf32>
      tpu.vector_store %arg9[%swap3A_106, %swap3A_107], %swap3A_110 {strides = array<i32>} : memref<64x768xf32, #tpu.memory_space<vmem>>, vector<1x16xf32>,
      %get3A_111 = arith.index_cast %scan3A_56 : i32 to index
      %get3A_112 = arith.constant 64 : index
      %get3A_113 = tpu.vector_load %arg9[%get3A_111, %get3A_112] {strides = array<i32>} : memref<64x768xf32, #tpu.memory_space<vmem>>, vector<1x16xf32>,
      %get3A_114 = vector.shape_cast %get3A_113 : vector<1x16xf32> to vector<16xf32>
      %get3A_115 = arith.index_cast %scan3A_56 : i32 to index
      %get3A_116 = arith.constant 64 : index
      %get3A_117 = tpu.vector_load %arg10[%get3A_115, %get3A_116] {strides = array<i32>} : memref<64x768xf32, #tpu.memory_space<vmem>>, vector<1x16xf32>,
      %get3A_118 = vector.shape_cast %get3A_117 : vector<1x16xf32> to vector<16xf32>
      %add3A_119 = arith.addf %get3A_114, %get3A_118 : vector<16xf32>
      %swap3A_120 = arith.index_cast %scan3A_56 : i32 to index
      %swap3A_121 = arith.constant 64 : index
      %swap3A_122 = tpu.vector_load %arg9[%swap3A_120, %swap3A_121] {strides = array<i32>} : memref<64x768xf32, #tpu.memory_space<vmem>>, vector<1x16xf32>,
      %swap3A_123 = vector.shape_cast %swap3A_122 : vector<1x16xf32> to vector<16xf32>
      %swap3A_124 = vector.shape_cast %add3A_119 : vector<16xf32> to vector<1x16xf32>
      tpu.vector_store %arg9[%swap3A_120, %swap3A_121], %swap3A_124 {strides = array<i32>} : memref<64x768xf32, #tpu.memory_space<vmem>>, vector<1x16xf32>,
      %get3A_125 = arith.index_cast %scan3A_56 : i32 to index
      %get3A_126 = arith.constant 80 : index
      %get3A_127 = tpu.vector_load %arg9[%get3A_125, %get3A_126] {strides = array<i32>} : memref<64x768xf32, #tpu.memory_space<vmem>>, vector<1x16xf32>,
      %get3A_128 = vector.shape_cast %get3A_127 : vector<1x16xf32> to vector<16xf32>
      %get3A_129 = arith.index_cast %scan3A_56 : i32 to index
      %get3A_130 = arith.constant 80 : index
      %get3A_131 = tpu.vector_load %arg10[%get3A_129, %get3A_130] {strides = array<i32>} : memref<64x768xf32, #tpu.memory_space<vmem>>, vector<1x16xf32>,
      %get3A_132 = vector.shape_cast %get3A_131 : vector<1x16xf32> to vector<16xf32>
      %add3A_133 = arith.addf %get3A_128, %get3A_132 : vector<16xf32>
      %swap3A_134 = arith.index_cast %scan3A_56 : i32 to index
      %swap3A_135 = arith.constant 80 : index
      %swap3A_136 = tpu.vector_load %arg9[%swap3A_134, %swap3A_135] {strides = array<i32>} : memref<64x768xf32, #tpu.memory_space<vmem>>, vector<1x16xf32>,
      %swap3A_137 = vector.shape_cast %swap3A_136 : vector<1x16xf32> to vector<16xf32>
      %swap3A_138 = vector.shape_cast %add3A_133 : vector<16xf32> to vector<1x16xf32>
      tpu.vector_store %arg9[%swap3A_134, %swap3A_135], %swap3A_138 {strides = array<i32>} : memref<64x768xf32, #tpu.memory_space<vmem>>, vector<1x16xf32>,
      %get3A_139 = arith.index_cast %scan3A_56 : i32 to index
      %get3A_140 = arith.constant 96 : index
      %get3A_141 = tpu.vector_load %arg9[%get3A_139, %get3A_140] {strides = array<i32>} : memref<64x768xf32, #tpu.memory_space<vmem>>, vector<1x16xf32>,
      %get3A_142 = vector.shape_cast %get3A_141 : vector<1x16xf32> to vector<16xf32>
      %get3A_143 = arith.index_cast %scan3A_56 : i32 to index
      %get3A_144 = arith.constant 96 : index
      %get3A_145 = tpu.vector_load %arg10[%get3A_143, %get3A_144] {strides = array<i32>} : memref<64x768xf32, #tpu.memory_space<vmem>>, vector<1x16xf32>,
      %get3A_146 = vector.shape_cast %get3A_145 : vector<1x16xf32> to vector<16xf32>
      %add3A_147 = arith.addf %get3A_142, %get3A_146 : vector<16xf32>
      %swap3A_148 = arith.index_cast %scan3A_56 : i32 to index
      %swap3A_149 = arith.constant 96 : index
      %swap3A_150 = tpu.vector_load %arg9[%swap3A_148, %swap3A_149] {strides = array<i32>} : memref<64x768xf32, #tpu.memory_space<vmem>>, vector<1x16xf32>,
      %swap3A_151 = vector.shape_cast %swap3A_150 : vector<1x16xf32> to vector<16xf32>
      %swap3A_152 = vector.shape_cast %add3A_147 : vector<16xf32> to vector<1x16xf32>
      tpu.vector_store %arg9[%swap3A_148, %swap3A_149], %swap3A_152 {strides = array<i32>} : memref<64x768xf32, #tpu.memory_space<vmem>>, vector<1x16xf32>,
      %get3A_153 = arith.index_cast %scan3A_56 : i32 to index
      %get3A_154 = arith.constant 112 : index
      %get3A_155 = tpu.vector_load %arg9[%get3A_153, %get3A_154] {strides = array<i32>} : memref<64x768xf32, #tpu.memory_space<vmem>>, vector<1x16xf32>,
      %get3A_156 = vector.shape_cast %get3A_155 : vector<1x16xf32> to vector<16xf32>
      %get3A_157 = arith.index_cast %scan3A_56 : i32 to index
      %get3A_158 = arith.constant 112 : index
      %get3A_159 = tpu.vector_load %arg10[%get3A_157, %get3A_158] {strides = array<i32>} : memref<64x768xf32, #tpu.memory_space<vmem>>, vector<1x16xf32>,
      %get3A_160 = vector.shape_cast %get3A_159 : vector<1x16xf32> to vector<16xf32>
      %add3A_161 = arith.addf %get3A_156, %get3A_160 : vector<16xf32>
      %swap3A_162 = arith.index_cast %scan3A_56 : i32 to index
      %swap3A_163 = arith.constant 112 : index
      %swap3A_164 = tpu.vector_load %arg9[%swap3A_162, %swap3A_163] {strides = array<i32>} : memref<64x768xf32, #tpu.memory_space<vmem>>, vector<1x16xf32>,
      %swap3A_165 = vector.shape_cast %swap3A_164 : vector<1x16xf32> to vector<16xf32>
      %swap3A_166 = vector.shape_cast %add3A_161 : vector<16xf32> to vector<1x16xf32>
      tpu.vector_store %arg9[%swap3A_162, %swap3A_163], %swap3A_166 {strides = array<i32>} : memref<64x768xf32, #tpu.memory_space<vmem>>, vector<1x16xf32>,
      %get3A_167 = arith.index_cast %scan3A_56 : i32 to index
      %get3A_168 = arith.constant 128 : index
      %get3A_169 = tpu.vector_load %arg9[%get3A_167, %get3A_168] {strides = array<i32>} : memref<64x768xf32, #tpu.memory_space<vmem>>, vector<1x16xf32>,
      %get3A_170 = vector.shape_cast %get3A_169 : vector<1x16xf32> to vector<16xf32>
      %get3A_171 = arith.index_cast %scan3A_56 : i32 to index
      %get3A_172 = arith.constant 128 : index
      %get3A_173 = tpu.vector_load %arg10[%get3A_171, %get3A_172] {strides = array<i32>} : memref<64x768xf32, #tpu.memory_space<vmem>>, vector<1x16xf32>,
      %get3A_174 = vector.shape_cast %get3A_173 : vector<1x16xf32> to vector<16xf32>
      %add3A_175 = arith.addf %get3A_170, %get3A_174 : vector<16xf32>
      %swap3A_176 = arith.index_cast %scan3A_56 : i32 to index
      %swap3A_177 = arith.constant 128 : index
      %swap3A_178 = tpu.vector_load %arg9[%swap3A_176, %swap3A_177] {strides = array<i32>} : memref<64x768xf32, #tpu.memory_space<vmem>>, vector<1x16xf32>,
      %swap3A_179 = vector.shape_cast %swap3A_178 : vector<1x16xf32> to vector<16xf32>
      %swap3A_180 = vector.shape_cast %add3A_175 : vector<16xf32> to vector<1x16xf32>
      tpu.vector_store %arg9[%swap3A_176, %swap3A_177], %swap3A_180 {strides = array<i32>} : memref<64x768xf32, #tpu.memory_space<vmem>>, vector<1x16xf32>,
      %get3A_181 = arith.index_cast %scan3A_56 : i32 to index
      %get3A_182 = arith.constant 144 : index
      %get3A_183 = tpu.vector_load %arg9[%get3A_181, %get3A_182] {strides = array<i32>} : memref<64x768xf32, #tpu.memory_space<vmem>>, vector<1x16xf32>,
      %get3A_184 = vector.shape_cast %get3A_183 : vector<1x16xf32> to vector<16xf32>
      %get3A_185 = arith.index_cast %scan3A_56 : i32 to index
      %get3A_186 = arith.constant 144 : index
      %get3A_187 = tpu.vector_load %arg10[%get3A_185, %get3A_186] {strides = array<i32>} : memref<64x768xf32, #tpu.memory_space<vmem>>, vector<1x16xf32>,
      %get3A_188 = vector.shape_cast %get3A_187 : vector<1x16xf32> to vector<16xf32>
      %add3A_189 = arith.addf %get3A_184, %get3A_188 : vector<16xf32>
      %swap3A_190 = arith.index_cast %scan3A_56 : i32 to index
      %swap3A_191 = arith.constant 144 : index
      %swap3A_192 = tpu.vector_load %arg9[%swap3A_190, %swap3A_191] {strides = array<i32>} : memref<64x768xf32, #tpu.memory_space<vmem>>, vector<1x16xf32>,
      %swap3A_193 = vector.shape_cast %swap3A_192 : vector<1x16xf32> to vector<16xf32>
      %swap3A_194 = vector.shape_cast %add3A_189 : vector<16xf32> to vector<1x16xf32>
      tpu.vector_store %arg9[%swap3A_190, %swap3A_191], %swap3A_194 {strides = array<i32>} : memref<64x768xf32, #tpu.memory_space<vmem>>, vector<1x16xf32>,
      %get3A_195 = arith.index_cast %scan3A_56 : i32 to index
      %get3A_196 = arith.constant 160 : index
      %get3A_197 = tpu.vector_load %arg9[%get3A_195, %get3A_196] {strides = array<i32>} : memref<64x768xf32, #tpu.memory_space<vmem>>, vector<1x16xf32>,
      %get3A_198 = vector.shape_cast %get3A_197 : vector<1x16xf32> to vector<16xf32>
      %get3A_199 = arith.index_cast %scan3A_56 : i32 to index
      %get3A_200 = arith.constant 160 : index
      %get3A_201 = tpu.vector_load %arg10[%get3A_199, %get3A_200] {strides = array<i32>} : memref<64x768xf32, #tpu.memory_space<vmem>>, vector<1x16xf32>,
      %get3A_202 = vector.shape_cast %get3A_201 : vector<1x16xf32> to vector<16xf32>
      %add3A_203 = arith.addf %get3A_198, %get3A_202 : vector<16xf32>
      %swap3A_204 = arith.index_cast %scan3A_56 : i32 to index
      %swap3A_205 = arith.constant 160 : index
      %swap3A_206 = tpu.vector_load %arg9[%swap3A_204, %swap3A_205] {strides = array<i32>} : memref<64x768xf32, #tpu.memory_space<vmem>>, vector<1x16xf32>,
      %swap3A_207 = vector.shape_cast %swap3A_206 : vector<1x16xf32> to vector<16xf32>
      %swap3A_208 = vector.shape_cast %add3A_203 : vector<16xf32> to vector<1x16xf32>
      tpu.vector_store %arg9[%swap3A_204, %swap3A_205], %swap3A_208 {strides = array<i32>} : memref<64x768xf32, #tpu.memory_space<vmem>>, vector<1x16xf32>,
      %get3A_209 = arith.index_cast %scan3A_56 : i32 to index
      %get3A_210 = arith.constant 176 : index
      %get3A_211 = tpu.vector_load %arg9[%get3A_209, %get3A_210] {strides = array<i32>} : memref<64x768xf32, #tpu.memory_space<vmem>>, vector<1x16xf32>,
      %get3A_212 = vector.shape_cast %get3A_211 : vector<1x16xf32> to vector<16xf32>
      %get3A_213 = arith.index_cast %scan3A_56 : i32 to index
      %get3A_214 = arith.constant 176 : index
      %get3A_215 = tpu.vector_load %arg10[%get3A_213, %get3A_214] {strides = array<i32>} : memref<64x768xf32, #tpu.memory_space<vmem>>, vector<1x16xf32>,
      %get3A_216 = vector.shape_cast %get3A_215 : vector<1x16xf32> to vector<16xf32>
      %add3A_217 = arith.addf %get3A_212, %get3A_216 : vector<16xf32>
      %swap3A_218 = arith.index_cast %scan3A_56 : i32 to index
      %swap3A_219 = arith.constant 176 : index
      %swap3A_220 = tpu.vector_load %arg9[%swap3A_218, %swap3A_219] {strides = array<i32>} : memref<64x768xf32, #tpu.memory_space<vmem>>, vector<1x16xf32>,
      %swap3A_221 = vector.shape_cast %swap3A_220 : vector<1x16xf32> to vector<16xf32>
      %swap3A_222 = vector.shape_cast %add3A_217 : vector<16xf32> to vector<1x16xf32>
      tpu.vector_store %arg9[%swap3A_218, %swap3A_219], %swap3A_222 {strides = array<i32>} : memref<64x768xf32, #tpu.memory_space<vmem>>, vector<1x16xf32>,
      %get3A_223 = arith.index_cast %scan3A_56 : i32 to index
      %get3A_224 = arith.constant 192 : index
      %get3A_225 = tpu.vector_load %arg9[%get3A_223, %get3A_224] {strides = array<i32>} : memref<64x768xf32, #tpu.memory_space<vmem>>, vector<1x16xf32>,
      %get3A_226 = vector.shape_cast %get3A_225 : vector<1x16xf32> to vector<16xf32>
      %get3A_227 = arith.index_cast %scan3A_56 : i32 to index
      %get3A_228 = arith.constant 192 : index
      %get3A_229 = tpu.vector_load %arg10[%get3A_227, %get3A_228] {strides = array<i32>} : memref<64x768xf32, #tpu.memory_space<vmem>>, vector<1x16xf32>,
      %get3A_230 = vector.shape_cast %get3A_229 : vector<1x16xf32> to vector<16xf32>
      %add3A_231 = arith.addf %get3A_226, %get3A_230 : vector<16xf32>
      %swap3A_232 = arith.index_cast %scan3A_56 : i32 to index
      %swap3A_233 = arith.constant 192 : index
      %swap3A_234 = tpu.vector_load %arg9[%swap3A_232, %swap3A_233] {strides = array<i32>} : memref<64x768xf32, #tpu.memory_space<vmem>>, vector<1x16xf32>,
      %swap3A_235 = vector.shape_cast %swap3A_234 : vector<1x16xf32> to vector<16xf32>
      %swap3A_236 = vector.shape_cast %add3A_231 : vector<16xf32> to vector<1x16xf32>
      tpu.vector_store %arg9[%swap3A_232, %swap3A_233], %swap3A_236 {strides = array<i32>} : memref<64x768xf32, #tpu.memory_space<vmem>>, vector<1x16xf32>,
      %get3A_237 = arith.index_cast %scan3A_56 : i32 to index
      %get3A_238 = arith.constant 208 : index
      %get3A_239 = tpu.vector_load %arg9[%get3A_237, %get3A_238] {strides = array<i32>} : memref<64x768xf32, #tpu.memory_space<vmem>>, vector<1x16xf32>,
      %get3A_240 = vector.shape_cast %get3A_239 : vector<1x16xf32> to vector<16xf32>
      %get3A_241 = arith.index_cast %scan3A_56 : i32 to index
      %get3A_242 = arith.constant 208 : index
      %get3A_243 = tpu.vector_load %arg10[%get3A_241, %get3A_242] {strides = array<i32>} : memref<64x768xf32, #tpu.memory_space<vmem>>, vector<1x16xf32>,
      %get3A_244 = vector.shape_cast %get3A_243 : vector<1x16xf32> to vector<16xf32>
      %add3A_245 = arith.addf %get3A_240, %get3A_244 : vector<16xf32>
      %swap3A_246 = arith.index_cast %scan3A_56 : i32 to index
      %swap3A_247 = arith.constant 208 : index
      %swap3A_248 = tpu.vector_load %arg9[%swap3A_246, %swap3A_247] {strides = array<i32>} : memref<64x768xf32, #tpu.memory_space<vmem>>, vector<1x16xf32>,
      %swap3A_249 = vector.shape_cast %swap3A_248 : vector<1x16xf32> to vector<16xf32>
      %swap3A_250 = vector.shape_cast %add3A_245 : vector<16xf32> to vector<1x16xf32>
      tpu.vector_store %arg9[%swap3A_246, %swap3A_247], %swap3A_250 {strides = array<i32>} : memref<64x768xf32, #tpu.memory_space<vmem>>, vector<1x16xf32>,
      %get3A_251 = arith.index_cast %scan3A_56 : i32 to index
      %get3A_252 = arith.constant 224 : index
      %get3A_253 = tpu.vector_load %arg9[%get3A_251, %get3A_252] {strides = array<i32>} : memref<64x768xf32, #tpu.memory_space<vmem>>, vector<1x16xf32>,
      %get3A_254 = vector.shape_cast %get3A_253 : vector<1x16xf32> to vector<16xf32>
      %get3A_255 = arith.index_cast %scan3A_56 : i32 to index
      %get3A_256 = arith.constant 224 : index
      %get3A_257 = tpu.vector_load %arg10[%get3A_255, %get3A_256] {strides = array<i32>} : memref<64x768xf32, #tpu.memory_space<vmem>>, vector<1x16xf32>,
      %get3A_258 = vector.shape_cast %get3A_257 : vector<1x16xf32> to vector<16xf32>
      %add3A_259 = arith.addf %get3A_254, %get3A_258 : vector<16xf32>
      %swap3A_260 = arith.index_cast %scan3A_56 : i32 to index
      %swap3A_261 = arith.constant 224 : index
      %swap3A_262 = tpu.vector_load %arg9[%swap3A_260, %swap3A_261] {strides = array<i32>} : memref<64x768xf32, #tpu.memory_space<vmem>>, vector<1x16xf32>,
      %swap3A_263 = vector.shape_cast %swap3A_262 : vector<1x16xf32> to vector<16xf32>
      %swap3A_264 = vector.shape_cast %add3A_259 : vector<16xf32> to vector<1x16xf32>
      tpu.vector_store %arg9[%swap3A_260, %swap3A_261], %swap3A_264 {strides = array<i32>} : memref<64x768xf32, #tpu.memory_space<vmem>>, vector<1x16xf32>,
      %get3A_265 = arith.index_cast %scan3A_56 : i32 to index
      %get3A_266 = arith.constant 240 : index
      %get3A_267 = tpu.vector_load %arg9[%get3A_265, %get3A_266] {strides = array<i32>} : memref<64x768xf32, #tpu.memory_space<vmem>>, vector<1x16xf32>,
      %get3A_268 = vector.shape_cast %get3A_267 : vector<1x16xf32> to vector<16xf32>
      %get3A_269 = arith.index_cast %scan3A_56 : i32 to index
      %get3A_270 = arith.constant 240 : index
      %get3A_271 = tpu.vector_load %arg10[%get3A_269, %get3A_270] {strides = array<i32>} : memref<64x768xf32, #tpu.memory_space<vmem>>, vector<1x16xf32>,
      %get3A_272 = vector.shape_cast %get3A_271 : vector<1x16xf32> to vector<16xf32>
      %add3A_273 = arith.addf %get3A_268, %get3A_272 : vector<16xf32>
      %swap3A_274 = arith.index_cast %scan3A_56 : i32 to index
      %swap3A_275 = arith.constant 240 : index
      %swap3A_276 = tpu.vector_load %arg9[%swap3A_274, %swap3A_275] {strides = array<i32>} : memref<64x768xf32, #tpu.memory_space<vmem>>, vector<1x16xf32>,
      %swap3A_277 = vector.shape_cast %swap3A_276 : vector<1x16xf32> to vector<16xf32>
      %swap3A_278 = vector.shape_cast %add3A_273 : vector<16xf32> to vector<1x16xf32>
      tpu.vector_store %arg9[%swap3A_274, %swap3A_275], %swap3A_278 {strides = array<i32>} : memref<64x768xf32, #tpu.memory_space<vmem>>, vector<1x16xf32>,
      %get3A_279 = arith.index_cast %scan3A_56 : i32 to index
      %get3A_280 = arith.constant 256 : index
      %get3A_281 = tpu.vector_load %arg9[%get3A_279, %get3A_280] {strides = array<i32>} : memref<64x768xf32, #tpu.memory_space<vmem>>, vector<1x16xf32>,
      %get3A_282 = vector.shape_cast %get3A_281 : vector<1x16xf32> to vector<16xf32>
      %get3A_283 = arith.index_cast %scan3A_56 : i32 to index
      %get3A_284 = arith.constant 256 : index
      %get3A_285 = tpu.vector_load %arg10[%get3A_283, %get3A_284] {strides = array<i32>} : memref<64x768xf32, #tpu.memory_space<vmem>>, vector<1x16xf32>,
      %get3A_286 = vector.shape_cast %get3A_285 : vector<1x16xf32> to vector<16xf32>
      %add3A_287 = arith.addf %get3A_282, %get3A_286 : vector<16xf32>
      %swap3A_288 = arith.index_cast %scan3A_56 : i32 to index
      %swap3A_289 = arith.constant 256 : index
      %swap3A_290 = tpu.vector_load %arg9[%swap3A_288, %swap3A_289] {strides = array<i32>} : memref<64x768xf32, #tpu.memory_space<vmem>>, vector<1x16xf32>,
      %swap3A_291 = vector.shape_cast %swap3A_290 : vector<1x16xf32> to vector<16xf32>
      %swap3A_292 = vector.shape_cast %add3A_287 : vector<16xf32> to vector<1x16xf32>
      tpu.vector_store %arg9[%swap3A_288, %swap3A_289], %swap3A_292 {strides = array<i32>} : memref<64x768xf32, #tpu.memory_space<vmem>>, vector<1x16xf32>,
      %get3A_293 = arith.index_cast %scan3A_56 : i32 to index
      %get3A_294 = arith.constant 272 : index
      %get3A_295 = tpu.vector_load %arg9[%get3A_293, %get3A_294] {strides = array<i32>} : memref<64x768xf32, #tpu.memory_space<vmem>>, vector<1x16xf32>,
      %get3A_296 = vector.shape_cast %get3A_295 : vector<1x16xf32> to vector<16xf32>
      %get3A_297 = arith.index_cast %scan3A_56 : i32 to index
      %get3A_298 = arith.constant 272 : index
      %get3A_299 = tpu.vector_load %arg10[%get3A_297, %get3A_298] {strides = array<i32>} : memref<64x768xf32, #tpu.memory_space<vmem>>, vector<1x16xf32>,
      %get3A_300 = vector.shape_cast %get3A_299 : vector<1x16xf32> to vector<16xf32>
      %add3A_301 = arith.addf %get3A_296, %get3A_300 : vector<16xf32>
      %swap3A_302 = arith.index_cast %scan3A_56 : i32 to index
      %swap3A_303 = arith.constant 272 : index
      %swap3A_304 = tpu.vector_load %arg9[%swap3A_302, %swap3A_303] {strides = array<i32>} : memref<64x768xf32, #tpu.memory_space<vmem>>, vector<1x16xf32>,
      %swap3A_305 = vector.shape_cast %swap3A_304 : vector<1x16xf32> to vector<16xf32>
      %swap3A_306 = vector.shape_cast %add3A_301 : vector<16xf32> to vector<1x16xf32>
      tpu.vector_store %arg9[%swap3A_302, %swap3A_303], %swap3A_306 {strides = array<i32>} : memref<64x768xf32, #tpu.memory_space<vmem>>, vector<1x16xf32>,
      %get3A_307 = arith.index_cast %scan3A_56 : i32 to index
      %get3A_308 = arith.constant 288 : index
      %get3A_309 = tpu.vector_load %arg9[%get3A_307, %get3A_308] {strides = array<i32>} : memref<64x768xf32, #tpu.memory_space<vmem>>, vector<1x16xf32>,
      %get3A_310 = vector.shape_cast %get3A_309 : vector<1x16xf32> to vector<16xf32>
      %get3A_311 = arith.index_cast %scan3A_56 : i32 to index
      %get3A_312 = arith.constant 288 : index
      %get3A_313 = tpu.vector_load %arg10[%get3A_311, %get3A_312] {strides = array<i32>} : memref<64x768xf32, #tpu.memory_space<vmem>>, vector<1x16xf32>,
      %get3A_314 = vector.shape_cast %get3A_313 : vector<1x16xf32> to vector<16xf32>
      %add3A_315 = arith.addf %get3A_310, %get3A_314 : vector<16xf32>
      %swap3A_316 = arith.index_cast %scan3A_56 : i32 to index
      %swap3A_317 = arith.constant 288 : index
      %swap3A_318 = tpu.vector_load %arg9[%swap3A_316, %swap3A_317] {strides = array<i32>} : memref<64x768xf32, #tpu.memory_space<vmem>>, vector<1x16xf32>,
      %swap3A_319 = vector.shape_cast %swap3A_318 : vector<1x16xf32> to vector<16xf32>
      %swap3A_320 = vector.shape_cast %add3A_315 : vector<16xf32> to vector<1x16xf32>
      tpu.vector_store %arg9[%swap3A_316, %swap3A_317], %swap3A_320 {strides = array<i32>} : memref<64x768xf32, #tpu.memory_space<vmem>>, vector<1x16xf32>,
      %get3A_321 = arith.index_cast %scan3A_56 : i32 to index
      %get3A_322 = arith.constant 304 : index
      %get3A_323 = tpu.vector_load %arg9[%get3A_321, %get3A_322] {strides = array<i32>} : memref<64x768xf32, #tpu.memory_space<vmem>>, vector<1x16xf32>,
      %get3A_324 = vector.shape_cast %get3A_323 : vector<1x16xf32> to vector<16xf32>
      %get3A_325 = arith.index_cast %scan3A_56 : i32 to index
      %get3A_326 = arith.constant 304 : index
      %get3A_327 = tpu.vector_load %arg10[%get3A_325, %get3A_326] {strides = array<i32>} : memref<64x768xf32, #tpu.memory_space<vmem>>, vector<1x16xf32>,
      %get3A_328 = vector.shape_cast %get3A_327 : vector<1x16xf32> to vector<16xf32>
      %add3A_329 = arith.addf %get3A_324, %get3A_328 : vector<16xf32>
      %swap3A_330 = arith.index_cast %scan3A_56 : i32 to index
      %swap3A_331 = arith.constant 304 : index
      %swap3A_332 = tpu.vector_load %arg9[%swap3A_330, %swap3A_331] {strides = array<i32>} : memref<64x768xf32, #tpu.memory_space<vmem>>, vector<1x16xf32>,
      %swap3A_333 = vector.shape_cast %swap3A_332 : vector<1x16xf32> to vector<16xf32>
      %swap3A_334 = vector.shape_cast %add3A_329 : vector<16xf32> to vector<1x16xf32>
      tpu.vector_store %arg9[%swap3A_330, %swap3A_331], %swap3A_334 {strides = array<i32>} : memref<64x768xf32, #tpu.memory_space<vmem>>, vector<1x16xf32>,
      %get3A_335 = arith.index_cast %scan3A_56 : i32 to index
      %get3A_336 = arith.constant 320 : index
      %get3A_337 = tpu.vector_load %arg9[%get3A_335, %get3A_336] {strides = array<i32>} : memref<64x768xf32, #tpu.memory_space<vmem>>, vector<1x16xf32>,
      %get3A_338 = vector.shape_cast %get3A_337 : vector<1x16xf32> to vector<16xf32>
      %get3A_339 = arith.index_cast %scan3A_56 : i32 to index
      %get3A_340 = arith.constant 320 : index
      %get3A_341 = tpu.vector_load %arg10[%get3A_339, %get3A_340] {strides = array<i32>} : memref<64x768xf32, #tpu.memory_space<vmem>>, vector<1x16xf32>,
      %get3A_342 = vector.shape_cast %get3A_341 : vector<1x16xf32> to vector<16xf32>
      %add3A_343 = arith.addf %get3A_338, %get3A_342 : vector<16xf32>
      %swap3A_344 = arith.index_cast %scan3A_56 : i32 to index
      %swap3A_345 = arith.constant 320 : index
      %swap3A_346 = tpu.vector_load %arg9[%swap3A_344, %swap3A_345] {strides = array<i32>} : memref<64x768xf32, #tpu.memory_space<vmem>>, vector<1x16xf32>,
      %swap3A_347 = vector.shape_cast %swap3A_346 : vector<1x16xf32> to vector<16xf32>
      %swap3A_348 = vector.shape_cast %add3A_343 : vector<16xf32> to vector<1x16xf32>
      tpu.vector_store %arg9[%swap3A_344, %swap3A_345], %swap3A_348 {strides = array<i32>} : memref<64x768xf32, #tpu.memory_space<vmem>>, vector<1x16xf32>,
      %get3A_349 = arith.index_cast %scan3A_56 : i32 to index
      %get3A_350 = arith.constant 336 : index
      %get3A_351 = tpu.vector_load %arg9[%get3A_349, %get3A_350] {strides = array<i32>} : memref<64x768xf32, #tpu.memory_space<vmem>>, vector<1x16xf32>,
      %get3A_352 = vector.shape_cast %get3A_351 : vector<1x16xf32> to vector<16xf32>
      %get3A_353 = arith.index_cast %scan3A_56 : i32 to index
      %get3A_354 = arith.constant 336 : index
      %get3A_355 = tpu.vector_load %arg10[%get3A_353, %get3A_354] {strides = array<i32>} : memref<64x768xf32, #tpu.memory_space<vmem>>, vector<1x16xf32>,
      %get3A_356 = vector.shape_cast %get3A_355 : vector<1x16xf32> to vector<16xf32>
      %add3A_357 = arith.addf %get3A_352, %get3A_356 : vector<16xf32>
      %swap3A_358 = arith.index_cast %scan3A_56 : i32 to index
      %swap3A_359 = arith.constant 336 : index
      %swap3A_360 = tpu.vector_load %arg9[%swap3A_358, %swap3A_359] {strides = array<i32>} : memref<64x768xf32, #tpu.memory_space<vmem>>, vector<1x16xf32>,
      %swap3A_361 = vector.shape_cast %swap3A_360 : vector<1x16xf32> to vector<16xf32>
      %swap3A_362 = vector.shape_cast %add3A_357 : vector<16xf32> to vector<1x16xf32>
      tpu.vector_store %arg9[%swap3A_358, %swap3A_359], %swap3A_362 {strides = array<i32>} : memref<64x768xf32, #tpu.memory_space<vmem>>, vector<1x16xf32>,
      %get3A_363 = arith.index_cast %scan3A_56 : i32 to index
      %get3A_364 = arith.constant 352 : index
      %get3A_365 = tpu.vector_load %arg9[%get3A_363, %get3A_364] {strides = array<i32>} : memref<64x768xf32, #tpu.memory_space<vmem>>, vector<1x16xf32>,
      %get3A_366 = vector.shape_cast %get3A_365 : vector<1x16xf32> to vector<16xf32>
      %get3A_367 = arith.index_cast %scan3A_56 : i32 to index
      %get3A_368 = arith.constant 352 : index
      %get3A_369 = tpu.vector_load %arg10[%get3A_367, %get3A_368] {strides = array<i32>} : memref<64x768xf32, #tpu.memory_space<vmem>>, vector<1x16xf32>,
      %get3A_370 = vector.shape_cast %get3A_369 : vector<1x16xf32> to vector<16xf32>
      %add3A_371 = arith.addf %get3A_366, %get3A_370 : vector<16xf32>
      %swap3A_372 = arith.index_cast %scan3A_56 : i32 to index
      %swap3A_373 = arith.constant 352 : index
      %swap3A_374 = tpu.vector_load %arg9[%swap3A_372, %swap3A_373] {strides = array<i32>} : memref<64x768xf32, #tpu.memory_space<vmem>>, vector<1x16xf32>,
      %swap3A_375 = vector.shape_cast %swap3A_374 : vector<1x16xf32> to vector<16xf32>
      %swap3A_376 = vector.shape_cast %add3A_371 : vector<16xf32> to vector<1x16xf32>
      tpu.vector_store %arg9[%swap3A_372, %swap3A_373], %swap3A_376 {strides = array<i32>} : memref<64x768xf32, #tpu.memory_space<vmem>>, vector<1x16xf32>,
      %get3A_377 = arith.index_cast %scan3A_56 : i32 to index
      %get3A_378 = arith.constant 368 : index
      %get3A_379 = tpu.vector_load %arg9[%get3A_377, %get3A_378] {strides = array<i32>} : memref<64x768xf32, #tpu.memory_space<vmem>>, vector<1x16xf32>,
      %get3A_380 = vector.shape_cast %get3A_379 : vector<1x16xf32> to vector<16xf32>
      %get3A_381 = arith.index_cast %scan3A_56 : i32 to index
      %get3A_382 = arith.constant 368 : index
      %get3A_383 = tpu.vector_load %arg10[%get3A_381, %get3A_382] {strides = array<i32>} : memref<64x768xf32, #tpu.memory_space<vmem>>, vector<1x16xf32>,
      %get3A_384 = vector.shape_cast %get3A_383 : vector<1x16xf32> to vector<16xf32>
      %add3A_385 = arith.addf %get3A_380, %get3A_384 : vector<16xf32>
      %swap3A_386 = arith.index_cast %scan3A_56 : i32 to index
      %swap3A_387 = arith.constant 368 : index
      %swap3A_388 = tpu.vector_load %arg9[%swap3A_386, %swap3A_387] {strides = array<i32>} : memref<64x768xf32, #tpu.memory_space<vmem>>, vector<1x16xf32>,
      %swap3A_389 = vector.shape_cast %swap3A_388 : vector<1x16xf32> to vector<16xf32>
      %swap3A_390 = vector.shape_cast %add3A_385 : vector<16xf32> to vector<1x16xf32>
      tpu.vector_store %arg9[%swap3A_386, %swap3A_387], %swap3A_390 {strides = array<i32>} : memref<64x768xf32, #tpu.memory_space<vmem>>, vector<1x16xf32>,
      %get3A_391 = arith.index_cast %scan3A_56 : i32 to index
      %get3A_392 = arith.constant 384 : index
      %get3A_393 = tpu.vector_load %arg9[%get3A_391, %get3A_392] {strides = array<i32>} : memref<64x768xf32, #tpu.memory_space<vmem>>, vector<1x16xf32>,
      %get3A_394 = vector.shape_cast %get3A_393 : vector<1x16xf32> to vector<16xf32>
      %get3A_395 = arith.index_cast %scan3A_56 : i32 to index
      %get3A_396 = arith.constant 384 : index
      %get3A_397 = tpu.vector_load %arg10[%get3A_395, %get3A_396] {strides = array<i32>} : memref<64x768xf32, #tpu.memory_space<vmem>>, vector<1x16xf32>,
      %get3A_398 = vector.shape_cast %get3A_397 : vector<1x16xf32> to vector<16xf32>
      %add3A_399 = arith.addf %get3A_394, %get3A_398 : vector<16xf32>
      %swap3A_400 = arith.index_cast %scan3A_56 : i32 to index
      %swap3A_401 = arith.constant 384 : index
      %swap3A_402 = tpu.vector_load %arg9[%swap3A_400, %swap3A_401] {strides = array<i32>} : memref<64x768xf32, #tpu.memory_space<vmem>>, vector<1x16xf32>,
      %swap3A_403 = vector.shape_cast %swap3A_402 : vector<1x16xf32> to vector<16xf32>
      %swap3A_404 = vector.shape_cast %add3A_399 : vector<16xf32> to vector<1x16xf32>
      tpu.vector_store %arg9[%swap3A_400, %swap3A_401], %swap3A_404 {strides = array<i32>} : memref<64x768xf32, #tpu.memory_space<vmem>>, vector<1x16xf32>,
      %get3A_405 = arith.index_cast %scan3A_56 : i32 to index
      %get3A_406 = arith.constant 400 : index
      %get3A_407 = tpu.vector_load %arg9[%get3A_405, %get3A_406] {strides = array<i32>} : memref<64x768xf32, #tpu.memory_space<vmem>>, vector<1x16xf32>,
      %get3A_408 = vector.shape_cast %get3A_407 : vector<1x16xf32> to vector<16xf32>
      %get3A_409 = arith.index_cast %scan3A_56 : i32 to index
      %get3A_410 = arith.constant 400 : index
      %get3A_411 = tpu.vector_load %arg10[%get3A_409, %get3A_410] {strides = array<i32>} : memref<64x768xf32, #tpu.memory_space<vmem>>, vector<1x16xf32>,
      %get3A_412 = vector.shape_cast %get3A_411 : vector<1x16xf32> to vector<16xf32>
      %add3A_413 = arith.addf %get3A_408, %get3A_412 : vector<16xf32>
      %swap3A_414 = arith.index_cast %scan3A_56 : i32 to index
      %swap3A_415 = arith.constant 400 : index
      %swap3A_416 = tpu.vector_load %arg9[%swap3A_414, %swap3A_415] {strides = array<i32>} : memref<64x768xf32, #tpu.memory_space<vmem>>, vector<1x16xf32>,
      %swap3A_417 = vector.shape_cast %swap3A_416 : vector<1x16xf32> to vector<16xf32>
      %swap3A_418 = vector.shape_cast %add3A_413 : vector<16xf32> to vector<1x16xf32>
      tpu.vector_store %arg9[%swap3A_414, %swap3A_415], %swap3A_418 {strides = array<i32>} : memref<64x768xf32, #tpu.memory_space<vmem>>, vector<1x16xf32>,
      %get3A_419 = arith.index_cast %scan3A_56 : i32 to index
      %get3A_420 = arith.constant 416 : index
      %get3A_421 = tpu.vector_load %arg9[%get3A_419, %get3A_420] {strides = array<i32>} : memref<64x768xf32, #tpu.memory_space<vmem>>, vector<1x16xf32>,
      %get3A_422 = vector.shape_cast %get3A_421 : vector<1x16xf32> to vector<16xf32>
      %get3A_423 = arith.index_cast %scan3A_56 : i32 to index
      %get3A_424 = arith.constant 416 : index
      %get3A_425 = tpu.vector_load %arg10[%get3A_423, %get3A_424] {strides = array<i32>} : memref<64x768xf32, #tpu.memory_space<vmem>>, vector<1x16xf32>,
      %get3A_426 = vector.shape_cast %get3A_425 : vector<1x16xf32> to vector<16xf32>
      %add3A_427 = arith.addf %get3A_422, %get3A_426 : vector<16xf32>
      %swap3A_428 = arith.index_cast %scan3A_56 : i32 to index
      %swap3A_429 = arith.constant 416 : index
      %swap3A_430 = tpu.vector_load %arg9[%swap3A_428, %swap3A_429] {strides = array<i32>} : memref<64x768xf32, #tpu.memory_space<vmem>>, vector<1x16xf32>,
      %swap3A_431 = vector.shape_cast %swap3A_430 : vector<1x16xf32> to vector<16xf32>
      %swap3A_432 = vector.shape_cast %add3A_427 : vector<16xf32> to vector<1x16xf32>
      tpu.vector_store %arg9[%swap3A_428, %swap3A_429], %swap3A_432 {strides = array<i32>} : memref<64x768xf32, #tpu.memory_space<vmem>>, vector<1x16xf32>,
      %get3A_433 = arith.index_cast %scan3A_56 : i32 to index
      %get3A_434 = arith.constant 432 : index
      %get3A_435 = tpu.vector_load %arg9[%get3A_433, %get3A_434] {strides = array<i32>} : memref<64x768xf32, #tpu.memory_space<vmem>>, vector<1x16xf32>,
      %get3A_436 = vector.shape_cast %get3A_435 : vector<1x16xf32> to vector<16xf32>
      %get3A_437 = arith.index_cast %scan3A_56 : i32 to index
      %get3A_438 = arith.constant 432 : index
      %get3A_439 = tpu.vector_load %arg10[%get3A_437, %get3A_438] {strides = array<i32>} : memref<64x768xf32, #tpu.memory_space<vmem>>, vector<1x16xf32>,
      %get3A_440 = vector.shape_cast %get3A_439 : vector<1x16xf32> to vector<16xf32>
      %add3A_441 = arith.addf %get3A_436, %get3A_440 : vector<16xf32>
      %swap3A_442 = arith.index_cast %scan3A_56 : i32 to index
      %swap3A_443 = arith.constant 432 : index
      %swap3A_444 = tpu.vector_load %arg9[%swap3A_442, %swap3A_443] {strides = array<i32>} : memref<64x768xf32, #tpu.memory_space<vmem>>, vector<1x16xf32>,
      %swap3A_445 = vector.shape_cast %swap3A_444 : vector<1x16xf32> to vector<16xf32>
      %swap3A_446 = vector.shape_cast %add3A_441 : vector<16xf32> to vector<1x16xf32>
      tpu.vector_store %arg9[%swap3A_442, %swap3A_443], %swap3A_446 {strides = array<i32>} : memref<64x768xf32, #tpu.memory_space<vmem>>, vector<1x16xf32>,
      %get3A_447 = arith.index_cast %scan3A_56 : i32 to index
      %get3A_448 = arith.constant 448 : index
      %get3A_449 = tpu.vector_load %arg9[%get3A_447, %get3A_448] {strides = array<i32>} : memref<64x768xf32, #tpu.memory_space<vmem>>, vector<1x16xf32>,
      %get3A_450 = vector.shape_cast %get3A_449 : vector<1x16xf32> to vector<16xf32>
      %get3A_451 = arith.index_cast %scan3A_56 : i32 to index
      %get3A_452 = arith.constant 448 : index
      %get3A_453 = tpu.vector_load %arg10[%get3A_451, %get3A_452] {strides = array<i32>} : memref<64x768xf32, #tpu.memory_space<vmem>>, vector<1x16xf32>,
      %get3A_454 = vector.shape_cast %get3A_453 : vector<1x16xf32> to vector<16xf32>
      %add3A_455 = arith.addf %get3A_450, %get3A_454 : vector<16xf32>
      %swap3A_456 = arith.index_cast %scan3A_56 : i32 to index
      %swap3A_457 = arith.constant 448 : index
      %swap3A_458 = tpu.vector_load %arg9[%swap3A_456, %swap3A_457] {strides = array<i32>} : memref<64x768xf32, #tpu.memory_space<vmem>>, vector<1x16xf32>,
      %swap3A_459 = vector.shape_cast %swap3A_458 : vector<1x16xf32> to vector<16xf32>
      %swap3A_460 = vector.shape_cast %add3A_455 : vector<16xf32> to vector<1x16xf32>
      tpu.vector_store %arg9[%swap3A_456, %swap3A_457], %swap3A_460 {strides = array<i32>} : memref<64x768xf32, #tpu.memory_space<vmem>>, vector<1x16xf32>,
      %get3A_461 = arith.index_cast %scan3A_56 : i32 to index
      %get3A_462 = arith.constant 464 : index
      %get3A_463 = tpu.vector_load %arg9[%get3A_461, %get3A_462] {strides = array<i32>} : memref<64x768xf32, #tpu.memory_space<vmem>>, vector<1x16xf32>,
      %get3A_464 = vector.shape_cast %get3A_463 : vector<1x16xf32> to vector<16xf32>
      %get3A_465 = arith.index_cast %scan3A_56 : i32 to index
      %get3A_466 = arith.constant 464 : index
      %get3A_467 = tpu.vector_load %arg10[%get3A_465, %get3A_466] {strides = array<i32>} : memref<64x768xf32, #tpu.memory_space<vmem>>, vector<1x16xf32>,
      %get3A_468 = vector.shape_cast %get3A_467 : vector<1x16xf32> to vector<16xf32>
      %add3A_469 = arith.addf %get3A_464, %get3A_468 : vector<16xf32>
      %swap3A_470 = arith.index_cast %scan3A_56 : i32 to index
      %swap3A_471 = arith.constant 464 : index
      %swap3A_472 = tpu.vector_load %arg9[%swap3A_470, %swap3A_471] {strides = array<i32>} : memref<64x768xf32, #tpu.memory_space<vmem>>, vector<1x16xf32>,
      %swap3A_473 = vector.shape_cast %swap3A_472 : vector<1x16xf32> to vector<16xf32>
      %swap3A_474 = vector.shape_cast %add3A_469 : vector<16xf32> to vector<1x16xf32>
      tpu.vector_store %arg9[%swap3A_470, %swap3A_471], %swap3A_474 {strides = array<i32>} : memref<64x768xf32, #tpu.memory_space<vmem>>, vector<1x16xf32>,
      %get3A_475 = arith.index_cast %scan3A_56 : i32 to index
      %get3A_476 = arith.constant 480 : index
      %get3A_477 = tpu.vector_load %arg9[%get3A_475, %get3A_476] {strides = array<i32>} : memref<64x768xf32, #tpu.memory_space<vmem>>, vector<1x16xf32>,
      %get3A_478 = vector.shape_cast %get3A_477 : vector<1x16xf32> to vector<16xf32>
      %get3A_479 = arith.index_cast %scan3A_56 : i32 to index
      %get3A_480 = arith.constant 480 : index
      %get3A_481 = tpu.vector_load %arg10[%get3A_479, %get3A_480] {strides = array<i32>} : memref<64x768xf32, #tpu.memory_space<vmem>>, vector<1x16xf32>,
      %get3A_482 = vector.shape_cast %get3A_481 : vector<1x16xf32> to vector<16xf32>
      %add3A_483 = arith.addf %get3A_478, %get3A_482 : vector<16xf32>
      %swap3A_484 = arith.index_cast %scan3A_56 : i32 to index
      %swap3A_485 = arith.constant 480 : index
      %swap3A_486 = tpu.vector_load %arg9[%swap3A_484, %swap3A_485] {strides = array<i32>} : memref<64x768xf32, #tpu.memory_space<vmem>>, vector<1x16xf32>,
      %swap3A_487 = vector.shape_cast %swap3A_486 : vector<1x16xf32> to vector<16xf32>
      %swap3A_488 = vector.shape_cast %add3A_483 : vector<16xf32> to vector<1x16xf32>
      tpu.vector_store %arg9[%swap3A_484, %swap3A_485], %swap3A_488 {strides = array<i32>} : memref<64x768xf32, #tpu.memory_space<vmem>>, vector<1x16xf32>,
      %get3A_489 = arith.index_cast %scan3A_56 : i32 to index
      %get3A_490 = arith.constant 496 : index
      %get3A_491 = tpu.vector_load %arg9[%get3A_489, %get3A_490] {strides = array<i32>} : memref<64x768xf32, #tpu.memory_space<vmem>>, vector<1x16xf32>,
      %get3A_492 = vector.shape_cast %get3A_491 : vector<1x16xf32> to vector<16xf32>
      %get3A_493 = arith.index_cast %scan3A_56 : i32 to index
      %get3A_494 = arith.constant 496 : index
      %get3A_495 = tpu.vector_load %arg10[%get3A_493, %get3A_494] {strides = array<i32>} : memref<64x768xf32, #tpu.memory_space<vmem>>, vector<1x16xf32>,
      %get3A_496 = vector.shape_cast %get3A_495 : vector<1x16xf32> to vector<16xf32>
      %add3A_497 = arith.addf %get3A_492, %get3A_496 : vector<16xf32>
      %swap3A_498 = arith.index_cast %scan3A_56 : i32 to index
      %swap3A_499 = arith.constant 496 : index
      %swap3A_500 = tpu.vector_load %arg9[%swap3A_498, %swap3A_499] {strides = array<i32>} : memref<64x768xf32, #tpu.memory_space<vmem>>, vector<1x16xf32>,
      %swap3A_501 = vector.shape_cast %swap3A_500 : vector<1x16xf32> to vector<16xf32>
      %swap3A_502 = vector.shape_cast %add3A_497 : vector<16xf32> to vector<1x16xf32>
      tpu.vector_store %arg9[%swap3A_498, %swap3A_499], %swap3A_502 {strides = array<i32>} : memref<64x768xf32, #tpu.memory_space<vmem>>, vector<1x16xf32>,
      %get3A_503 = arith.index_cast %scan3A_56 : i32 to index
      %get3A_504 = arith.constant 512 : index
      %get3A_505 = tpu.vector_load %arg9[%get3A_503, %get3A_504] {strides = array<i32>} : memref<64x768xf32, #tpu.memory_space<vmem>>, vector<1x16xf32>,
      %get3A_506 = vector.shape_cast %get3A_505 : vector<1x16xf32> to vector<16xf32>
      %get3A_507 = arith.index_cast %scan3A_56 : i32 to index
      %get3A_508 = arith.constant 512 : index
      %get3A_509 = tpu.vector_load %arg10[%get3A_507, %get3A_508] {strides = array<i32>} : memref<64x768xf32, #tpu.memory_space<vmem>>, vector<1x16xf32>,
      %get3A_510 = vector.shape_cast %get3A_509 : vector<1x16xf32> to vector<16xf32>
      %add3A_511 = arith.addf %get3A_506, %get3A_510 : vector<16xf32>
      %swap3A_512 = arith.index_cast %scan3A_56 : i32 to index
      %swap3A_513 = arith.constant 512 : index
      %swap3A_514 = tpu.vector_load %arg9[%swap3A_512, %swap3A_513] {strides = array<i32>} : memref<64x768xf32, #tpu.memory_space<vmem>>, vector<1x16xf32>,
      %swap3A_515 = vector.shape_cast %swap3A_514 : vector<1x16xf32> to vector<16xf32>
      %swap3A_516 = vector.shape_cast %add3A_511 : vector<16xf32> to vector<1x16xf32>
      tpu.vector_store %arg9[%swap3A_512, %swap3A_513], %swap3A_516 {strides = array<i32>} : memref<64x768xf32, #tpu.memory_space<vmem>>, vector<1x16xf32>,
      %get3A_517 = arith.index_cast %scan3A_56 : i32 to index
      %get3A_518 = arith.constant 528 : index
      %get3A_519 = tpu.vector_load %arg9[%get3A_517, %get3A_518] {strides = array<i32>} : memref<64x768xf32, #tpu.memory_space<vmem>>, vector<1x16xf32>,
      %get3A_520 = vector.shape_cast %get3A_519 : vector<1x16xf32> to vector<16xf32>
      %get3A_521 = arith.index_cast %scan3A_56 : i32 to index
      %get3A_522 = arith.constant 528 : index
      %get3A_523 = tpu.vector_load %arg10[%get3A_521, %get3A_522] {strides = array<i32>} : memref<64x768xf32, #tpu.memory_space<vmem>>, vector<1x16xf32>,
      %get3A_524 = vector.shape_cast %get3A_523 : vector<1x16xf32> to vector<16xf32>
      %add3A_525 = arith.addf %get3A_520, %get3A_524 : vector<16xf32>
      %swap3A_526 = arith.index_cast %scan3A_56 : i32 to index
      %swap3A_527 = arith.constant 528 : index
      %swap3A_528 = tpu.vector_load %arg9[%swap3A_526, %swap3A_527] {strides = array<i32>} : memref<64x768xf32, #tpu.memory_space<vmem>>, vector<1x16xf32>,
      %swap3A_529 = vector.shape_cast %swap3A_528 : vector<1x16xf32> to vector<16xf32>
      %swap3A_530 = vector.shape_cast %add3A_525 : vector<16xf32> to vector<1x16xf32>
      tpu.vector_store %arg9[%swap3A_526, %swap3A_527], %swap3A_530 {strides = array<i32>} : memref<64x768xf32, #tpu.memory_space<vmem>>, vector<1x16xf32>,
      %get3A_531 = arith.index_cast %scan3A_56 : i32 to index
      %get3A_532 = arith.constant 544 : index
      %get3A_533 = tpu.vector_load %arg9[%get3A_531, %get3A_532] {strides = array<i32>} : memref<64x768xf32, #tpu.memory_space<vmem>>, vector<1x16xf32>,
      %get3A_534 = vector.shape_cast %get3A_533 : vector<1x16xf32> to vector<16xf32>
      %get3A_535 = arith.index_cast %scan3A_56 : i32 to index
      %get3A_536 = arith.constant 544 : index
      %get3A_537 = tpu.vector_load %arg10[%get3A_535, %get3A_536] {strides = array<i32>} : memref<64x768xf32, #tpu.memory_space<vmem>>, vector<1x16xf32>,
      %get3A_538 = vector.shape_cast %get3A_537 : vector<1x16xf32> to vector<16xf32>
      %add3A_539 = arith.addf %get3A_534, %get3A_538 : vector<16xf32>
      %swap3A_540 = arith.index_cast %scan3A_56 : i32 to index
      %swap3A_541 = arith.constant 544 : index
      %swap3A_542 = tpu.vector_load %arg9[%swap3A_540, %swap3A_541] {strides = array<i32>} : memref<64x768xf32, #tpu.memory_space<vmem>>, vector<1x16xf32>,
      %swap3A_543 = vector.shape_cast %swap3A_542 : vector<1x16xf32> to vector<16xf32>
      %swap3A_544 = vector.shape_cast %add3A_539 : vector<16xf32> to vector<1x16xf32>
      tpu.vector_store %arg9[%swap3A_540, %swap3A_541], %swap3A_544 {strides = array<i32>} : memref<64x768xf32, #tpu.memory_space<vmem>>, vector<1x16xf32>,
      %get3A_545 = arith.index_cast %scan3A_56 : i32 to index
      %get3A_546 = arith.constant 560 : index
      %get3A_547 = tpu.vector_load %arg9[%get3A_545, %get3A_546] {strides = array<i32>} : memref<64x768xf32, #tpu.memory_space<vmem>>, vector<1x16xf32>,
      %get3A_548 = vector.shape_cast %get3A_547 : vector<1x16xf32> to vector<16xf32>
      %get3A_549 = arith.index_cast %scan3A_56 : i32 to index
      %get3A_550 = arith.constant 560 : index
      %get3A_551 = tpu.vector_load %arg10[%get3A_549, %get3A_550] {strides = array<i32>} : memref<64x768xf32, #tpu.memory_space<vmem>>, vector<1x16xf32>,
      %get3A_552 = vector.shape_cast %get3A_551 : vector<1x16xf32> to vector<16xf32>
      %add3A_553 = arith.addf %get3A_548, %get3A_552 : vector<16xf32>
      %swap3A_554 = arith.index_cast %scan3A_56 : i32 to index
      %swap3A_555 = arith.constant 560 : index
      %swap3A_556 = tpu.vector_load %arg9[%swap3A_554, %swap3A_555] {strides = array<i32>} : memref<64x768xf32, #tpu.memory_space<vmem>>, vector<1x16xf32>,
      %swap3A_557 = vector.shape_cast %swap3A_556 : vector<1x16xf32> to vector<16xf32>
      %swap3A_558 = vector.shape_cast %add3A_553 : vector<16xf32> to vector<1x16xf32>
      tpu.vector_store %arg9[%swap3A_554, %swap3A_555], %swap3A_558 {strides = array<i32>} : memref<64x768xf32, #tpu.memory_space<vmem>>, vector<1x16xf32>,
      %get3A_559 = arith.index_cast %scan3A_56 : i32 to index
      %get3A_560 = arith.constant 576 : index
      %get3A_561 = tpu.vector_load %arg9[%get3A_559, %get3A_560] {strides = array<i32>} : memref<64x768xf32, #tpu.memory_space<vmem>>, vector<1x16xf32>,
      %get3A_562 = vector.shape_cast %get3A_561 : vector<1x16xf32> to vector<16xf32>
      %get3A_563 = arith.index_cast %scan3A_56 : i32 to index
      %get3A_564 = arith.constant 576 : index
      %get3A_565 = tpu.vector_load %arg10[%get3A_563, %get3A_564] {strides = array<i32>} : memref<64x768xf32, #tpu.memory_space<vmem>>, vector<1x16xf32>,
      %get3A_566 = vector.shape_cast %get3A_565 : vector<1x16xf32> to vector<16xf32>
      %add3A_567 = arith.addf %get3A_562, %get3A_566 : vector<16xf32>
      %swap3A_568 = arith.index_cast %scan3A_56 : i32 to index
      %swap3A_569 = arith.constant 576 : index
      %swap3A_570 = tpu.vector_load %arg9[%swap3A_568, %swap3A_569] {strides = array<i32>} : memref<64x768xf32, #tpu.memory_space<vmem>>, vector<1x16xf32>,
      %swap3A_571 = vector.shape_cast %swap3A_570 : vector<1x16xf32> to vector<16xf32>
      %swap3A_572 = vector.shape_cast %add3A_567 : vector<16xf32> to vector<1x16xf32>
      tpu.vector_store %arg9[%swap3A_568, %swap3A_569], %swap3A_572 {strides = array<i32>} : memref<64x768xf32, #tpu.memory_space<vmem>>, vector<1x16xf32>,
      %get3A_573 = arith.index_cast %scan3A_56 : i32 to index
      %get3A_574 = arith.constant 592 : index
      %get3A_575 = tpu.vector_load %arg9[%get3A_573, %get3A_574] {strides = array<i32>} : memref<64x768xf32, #tpu.memory_space<vmem>>, vector<1x16xf32>,
      %get3A_576 = vector.shape_cast %get3A_575 : vector<1x16xf32> to vector<16xf32>
      %get3A_577 = arith.index_cast %scan3A_56 : i32 to index
      %get3A_578 = arith.constant 592 : index
      %get3A_579 = tpu.vector_load %arg10[%get3A_577, %get3A_578] {strides = array<i32>} : memref<64x768xf32, #tpu.memory_space<vmem>>, vector<1x16xf32>,
      %get3A_580 = vector.shape_cast %get3A_579 : vector<1x16xf32> to vector<16xf32>
      %add3A_581 = arith.addf %get3A_576, %get3A_580 : vector<16xf32>
      %swap3A_582 = arith.index_cast %scan3A_56 : i32 to index
      %swap3A_583 = arith.constant 592 : index
      %swap3A_584 = tpu.vector_load %arg9[%swap3A_582, %swap3A_583] {strides = array<i32>} : memref<64x768xf32, #tpu.memory_space<vmem>>, vector<1x16xf32>,
      %swap3A_585 = vector.shape_cast %swap3A_584 : vector<1x16xf32> to vector<16xf32>
      %swap3A_586 = vector.shape_cast %add3A_581 : vector<16xf32> to vector<1x16xf32>
      tpu.vector_store %arg9[%swap3A_582, %swap3A_583], %swap3A_586 {strides = array<i32>} : memref<64x768xf32, #tpu.memory_space<vmem>>, vector<1x16xf32>,
      %get3A_587 = arith.index_cast %scan3A_56 : i32 to index
      %get3A_588 = arith.constant 608 : index
      %get3A_589 = tpu.vector_load %arg9[%get3A_587, %get3A_588] {strides = array<i32>} : memref<64x768xf32, #tpu.memory_space<vmem>>, vector<1x16xf32>,
      %get3A_590 = vector.shape_cast %get3A_589 : vector<1x16xf32> to vector<16xf32>
      %get3A_591 = arith.index_cast %scan3A_56 : i32 to index
      %get3A_592 = arith.constant 608 : index
      %get3A_593 = tpu.vector_load %arg10[%get3A_591, %get3A_592] {strides = array<i32>} : memref<64x768xf32, #tpu.memory_space<vmem>>, vector<1x16xf32>,
      %get3A_594 = vector.shape_cast %get3A_593 : vector<1x16xf32> to vector<16xf32>
      %add3A_595 = arith.addf %get3A_590, %get3A_594 : vector<16xf32>
      %swap3A_596 = arith.index_cast %scan3A_56 : i32 to index
      %swap3A_597 = arith.constant 608 : index
      %swap3A_598 = tpu.vector_load %arg9[%swap3A_596, %swap3A_597] {strides = array<i32>} : memref<64x768xf32, #tpu.memory_space<vmem>>, vector<1x16xf32>,
      %swap3A_599 = vector.shape_cast %swap3A_598 : vector<1x16xf32> to vector<16xf32>
      %swap3A_600 = vector.shape_cast %add3A_595 : vector<16xf32> to vector<1x16xf32>
      tpu.vector_store %arg9[%swap3A_596, %swap3A_597], %swap3A_600 {strides = array<i32>} : memref<64x768xf32, #tpu.memory_space<vmem>>, vector<1x16xf32>,
      %get3A_601 = arith.index_cast %scan3A_56 : i32 to index
      %get3A_602 = arith.constant 624 : index
      %get3A_603 = tpu.vector_load %arg9[%get3A_601, %get3A_602] {strides = array<i32>} : memref<64x768xf32, #tpu.memory_space<vmem>>, vector<1x16xf32>,
      %get3A_604 = vector.shape_cast %get3A_603 : vector<1x16xf32> to vector<16xf32>
      %get3A_605 = arith.index_cast %scan3A_56 : i32 to index
      %get3A_606 = arith.constant 624 : index
      %get3A_607 = tpu.vector_load %arg10[%get3A_605, %get3A_606] {strides = array<i32>} : memref<64x768xf32, #tpu.memory_space<vmem>>, vector<1x16xf32>,
      %get3A_608 = vector.shape_cast %get3A_607 : vector<1x16xf32> to vector<16xf32>
      %add3A_609 = arith.addf %get3A_604, %get3A_608 : vector<16xf32>
      %swap3A_610 = arith.index_cast %scan3A_56 : i32 to index
      %swap3A_611 = arith.constant 624 : index
      %swap3A_612 = tpu.vector_load %arg9[%swap3A_610, %swap3A_611] {strides = array<i32>} : memref<64x768xf32, #tpu.memory_space<vmem>>, vector<1x16xf32>,
      %swap3A_613 = vector.shape_cast %swap3A_612 : vector<1x16xf32> to vector<16xf32>
      %swap3A_614 = vector.shape_cast %add3A_609 : vector<16xf32> to vector<1x16xf32>
      tpu.vector_store %arg9[%swap3A_610, %swap3A_611], %swap3A_614 {strides = array<i32>} : memref<64x768xf32, #tpu.memory_space<vmem>>, vector<1x16xf32>,
      %get3A_615 = arith.index_cast %scan3A_56 : i32 to index
      %get3A_616 = arith.constant 640 : index
      %get3A_617 = tpu.vector_load %arg9[%get3A_615, %get3A_616] {strides = array<i32>} : memref<64x768xf32, #tpu.memory_space<vmem>>, vector<1x16xf32>,
      %get3A_618 = vector.shape_cast %get3A_617 : vector<1x16xf32> to vector<16xf32>
      %get3A_619 = arith.index_cast %scan3A_56 : i32 to index
      %get3A_620 = arith.constant 640 : index
      %get3A_621 = tpu.vector_load %arg10[%get3A_619, %get3A_620] {strides = array<i32>} : memref<64x768xf32, #tpu.memory_space<vmem>>, vector<1x16xf32>,
      %get3A_622 = vector.shape_cast %get3A_621 : vector<1x16xf32> to vector<16xf32>
      %add3A_623 = arith.addf %get3A_618, %get3A_622 : vector<16xf32>
      %swap3A_624 = arith.index_cast %scan3A_56 : i32 to index
      %swap3A_625 = arith.constant 640 : index
      %swap3A_626 = tpu.vector_load %arg9[%swap3A_624, %swap3A_625] {strides = array<i32>} : memref<64x768xf32, #tpu.memory_space<vmem>>, vector<1x16xf32>,
      %swap3A_627 = vector.shape_cast %swap3A_626 : vector<1x16xf32> to vector<16xf32>
      %swap3A_628 = vector.shape_cast %add3A_623 : vector<16xf32> to vector<1x16xf32>
      tpu.vector_store %arg9[%swap3A_624, %swap3A_625], %swap3A_628 {strides = array<i32>} : memref<64x768xf32, #tpu.memory_space<vmem>>, vector<1x16xf32>,
      %get3A_629 = arith.index_cast %scan3A_56 : i32 to index
      %get3A_630 = arith.constant 656 : index
      %get3A_631 = tpu.vector_load %arg9[%get3A_629, %get3A_630] {strides = array<i32>} : memref<64x768xf32, #tpu.memory_space<vmem>>, vector<1x16xf32>,
      %get3A_632 = vector.shape_cast %get3A_631 : vector<1x16xf32> to vector<16xf32>
      %get3A_633 = arith.index_cast %scan3A_56 : i32 to index
      %get3A_634 = arith.constant 656 : index
      %get3A_635 = tpu.vector_load %arg10[%get3A_633, %get3A_634] {strides = array<i32>} : memref<64x768xf32, #tpu.memory_space<vmem>>, vector<1x16xf32>,
      %get3A_636 = vector.shape_cast %get3A_635 : vector<1x16xf32> to vector<16xf32>
      %add3A_637 = arith.addf %get3A_632, %get3A_636 : vector<16xf32>
      %swap3A_638 = arith.index_cast %scan3A_56 : i32 to index
      %swap3A_639 = arith.constant 656 : index
      %swap3A_640 = tpu.vector_load %arg9[%swap3A_638, %swap3A_639] {strides = array<i32>} : memref<64x768xf32, #tpu.memory_space<vmem>>, vector<1x16xf32>,
      %swap3A_641 = vector.shape_cast %swap3A_640 : vector<1x16xf32> to vector<16xf32>
      %swap3A_642 = vector.shape_cast %add3A_637 : vector<16xf32> to vector<1x16xf32>
      tpu.vector_store %arg9[%swap3A_638, %swap3A_639], %swap3A_642 {strides = array<i32>} : memref<64x768xf32, #tpu.memory_space<vmem>>, vector<1x16xf32>,
      %get3A_643 = arith.index_cast %scan3A_56 : i32 to index
      %get3A_644 = arith.constant 672 : index
      %get3A_645 = tpu.vector_load %arg9[%get3A_643, %get3A_644] {strides = array<i32>} : memref<64x768xf32, #tpu.memory_space<vmem>>, vector<1x16xf32>,
      %get3A_646 = vector.shape_cast %get3A_645 : vector<1x16xf32> to vector<16xf32>
      %get3A_647 = arith.index_cast %scan3A_56 : i32 to index
      %get3A_648 = arith.constant 672 : index
      %get3A_649 = tpu.vector_load %arg10[%get3A_647, %get3A_648] {strides = array<i32>} : memref<64x768xf32, #tpu.memory_space<vmem>>, vector<1x16xf32>,
      %get3A_650 = vector.shape_cast %get3A_649 : vector<1x16xf32> to vector<16xf32>
      %add3A_651 = arith.addf %get3A_646, %get3A_650 : vector<16xf32>
      %swap3A_652 = arith.index_cast %scan3A_56 : i32 to index
      %swap3A_653 = arith.constant 672 : index
      %swap3A_654 = tpu.vector_load %arg9[%swap3A_652, %swap3A_653] {strides = array<i32>} : memref<64x768xf32, #tpu.memory_space<vmem>>, vector<1x16xf32>,
      %swap3A_655 = vector.shape_cast %swap3A_654 : vector<1x16xf32> to vector<16xf32>
      %swap3A_656 = vector.shape_cast %add3A_651 : vector<16xf32> to vector<1x16xf32>
      tpu.vector_store %arg9[%swap3A_652, %swap3A_653], %swap3A_656 {strides = array<i32>} : memref<64x768xf32, #tpu.memory_space<vmem>>, vector<1x16xf32>,
      %get3A_657 = arith.index_cast %scan3A_56 : i32 to index
      %get3A_658 = arith.constant 688 : index
      %get3A_659 = tpu.vector_load %arg9[%get3A_657, %get3A_658] {strides = array<i32>} : memref<64x768xf32, #tpu.memory_space<vmem>>, vector<1x16xf32>,
      %get3A_660 = vector.shape_cast %get3A_659 : vector<1x16xf32> to vector<16xf32>
      %get3A_661 = arith.index_cast %scan3A_56 : i32 to index
      %get3A_662 = arith.constant 688 : index
      %get3A_663 = tpu.vector_load %arg10[%get3A_661, %get3A_662] {strides = array<i32>} : memref<64x768xf32, #tpu.memory_space<vmem>>, vector<1x16xf32>,
      %get3A_664 = vector.shape_cast %get3A_663 : vector<1x16xf32> to vector<16xf32>
      %add3A_665 = arith.addf %get3A_660, %get3A_664 : vector<16xf32>
      %swap3A_666 = arith.index_cast %scan3A_56 : i32 to index
      %swap3A_667 = arith.constant 688 : index
      %swap3A_668 = tpu.vector_load %arg9[%swap3A_666, %swap3A_667] {strides = array<i32>} : memref<64x768xf32, #tpu.memory_space<vmem>>, vector<1x16xf32>,
      %swap3A_669 = vector.shape_cast %swap3A_668 : vector<1x16xf32> to vector<16xf32>
      %swap3A_670 = vector.shape_cast %add3A_665 : vector<16xf32> to vector<1x16xf32>
      tpu.vector_store %arg9[%swap3A_666, %swap3A_667], %swap3A_670 {strides = array<i32>} : memref<64x768xf32, #tpu.memory_space<vmem>>, vector<1x16xf32>,
      %get3A_671 = arith.index_cast %scan3A_56 : i32 to index
      %get3A_672 = arith.constant 704 : index
      %get3A_673 = tpu.vector_load %arg9[%get3A_671, %get3A_672] {strides = array<i32>} : memref<64x768xf32, #tpu.memory_space<vmem>>, vector<1x16xf32>,
      %get3A_674 = vector.shape_cast %get3A_673 : vector<1x16xf32> to vector<16xf32>
      %get3A_675 = arith.index_cast %scan3A_56 : i32 to index
      %get3A_676 = arith.constant 704 : index
      %get3A_677 = tpu.vector_load %arg10[%get3A_675, %get3A_676] {strides = array<i32>} : memref<64x768xf32, #tpu.memory_space<vmem>>, vector<1x16xf32>,
      %get3A_678 = vector.shape_cast %get3A_677 : vector<1x16xf32> to vector<16xf32>
      %add3A_679 = arith.addf %get3A_674, %get3A_678 : vector<16xf32>
      %swap3A_680 = arith.index_cast %scan3A_56 : i32 to index
      %swap3A_681 = arith.constant 704 : index
      %swap3A_682 = tpu.vector_load %arg9[%swap3A_680, %swap3A_681] {strides = array<i32>} : memref<64x768xf32, #tpu.memory_space<vmem>>, vector<1x16xf32>,
      %swap3A_683 = vector.shape_cast %swap3A_682 : vector<1x16xf32> to vector<16xf32>
      %swap3A_684 = vector.shape_cast %add3A_679 : vector<16xf32> to vector<1x16xf32>
      tpu.vector_store %arg9[%swap3A_680, %swap3A_681], %swap3A_684 {strides = array<i32>} : memref<64x768xf32, #tpu.memory_space<vmem>>, vector<1x16xf32>,
      %get3A_685 = arith.index_cast %scan3A_56 : i32 to index
      %get3A_686 = arith.constant 720 : index
      %get3A_687 = tpu.vector_load %arg9[%get3A_685, %get3A_686] {strides = array<i32>} : memref<64x768xf32, #tpu.memory_space<vmem>>, vector<1x16xf32>,
      %get3A_688 = vector.shape_cast %get3A_687 : vector<1x16xf32> to vector<16xf32>
      %get3A_689 = arith.index_cast %scan3A_56 : i32 to index
      %get3A_690 = arith.constant 720 : index
      %get3A_691 = tpu.vector_load %arg10[%get3A_689, %get3A_690] {strides = array<i32>} : memref<64x768xf32, #tpu.memory_space<vmem>>, vector<1x16xf32>,
      %get3A_692 = vector.shape_cast %get3A_691 : vector<1x16xf32> to vector<16xf32>
      %add3A_693 = arith.addf %get3A_688, %get3A_692 : vector<16xf32>
      %swap3A_694 = arith.index_cast %scan3A_56 : i32 to index
      %swap3A_695 = arith.constant 720 : index
      %swap3A_696 = tpu.vector_load %arg9[%swap3A_694, %swap3A_695] {strides = array<i32>} : memref<64x768xf32, #tpu.memory_space<vmem>>, vector<1x16xf32>,
      %swap3A_697 = vector.shape_cast %swap3A_696 : vector<1x16xf32> to vector<16xf32>
      %swap3A_698 = vector.shape_cast %add3A_693 : vector<16xf32> to vector<1x16xf32>
      tpu.vector_store %arg9[%swap3A_694, %swap3A_695], %swap3A_698 {strides = array<i32>} : memref<64x768xf32, #tpu.memory_space<vmem>>, vector<1x16xf32>,
      %get3A_699 = arith.index_cast %scan3A_56 : i32 to index
      %get3A_700 = arith.constant 736 : index
      %get3A_701 = tpu.vector_load %arg9[%get3A_699, %get3A_700] {strides = array<i32>} : memref<64x768xf32, #tpu.memory_space<vmem>>, vector<1x16xf32>,
      %get3A_702 = vector.shape_cast %get3A_701 : vector<1x16xf32> to vector<16xf32>
      %get3A_703 = arith.index_cast %scan3A_56 : i32 to index
      %get3A_704 = arith.constant 736 : index
      %get3A_705 = tpu.vector_load %arg10[%get3A_703, %get3A_704] {strides = array<i32>} : memref<64x768xf32, #tpu.memory_space<vmem>>, vector<1x16xf32>,
      %get3A_706 = vector.shape_cast %get3A_705 : vector<1x16xf32> to vector<16xf32>
      %add3A_707 = arith.addf %get3A_702, %get3A_706 : vector<16xf32>
      %swap3A_708 = arith.index_cast %scan3A_56 : i32 to index
      %swap3A_709 = arith.constant 736 : index
      %swap3A_710 = tpu.vector_load %arg9[%swap3A_708, %swap3A_709] {strides = array<i32>} : memref<64x768xf32, #tpu.memory_space<vmem>>, vector<1x16xf32>,
      %swap3A_711 = vector.shape_cast %swap3A_710 : vector<1x16xf32> to vector<16xf32>
      %swap3A_712 = vector.shape_cast %add3A_707 : vector<16xf32> to vector<1x16xf32>
      tpu.vector_store %arg9[%swap3A_708, %swap3A_709], %swap3A_712 {strides = array<i32>} : memref<64x768xf32, #tpu.memory_space<vmem>>, vector<1x16xf32>,
      %get3A_713 = arith.index_cast %scan3A_56 : i32 to index
      %get3A_714 = arith.constant 752 : index
      %get3A_715 = tpu.vector_load %arg9[%get3A_713, %get3A_714] {strides = array<i32>} : memref<64x768xf32, #tpu.memory_space<vmem>>, vector<1x16xf32>,
      %get3A_716 = vector.shape_cast %get3A_715 : vector<1x16xf32> to vector<16xf32>
      %get3A_717 = arith.index_cast %scan3A_56 : i32 to index
      %get3A_718 = arith.constant 752 : index
      %get3A_719 = tpu.vector_load %arg10[%get3A_717, %get3A_718] {strides = array<i32>} : memref<64x768xf32, #tpu.memory_space<vmem>>, vector<1x16xf32>,
      %get3A_720 = vector.shape_cast %get3A_719 : vector<1x16xf32> to vector<16xf32>
      %add3A_721 = arith.addf %get3A_716, %get3A_720 : vector<16xf32>
      %swap3A_722 = arith.index_cast %scan3A_56 : i32 to index
      %swap3A_723 = arith.constant 752 : index
      %swap3A_724 = tpu.vector_load %arg9[%swap3A_722, %swap3A_723] {strides = array<i32>} : memref<64x768xf32, #tpu.memory_space<vmem>>, vector<1x16xf32>,
      %swap3A_725 = vector.shape_cast %swap3A_724 : vector<1x16xf32> to vector<16xf32>
      %swap3A_726 = vector.shape_cast %add3A_721 : vector<16xf32> to vector<1x16xf32>
      tpu.vector_store %arg9[%swap3A_722, %swap3A_723], %swap3A_726 {strides = array<i32>} : memref<64x768xf32, #tpu.memory_space<vmem>>, vector<1x16xf32>,
    }
    %scan3A_53 = arith.constant 64 : i32
    %add3A_54 = arith.constant 64 : i32
    %add3A_55 = arith.addi %mul3A_2, %add3A_54 : i32
    "tpu.region"() ({
      %run_scoped3A = tpu.sem_alloc : memref<!tpu.dma_semaphore, #tpu.memory_space<semaphore_mem>>
      %dma_start3A_56 = arith.constant 0 : i32
      %dma_start3A_57 = tpu.memref_slice %arg6[%add3A_55, %dma_start3A_56] : memref<4096x768xf32, #tpu.memory_space<hbm>> -> memref<64x768xf32, #tpu.memory_space<hbm>>
      %dma_start3A_58 = arith.constant 0 : i32
      %dma_start3A_59 = tpu.memref_slice %arg6[%add3A_55, %dma_start3A_58] : memref<4096x768xf32, #tpu.memory_space<hbm>> -> memref<64x768xf32, #tpu.memory_space<hbm>>
      tpu.enqueue_dma source(%arg9 : memref<64x768xf32, #tpu.memory_space<vmem>>) target(%dma_start3A_59 : memref<64x768xf32, #tpu.memory_space<hbm>>) target_semaphore(%run_scoped3A : memref<!tpu.dma_semaphore, #tpu.memory_space<semaphore_mem>>)
      %dma_wait3A_60 = arith.constant 0 : i32
      %dma_wait3A_61 = tpu.memref_slice %arg6[%add3A_55, %dma_wait3A_60] : memref<4096x768xf32, #tpu.memory_space<hbm>> -> memref<64x768xf32, #tpu.memory_space<hbm>>
      %dma_wait3A_62 = arith.constant 0 : i32
      %dma_wait3A_63 = tpu.memref_slice %arg6[%add3A_55, %dma_wait3A_62] : memref<4096x768xf32, #tpu.memory_space<hbm>> -> memref<64x768xf32, #tpu.memory_space<hbm>>
      tpu.wait_dma2 semaphore(%run_scoped3A : memref<!tpu.dma_semaphore, #tpu.memory_space<semaphore_mem>>) src(%arg9 : memref<64x768xf32, #tpu.memory_space<vmem>>) dst(%dma_wait3A_63 : memref<64x768xf32, #tpu.memory_space<hbm>>)
      tpu.yield
    }) : () -> ()
    return
  }
}

module attributes {stable_mosaic.version = 14 : i64} {
  func.func @_sort_body(%arg0: i32, %arg1: i32, %arg2: memref<1x768x16xf32, #tpu.memory_space<vmem>>, %arg3: memref<1x2048x768xf32, #tpu.memory_space<vmem>>, %arg4: memref<1x1x2048x1xi32, #tpu.memory_space<vmem>>, %arg5: memref<1x1x1x32xf32, #tpu.memory_space<vmem>>, %arg6: memref<1x1x32x1xf32, #tpu.memory_space<vmem>>, %arg7: memref<2048x1xf32, #tpu.memory_space<vmem>>, %arg8: memref<2048x32xf32, #tpu.memory_space<vmem>>) attributes {dimension_semantics = [#tpu.dimension_semantics<arbitrary>, #tpu.dimension_semantics<arbitrary>], iteration_bounds = array<i64: 2, 2>, scalar_prefetch = 0 : i64, scratch_operands = 2 : i64, tpu.core_type = #tpu.core_type<tc>, window_params = [{transform_indices = @transform_0, window_bounds = array<i64: 1, 768, 16>}, {transform_indices = @transform_1, window_bounds = array<i64: 1, 2048, 768>}, {transform_indices = @transform_2, window_bounds = array<i64: 1, 1, 2048, 1>}, {transform_indices = @transform_3, window_bounds = array<i64: 1, 1, 1, 32>}, {transform_indices = @transform_4, window_bounds = array<i64: 1, 1, 32, 1>}]} {
    %get3A = arith.constant 0 : index
    %get3A_0 = arith.constant 0 : index
    %get3A_1 = arith.constant 0 : index
    %get3A_2 = vector.load %arg2[%get3A, %get3A_0, %get3A_1] : memref<1x768x16xf32, #tpu.memory_space<vmem>>, vector<1x768x16xf32>
    %get3A_3 = vector.shape_cast %get3A_2 : vector<1x768x16xf32> to vector<768x16xf32>
    %iota3A = tpu.iota {dimensions = array<i32: 1>} : vector<128x32xi32>
    %convert_element_type3A = arith.sitofp %iota3A : vector<128x32xi32> to vector<128x32xf32>
    %scan3A = arith.constant 0 : i32
    %scan3A_4 = arith.constant 16 : i32
    %scan3A_5 = arith.addi %scan3A, %scan3A_4 : i32
    %scan3A_6 = arith.constant 1 : i32
    scf.for %scan3A_55 = %scan3A to %scan3A_5 step %scan3A_6  : i32 {
      %mul3A_56 = arith.constant 128 : i32
      %mul3A_57 = arith.muli %scan3A_55, %mul3A_56 : i32
      %get3A_58 = arith.constant 0 : index
      %get3A_59 = arith.index_cast %mul3A_57 : i32 to index
      %get3A_60 = arith.constant 0 : index
      %get3A_61 = vector.load %arg3[%get3A_58, %get3A_59, %get3A_60] : memref<1x2048x768xf32, #tpu.memory_space<vmem>>, vector<1x128x768xf32>
      %get3A_62 = vector.shape_cast %get3A_61 : vector<1x128x768xf32> to vector<128x768xf32>
      %dot_general3A_63 = arith.constant dense<0.000000e+00> : vector<128x16xf32>
      %dot_general3A_64 = tpu.matmul %get3A_62, %get3A_3, %dot_general3A_63 {dimension_numbers = #tpu.dot_dimension_numbers<[1], [0], [0], [1], [0, 0, 1, 1], [], []>, transpose_lhs_hint = false} : vector<128x768xf32>, vector<768x16xf32>, vector<128x16xf32> -> vector<128x16xf32>
      %neg3A = arith.constant 0.000000e+00 : f32
      %neg3A_65 = vector.broadcast %neg3A : f32 to vector<128x16xf32>
      %neg3A_66 = arith.subf %neg3A_65, %dot_general3A_64 : vector<128x16xf32>
      %concatenate3A = tpu.concatenate %dot_general3A_64, %neg3A_66 in 1 : vector<128x16xf32>, vector<128x16xf32> -> vector<128x32xf32>
      %reduce_max3A = arith.constant dense<0xFF800000> : vector<128xf32>
      %reduce_max3A_67 = vector.multi_reduction <maximumf>, %concatenate3A, %reduce_max3A [1] : vector<128x32xf32> to vector<128xf32>
      %broadcast_in_dim3A_68 = vector.shape_cast %reduce_max3A_67 : vector<128xf32> to vector<128x1xf32>
      %eq3A = vector.broadcast %broadcast_in_dim3A_68 : vector<128x1xf32> to vector<128x32xf32>
      %eq3A_69 = arith.cmpf oeq, %concatenate3A, %eq3A : vector<128x32xf32>
      %jit3A = arith.constant 1.000000e+09 : f32
      %broadcast_in_dim3A_70 = vector.broadcast %jit3A : f32 to vector<128x32xf32>
      %select_n3A = arith.select %eq3A_69, %convert_element_type3A, %broadcast_in_dim3A_70 : vector<128x32xi1>, vector<128x32xf32>
      %reduce_min3A = arith.constant dense<0x7F800000> : vector<128xf32>
      %reduce_min3A_71 = vector.multi_reduction <minimumf>, %select_n3A, %reduce_min3A [1] : vector<128x32xf32> to vector<128xf32>
      %broadcast_in_dim3A_72 = vector.shape_cast %reduce_min3A_71 : vector<128xf32> to vector<128x1xf32>
      %eq3A_73 = vector.broadcast %broadcast_in_dim3A_72 : vector<128x1xf32> to vector<128x32xf32>
      %eq3A_74 = arith.cmpf oeq, %convert_element_type3A, %eq3A_73 : vector<128x32xf32>
      %convert_element_type3A_75 = arith.extui %eq3A_74 : vector<128x32xi1> to vector<128x32xi32>
      %convert_element_type3A_76 = arith.sitofp %convert_element_type3A_75 : vector<128x32xi32> to vector<128x32xf32>
      %mul3A_77 = arith.constant 128 : i32
      %mul3A_78 = arith.muli %scan3A_55, %mul3A_77 : i32
      %swap3A_79 = arith.index_cast %mul3A_78 : i32 to index
      %swap3A_80 = arith.constant 0 : index
      %swap3A_81 = vector.load %arg8[%swap3A_79, %swap3A_80] : memref<2048x32xf32, #tpu.memory_space<vmem>>, vector<128x32xf32>
      tpu.vector_store %arg8[%swap3A_79, %swap3A_80], %convert_element_type3A_76 {strides = array<i32>} : memref<2048x32xf32, #tpu.memory_space<vmem>>, vector<128x32xf32>,
    }
    %scan3A_7 = arith.constant 16 : i32
    %get3A_8 = arith.constant 0 : index
    %get3A_9 = arith.constant 0 : index
    %get3A_10 = vector.load %arg8[%get3A_8, %get3A_9] : memref<2048x32xf32, #tpu.memory_space<vmem>>, vector<2048x32xf32>
    %reduce_sum3A = arith.constant dense<0.000000e+00> : vector<32xf32>
    %reduce_sum3A_11 = vector.multi_reduction <add>, %get3A_10, %reduce_sum3A [0] : vector<2048x32xf32> to vector<32xf32>
    %broadcast_in_dim3A = vector.shape_cast %reduce_sum3A_11 : vector<32xf32> to vector<1x32xf32>
    %iota3A_12 = tpu.iota {dimensions = array<i32: 0>} : vector<32x32xi32>
    %convert_element_type3A_13 = arith.sitofp %iota3A_12 : vector<32x32xi32> to vector<32x32xf32>
    %iota3A_14 = tpu.iota {dimensions = array<i32: 1>} : vector<32x32xi32>
    %convert_element_type3A_15 = arith.sitofp %iota3A_14 : vector<32x32xi32> to vector<32x32xf32>
    %lt3A = arith.cmpf olt, %convert_element_type3A_13, %convert_element_type3A_15 : vector<32x32xf32>
    %convert_element_type3A_16 = arith.extui %lt3A : vector<32x32xi1> to vector<32x32xi32>
    %convert_element_type3A_17 = arith.sitofp %convert_element_type3A_16 : vector<32x32xi32> to vector<32x32xf32>
    %dot_general3A = arith.constant dense<0.000000e+00> : vector<1x32xf32>
    %dot_general3A_18 = tpu.matmul %broadcast_in_dim3A, %convert_element_type3A_17, %dot_general3A {dimension_numbers = #tpu.dot_dimension_numbers<[1], [0], [0], [1], [0, 0, 1, 1], [], []>, precision = #tpu.contract_precision<fp32>, transpose_lhs_hint = false} : vector<1x32xf32>, vector<32x32xf32>, vector<1x32xf32> -> vector<1x32xf32>
    %swap3A = arith.constant 0 : index
    %swap3A_19 = arith.constant 0 : index
    %swap3A_20 = arith.constant 0 : index
    %swap3A_21 = arith.constant 0 : index
    %swap3A_22 = vector.load %arg5[%swap3A, %swap3A_19, %swap3A_20, %swap3A_21] : memref<1x1x1x32xf32, #tpu.memory_space<vmem>>, vector<1x1x1x32xf32>
    %swap3A_23 = vector.shape_cast %swap3A_22 : vector<1x1x1x32xf32> to vector<1x32xf32>
    %swap3A_24 = vector.shape_cast %dot_general3A_18 : vector<1x32xf32> to vector<1x1x1x32xf32>
    tpu.vector_store %arg5[%swap3A, %swap3A_19, %swap3A_20, %swap3A_21], %swap3A_24 {strides = array<i32>} : memref<1x1x1x32xf32, #tpu.memory_space<vmem>>, vector<1x1x1x32xf32>,
    %broadcast_in_dim3A_25 = arith.constant 1.000000e+00 : f32
    %broadcast_in_dim3A_26 = vector.broadcast %broadcast_in_dim3A_25 : f32 to vector<2048x1xf32>
    %dot_general3A_27 = arith.constant dense<0.000000e+00> : vector<32x1xf32>
    %dot_general3A_28 = tpu.matmul %get3A_10, %broadcast_in_dim3A_26, %dot_general3A_27 {dimension_numbers = #tpu.dot_dimension_numbers<[0], [0], [1], [1], [0, 1, 1, 1], [], []>, precision = #tpu.contract_precision<fp32>, transpose_lhs_hint = false} : vector<2048x32xf32>, vector<2048x1xf32>, vector<32x1xf32> -> vector<32x1xf32>
    %dot_general3A_29 = arith.constant dense<0.000000e+00> : vector<32x1xf32>
    %dot_general3A_30 = tpu.matmul %convert_element_type3A_17, %dot_general3A_28, %dot_general3A_29 {dimension_numbers = #tpu.dot_dimension_numbers<[0], [0], [1], [1], [0, 1, 1, 1], [], []>, precision = #tpu.contract_precision<fp32>, transpose_lhs_hint = false} : vector<32x32xf32>, vector<32x1xf32>, vector<32x1xf32> -> vector<32x1xf32>
    %swap3A_31 = arith.constant 0 : index
    %swap3A_32 = arith.constant 0 : index
    %swap3A_33 = arith.constant 0 : index
    %swap3A_34 = arith.constant 0 : index
    %swap3A_35 = vector.load %arg6[%swap3A_31, %swap3A_32, %swap3A_33, %swap3A_34] : memref<1x1x32x1xf32, #tpu.memory_space<vmem>>, vector<1x1x32x1xf32>
    %swap3A_36 = vector.shape_cast %swap3A_35 : vector<1x1x32x1xf32> to vector<32x1xf32>
    %swap3A_37 = vector.shape_cast %dot_general3A_30 : vector<32x1xf32> to vector<1x1x32x1xf32>
    tpu.vector_store %arg6[%swap3A_31, %swap3A_32, %swap3A_33, %swap3A_34], %swap3A_37 {strides = array<i32>} : memref<1x1x32x1xf32, #tpu.memory_space<vmem>>, vector<1x1x32x1xf32>,
    %iota3A_38 = tpu.iota {dimensions = array<i32: 1>} : vector<128x128xi32>
    %convert_element_type3A_39 = arith.sitofp %iota3A_38 : vector<128x128xi32> to vector<128x128xf32>
    %iota3A_40 = tpu.iota {dimensions = array<i32: 0>} : vector<128x128xi32>
    %convert_element_type3A_41 = arith.sitofp %iota3A_40 : vector<128x128xi32> to vector<128x128xf32>
    %lt3A_42 = arith.cmpf olt, %convert_element_type3A_39, %convert_element_type3A_41 : vector<128x128xf32>
    %convert_element_type3A_43 = arith.extui %lt3A_42 : vector<128x128xi1> to vector<128x128xi32>
    %convert_element_type3A_44 = arith.sitofp %convert_element_type3A_43 : vector<128x128xi32> to vector<128x128xf32>
    %mul3A = arith.constant 2048 : i32
    %mul3A_45 = arith.muli %arg0, %mul3A : i32
    %convert_element_type3A_46 = arith.sitofp %mul3A_45 : i32 to f32
    %broadcast_in_dim3A_47 = arith.constant 0.000000e+00 : f32
    %broadcast_in_dim3A_48 = vector.broadcast %broadcast_in_dim3A_47 : f32 to vector<1x32xf32>
    %scan3A_49 = arith.constant 0 : i32
    %scan3A_50 = arith.constant 16 : i32
    %scan3A_51 = arith.addi %scan3A_49, %scan3A_50 : i32
    %scan3A_52 = arith.constant 1 : i32
    %scan3A_53 = scf.for %scan3A_55 = %scan3A_49 to %scan3A_51 step %scan3A_52 iter_args(%scan3A_56 = %broadcast_in_dim3A_48) -> (vector<1x32xf32>)  : i32 {
      %mul3A_57 = arith.constant 128 : i32
      %mul3A_58 = arith.muli %scan3A_55, %mul3A_57 : i32
      %get3A_59 = arith.index_cast %mul3A_58 : i32 to index
      %get3A_60 = arith.constant 0 : index
      %get3A_61 = vector.load %arg8[%get3A_59, %get3A_60] : memref<2048x32xf32, #tpu.memory_space<vmem>>, vector<128x32xf32>
      %dot_general3A_62 = arith.constant dense<0.000000e+00> : vector<128x32xf32>
      %dot_general3A_63 = tpu.matmul %convert_element_type3A_44, %get3A_61, %dot_general3A_62 {dimension_numbers = #tpu.dot_dimension_numbers<[1], [0], [0], [1], [0, 0, 1, 1], [], []>, transpose_lhs_hint = false} : vector<128x128xf32>, vector<128x32xf32>, vector<128x32xf32> -> vector<128x32xf32>
      %add3A = vector.broadcast %scan3A_56 : vector<1x32xf32> to vector<128x32xf32>
      %add3A_64 = arith.addf %dot_general3A_63, %add3A : vector<128x32xf32>
      %add3A_65 = vector.broadcast %dot_general3A_18 : vector<1x32xf32> to vector<128x32xf32>
      %add3A_66 = arith.addf %add3A_64, %add3A_65 : vector<128x32xf32>
      %mul3A_67 = arith.mulf %add3A_66, %get3A_61 : vector<128x32xf32>
      %reduce_sum3A_68 = arith.constant dense<0.000000e+00> : vector<128xf32>
      %reduce_sum3A_69 = vector.multi_reduction <add>, %mul3A_67, %reduce_sum3A_68 [1] : vector<128x32xf32> to vector<128xf32>
      %broadcast_in_dim3A_70 = vector.shape_cast %reduce_sum3A_69 : vector<128xf32> to vector<128x1xf32>
      %mul3A_71 = arith.constant 128 : i32
      %mul3A_72 = arith.muli %scan3A_55, %mul3A_71 : i32
      %swap3A_73 = arith.index_cast %mul3A_72 : i32 to index
      %swap3A_74 = arith.constant 0 : index
      %swap3A_75 = vector.load %arg7[%swap3A_73, %swap3A_74] : memref<2048x1xf32, #tpu.memory_space<vmem>>, vector<128x1xf32>
      tpu.vector_store %arg7[%swap3A_73, %swap3A_74], %broadcast_in_dim3A_70 {strides = array<i32>} : memref<2048x1xf32, #tpu.memory_space<vmem>>, vector<128x1xf32>,
      %add3A_76 = vector.broadcast %convert_element_type3A_46 : f32 to vector<128x1xf32>
      %add3A_77 = arith.addf %broadcast_in_dim3A_70, %add3A_76 : vector<128x1xf32>
      %convert_element_type3A_78 = arith.fptosi %add3A_77 : vector<128x1xf32> to vector<128x1xi32>
      %mul3A_79 = arith.constant 128 : i32
      %mul3A_80 = arith.muli %scan3A_55, %mul3A_79 : i32
      %swap3A_81 = arith.constant 0 : index
      %swap3A_82 = arith.constant 0 : index
      %swap3A_83 = arith.index_cast %mul3A_80 : i32 to index
      %swap3A_84 = arith.constant 0 : index
      %swap3A_85 = vector.load %arg4[%swap3A_81, %swap3A_82, %swap3A_83, %swap3A_84] : memref<1x1x2048x1xi32, #tpu.memory_space<vmem>>, vector<1x1x128x1xi32>
      %swap3A_86 = vector.shape_cast %swap3A_85 : vector<1x1x128x1xi32> to vector<128x1xi32>
      %swap3A_87 = vector.shape_cast %convert_element_type3A_78 : vector<128x1xi32> to vector<1x1x128x1xi32>
      tpu.vector_store %arg4[%swap3A_81, %swap3A_82, %swap3A_83, %swap3A_84], %swap3A_87 {strides = array<i32>} : memref<1x1x2048x1xi32, #tpu.memory_space<vmem>>, vector<1x1x128x1xi32>,
      %reduce_sum3A_88 = arith.constant dense<0.000000e+00> : vector<32xf32>
      %reduce_sum3A_89 = vector.multi_reduction <add>, %get3A_61, %reduce_sum3A_88 [0] : vector<128x32xf32> to vector<32xf32>
      %broadcast_in_dim3A_90 = vector.shape_cast %reduce_sum3A_89 : vector<32xf32> to vector<1x32xf32>
      %add3A_91 = arith.addf %scan3A_56, %broadcast_in_dim3A_90 : vector<1x32xf32>
      scf.yield %add3A_91 : vector<1x32xf32>
    }
    %scan3A_54 = arith.constant 16 : i32
    return
  }
  func.func @transform_0(%arg0: i32, %arg1: i32) -> (i32, i32, i32) {
    %c0_i32 = arith.constant 0 : i32
    %c0_i32_0 = arith.constant 0 : i32
    %c0_i32_1 = arith.constant 0 : i32
    return %arg1, %c0_i32, %c0_i32_0 : i32, i32, i32
  }
  func.func @transform_1(%arg0: i32, %arg1: i32) -> (i32, i32, i32) {
    %c0_i32 = arith.constant 0 : i32
    %c0_i32_0 = arith.constant 0 : i32
    %c0_i32_1 = arith.constant 0 : i32
    return %arg0, %c0_i32, %c0_i32_0 : i32, i32, i32
  }
  func.func @transform_2(%arg0: i32, %arg1: i32) -> (i32, i32, i32, i32) {
    %c0_i32 = arith.constant 0 : i32
    %c0_i32_0 = arith.constant 0 : i32
    %c0_i32_1 = arith.constant 0 : i32
    return %arg1, %arg0, %c0_i32, %c0_i32_0 : i32, i32, i32, i32
  }
  func.func @transform_3(%arg0: i32, %arg1: i32) -> (i32, i32, i32, i32) {
    %c0_i32 = arith.constant 0 : i32
    %c0_i32_0 = arith.constant 0 : i32
    %c0_i32_1 = arith.constant 0 : i32
    return %arg1, %arg0, %c0_i32, %c0_i32_0 : i32, i32, i32, i32
  }
  func.func @transform_4(%arg0: i32, %arg1: i32) -> (i32, i32, i32, i32) {
    %c0_i32 = arith.constant 0 : i32
    %c0_i32_0 = arith.constant 0 : i32
    %c0_i32_1 = arith.constant 0 : i32
    return %arg1, %arg0, %c0_i32, %c0_i32_0 : i32, i32, i32, i32
  }
}

module attributes {stable_mosaic.version = 14 : i64} {
  func.func @_attn_body(%arg0: i32, %arg1: i32, %arg2: memref<1x1x128x768xf32, #tpu.memory_space<vmem>>, %arg3: memref<1x1x128x768xf32, #tpu.memory_space<vmem>>, %arg4: memref<1x1x128x768xf32, #tpu.memory_space<vmem>>, %arg5: memref<1x1x128x768xf32, #tpu.memory_space<vmem>>, %arg6: memref<1x1x128x768xf32, #tpu.memory_space<vmem>>, %arg7: memref<1x1x32xf32, #tpu.memory_space<vmem>>, %arg8: memref<1x32x1xf32, #tpu.memory_space<vmem>>, %arg9: memref<1x1x128x768xf32, #tpu.memory_space<vmem>>) attributes {dimension_semantics = [#tpu.dimension_semantics<arbitrary>, #tpu.dimension_semantics<arbitrary>], iteration_bounds = array<i64: 2, 16>, scalar_prefetch = 0 : i64, scratch_operands = 0 : i64, tpu.core_type = #tpu.core_type<tc>, window_params = [{transform_indices = @transform_0, window_bounds = array<i64: 1, 1, 128, 768>}, {transform_indices = @transform_1, window_bounds = array<i64: 1, 1, 128, 768>}, {transform_indices = @transform_2, window_bounds = array<i64: 1, 1, 128, 768>}, {transform_indices = @transform_3, window_bounds = array<i64: 1, 1, 128, 768>}, {transform_indices = @transform_4, window_bounds = array<i64: 1, 1, 128, 768>}, {transform_indices = @transform_5, window_bounds = array<i64: 1, 1, 32>}, {transform_indices = @transform_6, window_bounds = array<i64: 1, 32, 1>}, {transform_indices = @transform_7, window_bounds = array<i64: 1, 1, 128, 768>}]} {
    %get3A = arith.constant 0 : index
    %get3A_0 = arith.constant 0 : index
    %get3A_1 = arith.constant 0 : index
    %get3A_2 = arith.constant 0 : index
    %get3A_3 = vector.load %arg2[%get3A, %get3A_0, %get3A_1, %get3A_2] : memref<1x1x128x768xf32, #tpu.memory_space<vmem>>, vector<1x1x128x768xf32>
    %get3A_4 = vector.shape_cast %get3A_3 : vector<1x1x128x768xf32> to vector<128x768xf32>
    %get3A_5 = arith.constant 0 : index
    %get3A_6 = arith.constant 0 : index
    %get3A_7 = arith.constant 64 : index
    %get3A_8 = arith.constant 0 : index
    %get3A_9 = vector.load %arg4[%get3A_5, %get3A_6, %get3A_7, %get3A_8] : memref<1x1x128x768xf32, #tpu.memory_space<vmem>>, vector<1x1x64x768xf32>
    %get3A_10 = vector.shape_cast %get3A_9 : vector<1x1x64x768xf32> to vector<64x768xf32>
    %get3A_11 = arith.constant 0 : index
    %get3A_12 = arith.constant 0 : index
    %get3A_13 = arith.constant 0 : index
    %get3A_14 = arith.constant 0 : index
    %get3A_15 = vector.load %arg3[%get3A_11, %get3A_12, %get3A_13, %get3A_14] : memref<1x1x128x768xf32, #tpu.memory_space<vmem>>, vector<1x1x128x768xf32>
    %get3A_16 = vector.shape_cast %get3A_15 : vector<1x1x128x768xf32> to vector<128x768xf32>
    %concatenate3A = tpu.concatenate %get3A_10, %get3A_16 in 0 : vector<64x768xf32>, vector<128x768xf32> -> vector<192x768xf32>
    %get3A_17 = arith.constant 0 : index
    %get3A_18 = arith.constant 0 : index
    %get3A_19 = arith.constant 64 : index
    %get3A_20 = arith.constant 0 : index
    %get3A_21 = vector.load %arg6[%get3A_17, %get3A_18, %get3A_19, %get3A_20] : memref<1x1x128x768xf32, #tpu.memory_space<vmem>>, vector<1x1x64x768xf32>
    %get3A_22 = vector.shape_cast %get3A_21 : vector<1x1x64x768xf32> to vector<64x768xf32>
    %get3A_23 = arith.constant 0 : index
    %get3A_24 = arith.constant 0 : index
    %get3A_25 = arith.constant 0 : index
    %get3A_26 = arith.constant 0 : index
    %get3A_27 = vector.load %arg5[%get3A_23, %get3A_24, %get3A_25, %get3A_26] : memref<1x1x128x768xf32, #tpu.memory_space<vmem>>, vector<1x1x128x768xf32>
    %get3A_28 = vector.shape_cast %get3A_27 : vector<1x1x128x768xf32> to vector<128x768xf32>
    %concatenate3A_29 = tpu.concatenate %get3A_22, %get3A_28 in 0 : vector<64x768xf32>, vector<128x768xf32> -> vector<192x768xf32>
    %mul3A = arith.constant 2 : i32
    %mul3A_30 = arith.muli %arg1, %mul3A : i32
    %mul3A_31 = arith.constant 64 : i32
    %mul3A_32 = arith.muli %mul3A_30, %mul3A_31 : i32
    %convert_element_type3A = arith.sitofp %mul3A_32 : i32 to f32
    %iota3A = tpu.iota {dimensions = array<i32: 0>} : vector<128x1xi32>
    %convert_element_type3A_33 = arith.sitofp %iota3A : vector<128x1xi32> to vector<128x1xf32>
    %add3A = vector.broadcast %convert_element_type3A : f32 to vector<128x1xf32>
    %add3A_34 = arith.addf %add3A, %convert_element_type3A_33 : vector<128x1xf32>
    %get3A_35 = arith.constant 0 : index
    %get3A_36 = arith.constant 0 : index
    %get3A_37 = arith.constant 0 : index
    %get3A_38 = vector.load %arg7[%get3A_35, %get3A_36, %get3A_37] : memref<1x1x32xf32, #tpu.memory_space<vmem>>, vector<1x1x32xf32>
    %get3A_39 = vector.shape_cast %get3A_38 : vector<1x1x32xf32> to vector<1x32xf32>
    %ge3A = vector.broadcast %add3A_34 : vector<128x1xf32> to vector<128x32xf32>
    %ge3A_40 = vector.broadcast %get3A_39 : vector<1x32xf32> to vector<128x32xf32>
    %ge3A_41 = arith.cmpf oge, %ge3A, %ge3A_40 : vector<128x32xf32>
    %convert_element_type3A_42 = arith.extui %ge3A_41 : vector<128x32xi1> to vector<128x32xi32>
    %convert_element_type3A_43 = arith.sitofp %convert_element_type3A_42 : vector<128x32xi32> to vector<128x32xf32>
    %reduce_sum3A = arith.constant dense<0.000000e+00> : vector<128xf32>
    %reduce_sum3A_44 = vector.multi_reduction <add>, %convert_element_type3A_43, %reduce_sum3A [1] : vector<128x32xf32> to vector<128xf32>
    %broadcast_in_dim3A = vector.shape_cast %reduce_sum3A_44 : vector<128xf32> to vector<128x1xf32>
    %iota3A_45 = tpu.iota {dimensions = array<i32: 1>} : vector<1x192xi32>
    %convert_element_type3A_46 = arith.sitofp %iota3A_45 : vector<1x192xi32> to vector<1x192xf32>
    %sub3A = arith.constant 6.400000e+01 : f32
    %sub3A_47 = arith.subf %convert_element_type3A, %sub3A : f32
    %add3A_48 = vector.broadcast %sub3A_47 : f32 to vector<1x192xf32>
    %add3A_49 = arith.addf %add3A_48, %convert_element_type3A_46 : vector<1x192xf32>
    %lt3A = arith.constant 0.000000e+00 : f32
    %lt3A_50 = vector.broadcast %lt3A : f32 to vector<1x192xf32>
    %lt3A_51 = arith.cmpf olt, %add3A_49, %lt3A_50 : vector<1x192xf32>
    %add3A_52 = arith.constant 2.048000e+03 : f32
    %add3A_53 = vector.broadcast %add3A_52 : f32 to vector<1x192xf32>
    %add3A_54 = arith.addf %add3A_49, %add3A_53 : vector<1x192xf32>
    %select_n3A = arith.select %lt3A_51, %add3A_54, %add3A_49 : vector<1x192xi1>, vector<1x192xf32>
    %get3A_55 = arith.constant 0 : index
    %get3A_56 = arith.constant 0 : index
    %get3A_57 = arith.constant 0 : index
    %get3A_58 = vector.load %arg8[%get3A_55, %get3A_56, %get3A_57] : memref<1x32x1xf32, #tpu.memory_space<vmem>>, vector<1x32x1xf32>
    %get3A_59 = vector.shape_cast %get3A_58 : vector<1x32x1xf32> to vector<32x1xf32>
    %ge3A_60 = vector.broadcast %select_n3A : vector<1x192xf32> to vector<32x192xf32>
    %ge3A_61 = vector.broadcast %get3A_59 : vector<32x1xf32> to vector<32x192xf32>
    %ge3A_62 = arith.cmpf oge, %ge3A_60, %ge3A_61 : vector<32x192xf32>
    %convert_element_type3A_63 = arith.extui %ge3A_62 : vector<32x192xi1> to vector<32x192xi32>
    %convert_element_type3A_64 = arith.sitofp %convert_element_type3A_63 : vector<32x192xi32> to vector<32x192xf32>
    %reduce_sum3A_65 = arith.constant dense<0.000000e+00> : vector<192xf32>
    %reduce_sum3A_66 = vector.multi_reduction <add>, %convert_element_type3A_64, %reduce_sum3A_65 [0] : vector<32x192xf32> to vector<192xf32>
    %broadcast_in_dim3A_67 = vector.shape_cast %reduce_sum3A_66 : vector<192xf32> to vector<1x192xf32>
    %lt3A_68 = arith.constant 6.400000e+01 : f32
    %lt3A_69 = vector.broadcast %lt3A_68 : f32 to vector<128x1xf32>
    %lt3A_70 = arith.cmpf olt, %convert_element_type3A_33, %lt3A_69 : vector<128x1xf32>
    %lt3A_71 = arith.constant 1.280000e+02 : f32
    %lt3A_72 = vector.broadcast %lt3A_71 : f32 to vector<1x192xf32>
    %lt3A_73 = arith.cmpf olt, %convert_element_type3A_46, %lt3A_72 : vector<1x192xf32>
    %convert_element_type3A_74 = arith.extui %lt3A_73 : vector<1x192xi1> to vector<1x192xi32>
    %convert_element_type3A_75 = arith.sitofp %convert_element_type3A_74 : vector<1x192xi32> to vector<1x192xf32>
    %ge3A_76 = arith.constant 6.400000e+01 : f32
    %ge3A_77 = vector.broadcast %ge3A_76 : f32 to vector<1x192xf32>
    %ge3A_78 = arith.cmpf oge, %convert_element_type3A_46, %ge3A_77 : vector<1x192xf32>
    %convert_element_type3A_79 = arith.extui %ge3A_78 : vector<1x192xi1> to vector<1x192xi32>
    %convert_element_type3A_80 = arith.sitofp %convert_element_type3A_79 : vector<1x192xi32> to vector<1x192xf32>
    %broadcast_in_dim3A_81 = vector.shape_cast %lt3A_70 : vector<128x1xi1> to vector<128x1xi1>
    %broadcast_in_dim3A_82 = vector.broadcast %broadcast_in_dim3A_81 : vector<128x1xi1> to vector<128x192xi1>
    %broadcast_in_dim3A_83 = vector.shape_cast %convert_element_type3A_75 : vector<1x192xf32> to vector<1x192xf32>
    %broadcast_in_dim3A_84 = vector.broadcast %broadcast_in_dim3A_83 : vector<1x192xf32> to vector<128x192xf32>
    %broadcast_in_dim3A_85 = vector.shape_cast %convert_element_type3A_80 : vector<1x192xf32> to vector<1x192xf32>
    %broadcast_in_dim3A_86 = vector.broadcast %broadcast_in_dim3A_85 : vector<1x192xf32> to vector<128x192xf32>
    %select_n3A_87 = arith.select %broadcast_in_dim3A_82, %broadcast_in_dim3A_84, %broadcast_in_dim3A_86 : vector<128x192xi1>, vector<128x192xf32>
    %eq3A = vector.broadcast %broadcast_in_dim3A : vector<128x1xf32> to vector<128x192xf32>
    %eq3A_88 = vector.broadcast %broadcast_in_dim3A_67 : vector<1x192xf32> to vector<128x192xf32>
    %eq3A_89 = arith.cmpf oeq, %eq3A, %eq3A_88 : vector<128x192xf32>
    %convert_element_type3A_90 = arith.extui %eq3A_89 : vector<128x192xi1> to vector<128x192xi32>
    %convert_element_type3A_91 = arith.sitofp %convert_element_type3A_90 : vector<128x192xi32> to vector<128x192xf32>
    %mul3A_92 = arith.mulf %convert_element_type3A_91, %select_n3A_87 : vector<128x192xf32>
    %sub3A_93 = arith.constant 1.000000e+00 : f32
    %sub3A_94 = vector.broadcast %sub3A_93 : f32 to vector<128x192xf32>
    %sub3A_95 = arith.subf %sub3A_94, %mul3A_92 : vector<128x192xf32>
    %add3A_96 = arith.constant 6.400000e+01 : f32
    %add3A_97 = vector.broadcast %add3A_96 : f32 to vector<128x1xf32>
    %add3A_98 = arith.addf %convert_element_type3A_33, %add3A_97 : vector<128x1xf32>
    %eq3A_99 = vector.broadcast %convert_element_type3A_46 : vector<1x192xf32> to vector<128x192xf32>
    %eq3A_100 = vector.broadcast %add3A_98 : vector<128x1xf32> to vector<128x192xf32>
    %eq3A_101 = arith.cmpf oeq, %eq3A_99, %eq3A_100 : vector<128x192xf32>
    %convert_element_type3A_102 = arith.extui %eq3A_101 : vector<128x192xi1> to vector<128x192xi32>
    %convert_element_type3A_103 = arith.sitofp %convert_element_type3A_102 : vector<128x192xi32> to vector<128x192xf32>
    %mul3A_104 = arith.constant -9.99999986E+14 : f32
    %mul3A_105 = vector.broadcast %mul3A_104 : f32 to vector<128x192xf32>
    %mul3A_106 = arith.mulf %sub3A_95, %mul3A_105 : vector<128x192xf32>
    %mul3A_107 = arith.constant -1.000000e+05 : f32
    %mul3A_108 = vector.broadcast %mul3A_107 : f32 to vector<128x192xf32>
    %mul3A_109 = arith.mulf %convert_element_type3A_103, %mul3A_108 : vector<128x192xf32>
    %add3A_110 = arith.addf %mul3A_106, %mul3A_109 : vector<128x192xf32>
    %slice3A = vector.extract_strided_slice %get3A_4 {offsets = [0, 0], sizes = [128, 64], strides = [1, 1]} : vector<128x768xf32> to vector<128x64xf32>
    %slice3A_111 = vector.extract_strided_slice %concatenate3A {offsets = [0, 0], sizes = [192, 64], strides = [1, 1]} : vector<192x768xf32> to vector<192x64xf32>
    %dot_general3A = arith.constant dense<0.000000e+00> : vector<128x192xf32>
    %dot_general3A_112 = tpu.matmul %slice3A, %slice3A_111, %dot_general3A {dimension_numbers = #tpu.dot_dimension_numbers<[1], [1], [0], [0], [0, 0, 1, 0], [], []>, transpose_lhs_hint = false} : vector<128x64xf32>, vector<192x64xf32>, vector<128x192xf32> -> vector<128x192xf32>
    %mul3A_113 = arith.constant 1.250000e-01 : f32
    %mul3A_114 = vector.broadcast %mul3A_113 : f32 to vector<128x192xf32>
    %mul3A_115 = arith.mulf %dot_general3A_112, %mul3A_114 : vector<128x192xf32>
    %add3A_116 = arith.addf %mul3A_115, %add3A_110 : vector<128x192xf32>
    %reduce_max3A = arith.constant dense<0xFF800000> : vector<128xf32>
    %reduce_max3A_117 = vector.multi_reduction <maximumf>, %add3A_116, %reduce_max3A [1] : vector<128x192xf32> to vector<128xf32>
    %broadcast_in_dim3A_118 = vector.shape_cast %reduce_max3A_117 : vector<128xf32> to vector<128x1xf32>
    %sub3A_119 = vector.broadcast %broadcast_in_dim3A_118 : vector<128x1xf32> to vector<128x192xf32>
    %sub3A_120 = arith.subf %add3A_116, %sub3A_119 : vector<128x192xf32>
    %exp3A = math.exp %sub3A_120 : vector<128x192xf32>
    %reduce_sum3A_121 = arith.constant dense<0.000000e+00> : vector<128xf32>
    %reduce_sum3A_122 = vector.multi_reduction <add>, %exp3A, %reduce_sum3A_121 [1] : vector<128x192xf32> to vector<128xf32>
    %broadcast_in_dim3A_123 = vector.shape_cast %reduce_sum3A_122 : vector<128xf32> to vector<128x1xf32>
    %div3A = arith.constant 1.000000e+00 : f32
    %div3A_124 = vector.broadcast %div3A : f32 to vector<128x1xf32>
    %div3A_125 = arith.divf %div3A_124, %broadcast_in_dim3A_123 : vector<128x1xf32>
    %mul3A_126 = vector.broadcast %div3A_125 : vector<128x1xf32> to vector<128x192xf32>
    %mul3A_127 = arith.mulf %exp3A, %mul3A_126 : vector<128x192xf32>
    %slice3A_128 = vector.extract_strided_slice %get3A_4 {offsets = [0, 64], sizes = [128, 64], strides = [1, 1]} : vector<128x768xf32> to vector<128x64xf32>
    %slice3A_129 = vector.extract_strided_slice %concatenate3A {offsets = [0, 64], sizes = [192, 64], strides = [1, 1]} : vector<192x768xf32> to vector<192x64xf32>
    %dot_general3A_130 = arith.constant dense<0.000000e+00> : vector<128x192xf32>
    %dot_general3A_131 = tpu.matmul %slice3A_128, %slice3A_129, %dot_general3A_130 {dimension_numbers = #tpu.dot_dimension_numbers<[1], [1], [0], [0], [0, 0, 1, 0], [], []>, transpose_lhs_hint = false} : vector<128x64xf32>, vector<192x64xf32>, vector<128x192xf32> -> vector<128x192xf32>
    %mul3A_132 = arith.constant 1.250000e-01 : f32
    %mul3A_133 = vector.broadcast %mul3A_132 : f32 to vector<128x192xf32>
    %mul3A_134 = arith.mulf %dot_general3A_131, %mul3A_133 : vector<128x192xf32>
    %add3A_135 = arith.addf %mul3A_134, %add3A_110 : vector<128x192xf32>
    %reduce_max3A_136 = arith.constant dense<0xFF800000> : vector<128xf32>
    %reduce_max3A_137 = vector.multi_reduction <maximumf>, %add3A_135, %reduce_max3A_136 [1] : vector<128x192xf32> to vector<128xf32>
    %broadcast_in_dim3A_138 = vector.shape_cast %reduce_max3A_137 : vector<128xf32> to vector<128x1xf32>
    %sub3A_139 = vector.broadcast %broadcast_in_dim3A_138 : vector<128x1xf32> to vector<128x192xf32>
    %sub3A_140 = arith.subf %add3A_135, %sub3A_139 : vector<128x192xf32>
    %exp3A_141 = math.exp %sub3A_140 : vector<128x192xf32>
    %reduce_sum3A_142 = arith.constant dense<0.000000e+00> : vector<128xf32>
    %reduce_sum3A_143 = vector.multi_reduction <add>, %exp3A_141, %reduce_sum3A_142 [1] : vector<128x192xf32> to vector<128xf32>
    %broadcast_in_dim3A_144 = vector.shape_cast %reduce_sum3A_143 : vector<128xf32> to vector<128x1xf32>
    %div3A_145 = arith.constant 1.000000e+00 : f32
    %div3A_146 = vector.broadcast %div3A_145 : f32 to vector<128x1xf32>
    %div3A_147 = arith.divf %div3A_146, %broadcast_in_dim3A_144 : vector<128x1xf32>
    %mul3A_148 = vector.broadcast %div3A_147 : vector<128x1xf32> to vector<128x192xf32>
    %mul3A_149 = arith.mulf %exp3A_141, %mul3A_148 : vector<128x192xf32>
    %slice3A_150 = vector.extract_strided_slice %get3A_4 {offsets = [0, 128], sizes = [128, 64], strides = [1, 1]} : vector<128x768xf32> to vector<128x64xf32>
    %slice3A_151 = vector.extract_strided_slice %concatenate3A {offsets = [0, 128], sizes = [192, 64], strides = [1, 1]} : vector<192x768xf32> to vector<192x64xf32>
    %dot_general3A_152 = arith.constant dense<0.000000e+00> : vector<128x192xf32>
    %dot_general3A_153 = tpu.matmul %slice3A_150, %slice3A_151, %dot_general3A_152 {dimension_numbers = #tpu.dot_dimension_numbers<[1], [1], [0], [0], [0, 0, 1, 0], [], []>, transpose_lhs_hint = false} : vector<128x64xf32>, vector<192x64xf32>, vector<128x192xf32> -> vector<128x192xf32>
    %mul3A_154 = arith.constant 1.250000e-01 : f32
    %mul3A_155 = vector.broadcast %mul3A_154 : f32 to vector<128x192xf32>
    %mul3A_156 = arith.mulf %dot_general3A_153, %mul3A_155 : vector<128x192xf32>
    %add3A_157 = arith.addf %mul3A_156, %add3A_110 : vector<128x192xf32>
    %reduce_max3A_158 = arith.constant dense<0xFF800000> : vector<128xf32>
    %reduce_max3A_159 = vector.multi_reduction <maximumf>, %add3A_157, %reduce_max3A_158 [1] : vector<128x192xf32> to vector<128xf32>
    %broadcast_in_dim3A_160 = vector.shape_cast %reduce_max3A_159 : vector<128xf32> to vector<128x1xf32>
    %sub3A_161 = vector.broadcast %broadcast_in_dim3A_160 : vector<128x1xf32> to vector<128x192xf32>
    %sub3A_162 = arith.subf %add3A_157, %sub3A_161 : vector<128x192xf32>
    %exp3A_163 = math.exp %sub3A_162 : vector<128x192xf32>
    %reduce_sum3A_164 = arith.constant dense<0.000000e+00> : vector<128xf32>
    %reduce_sum3A_165 = vector.multi_reduction <add>, %exp3A_163, %reduce_sum3A_164 [1] : vector<128x192xf32> to vector<128xf32>
    %broadcast_in_dim3A_166 = vector.shape_cast %reduce_sum3A_165 : vector<128xf32> to vector<128x1xf32>
    %div3A_167 = arith.constant 1.000000e+00 : f32
    %div3A_168 = vector.broadcast %div3A_167 : f32 to vector<128x1xf32>
    %div3A_169 = arith.divf %div3A_168, %broadcast_in_dim3A_166 : vector<128x1xf32>
    %mul3A_170 = vector.broadcast %div3A_169 : vector<128x1xf32> to vector<128x192xf32>
    %mul3A_171 = arith.mulf %exp3A_163, %mul3A_170 : vector<128x192xf32>
    %slice3A_172 = vector.extract_strided_slice %get3A_4 {offsets = [0, 192], sizes = [128, 64], strides = [1, 1]} : vector<128x768xf32> to vector<128x64xf32>
    %slice3A_173 = vector.extract_strided_slice %concatenate3A {offsets = [0, 192], sizes = [192, 64], strides = [1, 1]} : vector<192x768xf32> to vector<192x64xf32>
    %dot_general3A_174 = arith.constant dense<0.000000e+00> : vector<128x192xf32>
    %dot_general3A_175 = tpu.matmul %slice3A_172, %slice3A_173, %dot_general3A_174 {dimension_numbers = #tpu.dot_dimension_numbers<[1], [1], [0], [0], [0, 0, 1, 0], [], []>, transpose_lhs_hint = false} : vector<128x64xf32>, vector<192x64xf32>, vector<128x192xf32> -> vector<128x192xf32>
    %mul3A_176 = arith.constant 1.250000e-01 : f32
    %mul3A_177 = vector.broadcast %mul3A_176 : f32 to vector<128x192xf32>
    %mul3A_178 = arith.mulf %dot_general3A_175, %mul3A_177 : vector<128x192xf32>
    %add3A_179 = arith.addf %mul3A_178, %add3A_110 : vector<128x192xf32>
    %reduce_max3A_180 = arith.constant dense<0xFF800000> : vector<128xf32>
    %reduce_max3A_181 = vector.multi_reduction <maximumf>, %add3A_179, %reduce_max3A_180 [1] : vector<128x192xf32> to vector<128xf32>
    %broadcast_in_dim3A_182 = vector.shape_cast %reduce_max3A_181 : vector<128xf32> to vector<128x1xf32>
    %sub3A_183 = vector.broadcast %broadcast_in_dim3A_182 : vector<128x1xf32> to vector<128x192xf32>
    %sub3A_184 = arith.subf %add3A_179, %sub3A_183 : vector<128x192xf32>
    %exp3A_185 = math.exp %sub3A_184 : vector<128x192xf32>
    %reduce_sum3A_186 = arith.constant dense<0.000000e+00> : vector<128xf32>
    %reduce_sum3A_187 = vector.multi_reduction <add>, %exp3A_185, %reduce_sum3A_186 [1] : vector<128x192xf32> to vector<128xf32>
    %broadcast_in_dim3A_188 = vector.shape_cast %reduce_sum3A_187 : vector<128xf32> to vector<128x1xf32>
    %div3A_189 = arith.constant 1.000000e+00 : f32
    %div3A_190 = vector.broadcast %div3A_189 : f32 to vector<128x1xf32>
    %div3A_191 = arith.divf %div3A_190, %broadcast_in_dim3A_188 : vector<128x1xf32>
    %mul3A_192 = vector.broadcast %div3A_191 : vector<128x1xf32> to vector<128x192xf32>
    %mul3A_193 = arith.mulf %exp3A_185, %mul3A_192 : vector<128x192xf32>
    %slice3A_194 = vector.extract_strided_slice %get3A_4 {offsets = [0, 256], sizes = [128, 64], strides = [1, 1]} : vector<128x768xf32> to vector<128x64xf32>
    %slice3A_195 = vector.extract_strided_slice %concatenate3A {offsets = [0, 256], sizes = [192, 64], strides = [1, 1]} : vector<192x768xf32> to vector<192x64xf32>
    %dot_general3A_196 = arith.constant dense<0.000000e+00> : vector<128x192xf32>
    %dot_general3A_197 = tpu.matmul %slice3A_194, %slice3A_195, %dot_general3A_196 {dimension_numbers = #tpu.dot_dimension_numbers<[1], [1], [0], [0], [0, 0, 1, 0], [], []>, transpose_lhs_hint = false} : vector<128x64xf32>, vector<192x64xf32>, vector<128x192xf32> -> vector<128x192xf32>
    %mul3A_198 = arith.constant 1.250000e-01 : f32
    %mul3A_199 = vector.broadcast %mul3A_198 : f32 to vector<128x192xf32>
    %mul3A_200 = arith.mulf %dot_general3A_197, %mul3A_199 : vector<128x192xf32>
    %add3A_201 = arith.addf %mul3A_200, %add3A_110 : vector<128x192xf32>
    %reduce_max3A_202 = arith.constant dense<0xFF800000> : vector<128xf32>
    %reduce_max3A_203 = vector.multi_reduction <maximumf>, %add3A_201, %reduce_max3A_202 [1] : vector<128x192xf32> to vector<128xf32>
    %broadcast_in_dim3A_204 = vector.shape_cast %reduce_max3A_203 : vector<128xf32> to vector<128x1xf32>
    %sub3A_205 = vector.broadcast %broadcast_in_dim3A_204 : vector<128x1xf32> to vector<128x192xf32>
    %sub3A_206 = arith.subf %add3A_201, %sub3A_205 : vector<128x192xf32>
    %exp3A_207 = math.exp %sub3A_206 : vector<128x192xf32>
    %reduce_sum3A_208 = arith.constant dense<0.000000e+00> : vector<128xf32>
    %reduce_sum3A_209 = vector.multi_reduction <add>, %exp3A_207, %reduce_sum3A_208 [1] : vector<128x192xf32> to vector<128xf32>
    %broadcast_in_dim3A_210 = vector.shape_cast %reduce_sum3A_209 : vector<128xf32> to vector<128x1xf32>
    %div3A_211 = arith.constant 1.000000e+00 : f32
    %div3A_212 = vector.broadcast %div3A_211 : f32 to vector<128x1xf32>
    %div3A_213 = arith.divf %div3A_212, %broadcast_in_dim3A_210 : vector<128x1xf32>
    %mul3A_214 = vector.broadcast %div3A_213 : vector<128x1xf32> to vector<128x192xf32>
    %mul3A_215 = arith.mulf %exp3A_207, %mul3A_214 : vector<128x192xf32>
    %slice3A_216 = vector.extract_strided_slice %get3A_4 {offsets = [0, 320], sizes = [128, 64], strides = [1, 1]} : vector<128x768xf32> to vector<128x64xf32>
    %slice3A_217 = vector.extract_strided_slice %concatenate3A {offsets = [0, 320], sizes = [192, 64], strides = [1, 1]} : vector<192x768xf32> to vector<192x64xf32>
    %dot_general3A_218 = arith.constant dense<0.000000e+00> : vector<128x192xf32>
    %dot_general3A_219 = tpu.matmul %slice3A_216, %slice3A_217, %dot_general3A_218 {dimension_numbers = #tpu.dot_dimension_numbers<[1], [1], [0], [0], [0, 0, 1, 0], [], []>, transpose_lhs_hint = false} : vector<128x64xf32>, vector<192x64xf32>, vector<128x192xf32> -> vector<128x192xf32>
    %mul3A_220 = arith.constant 1.250000e-01 : f32
    %mul3A_221 = vector.broadcast %mul3A_220 : f32 to vector<128x192xf32>
    %mul3A_222 = arith.mulf %dot_general3A_219, %mul3A_221 : vector<128x192xf32>
    %add3A_223 = arith.addf %mul3A_222, %add3A_110 : vector<128x192xf32>
    %reduce_max3A_224 = arith.constant dense<0xFF800000> : vector<128xf32>
    %reduce_max3A_225 = vector.multi_reduction <maximumf>, %add3A_223, %reduce_max3A_224 [1] : vector<128x192xf32> to vector<128xf32>
    %broadcast_in_dim3A_226 = vector.shape_cast %reduce_max3A_225 : vector<128xf32> to vector<128x1xf32>
    %sub3A_227 = vector.broadcast %broadcast_in_dim3A_226 : vector<128x1xf32> to vector<128x192xf32>
    %sub3A_228 = arith.subf %add3A_223, %sub3A_227 : vector<128x192xf32>
    %exp3A_229 = math.exp %sub3A_228 : vector<128x192xf32>
    %reduce_sum3A_230 = arith.constant dense<0.000000e+00> : vector<128xf32>
    %reduce_sum3A_231 = vector.multi_reduction <add>, %exp3A_229, %reduce_sum3A_230 [1] : vector<128x192xf32> to vector<128xf32>
    %broadcast_in_dim3A_232 = vector.shape_cast %reduce_sum3A_231 : vector<128xf32> to vector<128x1xf32>
    %div3A_233 = arith.constant 1.000000e+00 : f32
    %div3A_234 = vector.broadcast %div3A_233 : f32 to vector<128x1xf32>
    %div3A_235 = arith.divf %div3A_234, %broadcast_in_dim3A_232 : vector<128x1xf32>
    %mul3A_236 = vector.broadcast %div3A_235 : vector<128x1xf32> to vector<128x192xf32>
    %mul3A_237 = arith.mulf %exp3A_229, %mul3A_236 : vector<128x192xf32>
    %slice3A_238 = vector.extract_strided_slice %get3A_4 {offsets = [0, 384], sizes = [128, 64], strides = [1, 1]} : vector<128x768xf32> to vector<128x64xf32>
    %slice3A_239 = vector.extract_strided_slice %concatenate3A {offsets = [0, 384], sizes = [192, 64], strides = [1, 1]} : vector<192x768xf32> to vector<192x64xf32>
    %dot_general3A_240 = arith.constant dense<0.000000e+00> : vector<128x192xf32>
    %dot_general3A_241 = tpu.matmul %slice3A_238, %slice3A_239, %dot_general3A_240 {dimension_numbers = #tpu.dot_dimension_numbers<[1], [1], [0], [0], [0, 0, 1, 0], [], []>, transpose_lhs_hint = false} : vector<128x64xf32>, vector<192x64xf32>, vector<128x192xf32> -> vector<128x192xf32>
    %mul3A_242 = arith.constant 1.250000e-01 : f32
    %mul3A_243 = vector.broadcast %mul3A_242 : f32 to vector<128x192xf32>
    %mul3A_244 = arith.mulf %dot_general3A_241, %mul3A_243 : vector<128x192xf32>
    %add3A_245 = arith.addf %mul3A_244, %add3A_110 : vector<128x192xf32>
    %reduce_max3A_246 = arith.constant dense<0xFF800000> : vector<128xf32>
    %reduce_max3A_247 = vector.multi_reduction <maximumf>, %add3A_245, %reduce_max3A_246 [1] : vector<128x192xf32> to vector<128xf32>
    %broadcast_in_dim3A_248 = vector.shape_cast %reduce_max3A_247 : vector<128xf32> to vector<128x1xf32>
    %sub3A_249 = vector.broadcast %broadcast_in_dim3A_248 : vector<128x1xf32> to vector<128x192xf32>
    %sub3A_250 = arith.subf %add3A_245, %sub3A_249 : vector<128x192xf32>
    %exp3A_251 = math.exp %sub3A_250 : vector<128x192xf32>
    %reduce_sum3A_252 = arith.constant dense<0.000000e+00> : vector<128xf32>
    %reduce_sum3A_253 = vector.multi_reduction <add>, %exp3A_251, %reduce_sum3A_252 [1] : vector<128x192xf32> to vector<128xf32>
    %broadcast_in_dim3A_254 = vector.shape_cast %reduce_sum3A_253 : vector<128xf32> to vector<128x1xf32>
    %div3A_255 = arith.constant 1.000000e+00 : f32
    %div3A_256 = vector.broadcast %div3A_255 : f32 to vector<128x1xf32>
    %div3A_257 = arith.divf %div3A_256, %broadcast_in_dim3A_254 : vector<128x1xf32>
    %mul3A_258 = vector.broadcast %div3A_257 : vector<128x1xf32> to vector<128x192xf32>
    %mul3A_259 = arith.mulf %exp3A_251, %mul3A_258 : vector<128x192xf32>
    %slice3A_260 = vector.extract_strided_slice %get3A_4 {offsets = [0, 448], sizes = [128, 64], strides = [1, 1]} : vector<128x768xf32> to vector<128x64xf32>
    %slice3A_261 = vector.extract_strided_slice %concatenate3A {offsets = [0, 448], sizes = [192, 64], strides = [1, 1]} : vector<192x768xf32> to vector<192x64xf32>
    %dot_general3A_262 = arith.constant dense<0.000000e+00> : vector<128x192xf32>
    %dot_general3A_263 = tpu.matmul %slice3A_260, %slice3A_261, %dot_general3A_262 {dimension_numbers = #tpu.dot_dimension_numbers<[1], [1], [0], [0], [0, 0, 1, 0], [], []>, transpose_lhs_hint = false} : vector<128x64xf32>, vector<192x64xf32>, vector<128x192xf32> -> vector<128x192xf32>
    %mul3A_264 = arith.constant 1.250000e-01 : f32
    %mul3A_265 = vector.broadcast %mul3A_264 : f32 to vector<128x192xf32>
    %mul3A_266 = arith.mulf %dot_general3A_263, %mul3A_265 : vector<128x192xf32>
    %add3A_267 = arith.addf %mul3A_266, %add3A_110 : vector<128x192xf32>
    %reduce_max3A_268 = arith.constant dense<0xFF800000> : vector<128xf32>
    %reduce_max3A_269 = vector.multi_reduction <maximumf>, %add3A_267, %reduce_max3A_268 [1] : vector<128x192xf32> to vector<128xf32>
    %broadcast_in_dim3A_270 = vector.shape_cast %reduce_max3A_269 : vector<128xf32> to vector<128x1xf32>
    %sub3A_271 = vector.broadcast %broadcast_in_dim3A_270 : vector<128x1xf32> to vector<128x192xf32>
    %sub3A_272 = arith.subf %add3A_267, %sub3A_271 : vector<128x192xf32>
    %exp3A_273 = math.exp %sub3A_272 : vector<128x192xf32>
    %reduce_sum3A_274 = arith.constant dense<0.000000e+00> : vector<128xf32>
    %reduce_sum3A_275 = vector.multi_reduction <add>, %exp3A_273, %reduce_sum3A_274 [1] : vector<128x192xf32> to vector<128xf32>
    %broadcast_in_dim3A_276 = vector.shape_cast %reduce_sum3A_275 : vector<128xf32> to vector<128x1xf32>
    %div3A_277 = arith.constant 1.000000e+00 : f32
    %div3A_278 = vector.broadcast %div3A_277 : f32 to vector<128x1xf32>
    %div3A_279 = arith.divf %div3A_278, %broadcast_in_dim3A_276 : vector<128x1xf32>
    %mul3A_280 = vector.broadcast %div3A_279 : vector<128x1xf32> to vector<128x192xf32>
    %mul3A_281 = arith.mulf %exp3A_273, %mul3A_280 : vector<128x192xf32>
    %slice3A_282 = vector.extract_strided_slice %get3A_4 {offsets = [0, 512], sizes = [128, 64], strides = [1, 1]} : vector<128x768xf32> to vector<128x64xf32>
    %slice3A_283 = vector.extract_strided_slice %concatenate3A {offsets = [0, 512], sizes = [192, 64], strides = [1, 1]} : vector<192x768xf32> to vector<192x64xf32>
    %dot_general3A_284 = arith.constant dense<0.000000e+00> : vector<128x192xf32>
    %dot_general3A_285 = tpu.matmul %slice3A_282, %slice3A_283, %dot_general3A_284 {dimension_numbers = #tpu.dot_dimension_numbers<[1], [1], [0], [0], [0, 0, 1, 0], [], []>, transpose_lhs_hint = false} : vector<128x64xf32>, vector<192x64xf32>, vector<128x192xf32> -> vector<128x192xf32>
    %mul3A_286 = arith.constant 1.250000e-01 : f32
    %mul3A_287 = vector.broadcast %mul3A_286 : f32 to vector<128x192xf32>
    %mul3A_288 = arith.mulf %dot_general3A_285, %mul3A_287 : vector<128x192xf32>
    %add3A_289 = arith.addf %mul3A_288, %add3A_110 : vector<128x192xf32>
    %reduce_max3A_290 = arith.constant dense<0xFF800000> : vector<128xf32>
    %reduce_max3A_291 = vector.multi_reduction <maximumf>, %add3A_289, %reduce_max3A_290 [1] : vector<128x192xf32> to vector<128xf32>
    %broadcast_in_dim3A_292 = vector.shape_cast %reduce_max3A_291 : vector<128xf32> to vector<128x1xf32>
    %sub3A_293 = vector.broadcast %broadcast_in_dim3A_292 : vector<128x1xf32> to vector<128x192xf32>
    %sub3A_294 = arith.subf %add3A_289, %sub3A_293 : vector<128x192xf32>
    %exp3A_295 = math.exp %sub3A_294 : vector<128x192xf32>
    %reduce_sum3A_296 = arith.constant dense<0.000000e+00> : vector<128xf32>
    %reduce_sum3A_297 = vector.multi_reduction <add>, %exp3A_295, %reduce_sum3A_296 [1] : vector<128x192xf32> to vector<128xf32>
    %broadcast_in_dim3A_298 = vector.shape_cast %reduce_sum3A_297 : vector<128xf32> to vector<128x1xf32>
    %div3A_299 = arith.constant 1.000000e+00 : f32
    %div3A_300 = vector.broadcast %div3A_299 : f32 to vector<128x1xf32>
    %div3A_301 = arith.divf %div3A_300, %broadcast_in_dim3A_298 : vector<128x1xf32>
    %mul3A_302 = vector.broadcast %div3A_301 : vector<128x1xf32> to vector<128x192xf32>
    %mul3A_303 = arith.mulf %exp3A_295, %mul3A_302 : vector<128x192xf32>
    %slice3A_304 = vector.extract_strided_slice %get3A_4 {offsets = [0, 576], sizes = [128, 64], strides = [1, 1]} : vector<128x768xf32> to vector<128x64xf32>
    %slice3A_305 = vector.extract_strided_slice %concatenate3A {offsets = [0, 576], sizes = [192, 64], strides = [1, 1]} : vector<192x768xf32> to vector<192x64xf32>
    %dot_general3A_306 = arith.constant dense<0.000000e+00> : vector<128x192xf32>
    %dot_general3A_307 = tpu.matmul %slice3A_304, %slice3A_305, %dot_general3A_306 {dimension_numbers = #tpu.dot_dimension_numbers<[1], [1], [0], [0], [0, 0, 1, 0], [], []>, transpose_lhs_hint = false} : vector<128x64xf32>, vector<192x64xf32>, vector<128x192xf32> -> vector<128x192xf32>
    %mul3A_308 = arith.constant 1.250000e-01 : f32
    %mul3A_309 = vector.broadcast %mul3A_308 : f32 to vector<128x192xf32>
    %mul3A_310 = arith.mulf %dot_general3A_307, %mul3A_309 : vector<128x192xf32>
    %add3A_311 = arith.addf %mul3A_310, %add3A_110 : vector<128x192xf32>
    %reduce_max3A_312 = arith.constant dense<0xFF800000> : vector<128xf32>
    %reduce_max3A_313 = vector.multi_reduction <maximumf>, %add3A_311, %reduce_max3A_312 [1] : vector<128x192xf32> to vector<128xf32>
    %broadcast_in_dim3A_314 = vector.shape_cast %reduce_max3A_313 : vector<128xf32> to vector<128x1xf32>
    %sub3A_315 = vector.broadcast %broadcast_in_dim3A_314 : vector<128x1xf32> to vector<128x192xf32>
    %sub3A_316 = arith.subf %add3A_311, %sub3A_315 : vector<128x192xf32>
    %exp3A_317 = math.exp %sub3A_316 : vector<128x192xf32>
    %reduce_sum3A_318 = arith.constant dense<0.000000e+00> : vector<128xf32>
    %reduce_sum3A_319 = vector.multi_reduction <add>, %exp3A_317, %reduce_sum3A_318 [1] : vector<128x192xf32> to vector<128xf32>
    %broadcast_in_dim3A_320 = vector.shape_cast %reduce_sum3A_319 : vector<128xf32> to vector<128x1xf32>
    %div3A_321 = arith.constant 1.000000e+00 : f32
    %div3A_322 = vector.broadcast %div3A_321 : f32 to vector<128x1xf32>
    %div3A_323 = arith.divf %div3A_322, %broadcast_in_dim3A_320 : vector<128x1xf32>
    %mul3A_324 = vector.broadcast %div3A_323 : vector<128x1xf32> to vector<128x192xf32>
    %mul3A_325 = arith.mulf %exp3A_317, %mul3A_324 : vector<128x192xf32>
    %slice3A_326 = vector.extract_strided_slice %get3A_4 {offsets = [0, 640], sizes = [128, 64], strides = [1, 1]} : vector<128x768xf32> to vector<128x64xf32>
    %slice3A_327 = vector.extract_strided_slice %concatenate3A {offsets = [0, 640], sizes = [192, 64], strides = [1, 1]} : vector<192x768xf32> to vector<192x64xf32>
    %dot_general3A_328 = arith.constant dense<0.000000e+00> : vector<128x192xf32>
    %dot_general3A_329 = tpu.matmul %slice3A_326, %slice3A_327, %dot_general3A_328 {dimension_numbers = #tpu.dot_dimension_numbers<[1], [1], [0], [0], [0, 0, 1, 0], [], []>, transpose_lhs_hint = false} : vector<128x64xf32>, vector<192x64xf32>, vector<128x192xf32> -> vector<128x192xf32>
    %mul3A_330 = arith.constant 1.250000e-01 : f32
    %mul3A_331 = vector.broadcast %mul3A_330 : f32 to vector<128x192xf32>
    %mul3A_332 = arith.mulf %dot_general3A_329, %mul3A_331 : vector<128x192xf32>
    %add3A_333 = arith.addf %mul3A_332, %add3A_110 : vector<128x192xf32>
    %reduce_max3A_334 = arith.constant dense<0xFF800000> : vector<128xf32>
    %reduce_max3A_335 = vector.multi_reduction <maximumf>, %add3A_333, %reduce_max3A_334 [1] : vector<128x192xf32> to vector<128xf32>
    %broadcast_in_dim3A_336 = vector.shape_cast %reduce_max3A_335 : vector<128xf32> to vector<128x1xf32>
    %sub3A_337 = vector.broadcast %broadcast_in_dim3A_336 : vector<128x1xf32> to vector<128x192xf32>
    %sub3A_338 = arith.subf %add3A_333, %sub3A_337 : vector<128x192xf32>
    %exp3A_339 = math.exp %sub3A_338 : vector<128x192xf32>
    %reduce_sum3A_340 = arith.constant dense<0.000000e+00> : vector<128xf32>
    %reduce_sum3A_341 = vector.multi_reduction <add>, %exp3A_339, %reduce_sum3A_340 [1] : vector<128x192xf32> to vector<128xf32>
    %broadcast_in_dim3A_342 = vector.shape_cast %reduce_sum3A_341 : vector<128xf32> to vector<128x1xf32>
    %div3A_343 = arith.constant 1.000000e+00 : f32
    %div3A_344 = vector.broadcast %div3A_343 : f32 to vector<128x1xf32>
    %div3A_345 = arith.divf %div3A_344, %broadcast_in_dim3A_342 : vector<128x1xf32>
    %mul3A_346 = vector.broadcast %div3A_345 : vector<128x1xf32> to vector<128x192xf32>
    %mul3A_347 = arith.mulf %exp3A_339, %mul3A_346 : vector<128x192xf32>
    %slice3A_348 = vector.extract_strided_slice %get3A_4 {offsets = [0, 704], sizes = [128, 64], strides = [1, 1]} : vector<128x768xf32> to vector<128x64xf32>
    %slice3A_349 = vector.extract_strided_slice %concatenate3A {offsets = [0, 704], sizes = [192, 64], strides = [1, 1]} : vector<192x768xf32> to vector<192x64xf32>
    %dot_general3A_350 = arith.constant dense<0.000000e+00> : vector<128x192xf32>
    %dot_general3A_351 = tpu.matmul %slice3A_348, %slice3A_349, %dot_general3A_350 {dimension_numbers = #tpu.dot_dimension_numbers<[1], [1], [0], [0], [0, 0, 1, 0], [], []>, transpose_lhs_hint = false} : vector<128x64xf32>, vector<192x64xf32>, vector<128x192xf32> -> vector<128x192xf32>
    %mul3A_352 = arith.constant 1.250000e-01 : f32
    %mul3A_353 = vector.broadcast %mul3A_352 : f32 to vector<128x192xf32>
    %mul3A_354 = arith.mulf %dot_general3A_351, %mul3A_353 : vector<128x192xf32>
    %add3A_355 = arith.addf %mul3A_354, %add3A_110 : vector<128x192xf32>
    %reduce_max3A_356 = arith.constant dense<0xFF800000> : vector<128xf32>
    %reduce_max3A_357 = vector.multi_reduction <maximumf>, %add3A_355, %reduce_max3A_356 [1] : vector<128x192xf32> to vector<128xf32>
    %broadcast_in_dim3A_358 = vector.shape_cast %reduce_max3A_357 : vector<128xf32> to vector<128x1xf32>
    %sub3A_359 = vector.broadcast %broadcast_in_dim3A_358 : vector<128x1xf32> to vector<128x192xf32>
    %sub3A_360 = arith.subf %add3A_355, %sub3A_359 : vector<128x192xf32>
    %exp3A_361 = math.exp %sub3A_360 : vector<128x192xf32>
    %reduce_sum3A_362 = arith.constant dense<0.000000e+00> : vector<128xf32>
    %reduce_sum3A_363 = vector.multi_reduction <add>, %exp3A_361, %reduce_sum3A_362 [1] : vector<128x192xf32> to vector<128xf32>
    %broadcast_in_dim3A_364 = vector.shape_cast %reduce_sum3A_363 : vector<128xf32> to vector<128x1xf32>
    %div3A_365 = arith.constant 1.000000e+00 : f32
    %div3A_366 = vector.broadcast %div3A_365 : f32 to vector<128x1xf32>
    %div3A_367 = arith.divf %div3A_366, %broadcast_in_dim3A_364 : vector<128x1xf32>
    %mul3A_368 = vector.broadcast %div3A_367 : vector<128x1xf32> to vector<128x192xf32>
    %mul3A_369 = arith.mulf %exp3A_361, %mul3A_368 : vector<128x192xf32>
    %slice3A_370 = vector.extract_strided_slice %concatenate3A_29 {offsets = [0, 0], sizes = [192, 64], strides = [1, 1]} : vector<192x768xf32> to vector<192x64xf32>
    %dot_general3A_371 = arith.constant dense<0.000000e+00> : vector<128x64xf32>
    %dot_general3A_372 = tpu.matmul %mul3A_127, %slice3A_370, %dot_general3A_371 {dimension_numbers = #tpu.dot_dimension_numbers<[1], [0], [0], [1], [0, 0, 1, 1], [], []>, transpose_lhs_hint = false} : vector<128x192xf32>, vector<192x64xf32>, vector<128x64xf32> -> vector<128x64xf32>
    %slice3A_373 = vector.extract_strided_slice %concatenate3A_29 {offsets = [0, 64], sizes = [192, 64], strides = [1, 1]} : vector<192x768xf32> to vector<192x64xf32>
    %dot_general3A_374 = arith.constant dense<0.000000e+00> : vector<128x64xf32>
    %dot_general3A_375 = tpu.matmul %mul3A_149, %slice3A_373, %dot_general3A_374 {dimension_numbers = #tpu.dot_dimension_numbers<[1], [0], [0], [1], [0, 0, 1, 1], [], []>, transpose_lhs_hint = false} : vector<128x192xf32>, vector<192x64xf32>, vector<128x64xf32> -> vector<128x64xf32>
    %slice3A_376 = vector.extract_strided_slice %concatenate3A_29 {offsets = [0, 128], sizes = [192, 64], strides = [1, 1]} : vector<192x768xf32> to vector<192x64xf32>
    %dot_general3A_377 = arith.constant dense<0.000000e+00> : vector<128x64xf32>
    %dot_general3A_378 = tpu.matmul %mul3A_171, %slice3A_376, %dot_general3A_377 {dimension_numbers = #tpu.dot_dimension_numbers<[1], [0], [0], [1], [0, 0, 1, 1], [], []>, transpose_lhs_hint = false} : vector<128x192xf32>, vector<192x64xf32>, vector<128x64xf32> -> vector<128x64xf32>
    %slice3A_379 = vector.extract_strided_slice %concatenate3A_29 {offsets = [0, 192], sizes = [192, 64], strides = [1, 1]} : vector<192x768xf32> to vector<192x64xf32>
    %dot_general3A_380 = arith.constant dense<0.000000e+00> : vector<128x64xf32>
    %dot_general3A_381 = tpu.matmul %mul3A_193, %slice3A_379, %dot_general3A_380 {dimension_numbers = #tpu.dot_dimension_numbers<[1], [0], [0], [1], [0, 0, 1, 1], [], []>, transpose_lhs_hint = false} : vector<128x192xf32>, vector<192x64xf32>, vector<128x64xf32> -> vector<128x64xf32>
    %slice3A_382 = vector.extract_strided_slice %concatenate3A_29 {offsets = [0, 256], sizes = [192, 64], strides = [1, 1]} : vector<192x768xf32> to vector<192x64xf32>
    %dot_general3A_383 = arith.constant dense<0.000000e+00> : vector<128x64xf32>
    %dot_general3A_384 = tpu.matmul %mul3A_215, %slice3A_382, %dot_general3A_383 {dimension_numbers = #tpu.dot_dimension_numbers<[1], [0], [0], [1], [0, 0, 1, 1], [], []>, transpose_lhs_hint = false} : vector<128x192xf32>, vector<192x64xf32>, vector<128x64xf32> -> vector<128x64xf32>
    %slice3A_385 = vector.extract_strided_slice %concatenate3A_29 {offsets = [0, 320], sizes = [192, 64], strides = [1, 1]} : vector<192x768xf32> to vector<192x64xf32>
    %dot_general3A_386 = arith.constant dense<0.000000e+00> : vector<128x64xf32>
    %dot_general3A_387 = tpu.matmul %mul3A_237, %slice3A_385, %dot_general3A_386 {dimension_numbers = #tpu.dot_dimension_numbers<[1], [0], [0], [1], [0, 0, 1, 1], [], []>, transpose_lhs_hint = false} : vector<128x192xf32>, vector<192x64xf32>, vector<128x64xf32> -> vector<128x64xf32>
    %slice3A_388 = vector.extract_strided_slice %concatenate3A_29 {offsets = [0, 384], sizes = [192, 64], strides = [1, 1]} : vector<192x768xf32> to vector<192x64xf32>
    %dot_general3A_389 = arith.constant dense<0.000000e+00> : vector<128x64xf32>
    %dot_general3A_390 = tpu.matmul %mul3A_259, %slice3A_388, %dot_general3A_389 {dimension_numbers = #tpu.dot_dimension_numbers<[1], [0], [0], [1], [0, 0, 1, 1], [], []>, transpose_lhs_hint = false} : vector<128x192xf32>, vector<192x64xf32>, vector<128x64xf32> -> vector<128x64xf32>
    %slice3A_391 = vector.extract_strided_slice %concatenate3A_29 {offsets = [0, 448], sizes = [192, 64], strides = [1, 1]} : vector<192x768xf32> to vector<192x64xf32>
    %dot_general3A_392 = arith.constant dense<0.000000e+00> : vector<128x64xf32>
    %dot_general3A_393 = tpu.matmul %mul3A_281, %slice3A_391, %dot_general3A_392 {dimension_numbers = #tpu.dot_dimension_numbers<[1], [0], [0], [1], [0, 0, 1, 1], [], []>, transpose_lhs_hint = false} : vector<128x192xf32>, vector<192x64xf32>, vector<128x64xf32> -> vector<128x64xf32>
    %slice3A_394 = vector.extract_strided_slice %concatenate3A_29 {offsets = [0, 512], sizes = [192, 64], strides = [1, 1]} : vector<192x768xf32> to vector<192x64xf32>
    %dot_general3A_395 = arith.constant dense<0.000000e+00> : vector<128x64xf32>
    %dot_general3A_396 = tpu.matmul %mul3A_303, %slice3A_394, %dot_general3A_395 {dimension_numbers = #tpu.dot_dimension_numbers<[1], [0], [0], [1], [0, 0, 1, 1], [], []>, transpose_lhs_hint = false} : vector<128x192xf32>, vector<192x64xf32>, vector<128x64xf32> -> vector<128x64xf32>
    %slice3A_397 = vector.extract_strided_slice %concatenate3A_29 {offsets = [0, 576], sizes = [192, 64], strides = [1, 1]} : vector<192x768xf32> to vector<192x64xf32>
    %dot_general3A_398 = arith.constant dense<0.000000e+00> : vector<128x64xf32>
    %dot_general3A_399 = tpu.matmul %mul3A_325, %slice3A_397, %dot_general3A_398 {dimension_numbers = #tpu.dot_dimension_numbers<[1], [0], [0], [1], [0, 0, 1, 1], [], []>, transpose_lhs_hint = false} : vector<128x192xf32>, vector<192x64xf32>, vector<128x64xf32> -> vector<128x64xf32>
    %slice3A_400 = vector.extract_strided_slice %concatenate3A_29 {offsets = [0, 640], sizes = [192, 64], strides = [1, 1]} : vector<192x768xf32> to vector<192x64xf32>
    %dot_general3A_401 = arith.constant dense<0.000000e+00> : vector<128x64xf32>
    %dot_general3A_402 = tpu.matmul %mul3A_347, %slice3A_400, %dot_general3A_401 {dimension_numbers = #tpu.dot_dimension_numbers<[1], [0], [0], [1], [0, 0, 1, 1], [], []>, transpose_lhs_hint = false} : vector<128x192xf32>, vector<192x64xf32>, vector<128x64xf32> -> vector<128x64xf32>
    %slice3A_403 = vector.extract_strided_slice %concatenate3A_29 {offsets = [0, 704], sizes = [192, 64], strides = [1, 1]} : vector<192x768xf32> to vector<192x64xf32>
    %dot_general3A_404 = arith.constant dense<0.000000e+00> : vector<128x64xf32>
    %dot_general3A_405 = tpu.matmul %mul3A_369, %slice3A_403, %dot_general3A_404 {dimension_numbers = #tpu.dot_dimension_numbers<[1], [0], [0], [1], [0, 0, 1, 1], [], []>, transpose_lhs_hint = false} : vector<128x192xf32>, vector<192x64xf32>, vector<128x64xf32> -> vector<128x64xf32>
    %concatenate3A_406 = tpu.concatenate %dot_general3A_372, %dot_general3A_375, %dot_general3A_378, %dot_general3A_381, %dot_general3A_384, %dot_general3A_387, %dot_general3A_390, %dot_general3A_393, %dot_general3A_396, %dot_general3A_399, %dot_general3A_402, %dot_general3A_405 in 1 : vector<128x64xf32>, vector<128x64xf32>, vector<128x64xf32>, vector<128x64xf32>, vector<128x64xf32>, vector<128x64xf32>, vector<128x64xf32>, vector<128x64xf32>, vector<128x64xf32>, vector<128x64xf32>, vector<128x64xf32>, vector<128x64xf32> -> vector<128x768xf32>
    %swap3A = arith.constant 0 : index
    %swap3A_407 = arith.constant 0 : index
    %swap3A_408 = arith.constant 0 : index
    %swap3A_409 = arith.constant 0 : index
    %swap3A_410 = vector.load %arg9[%swap3A, %swap3A_407, %swap3A_408, %swap3A_409] : memref<1x1x128x768xf32, #tpu.memory_space<vmem>>, vector<1x1x128x768xf32>
    %swap3A_411 = vector.shape_cast %swap3A_410 : vector<1x1x128x768xf32> to vector<128x768xf32>
    %swap3A_412 = vector.shape_cast %concatenate3A_406 : vector<128x768xf32> to vector<1x1x128x768xf32>
    tpu.vector_store %arg9[%swap3A, %swap3A_407, %swap3A_408, %swap3A_409], %swap3A_412 {strides = array<i32>} : memref<1x1x128x768xf32, #tpu.memory_space<vmem>>, vector<1x1x128x768xf32>,
    return
  }
  func.func @transform_0(%arg0: i32, %arg1: i32) -> (i32, i32, i32, i32) {
    %c0_i32 = arith.constant 0 : i32
    %c0_i32_0 = arith.constant 0 : i32
    %c0_i32_1 = arith.constant 0 : i32
    return %arg0, %arg1, %c0_i32, %c0_i32_0 : i32, i32, i32, i32
  }
  func.func @transform_1(%arg0: i32, %arg1: i32) -> (i32, i32, i32, i32) {
    %c0_i32 = arith.constant 0 : i32
    %c0_i32_0 = arith.constant 0 : i32
    %c0_i32_1 = arith.constant 0 : i32
    return %arg0, %arg1, %c0_i32, %c0_i32_0 : i32, i32, i32, i32
  }
  func.func @transform_2(%arg0: i32, %arg1: i32) -> (i32, i32, i32, i32) {
    %add3A = arith.constant 16 : i32
    %add3A_0 = arith.addi %arg1, %add3A : i32
    %sub3A = arith.constant 1 : i32
    %sub3A_1 = arith.subi %add3A_0, %sub3A : i32
    %jit3A = arith.constant 16 : i32
    %eq3A = arith.constant 0 : i32
    %eq3A_2 = arith.cmpi eq, %jit3A, %eq3A : i32
    %jit3A_3 = arith.constant 1 : i32
    %select_n3A = arith.select %eq3A_2, %jit3A_3, %jit3A : i32
    %rem3A = arith.remsi %sub3A_1, %select_n3A : i32
    %ne3A = arith.constant 0 : i32
    %ne3A_4 = arith.cmpi ne, %rem3A, %ne3A : i32
    %lt3A = arith.constant 0 : i32
    %lt3A_5 = arith.cmpi slt, %rem3A, %lt3A : i32
    %lt3A_6 = arith.constant 0 : i32
    %lt3A_7 = arith.cmpi slt, %select_n3A, %lt3A_6 : i32
    %ne3A_8 = arith.xori %lt3A_5, %lt3A_7 : i1
    %and3A = arith.andi %ne3A_8, %ne3A_4 : i1
    %add3A_9 = arith.addi %rem3A, %select_n3A : i32
    %select_n3A_10 = arith.select %and3A, %add3A_9, %rem3A : i32
    %c0_i32 = arith.constant 0 : i32
    %c0_i32_11 = arith.constant 0 : i32
    %c0_i32_12 = arith.constant 0 : i32
    return %arg0, %select_n3A_10, %c0_i32, %c0_i32_11 : i32, i32, i32, i32
  }
  func.func @transform_3(%arg0: i32, %arg1: i32) -> (i32, i32, i32, i32) {
    %c0_i32 = arith.constant 0 : i32
    %c0_i32_0 = arith.constant 0 : i32
    %c0_i32_1 = arith.constant 0 : i32
    return %arg0, %arg1, %c0_i32, %c0_i32_0 : i32, i32, i32, i32
  }
  func.func @transform_4(%arg0: i32, %arg1: i32) -> (i32, i32, i32, i32) {
    %add3A = arith.constant 16 : i32
    %add3A_0 = arith.addi %arg1, %add3A : i32
    %sub3A = arith.constant 1 : i32
    %sub3A_1 = arith.subi %add3A_0, %sub3A : i32
    %jit3A = arith.constant 16 : i32
    %eq3A = arith.constant 0 : i32
    %eq3A_2 = arith.cmpi eq, %jit3A, %eq3A : i32
    %jit3A_3 = arith.constant 1 : i32
    %select_n3A = arith.select %eq3A_2, %jit3A_3, %jit3A : i32
    %rem3A = arith.remsi %sub3A_1, %select_n3A : i32
    %ne3A = arith.constant 0 : i32
    %ne3A_4 = arith.cmpi ne, %rem3A, %ne3A : i32
    %lt3A = arith.constant 0 : i32
    %lt3A_5 = arith.cmpi slt, %rem3A, %lt3A : i32
    %lt3A_6 = arith.constant 0 : i32
    %lt3A_7 = arith.cmpi slt, %select_n3A, %lt3A_6 : i32
    %ne3A_8 = arith.xori %lt3A_5, %lt3A_7 : i1
    %and3A = arith.andi %ne3A_8, %ne3A_4 : i1
    %add3A_9 = arith.addi %rem3A, %select_n3A : i32
    %select_n3A_10 = arith.select %and3A, %add3A_9, %rem3A : i32
    %c0_i32 = arith.constant 0 : i32
    %c0_i32_11 = arith.constant 0 : i32
    %c0_i32_12 = arith.constant 0 : i32
    return %arg0, %select_n3A_10, %c0_i32, %c0_i32_11 : i32, i32, i32, i32
  }
  func.func @transform_5(%arg0: i32, %arg1: i32) -> (i32, i32, i32) {
    %c0_i32 = arith.constant 0 : i32
    %c0_i32_0 = arith.constant 0 : i32
    %c0_i32_1 = arith.constant 0 : i32
    return %arg0, %c0_i32, %c0_i32_0 : i32, i32, i32
  }
  func.func @transform_6(%arg0: i32, %arg1: i32) -> (i32, i32, i32) {
    %c0_i32 = arith.constant 0 : i32
    %c0_i32_0 = arith.constant 0 : i32
    %c0_i32_1 = arith.constant 0 : i32
    return %arg0, %c0_i32, %c0_i32_0 : i32, i32, i32
  }
  func.func @transform_7(%arg0: i32, %arg1: i32) -> (i32, i32, i32, i32) {
    %c0_i32 = arith.constant 0 : i32
    %c0_i32_0 = arith.constant 0 : i32
    %c0_i32_1 = arith.constant 0 : i32
    return %arg0, %arg1, %c0_i32, %c0_i32_0 : i32, i32, i32, i32
  }
}

</mosaic_0001>

<sc_bundles>
// kernel: kernel.11.cloned.1.call-start
scs
__scs_entry_jumppad:
0x0: {  	(pc) =	sbr.rel $0x88, $3  }
0x1: {  	(tag) =	ssettag $0x0;
	lr =	simm.s32 $0x1  }
0x2: {  	[smem:$0x3F9D] =	sst lr;
	_ =	strace $0xD0000000  }
0x3: {  	_ = 	snop  }
0x4: {  	_ = 	snop  }
0x5: {  	_ = 	snop  }
0x6: {  	_ = 	snop  }
0x7: {  	_ = 	snop  }
__scs_overlays_trampoline_lowered:
0x8: {  	[smem:$0x3FAC] =	sst s0  }
0x9: {  	[smem:$0x3FAD] =	sst s1  }
0xa: {  	[smem:$0x3FAE] =	sst s2  }
0xb: {  	[smem:$0x3FAF] =	sst s3  }
0xc: {  	[smem:$0x3FB0] =	sst s4  }
0xd: {  	[smem:$0x3FB1] =	sst s5  }
0xe: {  	[smem:$0x3FB2] =	sst s6  }
0xf: {  	[smem:$0x3FB3] =	sst s7  }
0x10: {  	[smem:$0x3FB4] =	sst s8  }
0x11: {  	[smem:$0x3FB5] =	sst s9;
	s0 =	simm.s32 @!p0 $0x0  }
0x12: {  	s1 =	sld [smem:$0x3F9B];
	s0 =	simm.s32 @p0 $0x1  }
0x13: {  	[smem:$0x3FB6] =	sst s0;
	s0 =	simm.s32 @!p1 $0x0  }
0x14: {  	s2 =	sld [smem:$0x3F9A];
	s0 =	simm.s32 @p1 $0x1  }
0x15: {  	[smem:$0x3FB7] =	sst s0;
	s0 =	simm.s32 @!p2 $0x0  }
0x16: {  	s3 =	sld [smem:$0x3FDB];
	s0 =	simm.s32 @p2 $0x1  }
0x17: {  	s4 =	simm.s32 $0x1BF5;
	[smem:$0x3FB9] =	sst s0  }
0x18: {  	s0 =	sld [smem:$0x3F9C];
	_ =	swait.ge [sflag:s4], $0x0  }
0x19: {  	s7 =	sld [smem:$0x3F9D]  }
0x1a: {  	s8 =	sadd.s32 $0xFFFFE003, lr  }
0x1b: {  	s9 =	sadd.s32 $0xFFFFFEF7, lr;
	s5 =	simm.s32 $0xFFFFFFFF;
	p2 =	slt.u32 s8, $0xFFFFF086  }
0x1c: {  	p1 =	slt.u32 s9, $0xF7A;
	s5 =	simm.s32 @!p2 $0x0  }
0x1d: {  	s5 =	simm.s32 @p1 $0x1;
	p0 =	seq.s32 s7, s2  }
0x1e: {  	s7 =	smul.u32 @!p0 $0xF7A, s2;
	p2 =	seq.s32 @!p0 s5, $0x0  }
0x1f: {  	s9 =	smul.u32 $0xF7A, s1;
	s8 =	simm.s32 @!p0 $0x1BF5;
	p2 =	por !p2, p0  }
0x20: {  	[sflag:s8] =	ssyncset.s32 @!p0 $0xFFFFF086;
	s6 =	sadd.s32 @!p0 s3, s7;
	s7 =	simm.s32 @!p0 $0x108  }
0x21: {  	s3 =	sadd.s32 s3, s9;
	s6 =	sadd.s32 @!p0 $0x88, s6;
	s7 =	simm.s32 @p2 $0x1082  }
0x22: {  	[simem:s7], [sflag:s8] =	dma.local @!p0 [hbm:s6], $0xF7A  }
0x23: {  	s9 =	sor.u32 $0xD0000000, s2;
	s6 =	simm.s32 $0x108;
	_ =	swait.ge @!p0 [sflag:s8], $0x0  }
0x24: {  	s3 =	sadd.s32 $0x88, s3;
	s6 =	simm.s32 @!p1 $0x1082;
	[sflag:s4] =	ssyncset.s32 $0xFFFFF086  }
0x25: {  	[simem:s6], [sflag:s4] =	dma.local [hbm:s3], $0xF7A  }
0x26: {  	[smem:$0x3F9D] =	sst s1;
	(tag) =	ssettag s2;
	_ =	strace s9  }
0x27: {  	s1 =	sld [smem:$0x3FAD]  }
0x28: {  	s2 =	sld [smem:$0x3FAE]  }
0x29: {  	s4 =	sld [smem:$0x3FB0]  }
0x2a: {  	p0 =	seq.s32 s5, $0x0;
	s5 =	sld [smem:$0x3FB1]  }
0x2b: {  	s6 =	sld [smem:$0x3FB2]  }
0x2c: {  	s7 =	sld [smem:$0x3FB3]  }
0x2d: {  	s3 =	simm.s32 $0x108;
	s8 =	sld [smem:$0x3FB4]  }
0x2e: {  	s3 =	simm.s32 @!p0 $0x1082;
	s9 =	sld [smem:$0x3FB5]  }
0x2f: {  	lr =	sadd.s32 s0, s3;
	s0 =	sld [smem:$0x3FAC]  }
0x30: {  	s3 =	sld [smem:$0x3FAF]  }
0x31: {  	[smem:$0x3FB8] =	sst s10  }
0x32: {  	s10 =	sld [smem:$0x3FB6];
	_ =	sdelay $0x3  }
0x33: {  	p0 =	seq.s32 s10, $0x1;
	s10 =	sld [smem:$0x3FB8];
	_ =	sdelay $0x3  }
0x34: {  	[smem:$0x3FB8] =	sst s10  }
0x35: {  	s10 =	sld [smem:$0x3FB7];
	_ =	sdelay $0x3  }
0x36: {  	p1 =	seq.s32 s10, $0x1;
	s10 =	sld [smem:$0x3FB8];
	_ =	sdelay $0x3  }
0x37: {  	[smem:$0x3FB8] =	sst s10  }
0x38: {  	s10 =	sld [smem:$0x3FB9]  }
0x39: {  	_ = 	snop;
	(pc) =	sbr.ind lr, $3  }
0x3a: {  	_ = 	snop  }
0x3b: {  	_ = 	snop  }
0x3c: {  	p2 =	seq.s32 s10, $0x1;
	s10 =	sld [smem:$0x3FB8]  }
0x3d: {  	_ =	shalt  }
0x3e: {  	_ =	shalt  }
0x3f: {  	_ =	shalt  }
0x40: {  	_ =	shalt  }
0x41: {  	_ =	shalt  }
0x42: {  	_ =	shalt  }
0x43: {  	_ =	shalt  }
0x44: {  	_ =	shalt  }
0x45: {  	_ =	shalt  }
0x46: {  	_ =	shalt  }
0x47: {  	_ =	shalt  }
0x48: {  	_ =	shalt  }
0x49: {  	_ =	shalt  }
0x4a: {  	_ =	shalt  }
0x4b: {  	_ =	shalt  }
0x4c: {  	_ =	shalt  }
0x4d: {  	_ =	shalt  }
0x4e: {  	_ =	shalt  }
0x4f: {  	_ =	shalt  }
0x50: {  	_ =	shalt  }
0x51: {  	_ =	shalt  }
0x52: {  	_ =	shalt  }
0x53: {  	_ =	shalt  }
0x54: {  	_ =	shalt  }
0x55: {  	_ =	shalt  }
0x56: {  	_ =	shalt  }
0x57: {  	_ =	shalt  }
0x58: {  	_ =	shalt  }
0x59: {  	_ =	shalt  }
0x5a: {  	_ =	shalt  }
0x5b: {  	_ =	shalt  }
0x5c: {  	_ =	shalt  }
0x5d: {  	_ =	shalt  }
0x5e: {  	_ =	shalt  }
0x5f: {  	_ =	shalt  }
0x60: {  	_ =	shalt  }
0x61: {  	_ =	shalt  }
0x62: {  	_ =	shalt  }
0x63: {  	_ =	shalt  }
0x64: {  	_ =	shalt  }
0x65: {  	_ =	shalt  }
0x66: {  	_ =	shalt  }
0x67: {  	_ =	shalt  }
0x68: {  	_ =	shalt  }
0x69: {  	_ =	shalt  }
0x6a: {  	_ =	shalt  }
0x6b: {  	_ =	shalt  }
0x6c: {  	_ =	shalt  }
0x6d: {  	_ =	shalt  }
0x6e: {  	_ =	shalt  }
0x6f: {  	_ =	shalt  }
0x70: {  	_ =	shalt  }
0x71: {  	_ =	shalt  }
0x72: {  	_ =	shalt  }
0x73: {  	_ =	shalt  }
0x74: {  	_ =	shalt  }
0x75: {  	_ =	shalt  }
0x76: {  	_ =	shalt  }
0x77: {  	_ =	shalt  }
0x78: {  	_ =	shalt  }
0x79: {  	_ =	shalt  }
0x7a: {  	_ =	shalt  }
0x7b: {  	_ =	shalt  }
0x7c: {  	_ =	shalt  }
0x7d: {  	_ =	shalt  }
0x7e: {  	_ =	shalt  }
0x7f: {  	_ =	shalt  }
0x80: {  	_ =	shalt  }
0x81: {  	_ =	shalt  }
0x82: {  	_ =	shalt  }
0x83: {  	_ =	shalt  }
0x84: {  	_ =	shalt  }
0x85: {  	_ =	shalt  }
0x86: {  	_ =	shalt  }
0x87: {  	_ =	shalt  }
.Lfunc_end0:
.L_simem_size_0:
called_computation.1_lowered:
.L_overlay_start_0:
0x88: {  	s2 =	sld [smem:$0x3FD9]  }
0x89: {  	s3 =	sld [smem:$0x3FFE];
	_ =	sdelay $0x1  }
0x8a: {  	s1 =	srdreg.scid  }
0x8b: {  	s0 =	sand.u32 $0x1, s1  }
0x8c: {  	s17 =	sshll.u32 s0, $0xA;
	s2 =	sadd.s32 s3, s2  }
0x8d: {  	s2 =	sadd.s32 s2, s17  }
0x8e: {  	[smem:$0x3FC4] =	sst s2  }
0x8f: {  	_ = 	snop  }
0x90: {  	s2 =	sld [smem:$0x3FC9]  }
0x91: {  	s18 =	sld [smem:$0x3FC8]  }
0x92: {  	s4 =	sld [smem:$0x3FC7];
	(tm) =	ssettm $0x1  }
0x93: {  	s5 =	sld [smem:$0x3FFB];
	_ =	sdelay $0x3  }
0x94: {  	_ =	strace s5  }
0x95: {  	s5 =	sld [smem:$0x3FFC];
	_ =	sdelay $0x3  }
0x96: {  	_ =	strace s5  }
0x97: {  	s5 =	sld [smem:$0x3FFD];
	_ =	sdelay $0x3  }
0x98: {  	_ =	strace s5  }
0x99: {  	_ =	strace $0x8FFFFFFF  }
0x9a: {  	s19 =	sld [smem:$0x3FDB];
	_ =	sdelay $0x1  }
0x9b: {  	s6 =	simm.s32 $_scs_section_size  }
0x9c: {  	s7 =	simm.s32 $_size__tile_overlayer_lowered;
	s8 =	simm.s32 $_tile_overlayer_lowered  }
0x9d: {  	s22 =	simm.s32 $0x1BFF;
	s21 =	sshll.u32 s8, $0x1;
	s5 =	sadd.s32 s6, s19  }
0x9e: {  	s9 =	simm.s32 $0x0;
	s20 =	sshll.u32 s7, $0x1;
	s7 =	sadd.s32 s21, s5  }
0x9f: {  	[timem:s9], [sflag:s22] =	dma.local [hbm:s7], s20  }
0xa0: {  	_ =	swait.ge [sflag:s22], s20  }
0xa1: {  	s6 =	ssub.s32 $0x0, s20;
	[sflag:s22] =	ssyncset.done $0x0  }
0xa2: {  	[sflag:s22] =	ssyncadd.s32 s6;
	_ =	sdelay $0x1  }
0xa3: {  	s23 =	simm.s32 $0x1B8B  }
0xa4: {  	_ =	swait.ge [sflag:s23], $0x1  }
0xa5: {  	[sflag:s23] =	ssyncset.done $0x0  }
0xa6: {  	s25 =	simm.s32 $0x1B8E;
	s24 =	sld [smem:$0x3FFE];
	[sflag:s23] =	ssyncadd.s32 $0xFFFFFFFF  }
0xa7: {  	s26 =	simm.s32 $execute0_lowered;
	[smem:$0x3FD2] =	sst s25  }
0xa8: {  	s7 =	sshll.u32 s26, $0x1;
	_ =	strace $0x80000046;
	[dreg:$0x1] =	wrdreg $0xFFFFFFFF  }
0xa9: {  	s28 =	simm.s32 $_size_execute0_lowered;
	s5 =	sadd.s32 s5, s7;
	[dreg:$0x0] =	wrdreg $0x0  }
0xaa: {  	s7 =	sshll.u32 s28, $0x1;
	[dreg:$0x2] =	wrdreg s5  }
0xab: {  	[dreg:$0x3] =	wrdreg s7  }
0xac: {  	[dreg:$0x4] =	wrdreg $0xC0  }
0xad: {  	_ =	task [dreg:s9], $0x5FFFF  }
0xae: {  	[dreg:$0x1] =	wrdreg $0xFFFFFFFF  }
0xaf: {  	[dreg:$0x0] =	wrdreg $0x60  }
0xb0: {  	[dreg:$0x2] =	wrdreg s2  }
0xb1: {  	[dreg:$0x3] =	wrdreg s18  }
0xb2: {  	[dreg:$0x4] =	wrdreg s4  }
0xb3: {  	[dreg:$0x5] =	wrdreg s24  }
0xb4: {  	[dreg:$0x6] =	wrdreg $0xA  }
0xb5: {  	_ =	task.clear_ibuf [dreg:s9], $0x7FFFF;
	_ =	strace $0x90000046  }
0xb6: {  	s29 =	simm.s32 $0xA;
	_ =	strace $0x80000048  }
0xb7: {  	_ =	swait.ge [sflag:s29], $0x1  }
0xb8: {  	[sflag:s29] =	ssyncadd.s32 $0xFFFFFFFF  }
0xb9: {  	_ =	strace $0x90000048  }
0xba: {  	_ =	sfence  }
0xbb: {  	s30 =	sld [smem:$0x0];
	_ =	sdelay $0x2  }
0xbc: {  	s31 =	sshll.u32 s1, $0xD;
	s1 =	sshrl.u32 s1, $0x2  }
0xbd: {  	s3 =	sand.u32 $0x4000, s31;
	s1 =	sadd.s32 s1, s30  }
0xbe: {  	s0 =	sor.u32 s3, s0;
	s1 =	sshll.u32 s1, $0x11  }
0xbf: {  	s0 =	sor.u32 s1, s0  }
0xc0: {  	s0 =	sadd.s32 $0x8F2B, s0  }
0xc1: {  	[sflag:s0] =	ssyncadd.remote.s32 $0x1  }
0xc2: {  	_ =	sfence.sel $0xFFFF  }
0xc3: {  	[dreg:$0x0] =	wrdreg $0xFFFFFFFF;
	(pc) =	sbr.abs _section_cstart, $3  }
0xc4: {  	[dreg:$0x1] =	wrdreg $0xFFFFFFFF  }
0xc5: {  	_ =	task.clear_ibuf [dreg:s9], $0x2FFFF;
	_ =	strace $0x9FFFFFFF  }
0xc6: {  	(tm) =	ssettm $0x7FFFFFFF  }
0xc7: {  	_ =	shalt  }
tec
execute0_lowered:
.L_overlay_start_1:
0x0: {  	(tag) =	ssettag $0x1  }
0x1: {  	s0 =	rddreg [dreg:$0x0]  }
0x2: {  	s1 =	rddreg [dreg:$0x1]  }
0x3: {  	s11 =	rddreg [dreg:$0x2]  }
0x4: {  	s12 =	rddreg [dreg:$0x3];
	s3 =	srdreg.scid  }
0x5: {  	s5 =	stileid.u32;
	s2 =	simm.s32 $0x0;
	s28 =	simm.s32 $0x1  }
0x6: {  	s29 =	simm.s32 $0x2;
	s31 =	simm.s32 $0x900;
	s15 =	simm.s32 $0x2100  }
0x7: {  	s16 =	simm.s32 $0x2900;
	s17 =	simm.s32 $0x3100;
	s18 =	simm.s32 $0x3900  }
0x8: {  	s19 =	simm.s32 $0x4100;
	s21 =	simm.s32 $0x4900;
	s4 =	sand.u32 $0x1, s3  }
0x9: {  	s22 =	sshll.u32 s5, $0x1;
	[smem:$0x7FF] =	sst s2;
	s9 =	sadd.s32 $0x61800, s12  }
0xa: {  	s5 =	sor.u32 s4, s22;
	_ =	strace $0x80000047;
	s7 =	ssub.s32 $0x2, s4  }
0xb: {  	s4 =	sadd.s32 $0x61600, s12;
	s22 =	simm.s32 $0x5100;
	s3 =	sshll.u32 s5, $0x5  }
0xc: {  	s8 =	sshrl.u32 s7, $0x1;
	s10 =	smul.u32 $0x3000, s5;
	s5 =	sadd.s32 $0xC1600, s12  }
0xd: {  	s6 =	sadd.s32 s3, s12;
	s3 =	sadd.s32 $0x1600, s12;
	s13 =	ssub.s32 s7, s8  }
0xe: {  	s7 =	sadd.s32 $0x1800, s12;
	s8 =	sadd.s32 $0x61700, s12;
	s6 =	sadd.s32 $0x1200, s6  }
0xf: {  	s23 =	sadd.s32 s0, s10;
	s14 =	sadd.s32 $0x1800, s10;
	[dreg:$0x5] =	wrdreg s6  }
0x10: {  	s24 =	sadd.s32 s1, s10;
	s26 =	sadd.s32 s11, s10;
	[dreg:$0x6] =	wrdreg s23  }
0x11: {  	s10 =	sadd.s32 $0xC1700, s12;
	s6 =	sadd.s32 $0x1700, s12;
	[dreg:$0x8] =	wrdreg s24  }
0x12: {  	s0 =	sadd.s32 s0, s14;
	s25 =	sadd.s32 s1, s14;
	[dreg:$0xa] =	wrdreg s26  }
0x13: {  	s30 =	sadd.s32 s11, s14;
	s11 =	sadd.s32 $0xC1800, s12;
	s12 =	smax.u32 s13, $0x1  }
0x14: {  	v2 =	vlaneseq.u32;
	s13 =	simm.s32 $0x3;
	s23 =	simm.s32 $0x5900;
	[dreg:$0x7] =	wrdreg s0  }
0x15: {  	vm0 =	vmmov $0xffff;
	v1 =	vshrl.u32 v2, $0x3;
	s24 =	simm.s32 $0x6100;
	s26 =	simm.s32 $0x7100;
	[dreg:$0x9] =	wrdreg s25  }
0x16: {  	v0 =	vand.u32 $0x7, v2;
	v2 =	vor.u32 $0x8, v2;
	v1 =	vmul.u32 $0x8, v1;
	s1 =	simm.s32 $0xB900;
	[dreg:$0xb] =	wrdreg s30;
	s25 =	simm.s32 $0x6900  }
.LBB2_1:
0x17: {  	s30 =	rddreg [dreg:$0x5]  }
0x18: {  	[tilespmem:s2], [sflag:$0x3] =	stream.linear.gather [hbm4b:s30+s2], $0x100, $0x38;
	[tilespmem:$0x18100] =	vst v63  }
0x19: {  	_ =	swait.ge [sflag:s13], $0x100  }
0x1a: {  	[sflag:s13] =	ssyncset.done $0x0  }
0x1b: {  	s20 =	simm.s32 $0x100;
	s0 =	rddreg [dreg:$0x6];
	[sflag:s13] =	ssyncadd.s32 $0xFFFFFF00  }
0x1c: {  	[tilespmem:s20], [sflag:$0x3] =	stream.linear.gather [hbm4b:s0+s2], $0xC000, $0x38;
	[tilespmem:$0x18100] =	vst v63  }
0x1d: {  	_ =	swait.ge [sflag:s13], $0xC000  }
0x1e: {  	[sflag:s13] =	ssyncset.done $0x0  }
0x1f: {  	[sflag:s13] =	ssyncadd.s32 $0xFFFF4000  }
0x20: {  	v3 =	vld [tilespmem:$0x0];
	_ =	sdelay $0x4  }
0x21: {  	v4 =	vshrl.u32 v3, $0x3  }
0x22: {  	v4 =	vmul.u32 $0x30, v4  }
0x23: {  	v3 =	vand.u32 $0x7, v3  }
0x24: {  	v3 =	vor.u32 v3, v4  }
0x25: {  	v4 =	vperm.xlane v3, v0;
	_ =	sdelay $0x1  }
0x26: {  	v4 =	vadd.s32 v1, v4;
	_ =	sdelay $0x3  }
0x27: {  	v3 =	vperm.xlane v3, v2  }
0x28: {  	[hbm4b:s3+s2] =	stream.indirect_vreg.scatter [tilespmem:s20], [sflag:$0x1], $0x80, v4, vm0, $0xb8;
	[tilespmem:$0x18100] =	vst v63  }
0x29: {  	v3 =	vadd.s32 v1, v3  }
0x2a: {  	[hbm4b:s6+s2] =	stream.indirect_vreg.scatter [tilespmem:s31], [sflag:$0x1], $0x80, v4, vm0, $0xb8;
	[tilespmem:$0x18100] =	vst v63  }
0x2b: {  	s0 =	simm.s32 $0x1100  }
0x2c: {  	[hbm4b:s7+s2] =	stream.indirect_vreg.scatter [tilespmem:s0], [sflag:$0x1], $0x80, v4, vm0, $0xb8;
	[tilespmem:$0x18100] =	vst v63  }
0x2d: {  	s14 =	simm.s32 $0x1900  }
0x2e: {  	[hbm4b:s3+s2] =	stream.indirect_vreg.scatter [tilespmem:s14], [sflag:$0x1], $0x80, v3, vm0, $0xb8;
	[tilespmem:$0x18100] =	vst v63  }
0x2f: {  	_ = 	snop  }
0x30: {  	[hbm4b:s6+s2] =	stream.indirect_vreg.scatter [tilespmem:s15], [sflag:$0x1], $0x80, v3, vm0, $0xb8;
	[tilespmem:$0x18100] =	vst v63  }
0x31: {  	_ = 	snop  }
0x32: {  	[hbm4b:s7+s2] =	stream.indirect_vreg.scatter [tilespmem:s16], [sflag:$0x1], $0x80, v3, vm0, $0xb8;
	[tilespmem:$0x18100] =	vst v63  }
0x33: {  	v3 =	vld [tilespmem:$0x10];
	_ =	sdelay $0x4  }
0x34: {  	v41 =	vshrl.u32 v3, $0x3  }
0x35: {  	v4 =	vmul.u32 $0x30, v41  }
0x36: {  	v3 =	vand.u32 $0x7, v3  }
0x37: {  	v3 =	vor.u32 v3, v4  }
0x38: {  	v4 =	vperm.xlane v3, v0;
	_ =	sdelay $0x1  }
0x39: {  	v4 =	vadd.s32 v1, v4;
	_ =	sdelay $0x3  }
0x3a: {  	v3 =	vperm.xlane v3, v2  }
0x3b: {  	[hbm4b:s3+s2] =	stream.indirect_vreg.scatter [tilespmem:s17], [sflag:$0x1], $0x80, v4, vm0, $0xb8;
	[tilespmem:$0x18100] =	vst v63  }
0x3c: {  	v3 =	vadd.s32 v1, v3  }
0x3d: {  	[hbm4b:s6+s2] =	stream.indirect_vreg.scatter [tilespmem:s18], [sflag:$0x1], $0x80, v4, vm0, $0xb8;
	[tilespmem:$0x18100] =	vst v63  }
0x3e: {  	_ = 	snop  }
0x3f: {  	[hbm4b:s7+s2] =	stream.indirect_vreg.scatter [tilespmem:s19], [sflag:$0x1], $0x80, v4, vm0, $0xb8;
	[tilespmem:$0x18100] =	vst v63  }
0x40: {  	_ = 	snop  }
0x41: {  	[hbm4b:s3+s2] =	stream.indirect_vreg.scatter [tilespmem:s21], [sflag:$0x1], $0x80, v3, vm0, $0xb8;
	[tilespmem:$0x18100] =	vst v63  }
0x42: {  	_ = 	snop  }
0x43: {  	[hbm4b:s6+s2] =	stream.indirect_vreg.scatter [tilespmem:s22], [sflag:$0x1], $0x80, v3, vm0, $0xb8;
	[tilespmem:$0x18100] =	vst v63  }
0x44: {  	_ = 	snop  }
0x45: {  	[hbm4b:s7+s2] =	stream.indirect_vreg.scatter [tilespmem:s23], [sflag:$0x1], $0x80, v3, vm0, $0xb8;
	[tilespmem:$0x18100] =	vst v63  }
0x46: {  	v3 =	vld [tilespmem:$0x20];
	_ =	sdelay $0x4  }
0x47: {  	v42 =	vshrl.u32 v3, $0x3  }
0x48: {  	v4 =	vmul.u32 $0x30, v42  }
0x49: {  	v3 =	vand.u32 $0x7, v3  }
0x4a: {  	v3 =	vor.u32 v3, v4  }
0x4b: {  	v4 =	vperm.xlane v3, v0;
	_ =	sdelay $0x1  }
0x4c: {  	v4 =	vadd.s32 v1, v4;
	_ =	sdelay $0x3  }
0x4d: {  	v3 =	vperm.xlane v3, v2  }
0x4e: {  	[hbm4b:s3+s2] =	stream.indirect_vreg.scatter [tilespmem:s24], [sflag:$0x1], $0x80, v4, vm0, $0xb8;
	[tilespmem:$0x18100] =	vst v63  }
0x4f: {  	v3 =	vadd.s32 v1, v3  }
0x50: {  	[hbm4b:s6+s2] =	stream.indirect_vreg.scatter [tilespmem:s25], [sflag:$0x1], $0x80, v4, vm0, $0xb8;
	[tilespmem:$0x18100] =	vst v63  }
0x51: {  	_ = 	snop  }
0x52: {  	[hbm4b:s7+s2] =	stream.indirect_vreg.scatter [tilespmem:s26], [sflag:$0x1], $0x80, v4, vm0, $0xb8;
	[tilespmem:$0x18100] =	vst v63  }
0x53: {  	s14 =	simm.s32 $0x7900  }
0x54: {  	[hbm4b:s3+s2] =	stream.indirect_vreg.scatter [tilespmem:s14], [sflag:$0x1], $0x80, v3, vm0, $0xb8;
	[tilespmem:$0x18100] =	vst v63  }
0x55: {  	s30 =	simm.s32 $0x8100  }
0x56: {  	[hbm4b:s6+s2] =	stream.indirect_vreg.scatter [tilespmem:s30], [sflag:$0x1], $0x80, v3, vm0, $0xb8;
	[tilespmem:$0x18100] =	vst v63  }
0x57: {  	s30 =	simm.s32 $0x8900  }
0x58: {  	[hbm4b:s7+s2] =	stream.indirect_vreg.scatter [tilespmem:s30], [sflag:$0x1], $0x80, v3, vm0, $0xb8;
	[tilespmem:$0x18100] =	vst v63  }
0x59: {  	v3 =	vld [tilespmem:$0x30];
	_ =	sdelay $0x4  }
0x5a: {  	v43 =	vshrl.u32 v3, $0x3  }
0x5b: {  	v4 =	vmul.u32 $0x30, v43  }
0x5c: {  	v3 =	vand.u32 $0x7, v3  }
0x5d: {  	v3 =	vor.u32 v3, v4  }
0x5e: {  	v4 =	vperm.xlane v3, v0;
	_ =	sdelay $0x1  }
0x5f: {  	v4 =	vadd.s32 v1, v4;
	_ =	sdelay $0x3  }
0x60: {  	s30 =	simm.s32 $0x9100;
	v3 =	vperm.xlane v3, v2  }
0x61: {  	[hbm4b:s3+s2] =	stream.indirect_vreg.scatter [tilespmem:s30], [sflag:$0x1], $0x80, v4, vm0, $0xb8;
	[tilespmem:$0x18100] =	vst v63  }
0x62: {  	v3 =	vadd.s32 v1, v3;
	s30 =	simm.s32 $0x9900  }
0x63: {  	[hbm4b:s6+s2] =	stream.indirect_vreg.scatter [tilespmem:s30], [sflag:$0x1], $0x80, v4, vm0, $0xb8;
	[tilespmem:$0x18100] =	vst v63  }
0x64: {  	s30 =	simm.s32 $0xA100  }
0x65: {  	[hbm4b:s7+s2] =	stream.indirect_vreg.scatter [tilespmem:s30], [sflag:$0x1], $0x80, v4, vm0, $0xb8;
	[tilespmem:$0x18100] =	vst v63  }
0x66: {  	s30 =	simm.s32 $0xA900  }
0x67: {  	[hbm4b:s3+s2] =	stream.indirect_vreg.scatter [tilespmem:s30], [sflag:$0x1], $0x80, v3, vm0, $0xb8;
	[tilespmem:$0x18100] =	vst v63  }
0x68: {  	s30 =	simm.s32 $0xB100  }
0x69: {  	[hbm4b:s6+s2] =	stream.indirect_vreg.scatter [tilespmem:s30], [sflag:$0x1], $0x80, v3, vm0, $0xb8;
	[tilespmem:$0x18100] =	vst v63  }
0x6a: {  	_ = 	snop  }
0x6b: {  	[hbm4b:s7+s2] =	stream.indirect_vreg.scatter [tilespmem:s1], [sflag:$0x1], $0x80, v3, vm0, $0xb8;
	[tilespmem:$0x18100] =	vst v63  }
0x6c: {  	s0 =	simm.s32 $0xC100;
	s30 =	rddreg [dreg:$0x7]  }
0x6d: {  	[tilespmem:s0], [sflag:$0x3] =	stream.linear.gather [hbm4b:s30+s2], $0xC000, $0x38;
	[tilespmem:$0x18100] =	vst v63  }
0x6e: {  	_ =	swait.ge [sflag:s13], $0xC000  }
0x6f: {  	[sflag:s13] =	ssyncset.done $0x0  }
0x70: {  	[sflag:s13] =	ssyncadd.s32 $0xFFFF4000  }
0x71: {  	v3 =	vld [tilespmem:$0x80];
	_ =	sdelay $0x4  }
0x72: {  	v44 =	vshrl.u32 v3, $0x3  }
0x73: {  	v4 =	vmul.u32 $0x30, v44  }
0x74: {  	v3 =	vand.u32 $0x7, v3  }
0x75: {  	v3 =	vor.u32 v3, v4  }
0x76: {  	v4 =	vperm.xlane v3, v0;
	_ =	sdelay $0x1  }
0x77: {  	v4 =	vadd.s32 v1, v4;
	_ =	sdelay $0x3  }
0x78: {  	v3 =	vperm.xlane v3, v2  }
0x79: {  	[hbm4b:s3+s2] =	stream.indirect_vreg.scatter [tilespmem:s0], [sflag:$0x2], $0x80, v4, vm0, $0xb8;
	[tilespmem:$0x18100] =	vst v63  }
0x7a: {  	s30 =	simm.s32 $0xC900;
	v3 =	vadd.s32 v1, v3  }
0x7b: {  	[hbm4b:s6+s2] =	stream.indirect_vreg.scatter [tilespmem:s30], [sflag:$0x2], $0x80, v4, vm0, $0xb8;
	[tilespmem:$0x18100] =	vst v63  }
0x7c: {  	s30 =	simm.s32 $0xD100  }
0x7d: {  	[hbm4b:s7+s2] =	stream.indirect_vreg.scatter [tilespmem:s30], [sflag:$0x2], $0x80, v4, vm0, $0xb8;
	[tilespmem:$0x18100] =	vst v63  }
0x7e: {  	s30 =	simm.s32 $0xD900  }
0x7f: {  	[hbm4b:s3+s2] =	stream.indirect_vreg.scatter [tilespmem:s30], [sflag:$0x2], $0x80, v3, vm0, $0xb8;
	[tilespmem:$0x18100] =	vst v63  }
0x80: {  	s30 =	simm.s32 $0xE100  }
0x81: {  	[hbm4b:s6+s2] =	stream.indirect_vreg.scatter [tilespmem:s30], [sflag:$0x2], $0x80, v3, vm0, $0xb8;
	[tilespmem:$0x18100] =	vst v63  }
0x82: {  	s30 =	simm.s32 $0xE900  }
0x83: {  	[hbm4b:s7+s2] =	stream.indirect_vreg.scatter [tilespmem:s30], [sflag:$0x2], $0x80, v3, vm0, $0xb8;
	[tilespmem:$0x18100] =	vst v63  }
0x84: {  	v3 =	vld [tilespmem:$0x90];
	_ =	sdelay $0x4  }
0x85: {  	v45 =	vshrl.u32 v3, $0x3  }
0x86: {  	v4 =	vmul.u32 $0x30, v45  }
0x87: {  	v3 =	vand.u32 $0x7, v3  }
0x88: {  	v3 =	vor.u32 v3, v4  }
0x89: {  	v4 =	vperm.xlane v3, v0;
	_ =	sdelay $0x1  }
0x8a: {  	v4 =	vadd.s32 v1, v4;
	_ =	sdelay $0x3  }
0x8b: {  	s30 =	simm.s32 $0xF100;
	v3 =	vperm.xlane v3, v2  }
0x8c: {  	[hbm4b:s3+s2] =	stream.indirect_vreg.scatter [tilespmem:s30], [sflag:$0x2], $0x80, v4, vm0, $0xb8;
	[tilespmem:$0x18100] =	vst v63  }
0x8d: {  	v3 =	vadd.s32 v1, v3;
	s30 =	simm.s32 $0xF900  }
0x8e: {  	[hbm4b:s6+s2] =	stream.indirect_vreg.scatter [tilespmem:s30], [sflag:$0x2], $0x80, v4, vm0, $0xb8;
	[tilespmem:$0x18100] =	vst v63  }
0x8f: {  	s30 =	simm.s32 $0x10100  }
0x90: {  	[hbm4b:s7+s2] =	stream.indirect_vreg.scatter [tilespmem:s30], [sflag:$0x2], $0x80, v4, vm0, $0xb8;
	[tilespmem:$0x18100] =	vst v63  }
0x91: {  	s30 =	simm.s32 $0x10900  }
0x92: {  	[hbm4b:s3+s2] =	stream.indirect_vreg.scatter [tilespmem:s30], [sflag:$0x2], $0x80, v3, vm0, $0xb8;
	[tilespmem:$0x18100] =	vst v63  }
0x93: {  	s30 =	simm.s32 $0x11100  }
0x94: {  	[hbm4b:s6+s2] =	stream.indirect_vreg.scatter [tilespmem:s30], [sflag:$0x2], $0x80, v3, vm0, $0xb8;
	[tilespmem:$0x18100] =	vst v63  }
0x95: {  	s30 =	simm.s32 $0x11900  }
0x96: {  	[hbm4b:s7+s2] =	stream.indirect_vreg.scatter [tilespmem:s30], [sflag:$0x2], $0x80, v3, vm0, $0xb8;
	[tilespmem:$0x18100] =	vst v63  }
0x97: {  	v3 =	vld [tilespmem:$0xA0];
	_ =	sdelay $0x4  }
0x98: {  	v46 =	vshrl.u32 v3, $0x3  }
0x99: {  	v4 =	vmul.u32 $0x30, v46  }
0x9a: {  	v3 =	vand.u32 $0x7, v3  }
0x9b: {  	v3 =	vor.u32 v3, v4  }
0x9c: {  	v4 =	vperm.xlane v3, v0;
	_ =	sdelay $0x1  }
0x9d: {  	v4 =	vadd.s32 v1, v4;
	_ =	sdelay $0x3  }
0x9e: {  	s30 =	simm.s32 $0x12100;
	v3 =	vperm.xlane v3, v2  }
0x9f: {  	[hbm4b:s3+s2] =	stream.indirect_vreg.scatter [tilespmem:s30], [sflag:$0x2], $0x80, v4, vm0, $0xb8;
	[tilespmem:$0x18100] =	vst v63  }
0xa0: {  	v3 =	vadd.s32 v1, v3;
	s30 =	simm.s32 $0x12900  }
0xa1: {  	[hbm4b:s6+s2] =	stream.indirect_vreg.scatter [tilespmem:s30], [sflag:$0x2], $0x80, v4, vm0, $0xb8;
	[tilespmem:$0x18100] =	vst v63  }
0xa2: {  	s30 =	simm.s32 $0x13100  }
0xa3: {  	[hbm4b:s7+s2] =	stream.indirect_vreg.scatter [tilespmem:s30], [sflag:$0x2], $0x80, v4, vm0, $0xb8;
	[tilespmem:$0x18100] =	vst v63  }
0xa4: {  	s30 =	simm.s32 $0x13900  }
0xa5: {  	[hbm4b:s3+s2] =	stream.indirect_vreg.scatter [tilespmem:s30], [sflag:$0x2], $0x80, v3, vm0, $0xb8;
	[tilespmem:$0x18100] =	vst v63  }
0xa6: {  	s30 =	simm.s32 $0x14100  }
0xa7: {  	[hbm4b:s6+s2] =	stream.indirect_vreg.scatter [tilespmem:s30], [sflag:$0x2], $0x80, v3, vm0, $0xb8;
	[tilespmem:$0x18100] =	vst v63  }
0xa8: {  	s30 =	simm.s32 $0x14900  }
0xa9: {  	[hbm4b:s7+s2] =	stream.indirect_vreg.scatter [tilespmem:s30], [sflag:$0x2], $0x80, v3, vm0, $0xb8;
	[tilespmem:$0x18100] =	vst v63  }
0xaa: {  	v3 =	vld [tilespmem:$0xB0];
	_ =	sdelay $0x4  }
0xab: {  	v47 =	vshrl.u32 v3, $0x3  }
0xac: {  	v4 =	vmul.u32 $0x30, v47  }
0xad: {  	v3 =	vand.u32 $0x7, v3  }
0xae: {  	v3 =	vor.u32 v3, v4  }
0xaf: {  	v4 =	vperm.xlane v3, v0;
	_ =	sdelay $0x1  }
0xb0: {  	v4 =	vadd.s32 v1, v4;
	_ =	sdelay $0x3  }
0xb1: {  	s30 =	simm.s32 $0x15100;
	v3 =	vperm.xlane v3, v2  }
0xb2: {  	[hbm4b:s3+s2] =	stream.indirect_vreg.scatter [tilespmem:s30], [sflag:$0x2], $0x80, v4, vm0, $0xb8;
	[tilespmem:$0x18100] =	vst v63  }
0xb3: {  	v3 =	vadd.s32 v1, v3;
	s30 =	simm.s32 $0x15900  }
0xb4: {  	[hbm4b:s6+s2] =	stream.indirect_vreg.scatter [tilespmem:s30], [sflag:$0x2], $0x80, v4, vm0, $0xb8;
	[tilespmem:$0x18100] =	vst v63  }
0xb5: {  	s30 =	simm.s32 $0x16100  }
0xb6: {  	[hbm4b:s7+s2] =	stream.indirect_vreg.scatter [tilespmem:s30], [sflag:$0x2], $0x80, v4, vm0, $0xb8;
	[tilespmem:$0x18100] =	vst v63  }
0xb7: {  	s30 =	simm.s32 $0x16900  }
0xb8: {  	[hbm4b:s3+s2] =	stream.indirect_vreg.scatter [tilespmem:s30], [sflag:$0x2], $0x80, v3, vm0, $0xb8;
	[tilespmem:$0x18100] =	vst v63  }
0xb9: {  	s30 =	simm.s32 $0x17100  }
0xba: {  	[hbm4b:s6+s2] =	stream.indirect_vreg.scatter [tilespmem:s30], [sflag:$0x2], $0x80, v3, vm0, $0xb8;
	[tilespmem:$0x18100] =	vst v63  }
0xbb: {  	s30 =	simm.s32 $0x17900  }
0xbc: {  	[hbm4b:s7+s2] =	stream.indirect_vreg.scatter [tilespmem:s30], [sflag:$0x2], $0x80, v3, vm0, $0xb8;
	[tilespmem:$0x18100] =	vst v63  }
0xbd: {  	_ =	swait.ge [sflag:s28], $0xC000  }
0xbe: {  	[sflag:s28] =	ssyncset.done $0x0  }
0xbf: {  	s30 =	rddreg [dreg:$0x8];
	[sflag:s28] =	ssyncadd.s32 $0xFFFF4000  }
0xc0: {  	[tilespmem:s20], [sflag:$0x3] =	stream.linear.gather [hbm4b:s30+s2], $0xC000, $0x38;
	[tilespmem:$0x18100] =	vst v63  }
0xc1: {  	_ =	swait.ge [sflag:s13], $0xC000  }
0xc2: {  	[sflag:s13] =	ssyncset.done $0x0  }
0xc3: {  	[sflag:s13] =	ssyncadd.s32 $0xFFFF4000  }
0xc4: {  	v3 =	vld [tilespmem:$0x0];
	_ =	sdelay $0x4  }
0xc5: {  	v48 =	vshrl.u32 v3, $0x3  }
0xc6: {  	v4 =	vmul.u32 $0x30, v48  }
0xc7: {  	v3 =	vand.u32 $0x7, v3  }
0xc8: {  	v3 =	vor.u32 v3, v4  }
0xc9: {  	v4 =	vperm.xlane v3, v0;
	_ =	sdelay $0x1  }
0xca: {  	v4 =	vadd.s32 v1, v4;
	_ =	sdelay $0x3  }
0xcb: {  	v3 =	vperm.xlane v3, v2  }
0xcc: {  	[hbm4b:s4+s2] =	stream.indirect_vreg.scatter [tilespmem:s20], [sflag:$0x1], $0x80, v4, vm0, $0xb8;
	[tilespmem:$0x18100] =	vst v63  }
0xcd: {  	v3 =	vadd.s32 v1, v3  }
0xce: {  	[hbm4b:s8+s2] =	stream.indirect_vreg.scatter [tilespmem:s31], [sflag:$0x1], $0x80, v4, vm0, $0xb8;
	[tilespmem:$0x18100] =	vst v63  }
0xcf: {  	s30 =	simm.s32 $0x1100  }
0xd0: {  	[hbm4b:s9+s2] =	stream.indirect_vreg.scatter [tilespmem:s30], [sflag:$0x1], $0x80, v4, vm0, $0xb8;
	[tilespmem:$0x18100] =	vst v63  }
0xd1: {  	s30 =	simm.s32 $0x1900  }
0xd2: {  	[hbm4b:s4+s2] =	stream.indirect_vreg.scatter [tilespmem:s30], [sflag:$0x1], $0x80, v3, vm0, $0xb8;
	[tilespmem:$0x18100] =	vst v63  }
0xd3: {  	_ = 	snop  }
0xd4: {  	[hbm4b:s8+s2] =	stream.indirect_vreg.scatter [tilespmem:s15], [sflag:$0x1], $0x80, v3, vm0, $0xb8;
	[tilespmem:$0x18100] =	vst v63  }
0xd5: {  	_ = 	snop  }
0xd6: {  	[hbm4b:s9+s2] =	stream.indirect_vreg.scatter [tilespmem:s16], [sflag:$0x1], $0x80, v3, vm0, $0xb8;
	[tilespmem:$0x18100] =	vst v63  }
0xd7: {  	v3 =	vld [tilespmem:$0x10];
	_ =	sdelay $0x4  }
0xd8: {  	v49 =	vshrl.u32 v3, $0x3  }
0xd9: {  	v4 =	vmul.u32 $0x30, v49  }
0xda: {  	v3 =	vand.u32 $0x7, v3  }
0xdb: {  	v3 =	vor.u32 v3, v4  }
0xdc: {  	v4 =	vperm.xlane v3, v0;
	_ =	sdelay $0x1  }
0xdd: {  	v4 =	vadd.s32 v1, v4;
	_ =	sdelay $0x3  }
0xde: {  	v3 =	vperm.xlane v3, v2  }
0xdf: {  	[hbm4b:s4+s2] =	stream.indirect_vreg.scatter [tilespmem:s17], [sflag:$0x1], $0x80, v4, vm0, $0xb8;
	[tilespmem:$0x18100] =	vst v63  }
0xe0: {  	v3 =	vadd.s32 v1, v3  }
0xe1: {  	[hbm4b:s8+s2] =	stream.indirect_vreg.scatter [tilespmem:s18], [sflag:$0x1], $0x80, v4, vm0, $0xb8;
	[tilespmem:$0x18100] =	vst v63  }
0xe2: {  	_ = 	snop  }
0xe3: {  	[hbm4b:s9+s2] =	stream.indirect_vreg.scatter [tilespmem:s19], [sflag:$0x1], $0x80, v4, vm0, $0xb8;
	[tilespmem:$0x18100] =	vst v63  }
0xe4: {  	_ = 	snop  }
0xe5: {  	[hbm4b:s4+s2] =	stream.indirect_vreg.scatter [tilespmem:s21], [sflag:$0x1], $0x80, v3, vm0, $0xb8;
	[tilespmem:$0x18100] =	vst v63  }
0xe6: {  	_ = 	snop  }
0xe7: {  	[hbm4b:s8+s2] =	stream.indirect_vreg.scatter [tilespmem:s22], [sflag:$0x1], $0x80, v3, vm0, $0xb8;
	[tilespmem:$0x18100] =	vst v63  }
0xe8: {  	_ = 	snop  }
0xe9: {  	[hbm4b:s9+s2] =	stream.indirect_vreg.scatter [tilespmem:s23], [sflag:$0x1], $0x80, v3, vm0, $0xb8;
	[tilespmem:$0x18100] =	vst v63  }
0xea: {  	v3 =	vld [tilespmem:$0x20];
	_ =	sdelay $0x4  }
0xeb: {  	v50 =	vshrl.u32 v3, $0x3  }
0xec: {  	v4 =	vmul.u32 $0x30, v50  }
0xed: {  	v3 =	vand.u32 $0x7, v3  }
0xee: {  	v3 =	vor.u32 v3, v4  }
0xef: {  	v4 =	vperm.xlane v3, v0;
	_ =	sdelay $0x1  }
0xf0: {  	v4 =	vadd.s32 v1, v4;
	_ =	sdelay $0x3  }
0xf1: {  	v3 =	vperm.xlane v3, v2  }
0xf2: {  	[hbm4b:s4+s2] =	stream.indirect_vreg.scatter [tilespmem:s24], [sflag:$0x1], $0x80, v4, vm0, $0xb8;
	[tilespmem:$0x18100] =	vst v63  }
0xf3: {  	v3 =	vadd.s32 v1, v3  }
0xf4: {  	[hbm4b:s8+s2] =	stream.indirect_vreg.scatter [tilespmem:s25], [sflag:$0x1], $0x80, v4, vm0, $0xb8;
	[tilespmem:$0x18100] =	vst v63  }
0xf5: {  	_ = 	snop  }
0xf6: {  	[hbm4b:s9+s2] =	stream.indirect_vreg.scatter [tilespmem:s26], [sflag:$0x1], $0x80, v4, vm0, $0xb8;
	[tilespmem:$0x18100] =	vst v63  }
0xf7: {  	_ = 	snop  }
0xf8: {  	[hbm4b:s4+s2] =	stream.indirect_vreg.scatter [tilespmem:s14], [sflag:$0x1], $0x80, v3, vm0, $0xb8;
	[tilespmem:$0x18100] =	vst v63  }
0xf9: {  	s30 =	simm.s32 $0x8100  }
0xfa: {  	[hbm4b:s8+s2] =	stream.indirect_vreg.scatter [tilespmem:s30], [sflag:$0x1], $0x80, v3, vm0, $0xb8;
	[tilespmem:$0x18100] =	vst v63  }
0xfb: {  	s30 =	simm.s32 $0x8900  }
0xfc: {  	[hbm4b:s9+s2] =	stream.indirect_vreg.scatter [tilespmem:s30], [sflag:$0x1], $0x80, v3, vm0, $0xb8;
	[tilespmem:$0x18100] =	vst v63  }
0xfd: {  	v3 =	vld [tilespmem:$0x30];
	_ =	sdelay $0x4  }
0xfe: {  	v51 =	vshrl.u32 v3, $0x3  }
0xff: {  	v4 =	vmul.u32 $0x30, v51  }
0x100: {  	v3 =	vand.u32 $0x7, v3  }
0x101: {  	v3 =	vor.u32 v3, v4  }
0x102: {  	v4 =	vperm.xlane v3, v0;
	_ =	sdelay $0x1  }
0x103: {  	v4 =	vadd.s32 v1, v4;
	_ =	sdelay $0x3  }
0x104: {  	s30 =	simm.s32 $0x9100;
	v3 =	vperm.xlane v3, v2  }
0x105: {  	[hbm4b:s4+s2] =	stream.indirect_vreg.scatter [tilespmem:s30], [sflag:$0x1], $0x80, v4, vm0, $0xb8;
	[tilespmem:$0x18100] =	vst v63  }
0x106: {  	v3 =	vadd.s32 v1, v3;
	s30 =	simm.s32 $0x9900  }
0x107: {  	[hbm4b:s8+s2] =	stream.indirect_vreg.scatter [tilespmem:s30], [sflag:$0x1], $0x80, v4, vm0, $0xb8;
	[tilespmem:$0x18100] =	vst v63  }
0x108: {  	s30 =	simm.s32 $0xA100  }
0x109: {  	[hbm4b:s9+s2] =	stream.indirect_vreg.scatter [tilespmem:s30], [sflag:$0x1], $0x80, v4, vm0, $0xb8;
	[tilespmem:$0x18100] =	vst v63  }
0x10a: {  	s30 =	simm.s32 $0xA900  }
0x10b: {  	[hbm4b:s4+s2] =	stream.indirect_vreg.scatter [tilespmem:s30], [sflag:$0x1], $0x80, v3, vm0, $0xb8;
	[tilespmem:$0x18100] =	vst v63  }
0x10c: {  	s30 =	simm.s32 $0xB100  }
0x10d: {  	[hbm4b:s8+s2] =	stream.indirect_vreg.scatter [tilespmem:s30], [sflag:$0x1], $0x80, v3, vm0, $0xb8;
	[tilespmem:$0x18100] =	vst v63  }
0x10e: {  	_ = 	snop  }
0x10f: {  	[hbm4b:s9+s2] =	stream.indirect_vreg.scatter [tilespmem:s1], [sflag:$0x1], $0x80, v3, vm0, $0xb8;
	[tilespmem:$0x18100] =	vst v63  }
0x110: {  	_ =	swait.ge [sflag:s29], $0xC000  }
0x111: {  	[sflag:s29] =	ssyncset.done $0x0  }
0x112: {  	s30 =	rddreg [dreg:$0x9];
	[sflag:s29] =	ssyncadd.s32 $0xFFFF4000  }
0x113: {  	[tilespmem:s0], [sflag:$0x3] =	stream.linear.gather [hbm4b:s30+s2], $0xC000, $0x38;
	[tilespmem:$0x18100] =	vst v63  }
0x114: {  	_ =	swait.ge [sflag:s13], $0xC000  }
0x115: {  	[sflag:s13] =	ssyncset.done $0x0  }
0x116: {  	[sflag:s13] =	ssyncadd.s32 $0xFFFF4000  }
0x117: {  	v3 =	vld [tilespmem:$0x80];
	_ =	sdelay $0x4  }
0x118: {  	v52 =	vshrl.u32 v3, $0x3  }
0x119: {  	v4 =	vmul.u32 $0x30, v52  }
0x11a: {  	v3 =	vand.u32 $0x7, v3  }
0x11b: {  	v3 =	vor.u32 v3, v4  }
0x11c: {  	v4 =	vperm.xlane v3, v0;
	_ =	sdelay $0x1  }
0x11d: {  	v4 =	vadd.s32 v1, v4;
	_ =	sdelay $0x3  }
0x11e: {  	v3 =	vperm.xlane v3, v2  }
0x11f: {  	[hbm4b:s4+s2] =	stream.indirect_vreg.scatter [tilespmem:s0], [sflag:$0x2], $0x80, v4, vm0, $0xb8;
	[tilespmem:$0x18100] =	vst v63  }
0x120: {  	s30 =	simm.s32 $0xC900;
	v3 =	vadd.s32 v1, v3  }
0x121: {  	[hbm4b:s8+s2] =	stream.indirect_vreg.scatter [tilespmem:s30], [sflag:$0x2], $0x80, v4, vm0, $0xb8;
	[tilespmem:$0x18100] =	vst v63  }
0x122: {  	s30 =	simm.s32 $0xD100  }
0x123: {  	[hbm4b:s9+s2] =	stream.indirect_vreg.scatter [tilespmem:s30], [sflag:$0x2], $0x80, v4, vm0, $0xb8;
	[tilespmem:$0x18100] =	vst v63  }
0x124: {  	s30 =	simm.s32 $0xD900  }
0x125: {  	[hbm4b:s4+s2] =	stream.indirect_vreg.scatter [tilespmem:s30], [sflag:$0x2], $0x80, v3, vm0, $0xb8;
	[tilespmem:$0x18100] =	vst v63  }
0x126: {  	s30 =	simm.s32 $0xE100  }
0x127: {  	[hbm4b:s8+s2] =	stream.indirect_vreg.scatter [tilespmem:s30], [sflag:$0x2], $0x80, v3, vm0, $0xb8;
	[tilespmem:$0x18100] =	vst v63  }
0x128: {  	s30 =	simm.s32 $0xE900  }
0x129: {  	[hbm4b:s9+s2] =	stream.indirect_vreg.scatter [tilespmem:s30], [sflag:$0x2], $0x80, v3, vm0, $0xb8;
	[tilespmem:$0x18100] =	vst v63  }
0x12a: {  	v3 =	vld [tilespmem:$0x90];
	_ =	sdelay $0x4  }
0x12b: {  	v53 =	vshrl.u32 v3, $0x3  }
0x12c: {  	v4 =	vmul.u32 $0x30, v53  }
0x12d: {  	v3 =	vand.u32 $0x7, v3  }
0x12e: {  	v3 =	vor.u32 v3, v4  }
0x12f: {  	v4 =	vperm.xlane v3, v0;
	_ =	sdelay $0x1  }
0x130: {  	v4 =	vadd.s32 v1, v4;
	_ =	sdelay $0x3  }
0x131: {  	s30 =	simm.s32 $0xF100;
	v3 =	vperm.xlane v3, v2  }
0x132: {  	[hbm4b:s4+s2] =	stream.indirect_vreg.scatter [tilespmem:s30], [sflag:$0x2], $0x80, v4, vm0, $0xb8;
	[tilespmem:$0x18100] =	vst v63  }
0x133: {  	v3 =	vadd.s32 v1, v3;
	s30 =	simm.s32 $0xF900  }
0x134: {  	[hbm4b:s8+s2] =	stream.indirect_vreg.scatter [tilespmem:s30], [sflag:$0x2], $0x80, v4, vm0, $0xb8;
	[tilespmem:$0x18100] =	vst v63  }
0x135: {  	s30 =	simm.s32 $0x10100  }
0x136: {  	[hbm4b:s9+s2] =	stream.indirect_vreg.scatter [tilespmem:s30], [sflag:$0x2], $0x80, v4, vm0, $0xb8;
	[tilespmem:$0x18100] =	vst v63  }
0x137: {  	s30 =	simm.s32 $0x10900  }
0x138: {  	[hbm4b:s4+s2] =	stream.indirect_vreg.scatter [tilespmem:s30], [sflag:$0x2], $0x80, v3, vm0, $0xb8;
	[tilespmem:$0x18100] =	vst v63  }
0x139: {  	s30 =	simm.s32 $0x11100  }
0x13a: {  	[hbm4b:s8+s2] =	stream.indirect_vreg.scatter [tilespmem:s30], [sflag:$0x2], $0x80, v3, vm0, $0xb8;
	[tilespmem:$0x18100] =	vst v63  }
0x13b: {  	s30 =	simm.s32 $0x11900  }
0x13c: {  	[hbm4b:s9+s2] =	stream.indirect_vreg.scatter [tilespmem:s30], [sflag:$0x2], $0x80, v3, vm0, $0xb8;
	[tilespmem:$0x18100] =	vst v63  }
0x13d: {  	v3 =	vld [tilespmem:$0xA0];
	_ =	sdelay $0x4  }
0x13e: {  	v54 =	vshrl.u32 v3, $0x3  }
0x13f: {  	v4 =	vmul.u32 $0x30, v54  }
0x140: {  	v3 =	vand.u32 $0x7, v3  }
0x141: {  	v3 =	vor.u32 v3, v4  }
0x142: {  	v4 =	vperm.xlane v3, v0;
	_ =	sdelay $0x1  }
0x143: {  	v4 =	vadd.s32 v1, v4;
	_ =	sdelay $0x3  }
0x144: {  	s30 =	simm.s32 $0x12100;
	v3 =	vperm.xlane v3, v2  }
0x145: {  	[hbm4b:s4+s2] =	stream.indirect_vreg.scatter [tilespmem:s30], [sflag:$0x2], $0x80, v4, vm0, $0xb8;
	[tilespmem:$0x18100] =	vst v63  }
0x146: {  	v3 =	vadd.s32 v1, v3;
	s30 =	simm.s32 $0x12900  }
0x147: {  	[hbm4b:s8+s2] =	stream.indirect_vreg.scatter [tilespmem:s30], [sflag:$0x2], $0x80, v4, vm0, $0xb8;
	[tilespmem:$0x18100] =	vst v63  }
0x148: {  	s30 =	simm.s32 $0x13100  }
0x149: {  	[hbm4b:s9+s2] =	stream.indirect_vreg.scatter [tilespmem:s30], [sflag:$0x2], $0x80, v4, vm0, $0xb8;
	[tilespmem:$0x18100] =	vst v63  }
0x14a: {  	s30 =	simm.s32 $0x13900  }
0x14b: {  	[hbm4b:s4+s2] =	stream.indirect_vreg.scatter [tilespmem:s30], [sflag:$0x2], $0x80, v3, vm0, $0xb8;
	[tilespmem:$0x18100] =	vst v63  }
0x14c: {  	s30 =	simm.s32 $0x14100  }
0x14d: {  	[hbm4b:s8+s2] =	stream.indirect_vreg.scatter [tilespmem:s30], [sflag:$0x2], $0x80, v3, vm0, $0xb8;
	[tilespmem:$0x18100] =	vst v63  }
0x14e: {  	s30 =	simm.s32 $0x14900  }
0x14f: {  	[hbm4b:s9+s2] =	stream.indirect_vreg.scatter [tilespmem:s30], [sflag:$0x2], $0x80, v3, vm0, $0xb8;
	[tilespmem:$0x18100] =	vst v63  }
0x150: {  	v3 =	vld [tilespmem:$0xB0];
	_ =	sdelay $0x4  }
0x151: {  	v55 =	vshrl.u32 v3, $0x3  }
0x152: {  	v4 =	vmul.u32 $0x30, v55  }
0x153: {  	v3 =	vand.u32 $0x7, v3  }
0x154: {  	v3 =	vor.u32 v3, v4  }
0x155: {  	v4 =	vperm.xlane v3, v0;
	_ =	sdelay $0x1  }
0x156: {  	v4 =	vadd.s32 v1, v4;
	_ =	sdelay $0x3  }
0x157: {  	s30 =	simm.s32 $0x15100;
	v3 =	vperm.xlane v3, v2  }
0x158: {  	[hbm4b:s4+s2] =	stream.indirect_vreg.scatter [tilespmem:s30], [sflag:$0x2], $0x80, v4, vm0, $0xb8;
	[tilespmem:$0x18100] =	vst v63  }
0x159: {  	v3 =	vadd.s32 v1, v3;
	s30 =	simm.s32 $0x15900  }
0x15a: {  	[hbm4b:s8+s2] =	stream.indirect_vreg.scatter [tilespmem:s30], [sflag:$0x2], $0x80, v4, vm0, $0xb8;
	[tilespmem:$0x18100] =	vst v63  }
0x15b: {  	s30 =	simm.s32 $0x16100  }
0x15c: {  	[hbm4b:s9+s2] =	stream.indirect_vreg.scatter [tilespmem:s30], [sflag:$0x2], $0x80, v4, vm0, $0xb8;
	[tilespmem:$0x18100] =	vst v63  }
0x15d: {  	s30 =	simm.s32 $0x16900  }
0x15e: {  	[hbm4b:s4+s2] =	stream.indirect_vreg.scatter [tilespmem:s30], [sflag:$0x2], $0x80, v3, vm0, $0xb8;
	[tilespmem:$0x18100] =	vst v63  }
0x15f: {  	s30 =	simm.s32 $0x17100  }
0x160: {  	[hbm4b:s8+s2] =	stream.indirect_vreg.scatter [tilespmem:s30], [sflag:$0x2], $0x80, v3, vm0, $0xb8;
	[tilespmem:$0x18100] =	vst v63  }
0x161: {  	s30 =	simm.s32 $0x17900  }
0x162: {  	[hbm4b:s9+s2] =	stream.indirect_vreg.scatter [tilespmem:s30], [sflag:$0x2], $0x80, v3, vm0, $0xb8;
	[tilespmem:$0x18100] =	vst v63  }
0x163: {  	_ =	swait.ge [sflag:s28], $0xC000  }
0x164: {  	[sflag:s28] =	ssyncset.done $0x0  }
0x165: {  	s30 =	rddreg [dreg:$0xa];
	[sflag:s28] =	ssyncadd.s32 $0xFFFF4000  }
0x166: {  	[tilespmem:s20], [sflag:$0x3] =	stream.linear.gather [hbm4b:s30+s2], $0xC000, $0x38;
	[tilespmem:$0x18100] =	vst v63  }
0x167: {  	_ =	swait.ge [sflag:s13], $0xC000  }
0x168: {  	[sflag:s13] =	ssyncset.done $0x0  }
0x169: {  	[sflag:s13] =	ssyncadd.s32 $0xFFFF4000  }
0x16a: {  	v3 =	vld [tilespmem:$0x0];
	_ =	sdelay $0x4  }
0x16b: {  	v56 =	vshrl.u32 v3, $0x3  }
0x16c: {  	v4 =	vmul.u32 $0x30, v56  }
0x16d: {  	v3 =	vand.u32 $0x7, v3  }
0x16e: {  	v3 =	vor.u32 v3, v4  }
0x16f: {  	v4 =	vperm.xlane v3, v0;
	_ =	sdelay $0x1  }
0x170: {  	v4 =	vadd.s32 v1, v4;
	_ =	sdelay $0x3  }
0x171: {  	v3 =	vperm.xlane v3, v2  }
0x172: {  	[hbm4b:s5+s2] =	stream.indirect_vreg.scatter [tilespmem:s20], [sflag:$0x1], $0x80, v4, vm0, $0xb8;
	[tilespmem:$0x18100] =	vst v63  }
0x173: {  	v3 =	vadd.s32 v1, v3  }
0x174: {  	[hbm4b:s10+s2] =	stream.indirect_vreg.scatter [tilespmem:s31], [sflag:$0x1], $0x80, v4, vm0, $0xb8;
	[tilespmem:$0x18100] =	vst v63  }
0x175: {  	s30 =	simm.s32 $0x1100  }
0x176: {  	[hbm4b:s11+s2] =	stream.indirect_vreg.scatter [tilespmem:s30], [sflag:$0x1], $0x80, v4, vm0, $0xb8;
	[tilespmem:$0x18100] =	vst v63  }
0x177: {  	s30 =	simm.s32 $0x1900  }
0x178: {  	[hbm4b:s5+s2] =	stream.indirect_vreg.scatter [tilespmem:s30], [sflag:$0x1], $0x80, v3, vm0, $0xb8;
	[tilespmem:$0x18100] =	vst v63  }
0x179: {  	_ = 	snop  }
0x17a: {  	[hbm4b:s10+s2] =	stream.indirect_vreg.scatter [tilespmem:s15], [sflag:$0x1], $0x80, v3, vm0, $0xb8;
	[tilespmem:$0x18100] =	vst v63  }
0x17b: {  	_ = 	snop  }
0x17c: {  	[hbm4b:s11+s2] =	stream.indirect_vreg.scatter [tilespmem:s16], [sflag:$0x1], $0x80, v3, vm0, $0xb8;
	[tilespmem:$0x18100] =	vst v63  }
0x17d: {  	v3 =	vld [tilespmem:$0x10];
	_ =	sdelay $0x4  }
0x17e: {  	v57 =	vshrl.u32 v3, $0x3  }
0x17f: {  	v4 =	vmul.u32 $0x30, v57  }
0x180: {  	v3 =	vand.u32 $0x7, v3  }
0x181: {  	v3 =	vor.u32 v3, v4  }
0x182: {  	v4 =	vperm.xlane v3, v0;
	_ =	sdelay $0x1  }
0x183: {  	v4 =	vadd.s32 v1, v4;
	_ =	sdelay $0x3  }
0x184: {  	v3 =	vperm.xlane v3, v2  }
0x185: {  	[hbm4b:s5+s2] =	stream.indirect_vreg.scatter [tilespmem:s17], [sflag:$0x1], $0x80, v4, vm0, $0xb8;
	[tilespmem:$0x18100] =	vst v63  }
0x186: {  	v3 =	vadd.s32 v1, v3  }
0x187: {  	[hbm4b:s10+s2] =	stream.indirect_vreg.scatter [tilespmem:s18], [sflag:$0x1], $0x80, v4, vm0, $0xb8;
	[tilespmem:$0x18100] =	vst v63  }
0x188: {  	_ = 	snop  }
0x189: {  	[hbm4b:s11+s2] =	stream.indirect_vreg.scatter [tilespmem:s19], [sflag:$0x1], $0x80, v4, vm0, $0xb8;
	[tilespmem:$0x18100] =	vst v63  }
0x18a: {  	_ = 	snop  }
0x18b: {  	[hbm4b:s5+s2] =	stream.indirect_vreg.scatter [tilespmem:s21], [sflag:$0x1], $0x80, v3, vm0, $0xb8;
	[tilespmem:$0x18100] =	vst v63  }
0x18c: {  	_ = 	snop  }
0x18d: {  	[hbm4b:s10+s2] =	stream.indirect_vreg.scatter [tilespmem:s22], [sflag:$0x1], $0x80, v3, vm0, $0xb8;
	[tilespmem:$0x18100] =	vst v63  }
0x18e: {  	_ = 	snop  }
0x18f: {  	[hbm4b:s11+s2] =	stream.indirect_vreg.scatter [tilespmem:s23], [sflag:$0x1], $0x80, v3, vm0, $0xb8;
	[tilespmem:$0x18100] =	vst v63  }
0x190: {  	v3 =	vld [tilespmem:$0x20];
	_ =	sdelay $0x4  }
0x191: {  	v58 =	vshrl.u32 v3, $0x3  }
0x192: {  	v4 =	vmul.u32 $0x30, v58  }
0x193: {  	v3 =	vand.u32 $0x7, v3  }
0x194: {  	v3 =	vor.u32 v3, v4  }
0x195: {  	v4 =	vperm.xlane v3, v0;
	_ =	sdelay $0x1  }
0x196: {  	v4 =	vadd.s32 v1, v4;
	_ =	sdelay $0x3  }
0x197: {  	v3 =	vperm.xlane v3, v2  }
0x198: {  	[hbm4b:s5+s2] =	stream.indirect_vreg.scatter [tilespmem:s24], [sflag:$0x1], $0x80, v4, vm0, $0xb8;
	[tilespmem:$0x18100] =	vst v63  }
0x199: {  	v3 =	vadd.s32 v1, v3  }
0x19a: {  	[hbm4b:s10+s2] =	stream.indirect_vreg.scatter [tilespmem:s25], [sflag:$0x1], $0x80, v4, vm0, $0xb8;
	[tilespmem:$0x18100] =	vst v63  }
0x19b: {  	_ = 	snop  }
0x19c: {  	[hbm4b:s11+s2] =	stream.indirect_vreg.scatter [tilespmem:s26], [sflag:$0x1], $0x80, v4, vm0, $0xb8;
	[tilespmem:$0x18100] =	vst v63  }
0x19d: {  	_ = 	snop  }
0x19e: {  	[hbm4b:s5+s2] =	stream.indirect_vreg.scatter [tilespmem:s14], [sflag:$0x1], $0x80, v3, vm0, $0xb8;
	[tilespmem:$0x18100] =	vst v63  }
0x19f: {  	s30 =	simm.s32 $0x8100  }
0x1a0: {  	[hbm4b:s10+s2] =	stream.indirect_vreg.scatter [tilespmem:s30], [sflag:$0x1], $0x80, v3, vm0, $0xb8;
	[tilespmem:$0x18100] =	vst v63  }
0x1a1: {  	s20 =	simm.s32 $0x8900  }
0x1a2: {  	[hbm4b:s11+s2] =	stream.indirect_vreg.scatter [tilespmem:s20], [sflag:$0x1], $0x80, v3, vm0, $0xb8;
	[tilespmem:$0x18100] =	vst v63  }
0x1a3: {  	v3 =	vld [tilespmem:$0x30];
	_ =	sdelay $0x4  }
0x1a4: {  	v59 =	vshrl.u32 v3, $0x3  }
0x1a5: {  	v4 =	vmul.u32 $0x30, v59  }
0x1a6: {  	v3 =	vand.u32 $0x7, v3  }
0x1a7: {  	v3 =	vor.u32 v3, v4  }
0x1a8: {  	v4 =	vperm.xlane v3, v0;
	_ =	sdelay $0x1  }
0x1a9: {  	v4 =	vadd.s32 v1, v4;
	_ =	sdelay $0x3  }
0x1aa: {  	s30 =	simm.s32 $0x9100;
	v3 =	vperm.xlane v3, v2  }
0x1ab: {  	[hbm4b:s5+s2] =	stream.indirect_vreg.scatter [tilespmem:s30], [sflag:$0x1], $0x80, v4, vm0, $0xb8;
	[tilespmem:$0x18100] =	vst v63  }
0x1ac: {  	s20 =	simm.s32 $0x9900;
	v3 =	vadd.s32 v1, v3  }
0x1ad: {  	[hbm4b:s10+s2] =	stream.indirect_vreg.scatter [tilespmem:s20], [sflag:$0x1], $0x80, v4, vm0, $0xb8;
	[tilespmem:$0x18100] =	vst v63  }
0x1ae: {  	s30 =	simm.s32 $0xA100  }
0x1af: {  	[hbm4b:s11+s2] =	stream.indirect_vreg.scatter [tilespmem:s30], [sflag:$0x1], $0x80, v4, vm0, $0xb8;
	[tilespmem:$0x18100] =	vst v63  }
0x1b0: {  	s20 =	simm.s32 $0xA900  }
0x1b1: {  	[hbm4b:s5+s2] =	stream.indirect_vreg.scatter [tilespmem:s20], [sflag:$0x1], $0x80, v3, vm0, $0xb8;
	[tilespmem:$0x18100] =	vst v63  }
0x1b2: {  	s30 =	simm.s32 $0xB100  }
0x1b3: {  	[hbm4b:s10+s2] =	stream.indirect_vreg.scatter [tilespmem:s30], [sflag:$0x1], $0x80, v3, vm0, $0xb8;
	[tilespmem:$0x18100] =	vst v63  }
0x1b4: {  	_ = 	snop  }
0x1b5: {  	[hbm4b:s11+s2] =	stream.indirect_vreg.scatter [tilespmem:s1], [sflag:$0x1], $0x80, v3, vm0, $0xb8;
	[tilespmem:$0x18100] =	vst v63  }
0x1b6: {  	_ =	swait.ge [sflag:s29], $0xC000  }
0x1b7: {  	[sflag:s29] =	ssyncset.done $0x0  }
0x1b8: {  	s14 =	rddreg [dreg:$0xb];
	[sflag:s29] =	ssyncadd.s32 $0xFFFF4000  }
0x1b9: {  	[tilespmem:s0], [sflag:$0x3] =	stream.linear.gather [hbm4b:s14+s2], $0xC000, $0x38;
	[tilespmem:$0x18100] =	vst v63  }
0x1ba: {  	_ =	swait.ge [sflag:s13], $0xC000  }
0x1bb: {  	[sflag:s13] =	ssyncset.done $0x0  }
0x1bc: {  	[sflag:s13] =	ssyncadd.s32 $0xFFFF4000  }
0x1bd: {  	v3 =	vld [tilespmem:$0x80];
	_ =	sdelay $0x4  }
0x1be: {  	v60 =	vshrl.u32 v3, $0x3  }
0x1bf: {  	v4 =	vmul.u32 $0x30, v60  }
0x1c0: {  	v3 =	vand.u32 $0x7, v3  }
0x1c1: {  	v3 =	vor.u32 v3, v4  }
0x1c2: {  	v4 =	vperm.xlane v3, v0;
	_ =	sdelay $0x1  }
0x1c3: {  	v4 =	vadd.s32 v1, v4;
	_ =	sdelay $0x3  }
0x1c4: {  	v3 =	vperm.xlane v3, v2  }
0x1c5: {  	[hbm4b:s5+s2] =	stream.indirect_vreg.scatter [tilespmem:s0], [sflag:$0x2], $0x80, v4, vm0, $0xb8;
	[tilespmem:$0x18100] =	vst v63  }
0x1c6: {  	s20 =	simm.s32 $0xC900;
	v3 =	vadd.s32 v1, v3  }
0x1c7: {  	[hbm4b:s10+s2] =	stream.indirect_vreg.scatter [tilespmem:s20], [sflag:$0x2], $0x80, v4, vm0, $0xb8;
	[tilespmem:$0x18100] =	vst v63  }
0x1c8: {  	s30 =	simm.s32 $0xD100  }
0x1c9: {  	[hbm4b:s11+s2] =	stream.indirect_vreg.scatter [tilespmem:s30], [sflag:$0x2], $0x80, v4, vm0, $0xb8;
	[tilespmem:$0x18100] =	vst v63  }
0x1ca: {  	s14 =	simm.s32 $0xD900  }
0x1cb: {  	[hbm4b:s5+s2] =	stream.indirect_vreg.scatter [tilespmem:s14], [sflag:$0x2], $0x80, v3, vm0, $0xb8;
	[tilespmem:$0x18100] =	vst v63  }
0x1cc: {  	s20 =	simm.s32 $0xE100  }
0x1cd: {  	[hbm4b:s10+s2] =	stream.indirect_vreg.scatter [tilespmem:s20], [sflag:$0x2], $0x80, v3, vm0, $0xb8;
	[tilespmem:$0x18100] =	vst v63  }
0x1ce: {  	s30 =	simm.s32 $0xE900  }
0x1cf: {  	[hbm4b:s11+s2] =	stream.indirect_vreg.scatter [tilespmem:s30], [sflag:$0x2], $0x80, v3, vm0, $0xb8;
	[tilespmem:$0x18100] =	vst v63  }
0x1d0: {  	v3 =	vld [tilespmem:$0x90];
	_ =	sdelay $0x4  }
0x1d1: {  	v61 =	vshrl.u32 v3, $0x3  }
0x1d2: {  	v4 =	vmul.u32 $0x30, v61  }
0x1d3: {  	v3 =	vand.u32 $0x7, v3  }
0x1d4: {  	v3 =	vor.u32 v3, v4  }
0x1d5: {  	v4 =	vperm.xlane v3, v0;
	_ =	sdelay $0x1  }
0x1d6: {  	v4 =	vadd.s32 v1, v4;
	_ =	sdelay $0x3  }
0x1d7: {  	s14 =	simm.s32 $0xF100;
	v3 =	vperm.xlane v3, v2  }
0x1d8: {  	[hbm4b:s5+s2] =	stream.indirect_vreg.scatter [tilespmem:s14], [sflag:$0x2], $0x80, v4, vm0, $0xb8;
	[tilespmem:$0x18100] =	vst v63  }
0x1d9: {  	s20 =	simm.s32 $0xF900;
	v3 =	vadd.s32 v1, v3  }
0x1da: {  	[hbm4b:s10+s2] =	stream.indirect_vreg.scatter [tilespmem:s20], [sflag:$0x2], $0x80, v4, vm0, $0xb8;
	[tilespmem:$0x18100] =	vst v63  }
0x1db: {  	s30 =	simm.s32 $0x10100  }
0x1dc: {  	[hbm4b:s11+s2] =	stream.indirect_vreg.scatter [tilespmem:s30], [sflag:$0x2], $0x80, v4, vm0, $0xb8;
	[tilespmem:$0x18100] =	vst v63  }
0x1dd: {  	s14 =	simm.s32 $0x10900  }
0x1de: {  	[hbm4b:s5+s2] =	stream.indirect_vreg.scatter [tilespmem:s14], [sflag:$0x2], $0x80, v3, vm0, $0xb8;
	[tilespmem:$0x18100] =	vst v63  }
0x1df: {  	s20 =	simm.s32 $0x11100  }
0x1e0: {  	[hbm4b:s10+s2] =	stream.indirect_vreg.scatter [tilespmem:s20], [sflag:$0x2], $0x80, v3, vm0, $0xb8;
	[tilespmem:$0x18100] =	vst v63  }
0x1e1: {  	s30 =	simm.s32 $0x11900  }
0x1e2: {  	[hbm4b:s11+s2] =	stream.indirect_vreg.scatter [tilespmem:s30], [sflag:$0x2], $0x80, v3, vm0, $0xb8;
	[tilespmem:$0x18100] =	vst v63  }
0x1e3: {  	v3 =	vld [tilespmem:$0xA0];
	_ =	sdelay $0x4  }
0x1e4: {  	v62 =	vshrl.u32 v3, $0x3  }
0x1e5: {  	v4 =	vmul.u32 $0x30, v62  }
0x1e6: {  	v3 =	vand.u32 $0x7, v3  }
0x1e7: {  	v3 =	vor.u32 v3, v4  }
0x1e8: {  	v4 =	vperm.xlane v3, v0;
	_ =	sdelay $0x1  }
0x1e9: {  	v4 =	vadd.s32 v1, v4;
	_ =	sdelay $0x3  }
0x1ea: {  	s14 =	simm.s32 $0x12100;
	v3 =	vperm.xlane v3, v2  }
0x1eb: {  	[hbm4b:s5+s2] =	stream.indirect_vreg.scatter [tilespmem:s14], [sflag:$0x2], $0x80, v4, vm0, $0xb8;
	[tilespmem:$0x18100] =	vst v63  }
0x1ec: {  	s20 =	simm.s32 $0x12900;
	v3 =	vadd.s32 v1, v3  }
0x1ed: {  	[hbm4b:s10+s2] =	stream.indirect_vreg.scatter [tilespmem:s20], [sflag:$0x2], $0x80, v4, vm0, $0xb8;
	[tilespmem:$0x18100] =	vst v63  }
0x1ee: {  	s30 =	simm.s32 $0x13100  }
0x1ef: {  	[hbm4b:s11+s2] =	stream.indirect_vreg.scatter [tilespmem:s30], [sflag:$0x2], $0x80, v4, vm0, $0xb8;
	[tilespmem:$0x18100] =	vst v63  }
0x1f0: {  	s14 =	simm.s32 $0x13900  }
0x1f1: {  	[hbm4b:s5+s2] =	stream.indirect_vreg.scatter [tilespmem:s14], [sflag:$0x2], $0x80, v3, vm0, $0xb8;
	[tilespmem:$0x18100] =	vst v63  }
0x1f2: {  	s20 =	simm.s32 $0x14100  }
0x1f3: {  	[hbm4b:s10+s2] =	stream.indirect_vreg.scatter [tilespmem:s20], [sflag:$0x2], $0x80, v3, vm0, $0xb8;
	[tilespmem:$0x18100] =	vst v63  }
0x1f4: {  	s30 =	simm.s32 $0x14900  }
0x1f5: {  	[hbm4b:s11+s2] =	stream.indirect_vreg.scatter [tilespmem:s30], [sflag:$0x2], $0x80, v3, vm0, $0xb8;
	[tilespmem:$0x18100] =	vst v63  }
0x1f6: {  	v3 =	vld [tilespmem:$0xB0];
	_ =	sdelay $0x4  }
0x1f7: {  	v63 =	vshrl.u32 v3, $0x3  }
0x1f8: {  	v4 =	vmul.u32 $0x30, v63  }
0x1f9: {  	v3 =	vand.u32 $0x7, v3  }
0x1fa: {  	v3 =	vor.u32 v3, v4  }
0x1fb: {  	v4 =	vperm.xlane v3, v0;
	_ =	sdelay $0x1  }
0x1fc: {  	v4 =	vadd.s32 v1, v4;
	_ =	sdelay $0x3  }
0x1fd: {  	s14 =	simm.s32 $0x15100;
	v3 =	vperm.xlane v3, v2  }
0x1fe: {  	[hbm4b:s5+s2] =	stream.indirect_vreg.scatter [tilespmem:s14], [sflag:$0x2], $0x80, v4, vm0, $0xb8;
	[tilespmem:$0x18100] =	vst v63  }
0x1ff: {  	s20 =	simm.s32 $0x15900;
	v3 =	vadd.s32 v1, v3  }
0x200: {  	[hbm4b:s10+s2] =	stream.indirect_vreg.scatter [tilespmem:s20], [sflag:$0x2], $0x80, v4, vm0, $0xb8;
	[tilespmem:$0x18100] =	vst v63  }
0x201: {  	s30 =	simm.s32 $0x16100  }
0x202: {  	[hbm4b:s11+s2] =	stream.indirect_vreg.scatter [tilespmem:s30], [sflag:$0x2], $0x80, v4, vm0, $0xb8;
	[tilespmem:$0x18100] =	vst v63  }
0x203: {  	s14 =	simm.s32 $0x16900  }
0x204: {  	[hbm4b:s5+s2] =	stream.indirect_vreg.scatter [tilespmem:s14], [sflag:$0x2], $0x80, v3, vm0, $0xb8;
	[tilespmem:$0x18100] =	vst v63  }
0x205: {  	s20 =	simm.s32 $0x17100  }
0x206: {  	[hbm4b:s10+s2] =	stream.indirect_vreg.scatter [tilespmem:s20], [sflag:$0x2], $0x80, v3, vm0, $0xb8;
	[tilespmem:$0x18100] =	vst v63  }
0x207: {  	s30 =	simm.s32 $0x17900  }
0x208: {  	[hbm4b:s11+s2] =	stream.indirect_vreg.scatter [tilespmem:s30], [sflag:$0x2], $0x80, v3, vm0, $0xb8;
	[tilespmem:$0x18100] =	vst v63  }
0x209: {  	p0 =	sne.s32 s12, $0x1;
	_ =	swait.ge [sflag:s28], $0xC000  }
.Ltmp0:
0x20a: {  	[sflag:s28] =	ssyncset.done $0x0;
	(pc) =	sbr.rel @p0 .LBB2_1-.Ltmp0, $4  }
0x20b: {  	[sflag:s28] =	ssyncadd.s32 $0xFFFF4000  }
0x20c: {  	_ =	swait.ge [sflag:s29], $0xC000  }
0x20d: {  	[sflag:s29] =	ssyncset.done $0x0  }
0x20e: {  	s12 =	sadd.s32 $0xFFFFFFFF, s12;
	[sflag:s29] =	ssyncadd.s32 $0xFFFF4000  }
0x20f: {  	_ =	sfence.sel $0x180000  }
0x210: {  	[bflag:$0x0] =	sbarrier.arrive $0xFFFF  }
0x211: {  	_ =	strace $0x90000047  }
0x212: {  	s0 =	stileid.u32;
	[bflag:$0x2] =	sbarrier.arrive $0xFFFF  }
0x213: {  	p0 =	sne.s32 s0, $0x0;
	s0 =	rddreg [dreg:$0x4]  }
0x214: {  	s0 =	sadd.s32 @!p0 $0x100000, s0  }
0x215: {  	[sflag:s0] =	ssyncadd.tile.s32 @!p0 $0x1;
	_ =	shalt  }
.Lfunc_end2:
_tile_overlayer_lowered:
.L_overlay_start_2:
0x216: {  	(tag) =	ssettag $0x2  }
0x217: {  	s0 =	rddreg [dreg:$0x0];
	s2 =	stileid.u32  }
0x218: {  	s1 =	rddreg [dreg:$0x1];
	p0 =	sne.s32 s2, $0x0  }
0x219: {  	s3 =	rddreg [dreg:$0x2];
	[bflag:$0x3] =	sbarrier.arrive $0xFFFF;
	s2 =	simm.s32 @!p0 $0x1C03  }
0x21a: {  	[timem:s3], [sflag:s2] =	dma.local @!p0 [hbm:s0], s1  }
0x21b: {  	s0 =	simm.s32 @!p0 $0x3  }
0x21c: {  	_ =	swait.ge @!p0 [sflag:s0], s1  }
0x21d: {  	s1 =	ssub.s32 @!p0 $0x0, s1;
	[sflag:s0] =	ssyncset.done @!p0 $0x0  }
0x21e: {  	[sflag:s0] =	ssyncadd.s32 @!p0 s1  }
0x21f: {  	[bflag:$0x3] =	sbarrier.arrive $0xFFFF  }
0x220: {  	_ =	shalt  }

// kernel: kernel.14.cloned.1.call-start
scs
__scs_entry_jumppad:
0x0: {  	(pc) =	sbr.rel $0x88, $3  }
0x1: {  	(tag) =	ssettag $0x0;
	lr =	simm.s32 $0x1  }
0x2: {  	[smem:$0x3F9D] =	sst lr;
	_ =	strace $0xD0000000  }
0x3: {  	_ = 	snop  }
0x4: {  	_ = 	snop  }
0x5: {  	_ = 	snop  }
0x6: {  	_ = 	snop  }
0x7: {  	_ = 	snop  }
__scs_overlays_trampoline_lowered:
0x8: {  	[smem:$0x3FAC] =	sst s0  }
0x9: {  	[smem:$0x3FAD] =	sst s1  }
0xa: {  	[smem:$0x3FAE] =	sst s2  }
0xb: {  	[smem:$0x3FAF] =	sst s3  }
0xc: {  	[smem:$0x3FB0] =	sst s4  }
0xd: {  	[smem:$0x3FB1] =	sst s5  }
0xe: {  	[smem:$0x3FB2] =	sst s6  }
0xf: {  	[smem:$0x3FB3] =	sst s7  }
0x10: {  	[smem:$0x3FB4] =	sst s8  }
0x11: {  	[smem:$0x3FB5] =	sst s9;
	s0 =	simm.s32 @!p0 $0x0  }
0x12: {  	s1 =	sld [smem:$0x3F9B];
	s0 =	simm.s32 @p0 $0x1  }
0x13: {  	[smem:$0x3FB6] =	sst s0;
	s0 =	simm.s32 @!p1 $0x0  }
0x14: {  	s2 =	sld [smem:$0x3F9A];
	s0 =	simm.s32 @p1 $0x1  }
0x15: {  	[smem:$0x3FB7] =	sst s0;
	s0 =	simm.s32 @!p2 $0x0  }
0x16: {  	s3 =	sld [smem:$0x3FDB];
	s0 =	simm.s32 @p2 $0x1  }
0x17: {  	s4 =	simm.s32 $0x1BF5;
	[smem:$0x3FB9] =	sst s0  }
0x18: {  	s0 =	sld [smem:$0x3F9C];
	_ =	swait.ge [sflag:s4], $0x0  }
0x19: {  	s7 =	sld [smem:$0x3F9D]  }
0x1a: {  	s8 =	sadd.s32 $0xFFFFE003, lr  }
0x1b: {  	s9 =	sadd.s32 $0xFFFFFEF7, lr;
	s5 =	simm.s32 $0xFFFFFFFF;
	p2 =	slt.u32 s8, $0xFFFFF086  }
0x1c: {  	p1 =	slt.u32 s9, $0xF7A;
	s5 =	simm.s32 @!p2 $0x0  }
0x1d: {  	s5 =	simm.s32 @p1 $0x1;
	p0 =	seq.s32 s7, s2  }
0x1e: {  	s7 =	smul.u32 @!p0 $0xF7A, s2;
	p2 =	seq.s32 @!p0 s5, $0x0  }
0x1f: {  	s9 =	smul.u32 $0xF7A, s1;
	s8 =	simm.s32 @!p0 $0x1BF5;
	p2 =	por !p2, p0  }
0x20: {  	[sflag:s8] =	ssyncset.s32 @!p0 $0xFFFFF086;
	s6 =	sadd.s32 @!p0 s3, s7;
	s7 =	simm.s32 @!p0 $0x108  }
0x21: {  	s3 =	sadd.s32 s3, s9;
	s6 =	sadd.s32 @!p0 $0x88, s6;
	s7 =	simm.s32 @p2 $0x1082  }
0x22: {  	[simem:s7], [sflag:s8] =	dma.local @!p0 [hbm:s6], $0xF7A  }
0x23: {  	s9 =	sor.u32 $0xD0000000, s2;
	s6 =	simm.s32 $0x108;
	_ =	swait.ge @!p0 [sflag:s8], $0x0  }
0x24: {  	s3 =	sadd.s32 $0x88, s3;
	s6 =	simm.s32 @!p1 $0x1082;
	[sflag:s4] =	ssyncset.s32 $0xFFFFF086  }
0x25: {  	[simem:s6], [sflag:s4] =	dma.local [hbm:s3], $0xF7A  }
0x26: {  	[smem:$0x3F9D] =	sst s1;
	(tag) =	ssettag s2;
	_ =	strace s9  }
0x27: {  	s1 =	sld [smem:$0x3FAD]  }
0x28: {  	s2 =	sld [smem:$0x3FAE]  }
0x29: {  	s4 =	sld [smem:$0x3FB0]  }
0x2a: {  	p0 =	seq.s32 s5, $0x0;
	s5 =	sld [smem:$0x3FB1]  }
0x2b: {  	s6 =	sld [smem:$0x3FB2]  }
0x2c: {  	s7 =	sld [smem:$0x3FB3]  }
0x2d: {  	s3 =	simm.s32 $0x108;
	s8 =	sld [smem:$0x3FB4]  }
0x2e: {  	s3 =	simm.s32 @!p0 $0x1082;
	s9 =	sld [smem:$0x3FB5]  }
0x2f: {  	lr =	sadd.s32 s0, s3;
	s0 =	sld [smem:$0x3FAC]  }
0x30: {  	s3 =	sld [smem:$0x3FAF]  }
0x31: {  	[smem:$0x3FB8] =	sst s10  }
0x32: {  	s10 =	sld [smem:$0x3FB6];
	_ =	sdelay $0x3  }
0x33: {  	p0 =	seq.s32 s10, $0x1;
	s10 =	sld [smem:$0x3FB8];
	_ =	sdelay $0x3  }
0x34: {  	[smem:$0x3FB8] =	sst s10  }
0x35: {  	s10 =	sld [smem:$0x3FB7];
	_ =	sdelay $0x3  }
0x36: {  	p1 =	seq.s32 s10, $0x1;
	s10 =	sld [smem:$0x3FB8];
	_ =	sdelay $0x3  }
0x37: {  	[smem:$0x3FB8] =	sst s10  }
0x38: {  	s10 =	sld [smem:$0x3FB9]  }
0x39: {  	_ = 	snop;
	(pc) =	sbr.ind lr, $3  }
0x3a: {  	_ = 	snop  }
0x3b: {  	_ = 	snop  }
0x3c: {  	p2 =	seq.s32 s10, $0x1;
	s10 =	sld [smem:$0x3FB8]  }
0x3d: {  	_ =	shalt  }
0x3e: {  	_ =	shalt  }
0x3f: {  	_ =	shalt  }
0x40: {  	_ =	shalt  }
0x41: {  	_ =	shalt  }
0x42: {  	_ =	shalt  }
0x43: {  	_ =	shalt  }
0x44: {  	_ =	shalt  }
0x45: {  	_ =	shalt  }
0x46: {  	_ =	shalt  }
0x47: {  	_ =	shalt  }
0x48: {  	_ =	shalt  }
0x49: {  	_ =	shalt  }
0x4a: {  	_ =	shalt  }
0x4b: {  	_ =	shalt  }
0x4c: {  	_ =	shalt  }
0x4d: {  	_ =	shalt  }
0x4e: {  	_ =	shalt  }
0x4f: {  	_ =	shalt  }
0x50: {  	_ =	shalt  }
0x51: {  	_ =	shalt  }
0x52: {  	_ =	shalt  }
0x53: {  	_ =	shalt  }
0x54: {  	_ =	shalt  }
0x55: {  	_ =	shalt  }
0x56: {  	_ =	shalt  }
0x57: {  	_ =	shalt  }
0x58: {  	_ =	shalt  }
0x59: {  	_ =	shalt  }
0x5a: {  	_ =	shalt  }
0x5b: {  	_ =	shalt  }
0x5c: {  	_ =	shalt  }
0x5d: {  	_ =	shalt  }
0x5e: {  	_ =	shalt  }
0x5f: {  	_ =	shalt  }
0x60: {  	_ =	shalt  }
0x61: {  	_ =	shalt  }
0x62: {  	_ =	shalt  }
0x63: {  	_ =	shalt  }
0x64: {  	_ =	shalt  }
0x65: {  	_ =	shalt  }
0x66: {  	_ =	shalt  }
0x67: {  	_ =	shalt  }
0x68: {  	_ =	shalt  }
0x69: {  	_ =	shalt  }
0x6a: {  	_ =	shalt  }
0x6b: {  	_ =	shalt  }
0x6c: {  	_ =	shalt  }
0x6d: {  	_ =	shalt  }
0x6e: {  	_ =	shalt  }
0x6f: {  	_ =	shalt  }
0x70: {  	_ =	shalt  }
0x71: {  	_ =	shalt  }
0x72: {  	_ =	shalt  }
0x73: {  	_ =	shalt  }
0x74: {  	_ =	shalt  }
0x75: {  	_ =	shalt  }
0x76: {  	_ =	shalt  }
0x77: {  	_ =	shalt  }
0x78: {  	_ =	shalt  }
0x79: {  	_ =	shalt  }
0x7a: {  	_ =	shalt  }
0x7b: {  	_ =	shalt  }
0x7c: {  	_ =	shalt  }
0x7d: {  	_ =	shalt  }
0x7e: {  	_ =	shalt  }
0x7f: {  	_ =	shalt  }
0x80: {  	_ =	shalt  }
0x81: {  	_ =	shalt  }
0x82: {  	_ =	shalt  }
0x83: {  	_ =	shalt  }
0x84: {  	_ =	shalt  }
0x85: {  	_ =	shalt  }
0x86: {  	_ =	shalt  }
0x87: {  	_ =	shalt  }
.Lfunc_end0:
.L_simem_size_0:
called_computation.2_lowered:
.L_overlay_start_0:
0x88: {  	s2 =	sld [smem:$0x3FD9]  }
0x89: {  	s3 =	sld [smem:$0x3FFE];
	_ =	sdelay $0x1  }
0x8a: {  	s1 =	srdreg.scid  }
0x8b: {  	s0 =	sand.u32 $0x1, s1  }
0x8c: {  	s17 =	sshll.u32 s0, $0xA;
	s2 =	sadd.s32 s3, s2  }
0x8d: {  	s2 =	sadd.s32 s2, s17  }
0x8e: {  	[smem:$0x3FC4] =	sst s2  }
0x8f: {  	_ = 	snop  }
0x90: {  	s2 =	sld [smem:$0x3FD0];
	(tm) =	ssettm $0x1  }
0x91: {  	s18 =	sld [smem:$0x3FFB];
	_ =	sdelay $0x3  }
0x92: {  	_ =	strace s18  }
0x93: {  	s3 =	sld [smem:$0x3FFC];
	_ =	sdelay $0x3  }
0x94: {  	_ =	strace s3  }
0x95: {  	s3 =	sld [smem:$0x3FFD];
	_ =	sdelay $0x3  }
0x96: {  	_ =	strace s3  }
0x97: {  	_ =	strace $0x8FFFFFFF  }
0x98: {  	s19 =	sld [smem:$0x3FDB];
	_ =	sdelay $0x1  }
0x99: {  	s4 =	simm.s32 $_scs_section_size  }
0x9a: {  	s5 =	simm.s32 $_size__tile_overlayer_lowered;
	s6 =	simm.s32 $_tile_overlayer_lowered  }
0x9b: {  	s22 =	simm.s32 $0x1BFF;
	s21 =	sshll.u32 s6, $0x1;
	s3 =	sadd.s32 s4, s19  }
0x9c: {  	s7 =	simm.s32 $0x0;
	s20 =	sshll.u32 s5, $0x1;
	s5 =	sadd.s32 s21, s3  }
0x9d: {  	[timem:s7], [sflag:s22] =	dma.local [hbm:s5], s20  }
0x9e: {  	_ =	swait.ge [sflag:s22], s20  }
0x9f: {  	s4 =	ssub.s32 $0x0, s20;
	[sflag:s22] =	ssyncset.done $0x0  }
0xa0: {  	[sflag:s22] =	ssyncadd.s32 s4;
	_ =	sdelay $0x1  }
0xa1: {  	s23 =	simm.s32 $0x1B8B  }
0xa2: {  	_ =	swait.ge [sflag:s23], $0x1  }
0xa3: {  	[sflag:s23] =	ssyncset.done $0x0  }
0xa4: {  	s25 =	simm.s32 $0x1B8E;
	s24 =	sld [smem:$0x3FFE];
	[sflag:s23] =	ssyncadd.s32 $0xFFFFFFFF  }
0xa5: {  	s26 =	simm.s32 $execute0_lowered;
	[smem:$0x3FD2] =	sst s25  }
0xa6: {  	s5 =	sshll.u32 s26, $0x1;
	_ =	strace $0x8000004C;
	[dreg:$0x1] =	wrdreg $0xFFFFFFFF  }
0xa7: {  	s28 =	simm.s32 $_size_execute0_lowered;
	s3 =	sadd.s32 s3, s5;
	[dreg:$0x0] =	wrdreg $0x0  }
0xa8: {  	s5 =	sshll.u32 s28, $0x1;
	[dreg:$0x2] =	wrdreg s3  }
0xa9: {  	[dreg:$0x3] =	wrdreg s5  }
0xaa: {  	[dreg:$0x4] =	wrdreg $0xC0  }
0xab: {  	_ =	task [dreg:s7], $0x5FFFF  }
0xac: {  	[dreg:$0x1] =	wrdreg $0xFFFFFFFF  }
0xad: {  	[dreg:$0x0] =	wrdreg $0x60  }
0xae: {  	[dreg:$0x2] =	wrdreg s2  }
0xaf: {  	[dreg:$0x3] =	wrdreg s24  }
0xb0: {  	[dreg:$0x4] =	wrdreg $0x9  }
0xb1: {  	_ =	task.clear_ibuf [dreg:s7], $0x5FFFF;
	_ =	strace $0x9000004C  }
0xb2: {  	s29 =	simm.s32 $0x9;
	_ =	strace $0x8000004E  }
0xb3: {  	_ =	swait.ge [sflag:s29], $0x1  }
0xb4: {  	[sflag:s29] =	ssyncadd.s32 $0xFFFFFFFF  }
0xb5: {  	_ =	strace $0x9000004E  }
0xb6: {  	_ =	sfence  }
0xb7: {  	s30 =	sld [smem:$0x0];
	_ =	sdelay $0x2  }
0xb8: {  	s31 =	sshll.u32 s1, $0xD;
	s1 =	sshrl.u32 s1, $0x2  }
0xb9: {  	s3 =	sand.u32 $0x4000, s31;
	s1 =	sadd.s32 s1, s30  }
0xba: {  	s0 =	sor.u32 s3, s0;
	s1 =	sshll.u32 s1, $0x11  }
0xbb: {  	s0 =	sor.u32 s1, s0  }
0xbc: {  	s0 =	sadd.s32 $0x8F2B, s0  }
0xbd: {  	[sflag:s0] =	ssyncadd.remote.s32 $0x1  }
0xbe: {  	_ =	sfence.sel $0xFFFF  }
0xbf: {  	[dreg:$0x0] =	wrdreg $0xFFFFFFFF;
	(pc) =	sbr.abs _section_cstart, $3  }
0xc0: {  	[dreg:$0x1] =	wrdreg $0xFFFFFFFF  }
0xc1: {  	_ =	task.clear_ibuf [dreg:s7], $0x2FFFF;
	_ =	strace $0x9FFFFFFF  }
0xc2: {  	(tm) =	ssettm $0x7FFFFFFF  }
0xc3: {  	_ =	shalt  }
tec
execute0_lowered:
.L_overlay_start_1:
0x0: {  	(tag) =	ssettag $0x1  }
0x1: {  	s1 =	rddreg [dreg:$0x0]  }
0x2: {  	s0 =	rddreg [dreg:$0x1];
	s2 =	srdreg.scid  }
0x3: {  	s3 =	simm.s32 $0x0;
	s4 =	stileid.u32;
	s14 =	simm.s32 $0x3  }
0x4: {  	s16 =	simm.s32 $0x100;
	s12 =	simm.s32 $0x12900;
	s15 =	simm.s32 $0x13100  }
0x5: {  	s13 =	simm.s32 $0x13900;
	s17 =	simm.s32 $0x14100;
	s18 =	simm.s32 $0x14900  }
0x6: {  	s19 =	simm.s32 $0x15100;
	s20 =	simm.s32 $0x15900;
	s21 =	simm.s32 $0x16100  }
0x7: {  	s22 =	simm.s32 $0x16900;
	s23 =	simm.s32 $0x17900;
	s24 =	simm.s32 $0x2  }
0x8: {  	s25 =	simm.s32 $0x0;
	s2 =	sand.u32 $0x1, s2;
	[smem:$0x7FF] =	sst s3  }
0x9: {  	s4 =	sshll.u32 s4, $0x5;
	s11 =	sadd.s32 $0x61200, s0;
	s9 =	sadd.s32 $0x1300, s0  }
0xa: {  	s10 =	sadd.s32 $0x1400, s0;
	s5 =	sshll.u32 s2, $0x4;
	_ =	strace $0x8000004D  }
0xb: {  	s2 =	ssub.s32 $0x2, s2;
	s5 =	sor.u32 s5, s4;
	s4 =	sadd.s32 $0x1200, s0  }
0xc: {  	s7 =	sshrl.u32 s2, $0x1;
	s6 =	sadd.s32 s5, s0;
	s8 =	smul.u32 $0x1800, s5  }
0xd: {  	s2 =	ssub.s32 s2, s7;
	s5 =	smul.u32 $0x300, s5;
	s0 =	simm.s32 $0x11100  }
0xe: {  	s7 =	sadd.s32 $0x100, s1;
	s26 =	sadd.s32 $0x1E1A00, s6;
	s6 =	sadd.s32 $0x1E1C00, s6  }
0xf: {  	s31 =	smax.u32 s2, $0x1;
	s2 =	simm.s32 $0x12100;
	[dreg:$0x3] =	wrdreg s26  }
0x10: {  	[dreg:$0x4] =	wrdreg s6;
	s28 =	sshrl.u32 s8, $0x3;
	s8 =	sadd.s32 $0x200, s1  }
0x11: {  	v2 =	vlaneseq.u32;
	s29 =	sadd.s32 s11, s5;
	[dreg:$0x7] =	wrdreg s31;
	s6 =	sadd.s32 s11, s28  }
0x12: {  	vm0 =	vmmov $0xffff;
	v1 =	vshrl.u32 v2, $0x3;
	s5 =	simm.s32 $0x17100;
	[dreg:$0x5] =	wrdreg s29;
	s30 =	sadd.s32 $0x1800, s6  }
0x13: {  	v0 =	vand.u32 $0x7, v2;
	v2 =	vor.u32 $0x8, v2;
	v1 =	vmul.u32 $0x8, v1;
	s11 =	simm.s32 $0x11900;
	s6 =	simm.s32 $0x1;
	[dreg:$0x6] =	wrdreg s30  }
.LBB2_1:
0x14: {  	s26 =	rddreg [dreg:$0x3]  }
0x15: {  	[tilespmem:s3], [sflag:$0x3] =	stream.linear.gather [hbm4b:s26+s3], $0x80, $0x38;
	[tilespmem:$0x18100] =	vst v63  }
0x16: {  	_ =	swait.ge [sflag:s14], $0x80  }
0x17: {  	[sflag:s14] =	ssyncset.done $0x0  }
0x18: {  	s28 =	simm.s32 $0x80;
	s31 =	rddreg [dreg:$0x4];
	[sflag:s14] =	ssyncadd.s32 $0xFFFFFF80  }
0x19: {  	[tilespmem:s28], [sflag:$0x3] =	stream.linear.gather [hbm4b:s31+s3], $0x80, $0x38;
	[tilespmem:$0x18100] =	vst v63  }
0x1a: {  	_ =	swait.ge [sflag:s14], $0x80  }
0x1b: {  	[sflag:s14] =	ssyncset.done $0x0  }
0x1c: {  	[sflag:s14] =	ssyncadd.s32 $0xFFFFFF80  }
0x1d: {  	v3 =	vld [tilespmem:$0x0];
	_ =	sdelay $0x4  }
0x1e: {  	v4 =	vshrl.u32 v3, $0x3  }
0x1f: {  	v4 =	vmul.u32 $0x30, v4  }
0x20: {  	v3 =	vand.u32 $0x7, v3  }
0x21: {  	v3 =	vor.u32 v3, v4  }
0x22: {  	v4 =	vperm.xlane v3, v0;
	_ =	sdelay $0x1  }
0x23: {  	v4 =	vadd.s32 v1, v4;
	_ =	sdelay $0x3  }
0x24: {  	v3 =	vperm.xlane v3, v2  }
0x25: {  	[tilespmem:s16], [sflag:$0x1] =	stream.indirect_vreg.gather [hbm4b:s1+s3], $0x80, v4, vm0, $0xb8;
	[tilespmem:$0x18100] =	vst v63  }
0x26: {  	s30 =	simm.s32 $0x900;
	v3 =	vadd.s32 v1, v3  }
0x27: {  	[tilespmem:s30], [sflag:$0x1] =	stream.indirect_vreg.gather [hbm4b:s7+s3], $0x80, v4, vm0, $0xb8;
	[tilespmem:$0x18100] =	vst v63  }
0x28: {  	s31 =	simm.s32 $0x1100  }
0x29: {  	[tilespmem:s31], [sflag:$0x1] =	stream.indirect_vreg.gather [hbm4b:s8+s3], $0x80, v4, vm0, $0xb8;
	[tilespmem:$0x18100] =	vst v63  }
0x2a: {  	s30 =	simm.s32 $0x1900  }
0x2b: {  	[tilespmem:s30], [sflag:$0x1] =	stream.indirect_vreg.gather [hbm4b:s1+s3], $0x80, v3, vm0, $0xb8;
	[tilespmem:$0x18100] =	vst v63  }
0x2c: {  	s31 =	simm.s32 $0x2100  }
0x2d: {  	[tilespmem:s31], [sflag:$0x1] =	stream.indirect_vreg.gather [hbm4b:s7+s3], $0x80, v3, vm0, $0xb8;
	[tilespmem:$0x18100] =	vst v63  }
0x2e: {  	s30 =	simm.s32 $0x2900  }
0x2f: {  	[tilespmem:s30], [sflag:$0x1] =	stream.indirect_vreg.gather [hbm4b:s8+s3], $0x80, v3, vm0, $0xb8;
	[tilespmem:$0x18100] =	vst v63  }
0x30: {  	v3 =	vld [tilespmem:$0x10];
	_ =	sdelay $0x4  }
0x31: {  	v4 =	vshrl.u32 v3, $0x3  }
0x32: {  	v4 =	vmul.u32 $0x30, v4  }
0x33: {  	v3 =	vand.u32 $0x7, v3  }
0x34: {  	v3 =	vor.u32 v3, v4  }
0x35: {  	v4 =	vperm.xlane v3, v0;
	_ =	sdelay $0x1  }
0x36: {  	v4 =	vadd.s32 v1, v4;
	_ =	sdelay $0x3  }
0x37: {  	s31 =	simm.s32 $0x3100;
	v3 =	vperm.xlane v3, v2  }
0x38: {  	[tilespmem:s31], [sflag:$0x1] =	stream.indirect_vreg.gather [hbm4b:s1+s3], $0x80, v4, vm0, $0xb8;
	[tilespmem:$0x18100] =	vst v63  }
0x39: {  	s30 =	simm.s32 $0x3900;
	v3 =	vadd.s32 v1, v3  }
0x3a: {  	[tilespmem:s30], [sflag:$0x1] =	stream.indirect_vreg.gather [hbm4b:s7+s3], $0x80, v4, vm0, $0xb8;
	[tilespmem:$0x18100] =	vst v63  }
0x3b: {  	s31 =	simm.s32 $0x4100  }
0x3c: {  	[tilespmem:s31], [sflag:$0x1] =	stream.indirect_vreg.gather [hbm4b:s8+s3], $0x80, v4, vm0, $0xb8;
	[tilespmem:$0x18100] =	vst v63  }
0x3d: {  	s30 =	simm.s32 $0x4900  }
0x3e: {  	[tilespmem:s30], [sflag:$0x1] =	stream.indirect_vreg.gather [hbm4b:s1+s3], $0x80, v3, vm0, $0xb8;
	[tilespmem:$0x18100] =	vst v63  }
0x3f: {  	s31 =	simm.s32 $0x5100  }
0x40: {  	[tilespmem:s31], [sflag:$0x1] =	stream.indirect_vreg.gather [hbm4b:s7+s3], $0x80, v3, vm0, $0xb8;
	[tilespmem:$0x18100] =	vst v63  }
0x41: {  	s30 =	simm.s32 $0x5900  }
0x42: {  	[tilespmem:s30], [sflag:$0x1] =	stream.indirect_vreg.gather [hbm4b:s8+s3], $0x80, v3, vm0, $0xb8;
	[tilespmem:$0x18100] =	vst v63  }
0x43: {  	v3 =	vld [tilespmem:$0x20];
	_ =	sdelay $0x4  }
0x44: {  	v4 =	vshrl.u32 v3, $0x3  }
0x45: {  	v4 =	vmul.u32 $0x30, v4  }
0x46: {  	v3 =	vand.u32 $0x7, v3  }
0x47: {  	v3 =	vor.u32 v3, v4  }
0x48: {  	v4 =	vperm.xlane v3, v0;
	_ =	sdelay $0x1  }
0x49: {  	v4 =	vadd.s32 v1, v4;
	_ =	sdelay $0x3  }
0x4a: {  	s31 =	simm.s32 $0x6100;
	v3 =	vperm.xlane v3, v2  }
0x4b: {  	[tilespmem:s31], [sflag:$0x1] =	stream.indirect_vreg.gather [hbm4b:s1+s3], $0x80, v4, vm0, $0xb8;
	[tilespmem:$0x18100] =	vst v63  }
0x4c: {  	s30 =	simm.s32 $0x6900;
	v3 =	vadd.s32 v1, v3  }
0x4d: {  	[tilespmem:s30], [sflag:$0x1] =	stream.indirect_vreg.gather [hbm4b:s7+s3], $0x80, v4, vm0, $0xb8;
	[tilespmem:$0x18100] =	vst v63  }
0x4e: {  	s31 =	simm.s32 $0x7100  }
0x4f: {  	[tilespmem:s31], [sflag:$0x1] =	stream.indirect_vreg.gather [hbm4b:s8+s3], $0x80, v4, vm0, $0xb8;
	[tilespmem:$0x18100] =	vst v63  }
0x50: {  	s30 =	simm.s32 $0x7900  }
0x51: {  	[tilespmem:s30], [sflag:$0x1] =	stream.indirect_vreg.gather [hbm4b:s1+s3], $0x80, v3, vm0, $0xb8;
	[tilespmem:$0x18100] =	vst v63  }
0x52: {  	s31 =	simm.s32 $0x8100  }
0x53: {  	[tilespmem:s31], [sflag:$0x1] =	stream.indirect_vreg.gather [hbm4b:s7+s3], $0x80, v3, vm0, $0xb8;
	[tilespmem:$0x18100] =	vst v63  }
0x54: {  	s30 =	simm.s32 $0x8900  }
0x55: {  	[tilespmem:s30], [sflag:$0x1] =	stream.indirect_vreg.gather [hbm4b:s8+s3], $0x80, v3, vm0, $0xb8;
	[tilespmem:$0x18100] =	vst v63  }
0x56: {  	v3 =	vld [tilespmem:$0x30];
	_ =	sdelay $0x4  }
0x57: {  	v4 =	vshrl.u32 v3, $0x3  }
0x58: {  	v4 =	vmul.u32 $0x30, v4  }
0x59: {  	v3 =	vand.u32 $0x7, v3  }
0x5a: {  	v3 =	vor.u32 v3, v4  }
0x5b: {  	v4 =	vperm.xlane v3, v0;
	_ =	sdelay $0x1  }
0x5c: {  	v4 =	vadd.s32 v1, v4;
	_ =	sdelay $0x3  }
0x5d: {  	s31 =	simm.s32 $0x9100;
	v3 =	vperm.xlane v3, v2  }
0x5e: {  	[tilespmem:s31], [sflag:$0x1] =	stream.indirect_vreg.gather [hbm4b:s1+s3], $0x80, v4, vm0, $0xb8;
	[tilespmem:$0x18100] =	vst v63  }
0x5f: {  	s30 =	simm.s32 $0x9900;
	v3 =	vadd.s32 v1, v3  }
0x60: {  	[tilespmem:s30], [sflag:$0x1] =	stream.indirect_vreg.gather [hbm4b:s7+s3], $0x80, v4, vm0, $0xb8;
	[tilespmem:$0x18100] =	vst v63  }
0x61: {  	s31 =	simm.s32 $0xA100  }
0x62: {  	[tilespmem:s31], [sflag:$0x1] =	stream.indirect_vreg.gather [hbm4b:s8+s3], $0x80, v4, vm0, $0xb8;
	[tilespmem:$0x18100] =	vst v63  }
0x63: {  	s30 =	simm.s32 $0xA900  }
0x64: {  	[tilespmem:s30], [sflag:$0x1] =	stream.indirect_vreg.gather [hbm4b:s1+s3], $0x80, v3, vm0, $0xb8;
	[tilespmem:$0x18100] =	vst v63  }
0x65: {  	s31 =	simm.s32 $0xB100  }
0x66: {  	[tilespmem:s31], [sflag:$0x1] =	stream.indirect_vreg.gather [hbm4b:s7+s3], $0x80, v3, vm0, $0xb8;
	[tilespmem:$0x18100] =	vst v63  }
0x67: {  	s30 =	simm.s32 $0xB900  }
0x68: {  	[tilespmem:s30], [sflag:$0x1] =	stream.indirect_vreg.gather [hbm4b:s8+s3], $0x80, v3, vm0, $0xb8;
	[tilespmem:$0x18100] =	vst v63  }
0x69: {  	v3 =	vld [tilespmem:$0x80];
	_ =	sdelay $0x4  }
0x6a: {  	v4 =	vshrl.u32 v3, $0x3  }
0x6b: {  	v4 =	vmul.u32 $0x30, v4  }
0x6c: {  	v3 =	vand.u32 $0x7, v3  }
0x6d: {  	v3 =	vor.u32 v3, v4  }
0x6e: {  	v4 =	vperm.xlane v3, v0;
	_ =	sdelay $0x1  }
0x6f: {  	v4 =	vadd.s32 v1, v4;
	_ =	sdelay $0x3  }
0x70: {  	s31 =	simm.s32 $0xC100;
	v3 =	vperm.xlane v3, v2  }
0x71: {  	[tilespmem:s31], [sflag:$0x2] =	stream.indirect_vreg.gather [hbm4b:s4+s3], $0x80, v4, vm0, $0xb8;
	[tilespmem:$0x18100] =	vst v63  }
0x72: {  	s30 =	simm.s32 $0xC900;
	v3 =	vadd.s32 v1, v3  }
0x73: {  	[tilespmem:s30], [sflag:$0x2] =	stream.indirect_vreg.gather [hbm4b:s9+s3], $0x80, v4, vm0, $0xb8;
	[tilespmem:$0x18100] =	vst v63  }
0x74: {  	s31 =	simm.s32 $0xD100  }
0x75: {  	[tilespmem:s31], [sflag:$0x2] =	stream.indirect_vreg.gather [hbm4b:s10+s3], $0x80, v4, vm0, $0xb8;
	[tilespmem:$0x18100] =	vst v63  }
0x76: {  	s30 =	simm.s32 $0xD900  }
0x77: {  	[tilespmem:s30], [sflag:$0x2] =	stream.indirect_vreg.gather [hbm4b:s4+s3], $0x80, v3, vm0, $0xb8;
	[tilespmem:$0x18100] =	vst v63  }
0x78: {  	s31 =	simm.s32 $0xE100  }
0x79: {  	[tilespmem:s31], [sflag:$0x2] =	stream.indirect_vreg.gather [hbm4b:s9+s3], $0x80, v3, vm0, $0xb8;
	[tilespmem:$0x18100] =	vst v63  }
0x7a: {  	s30 =	simm.s32 $0xE900  }
0x7b: {  	[tilespmem:s30], [sflag:$0x2] =	stream.indirect_vreg.gather [hbm4b:s10+s3], $0x80, v3, vm0, $0xb8;
	[tilespmem:$0x18100] =	vst v63  }
0x7c: {  	v3 =	vld [tilespmem:$0x90];
	_ =	sdelay $0x4  }
0x7d: {  	v4 =	vshrl.u32 v3, $0x3  }
0x7e: {  	v4 =	vmul.u32 $0x30, v4  }
0x7f: {  	v3 =	vand.u32 $0x7, v3  }
0x80: {  	v3 =	vor.u32 v3, v4  }
0x81: {  	v4 =	vperm.xlane v3, v0;
	_ =	sdelay $0x1  }
0x82: {  	v4 =	vadd.s32 v1, v4;
	_ =	sdelay $0x3  }
0x83: {  	s31 =	simm.s32 $0xF100;
	v3 =	vperm.xlane v3, v2  }
0x84: {  	[tilespmem:s31], [sflag:$0x2] =	stream.indirect_vreg.gather [hbm4b:s4+s3], $0x80, v4, vm0, $0xb8;
	[tilespmem:$0x18100] =	vst v63  }
0x85: {  	s30 =	simm.s32 $0xF900;
	v3 =	vadd.s32 v1, v3  }
0x86: {  	[tilespmem:s30], [sflag:$0x2] =	stream.indirect_vreg.gather [hbm4b:s9+s3], $0x80, v4, vm0, $0xb8;
	[tilespmem:$0x18100] =	vst v63  }
0x87: {  	s31 =	simm.s32 $0x10100  }
0x88: {  	[tilespmem:s31], [sflag:$0x2] =	stream.indirect_vreg.gather [hbm4b:s10+s3], $0x80, v4, vm0, $0xb8;
	[tilespmem:$0x18100] =	vst v63  }
0x89: {  	s30 =	simm.s32 $0x10900  }
0x8a: {  	[tilespmem:s30], [sflag:$0x2] =	stream.indirect_vreg.gather [hbm4b:s4+s3], $0x80, v3, vm0, $0xb8;
	[tilespmem:$0x18100] =	vst v63  }
0x8b: {  	_ = 	snop  }
0x8c: {  	[tilespmem:s0], [sflag:$0x2] =	stream.indirect_vreg.gather [hbm4b:s9+s3], $0x80, v3, vm0, $0xb8;
	[tilespmem:$0x18100] =	vst v63  }
0x8d: {  	_ = 	snop  }
0x8e: {  	[tilespmem:s11], [sflag:$0x2] =	stream.indirect_vreg.gather [hbm4b:s10+s3], $0x80, v3, vm0, $0xb8;
	[tilespmem:$0x18100] =	vst v63  }
0x8f: {  	v3 =	vld [tilespmem:$0xA0];
	_ =	sdelay $0x4  }
0x90: {  	v4 =	vshrl.u32 v3, $0x3  }
0x91: {  	v4 =	vmul.u32 $0x30, v4  }
0x92: {  	v3 =	vand.u32 $0x7, v3  }
0x93: {  	v3 =	vor.u32 v3, v4  }
0x94: {  	v4 =	vperm.xlane v3, v0;
	_ =	sdelay $0x1  }
0x95: {  	v4 =	vadd.s32 v1, v4;
	_ =	sdelay $0x3  }
0x96: {  	v3 =	vperm.xlane v3, v2  }
0x97: {  	[tilespmem:s2], [sflag:$0x2] =	stream.indirect_vreg.gather [hbm4b:s4+s3], $0x80, v4, vm0, $0xb8;
	[tilespmem:$0x18100] =	vst v63  }
0x98: {  	v3 =	vadd.s32 v1, v3  }
0x99: {  	[tilespmem:s12], [sflag:$0x2] =	stream.indirect_vreg.gather [hbm4b:s9+s3], $0x80, v4, vm0, $0xb8;
	[tilespmem:$0x18100] =	vst v63  }
0x9a: {  	_ = 	snop  }
0x9b: {  	[tilespmem:s15], [sflag:$0x2] =	stream.indirect_vreg.gather [hbm4b:s10+s3], $0x80, v4, vm0, $0xb8;
	[tilespmem:$0x18100] =	vst v63  }
0x9c: {  	_ = 	snop  }
0x9d: {  	[tilespmem:s13], [sflag:$0x2] =	stream.indirect_vreg.gather [hbm4b:s4+s3], $0x80, v3, vm0, $0xb8;
	[tilespmem:$0x18100] =	vst v63  }
0x9e: {  	_ = 	snop  }
0x9f: {  	[tilespmem:s17], [sflag:$0x2] =	stream.indirect_vreg.gather [hbm4b:s9+s3], $0x80, v3, vm0, $0xb8;
	[tilespmem:$0x18100] =	vst v63  }
0xa0: {  	_ = 	snop  }
0xa1: {  	[tilespmem:s18], [sflag:$0x2] =	stream.indirect_vreg.gather [hbm4b:s10+s3], $0x80, v3, vm0, $0xb8;
	[tilespmem:$0x18100] =	vst v63  }
0xa2: {  	v3 =	vld [tilespmem:$0xB0];
	_ =	sdelay $0x4  }
0xa3: {  	v4 =	vshrl.u32 v3, $0x3  }
0xa4: {  	v4 =	vmul.u32 $0x30, v4  }
0xa5: {  	v3 =	vand.u32 $0x7, v3  }
0xa6: {  	v3 =	vor.u32 v3, v4  }
0xa7: {  	v4 =	vperm.xlane v3, v0;
	_ =	sdelay $0x1  }
0xa8: {  	v4 =	vadd.s32 v1, v4;
	_ =	sdelay $0x3  }
0xa9: {  	v3 =	vperm.xlane v3, v2  }
0xaa: {  	[tilespmem:s19], [sflag:$0x2] =	stream.indirect_vreg.gather [hbm4b:s4+s3], $0x80, v4, vm0, $0xb8;
	[tilespmem:$0x18100] =	vst v63  }
0xab: {  	v3 =	vadd.s32 v1, v3  }
0xac: {  	[tilespmem:s20], [sflag:$0x2] =	stream.indirect_vreg.gather [hbm4b:s9+s3], $0x80, v4, vm0, $0xb8;
	[tilespmem:$0x18100] =	vst v63  }
0xad: {  	_ = 	snop  }
0xae: {  	[tilespmem:s21], [sflag:$0x2] =	stream.indirect_vreg.gather [hbm4b:s10+s3], $0x80, v4, vm0, $0xb8;
	[tilespmem:$0x18100] =	vst v63  }
0xaf: {  	_ = 	snop  }
0xb0: {  	[tilespmem:s22], [sflag:$0x2] =	stream.indirect_vreg.gather [hbm4b:s4+s3], $0x80, v3, vm0, $0xb8;
	[tilespmem:$0x18100] =	vst v63  }
0xb1: {  	_ = 	snop  }
0xb2: {  	[tilespmem:s5], [sflag:$0x2] =	stream.indirect_vreg.gather [hbm4b:s9+s3], $0x80, v3, vm0, $0xb8;
	[tilespmem:$0x18100] =	vst v63  }
0xb3: {  	_ = 	snop  }
0xb4: {  	[tilespmem:s23], [sflag:$0x2] =	stream.indirect_vreg.gather [hbm4b:s10+s3], $0x80, v3, vm0, $0xb8;
	[tilespmem:$0x18100] =	vst v63  }
0xb5: {  	_ =	swait.ge [sflag:s6], $0xC000  }
0xb6: {  	[sflag:s6] =	ssyncset.done $0x0  }
0xb7: {  	s31 =	simm.s32 $0x0;
	[sflag:s6] =	ssyncadd.s32 $0xFFFF4000  }
0xb8: {  	s26 =	smul.u32 $0x1800, s31;
	_ =	swait.ge [sflag:s24], $0xC000  }
0xb9: {  	s28 =	sand.u32 $0x380, s3;
	[sflag:s24] =	ssyncset.done $0x0  }
0xba: {  	s26 =	sor.u32 s28, s26;
	[sflag:s24] =	ssyncadd.s32 $0xFFFF4000  }
0xbb: {  	v12 =	vld [tilespmem:s26+$0xC100]  }
0xbc: {  	v13 =	vld [tilespmem:s26+$0xC110]  }
0xbd: {  	v14 =	vld [tilespmem:s26+$0xC120]  }
0xbe: {  	v15 =	vld [tilespmem:s26+$0xC130]  }
0xbf: {  	v16 =	vld [tilespmem:s26+$0xC140]  }
0xc0: {  	v17 =	vld [tilespmem:s26+$0xC150]  }
0xc1: {  	v18 =	vld [tilespmem:s26+$0xC160]  }
0xc2: {  	v19 =	vld [tilespmem:s26+$0xC170]  }
0xc3: {  	v20 =	vld [tilespmem:s26+$0xC500]  }
0xc4: {  	v21 =	vld [tilespmem:s26+$0xC510]  }
0xc5: {  	v22 =	vld [tilespmem:s26+$0xC520]  }
0xc6: {  	v23 =	vld [tilespmem:s26+$0xC530]  }
0xc7: {  	v24 =	vld [tilespmem:s26+$0xC540]  }
0xc8: {  	v25 =	vld [tilespmem:s26+$0xC550]  }
0xc9: {  	v26 =	vld [tilespmem:s26+$0xC560]  }
0xca: {  	v27 =	vld [tilespmem:s26+$0xC570]  }
0xcb: {  	v28 =	vld [tilespmem:s26+$0xC900]  }
0xcc: {  	v29 =	vld [tilespmem:s26+$0xC910]  }
0xcd: {  	v30 =	vld [tilespmem:s26+$0xC920]  }
0xce: {  	v31 =	vld [tilespmem:s26+$0xC930]  }
0xcf: {  	v32 =	vld [tilespmem:s26+$0xC940]  }
0xd0: {  	v33 =	vld [tilespmem:s26+$0xC950]  }
0xd1: {  	v34 =	vld [tilespmem:s26+$0xC960]  }
0xd2: {  	v35 =	vld [tilespmem:s26+$0xC970]  }
0xd3: {  	v36 =	vld [tilespmem:s26+$0xCD00]  }
0xd4: {  	v37 =	vld [tilespmem:s26+$0xCD10]  }
0xd5: {  	v38 =	vld [tilespmem:s26+$0xCD20]  }
0xd6: {  	v39 =	vld [tilespmem:s26+$0xCD30]  }
0xd7: {  	v40 =	vld [tilespmem:s26+$0xCD40]  }
0xd8: {  	v41 =	vld [tilespmem:s26+$0xCD50]  }
0xd9: {  	v42 =	vld [tilespmem:s26+$0xCD60]  }
0xda: {  	v43 =	vld [tilespmem:s26+$0xCD70]  }
0xdb: {  	v44 =	vld [tilespmem:s26+$0xD100]  }
0xdc: {  	v45 =	vld [tilespmem:s26+$0xD110]  }
0xdd: {  	v46 =	vld [tilespmem:s26+$0xD120]  }
0xde: {  	v47 =	vld [tilespmem:s26+$0xD130]  }
0xdf: {  	v48 =	vld [tilespmem:s26+$0xD140]  }
0xe0: {  	v49 =	vld [tilespmem:s26+$0xD150]  }
0xe1: {  	v50 =	vld [tilespmem:s26+$0xD160]  }
0xe2: {  	v11 =	vld [tilespmem:s26+$0xD170]  }
0xe3: {  	v10 =	vld [tilespmem:s26+$0xD500]  }
0xe4: {  	v9 =	vld [tilespmem:s26+$0xD510]  }
0xe5: {  	v8 =	vld [tilespmem:s26+$0xD520]  }
0xe6: {  	v7 =	vld [tilespmem:s26+$0xD530]  }
0xe7: {  	v6 =	vld [tilespmem:s26+$0xD540]  }
0xe8: {  	v51 =	vld [tilespmem:s26+$0x100]  }
0xe9: {  	v52 =	vld [tilespmem:s26+$0x110]  }
0xea: {  	v53 =	vld [tilespmem:s26+$0x120]  }
0xeb: {  	v54 =	vld [tilespmem:s26+$0x130]  }
0xec: {  	v55 =	vld [tilespmem:s26+$0x140]  }
0xed: {  	v62 =	vld [tilespmem:s26+$0x150];
	v12 =	vadd.f32 v12, v51  }
0xee: {  	v63 =	vld [tilespmem:s26+$0x160];
	v13 =	vadd.f32 v13, v52  }
0xef: {  	[tilespmem:s26+$0x100] =	vst v12;
	v12 =	vadd.f32 v14, v53;
	v14 =	vld [tilespmem:s26+$0x170]  }
0xf0: {  	[tilespmem:s26+$0x110] =	vst v13;
	v13 =	vadd.f32 v15, v54;
	v15 =	vld [tilespmem:s26+$0x500]  }
0xf1: {  	[tilespmem:s26+$0x120] =	vst v12;
	v12 =	vadd.f32 v16, v55;
	v16 =	vld [tilespmem:s26+$0x510]  }
0xf2: {  	[tilespmem:s26+$0x130] =	vst v13;
	v13 =	vadd.f32 v17, v62;
	v17 =	vld [tilespmem:s26+$0x520]  }
0xf3: {  	v5 =	vld [tilespmem:s26+$0xD550]  }
0xf4: {  	[tilespmem:s26+$0x140] =	vst v12;
	v12 =	vadd.f32 v18, v63;
	v18 =	vld [tilespmem:s26+$0x570]  }
0xf5: {  	[tilespmem:s26+$0x150] =	vst v13;
	v13 =	vadd.f32 v19, v14;
	v14 =	vld [tilespmem:s26+$0x530]  }
0xf6: {  	[tilespmem:s26+$0x160] =	vst v12;
	v12 =	vadd.f32 v20, v15;
	v15 =	vld [tilespmem:s26+$0x540]  }
0xf7: {  	[tilespmem:s26+$0x170] =	vst v13;
	v13 =	vadd.f32 v21, v16;
	v16 =	vadd.f32 v22, v17;
	v17 =	vld [tilespmem:s26+$0x560]  }
0xf8: {  	[tilespmem:s26+$0x500] =	vst v12;
	v12 =	vld [tilespmem:s26+$0x550]  }
0xf9: {  	[tilespmem:s26+$0x510] =	vst v13;
	v13 =	vld [tilespmem:s26+$0x900];
	v18 =	vadd.f32 v27, v18  }
0xfa: {  	[tilespmem:s26+$0x520] =	vst v16;
	v16 =	vld [tilespmem:s26+$0x910];
	v14 =	vadd.f32 v23, v14  }
0xfb: {  	v4 =	vld [tilespmem:s26+$0xD560];
	v15 =	vadd.f32 v24, v15;
	[tilespmem:s26+$0x570] =	vst v18  }
0xfc: {  	[tilespmem:s26+$0x530] =	vst v14;
	v14 =	vld [tilespmem:s26+$0x920];
	v17 =	vadd.f32 v26, v17  }
0xfd: {  	v12 =	vadd.f32 v25, v12;
	[tilespmem:s26+$0x540] =	vst v15;
	v15 =	vld [tilespmem:s26+$0x930]  }
0xfe: {  	v18 =	vld [tilespmem:s26+$0x970];
	[tilespmem:s26+$0x560] =	vst v17;
	v13 =	vadd.f32 v28, v13  }
0xff: {  	v16 =	vadd.f32 v29, v16;
	[tilespmem:s26+$0x550] =	vst v12;
	v12 =	vld [tilespmem:s26+$0x940]  }
0x100: {  	v17 =	vld [tilespmem:s26+$0x950];
	[tilespmem:s26+$0x900] =	vst v13  }
0x101: {  	[tilespmem:s26+$0x910] =	vst v16;
	v16 =	vld [tilespmem:s26+$0x960];
	v13 =	vadd.f32 v30, v14  }
0x102: {  	v14 =	vld [tilespmem:s26+$0xD00];
	v15 =	vadd.f32 v31, v15  }
0x103: {  	[tilespmem:s26+$0x920] =	vst v13;
	v13 =	vld [tilespmem:s26+$0xD10]  }
0x104: {  	v12 =	vadd.f32 v32, v12;
	[tilespmem:s26+$0x930] =	vst v15;
	v15 =	vld [tilespmem:s26+$0xD20]  }
0x105: {  	v3 =	vld [tilespmem:s26+$0xD570];
	v17 =	vadd.f32 v33, v17  }
0x106: {  	v16 =	vadd.f32 v34, v16;
	[tilespmem:s26+$0x940] =	vst v12;
	v12 =	vld [tilespmem:s26+$0xD30]  }
0x107: {  	[tilespmem:s26+$0x950] =	vst v17;
	v17 =	vld [tilespmem:s26+$0xD40];
	v14 =	vadd.f32 v36, v14  }
0x108: {  	v18 =	vadd.f32 v35, v18;
	[tilespmem:s26+$0x960] =	vst v16;
	v16 =	vld [tilespmem:s26+$0xD50]  }
0x109: {  	v13 =	vadd.f32 v37, v13;
	[tilespmem:s26+$0xD00] =	vst v14;
	v14 =	vadd.f32 v38, v15;
	v15 =	vld [tilespmem:s26+$0xD60]  }
0x10a: {  	[tilespmem:s26+$0x970] =	vst v18;
	v18 =	vld [tilespmem:s26+$0xD70]  }
0x10b: {  	[tilespmem:s26+$0xD10] =	vst v13;
	v13 =	vld [tilespmem:s26+$0x1100];
	v12 =	vadd.f32 v39, v12  }
0x10c: {  	v17 =	vadd.f32 v40, v17;
	[tilespmem:s26+$0xD20] =	vst v14;
	v14 =	vld [tilespmem:s26+$0x1110]  }
0x10d: {  	v16 =	vadd.f32 v41, v16;
	[tilespmem:s26+$0xD30] =	vst v12;
	v12 =	vld [tilespmem:s26+$0x1120]  }
0x10e: {  	[tilespmem:s26+$0xD40] =	vst v17;
	v17 =	vld [tilespmem:s26+$0x1130];
	v15 =	vadd.f32 v42, v15  }
0x10f: {  	v19 =	vld [tilespmem:s26+$0x1140];
	[tilespmem:s26+$0xD50] =	vst v16;
	v16 =	vadd.f32 v43, v18  }
0x110: {  	v18 =	vld [tilespmem:s26+$0x1150];
	v13 =	vadd.f32 v44, v13;
	[tilespmem:s26+$0xD60] =	vst v15  }
0x111: {  	v20 =	vld [tilespmem:s26+$0x1160];
	[tilespmem:s26+$0xD70] =	vst v16;
	v14 =	vadd.f32 v45, v14  }
0x112: {  	v16 =	vld [tilespmem:s26+$0x1170];
	[tilespmem:s26+$0x1100] =	vst v13;
	v12 =	vadd.f32 v46, v12  }
0x113: {  	v15 =	vld [tilespmem:s26+$0x1500];
	v13 =	vadd.f32 v47, v17;
	[tilespmem:s26+$0x1110] =	vst v14  }
0x114: {  	v14 =	vld [tilespmem:s26+$0x1510];
	[tilespmem:s26+$0x1120] =	vst v12;
	v12 =	vadd.f32 v48, v19  }
0x115: {  	[tilespmem:s26+$0x1130] =	vst v13;
	v13 =	vld [tilespmem:s26+$0x1520];
	v18 =	vadd.f32 v49, v18  }
0x116: {  	s29 =	simm.s32 $0x0;
	s28 =	simm.s32 $0x1;
	v17 =	vadd.f32 v50, v20;
	[tilespmem:s26+$0x1140] =	vst v12;
	v12 =	vld [tilespmem:s26+$0x1530]  }
.LBB2_2:
0x117: {  	s30 =	sshrl.u32 s28, $0x3;
	p0 =	sne.s32 s28, $0x3F;
	[tilespmem:s26+$0x1150] =	vst v18;
	v11 =	vadd.f32 v11, v16;
	v16 =	vld [tilespmem:s26+$0x1540]  }
0x118: {  	s29 =	sadd.s32 $0x80, s29;
	s30 =	smul.u32 $0x1800, s30;
	[tilespmem:s26+$0x1160] =	vst v17;
	v10 =	vadd.f32 v10, v15;
	v15 =	vld [tilespmem:s26+$0x1550]  }
0x119: {  	s31 =	sand.u32 $0x380, s29;
	[tilespmem:s26+$0x1170] =	vst v11;
	v9 =	vadd.f32 v9, v14;
	v11 =	vld [tilespmem:s26+$0x1560]  }
0x11a: {  	s30 =	sor.u32 s31, s30;
	[tilespmem:s26+$0x1500] =	vst v10;
	v8 =	vadd.f32 v8, v13;
	v10 =	vld [tilespmem:s26+$0x1570]  }
0x11b: {  	v39 =	vld [tilespmem:s30+$0xC100];
	[tilespmem:s26+$0x1510] =	vst v9;
	v7 =	vadd.f32 v7, v12  }
0x11c: {  	v40 =	vld [tilespmem:s30+$0xC110];
	[tilespmem:s26+$0x1520] =	vst v8;
	v6 =	vadd.f32 v6, v16  }
0x11d: {  	v41 =	vld [tilespmem:s30+$0xC120];
	[tilespmem:s26+$0x1530] =	vst v7;
	v5 =	vadd.f32 v5, v15  }
0x11e: {  	v42 =	vld [tilespmem:s30+$0xC130];
	[tilespmem:s26+$0x1540] =	vst v6;
	v4 =	vadd.f32 v4, v11  }
0x11f: {  	v43 =	vld [tilespmem:s30+$0xC140];
	[tilespmem:s26+$0x1550] =	vst v5;
	v3 =	vadd.f32 v3, v10  }
0x120: {  	v44 =	vld [tilespmem:s30+$0xC150];
	[tilespmem:s26+$0x1560] =	vst v4  }
0x121: {  	v45 =	vld [tilespmem:s30+$0xC160];
	[tilespmem:s26+$0x1570] =	vst v3;
	s26 =	smov.u32 s30  }
0x122: {  	v46 =	vld [tilespmem:s26+$0xC170]  }
0x123: {  	v47 =	vld [tilespmem:s26+$0xC500]  }
0x124: {  	v48 =	vld [tilespmem:s26+$0xC510]  }
0x125: {  	v49 =	vld [tilespmem:s26+$0xC520]  }
0x126: {  	v50 =	vld [tilespmem:s26+$0xC530]  }
0x127: {  	v38 =	vld [tilespmem:s26+$0xC540]  }
0x128: {  	v37 =	vld [tilespmem:s26+$0xC550]  }
0x129: {  	v36 =	vld [tilespmem:s26+$0xC560]  }
0x12a: {  	v35 =	vld [tilespmem:s26+$0xC570]  }
0x12b: {  	v34 =	vld [tilespmem:s26+$0xC900]  }
0x12c: {  	v33 =	vld [tilespmem:s26+$0xC910]  }
0x12d: {  	v32 =	vld [tilespmem:s26+$0xC920]  }
0x12e: {  	v31 =	vld [tilespmem:s26+$0xC930]  }
0x12f: {  	v30 =	vld [tilespmem:s26+$0xC940]  }
0x130: {  	v29 =	vld [tilespmem:s26+$0xC950]  }
0x131: {  	v28 =	vld [tilespmem:s26+$0xC960]  }
0x132: {  	v27 =	vld [tilespmem:s26+$0xC970]  }
0x133: {  	v26 =	vld [tilespmem:s26+$0xCD00]  }
0x134: {  	v25 =	vld [tilespmem:s26+$0xCD10]  }
0x135: {  	v24 =	vld [tilespmem:s26+$0xCD20]  }
0x136: {  	v23 =	vld [tilespmem:s26+$0xCD30]  }
0x137: {  	v22 =	vld [tilespmem:s26+$0xCD40]  }
0x138: {  	v21 =	vld [tilespmem:s26+$0xCD50]  }
0x139: {  	v20 =	vld [tilespmem:s26+$0xCD60]  }
0x13a: {  	v19 =	vld [tilespmem:s26+$0xCD70]  }
0x13b: {  	v18 =	vld [tilespmem:s26+$0xD100]  }
0x13c: {  	v17 =	vld [tilespmem:s26+$0xD110]  }
0x13d: {  	v16 =	vld [tilespmem:s26+$0xD120]  }
0x13e: {  	v15 =	vld [tilespmem:s26+$0xD130]  }
0x13f: {  	v14 =	vld [tilespmem:s26+$0xD140]  }
0x140: {  	v13 =	vld [tilespmem:s26+$0xD150]  }
0x141: {  	v12 =	vld [tilespmem:s26+$0xD160]  }
0x142: {  	v11 =	vld [tilespmem:s26+$0xD170]  }
0x143: {  	v10 =	vld [tilespmem:s26+$0xD500]  }
0x144: {  	v9 =	vld [tilespmem:s26+$0xD510]  }
0x145: {  	v8 =	vld [tilespmem:s26+$0xD520]  }
0x146: {  	v7 =	vld [tilespmem:s26+$0xD530]  }
0x147: {  	v6 =	vld [tilespmem:s26+$0xD540]  }
0x148: {  	v5 =	vld [tilespmem:s26+$0xD550]  }
0x149: {  	v4 =	vld [tilespmem:s26+$0xD560]  }
0x14a: {  	v3 =	vld [tilespmem:s26+$0xD570]  }
0x14b: {  	v51 =	vld [tilespmem:s26+$0x100]  }
0x14c: {  	v52 =	vld [tilespmem:s26+$0x110]  }
0x14d: {  	v53 =	vld [tilespmem:s26+$0x120]  }
0x14e: {  	v54 =	vld [tilespmem:s26+$0x130]  }
0x14f: {  	v55 =	vld [tilespmem:s26+$0x140]  }
0x150: {  	v39 =	vadd.f32 v39, v51;
	v51 =	vld [tilespmem:s26+$0x150]  }
0x151: {  	v40 =	vadd.f32 v40, v52;
	v52 =	vld [tilespmem:s26+$0x160]  }
0x152: {  	[tilespmem:s26+$0x100] =	vst v39;
	v39 =	vadd.f32 v41, v53;
	v41 =	vld [tilespmem:s26+$0x170]  }
0x153: {  	[tilespmem:s26+$0x110] =	vst v40;
	v40 =	vadd.f32 v42, v54;
	v42 =	vld [tilespmem:s26+$0x500]  }
0x154: {  	[tilespmem:s26+$0x120] =	vst v39;
	v39 =	vadd.f32 v43, v55;
	v43 =	vld [tilespmem:s26+$0x510]  }
0x155: {  	[tilespmem:s26+$0x130] =	vst v40;
	v40 =	vadd.f32 v44, v51;
	v44 =	vld [tilespmem:s26+$0x520]  }
0x156: {  	[tilespmem:s26+$0x140] =	vst v39;
	v39 =	vadd.f32 v45, v52;
	v45 =	vld [tilespmem:s26+$0x530]  }
0x157: {  	[tilespmem:s26+$0x150] =	vst v40;
	v40 =	vadd.f32 v46, v41;
	v41 =	vld [tilespmem:s26+$0x540]  }
0x158: {  	[tilespmem:s26+$0x160] =	vst v39;
	v39 =	vadd.f32 v47, v42;
	v42 =	vld [tilespmem:s26+$0x550]  }
0x159: {  	[tilespmem:s26+$0x170] =	vst v40;
	v40 =	vadd.f32 v48, v43;
	v43 =	vld [tilespmem:s26+$0x560]  }
0x15a: {  	[tilespmem:s26+$0x500] =	vst v39;
	v39 =	vadd.f32 v49, v44;
	v44 =	vld [tilespmem:s26+$0x570]  }
0x15b: {  	[tilespmem:s26+$0x510] =	vst v40;
	v40 =	vadd.f32 v50, v45;
	v45 =	vld [tilespmem:s26+$0x900]  }
0x15c: {  	[tilespmem:s26+$0x520] =	vst v39;
	v38 =	vadd.f32 v38, v41;
	v39 =	vld [tilespmem:s26+$0x910]  }
0x15d: {  	[tilespmem:s26+$0x530] =	vst v40;
	v37 =	vadd.f32 v37, v42;
	v40 =	vld [tilespmem:s26+$0x920]  }
0x15e: {  	[tilespmem:s26+$0x540] =	vst v38;
	v36 =	vadd.f32 v36, v43;
	v38 =	vld [tilespmem:s26+$0x930]  }
0x15f: {  	[tilespmem:s26+$0x550] =	vst v37;
	v35 =	vadd.f32 v35, v44;
	v37 =	vld [tilespmem:s26+$0x940]  }
0x160: {  	[tilespmem:s26+$0x560] =	vst v36;
	v34 =	vadd.f32 v34, v45;
	v36 =	vld [tilespmem:s26+$0x950]  }
0x161: {  	[tilespmem:s26+$0x570] =	vst v35;
	v33 =	vadd.f32 v33, v39;
	v35 =	vld [tilespmem:s26+$0x960]  }
0x162: {  	[tilespmem:s26+$0x900] =	vst v34;
	v32 =	vadd.f32 v32, v40;
	v34 =	vld [tilespmem:s26+$0x970]  }
0x163: {  	[tilespmem:s26+$0x910] =	vst v33;
	v31 =	vadd.f32 v31, v38;
	v33 =	vld [tilespmem:s26+$0xD00]  }
0x164: {  	[tilespmem:s26+$0x920] =	vst v32;
	v30 =	vadd.f32 v30, v37;
	v32 =	vld [tilespmem:s26+$0xD10]  }
0x165: {  	[tilespmem:s26+$0x930] =	vst v31;
	v29 =	vadd.f32 v29, v36;
	v31 =	vld [tilespmem:s26+$0xD20]  }
0x166: {  	[tilespmem:s26+$0x940] =	vst v30;
	v28 =	vadd.f32 v28, v35;
	v30 =	vld [tilespmem:s26+$0xD30]  }
0x167: {  	[tilespmem:s26+$0x950] =	vst v29;
	v27 =	vadd.f32 v27, v34;
	v29 =	vld [tilespmem:s26+$0xD40]  }
0x168: {  	[tilespmem:s26+$0x960] =	vst v28;
	v26 =	vadd.f32 v26, v33;
	v28 =	vld [tilespmem:s26+$0xD50]  }
0x169: {  	[tilespmem:s26+$0x970] =	vst v27;
	v25 =	vadd.f32 v25, v32;
	v27 =	vld [tilespmem:s26+$0xD60]  }
0x16a: {  	[tilespmem:s26+$0xD00] =	vst v26;
	v24 =	vadd.f32 v24, v31;
	v26 =	vld [tilespmem:s26+$0xD70]  }
0x16b: {  	[tilespmem:s26+$0xD10] =	vst v25;
	v23 =	vadd.f32 v23, v30;
	v25 =	vld [tilespmem:s26+$0x1100]  }
0x16c: {  	[tilespmem:s26+$0xD20] =	vst v24;
	v22 =	vadd.f32 v22, v29;
	v24 =	vld [tilespmem:s26+$0x1110]  }
0x16d: {  	[tilespmem:s26+$0xD30] =	vst v23;
	v21 =	vadd.f32 v21, v28;
	v23 =	vld [tilespmem:s26+$0x1120]  }
0x16e: {  	[tilespmem:s26+$0xD40] =	vst v22;
	v20 =	vadd.f32 v20, v27;
	v22 =	vld [tilespmem:s26+$0x1130]  }
0x16f: {  	[tilespmem:s26+$0xD50] =	vst v21;
	v19 =	vadd.f32 v19, v26;
	v21 =	vld [tilespmem:s26+$0x1140]  }
0x170: {  	[tilespmem:s26+$0xD60] =	vst v20;
	v18 =	vadd.f32 v18, v25;
	v20 =	vld [tilespmem:s26+$0x1150]  }
0x171: {  	[tilespmem:s26+$0xD70] =	vst v19;
	v17 =	vadd.f32 v17, v24;
	v19 =	vld [tilespmem:s26+$0x1160]  }
.Ltmp0:
0x172: {  	[tilespmem:s26+$0x1100] =	vst v18;
	v18 =	vadd.f32 v16, v23;
	v16 =	vld [tilespmem:s26+$0x1170];
	(pc) =	sbr.rel @p0 .LBB2_2-.Ltmp0, $4  }
0x173: {  	[tilespmem:s26+$0x1110] =	vst v17;
	v17 =	vadd.f32 v15, v22;
	v15 =	vld [tilespmem:s26+$0x1500]  }
0x174: {  	[tilespmem:s26+$0x1120] =	vst v18;
	v21 =	vadd.f32 v14, v21;
	v14 =	vld [tilespmem:s26+$0x1510]  }
0x175: {  	[tilespmem:s26+$0x1130] =	vst v17;
	v18 =	vadd.f32 v13, v20;
	v13 =	vld [tilespmem:s26+$0x1520]  }
0x176: {  	s28 =	sadd.s32 $0x1, s28;
	[tilespmem:s26+$0x1140] =	vst v21;
	v17 =	vadd.f32 v12, v19;
	v12 =	vld [tilespmem:s26+$0x1530]  }
0x177: {  	[tilespmem:s26+$0x1150] =	vst v18;
	v18 =	vld [tilespmem:s26+$0x1540];
	v11 =	vadd.f32 v11, v16  }
0x178: {  	v16 =	vld [tilespmem:s26+$0x1550];
	[tilespmem:s26+$0x1160] =	vst v17;
	v10 =	vadd.f32 v10, v15  }
0x179: {  	[tilespmem:s26+$0x1170] =	vst v11;
	v9 =	vadd.f32 v9, v14;
	v11 =	vld [tilespmem:s26+$0x1560]  }
0x17a: {  	[tilespmem:s26+$0x1500] =	vst v10;
	v8 =	vadd.f32 v8, v13;
	v10 =	vld [tilespmem:s26+$0x1570]  }
0x17b: {  	[tilespmem:s26+$0x1510] =	vst v9;
	v7 =	vadd.f32 v7, v12  }
0x17c: {  	[tilespmem:s26+$0x1520] =	vst v8;
	v6 =	vadd.f32 v6, v18  }
0x17d: {  	v5 =	vadd.f32 v5, v16;
	[tilespmem:s26+$0x1530] =	vst v7  }
0x17e: {  	[tilespmem:s26+$0x1540] =	vst v6;
	v4 =	vadd.f32 v4, v11  }
0x17f: {  	[tilespmem:s26+$0x1550] =	vst v5;
	v3 =	vadd.f32 v3, v10  }
0x180: {  	[tilespmem:s26+$0x1560] =	vst v4  }
0x181: {  	s28 =	rddreg [dreg:$0x5];
	[tilespmem:s26+$0x1570] =	vst v3;
	s26 =	simm.s32 $0x0  }
0x182: {  	[hbm4b:s28+s26] =	stream.linear.scatter [tilespmem:s16], [sflag:$0x3], $0xC000, $0x38;
	[tilespmem:$0x18100] =	vst v63  }
0x183: {  	_ =	swait.ge [sflag:s14], $0xC000  }
0x184: {  	[sflag:s14] =	ssyncset.done $0x0  }
0x185: {  	[sflag:s14] =	ssyncadd.s32 $0xFFFF4000  }
0x186: {  	v3 =	vld [tilespmem:$0x40];
	_ =	sdelay $0x4  }
0x187: {  	v4 =	vshrl.u32 v3, $0x3  }
0x188: {  	v4 =	vmul.u32 $0x30, v4  }
0x189: {  	v3 =	vand.u32 $0x7, v3  }
0x18a: {  	v3 =	vor.u32 v3, v4  }
0x18b: {  	v4 =	vperm.xlane v3, v0;
	_ =	sdelay $0x1  }
0x18c: {  	v4 =	vadd.s32 v1, v4;
	_ =	sdelay $0x3  }
0x18d: {  	v3 =	vperm.xlane v3, v2  }
0x18e: {  	[tilespmem:s16], [sflag:$0x1] =	stream.indirect_vreg.gather [hbm4b:s1+s26], $0x80, v4, vm0, $0xb8;
	[tilespmem:$0x18100] =	vst v63  }
0x18f: {  	s28 =	simm.s32 $0x900;
	v3 =	vadd.s32 v1, v3  }
0x190: {  	[tilespmem:s28], [sflag:$0x1] =	stream.indirect_vreg.gather [hbm4b:s7+s26], $0x80, v4, vm0, $0xb8;
	[tilespmem:$0x18100] =	vst v63  }
0x191: {  	s28 =	simm.s32 $0x1100  }
0x192: {  	[tilespmem:s28], [sflag:$0x1] =	stream.indirect_vreg.gather [hbm4b:s8+s26], $0x80, v4, vm0, $0xb8;
	[tilespmem:$0x18100] =	vst v63  }
0x193: {  	s28 =	simm.s32 $0x1900  }
0x194: {  	[tilespmem:s28], [sflag:$0x1] =	stream.indirect_vreg.gather [hbm4b:s1+s26], $0x80, v3, vm0, $0xb8;
	[tilespmem:$0x18100] =	vst v63  }
0x195: {  	s28 =	simm.s32 $0x2100  }
0x196: {  	[tilespmem:s28], [sflag:$0x1] =	stream.indirect_vreg.gather [hbm4b:s7+s26], $0x80, v3, vm0, $0xb8;
	[tilespmem:$0x18100] =	vst v63  }
0x197: {  	s28 =	simm.s32 $0x2900  }
0x198: {  	[tilespmem:s28], [sflag:$0x1] =	stream.indirect_vreg.gather [hbm4b:s8+s26], $0x80, v3, vm0, $0xb8;
	[tilespmem:$0x18100] =	vst v63  }
0x199: {  	v3 =	vld [tilespmem:$0x50];
	_ =	sdelay $0x4  }
0x19a: {  	v4 =	vshrl.u32 v3, $0x3  }
0x19b: {  	v4 =	vmul.u32 $0x30, v4  }
0x19c: {  	v3 =	vand.u32 $0x7, v3  }
0x19d: {  	v3 =	vor.u32 v3, v4  }
0x19e: {  	v4 =	vperm.xlane v3, v0;
	_ =	sdelay $0x1  }
0x19f: {  	v4 =	vadd.s32 v1, v4;
	_ =	sdelay $0x3  }
0x1a0: {  	s28 =	simm.s32 $0x3100;
	v3 =	vperm.xlane v3, v2  }
0x1a1: {  	[tilespmem:s28], [sflag:$0x1] =	stream.indirect_vreg.gather [hbm4b:s1+s26], $0x80, v4, vm0, $0xb8;
	[tilespmem:$0x18100] =	vst v63  }
0x1a2: {  	v3 =	vadd.s32 v1, v3;
	s28 =	simm.s32 $0x3900  }
0x1a3: {  	[tilespmem:s28], [sflag:$0x1] =	stream.indirect_vreg.gather [hbm4b:s7+s26], $0x80, v4, vm0, $0xb8;
	[tilespmem:$0x18100] =	vst v63  }
0x1a4: {  	s28 =	simm.s32 $0x4100  }
0x1a5: {  	[tilespmem:s28], [sflag:$0x1] =	stream.indirect_vreg.gather [hbm4b:s8+s26], $0x80, v4, vm0, $0xb8;
	[tilespmem:$0x18100] =	vst v63  }
0x1a6: {  	s28 =	simm.s32 $0x4900  }
0x1a7: {  	[tilespmem:s28], [sflag:$0x1] =	stream.indirect_vreg.gather [hbm4b:s1+s26], $0x80, v3, vm0, $0xb8;
	[tilespmem:$0x18100] =	vst v63  }
0x1a8: {  	s28 =	simm.s32 $0x5100  }
0x1a9: {  	[tilespmem:s28], [sflag:$0x1] =	stream.indirect_vreg.gather [hbm4b:s7+s26], $0x80, v3, vm0, $0xb8;
	[tilespmem:$0x18100] =	vst v63  }
0x1aa: {  	s28 =	simm.s32 $0x5900  }
0x1ab: {  	[tilespmem:s28], [sflag:$0x1] =	stream.indirect_vreg.gather [hbm4b:s8+s26], $0x80, v3, vm0, $0xb8;
	[tilespmem:$0x18100] =	vst v63  }
0x1ac: {  	v3 =	vld [tilespmem:$0x60];
	_ =	sdelay $0x4  }
0x1ad: {  	v4 =	vshrl.u32 v3, $0x3  }
0x1ae: {  	v4 =	vmul.u32 $0x30, v4  }
0x1af: {  	v3 =	vand.u32 $0x7, v3  }
0x1b0: {  	v3 =	vor.u32 v3, v4  }
0x1b1: {  	v4 =	vperm.xlane v3, v0;
	_ =	sdelay $0x1  }
0x1b2: {  	v4 =	vadd.s32 v1, v4;
	_ =	sdelay $0x3  }
0x1b3: {  	s28 =	simm.s32 $0x6100;
	v3 =	vperm.xlane v3, v2  }
0x1b4: {  	[tilespmem:s28], [sflag:$0x1] =	stream.indirect_vreg.gather [hbm4b:s1+s26], $0x80, v4, vm0, $0xb8;
	[tilespmem:$0x18100] =	vst v63  }
0x1b5: {  	v3 =	vadd.s32 v1, v3;
	s28 =	simm.s32 $0x6900  }
0x1b6: {  	[tilespmem:s28], [sflag:$0x1] =	stream.indirect_vreg.gather [hbm4b:s7+s26], $0x80, v4, vm0, $0xb8;
	[tilespmem:$0x18100] =	vst v63  }
0x1b7: {  	s28 =	simm.s32 $0x7100  }
0x1b8: {  	[tilespmem:s28], [sflag:$0x1] =	stream.indirect_vreg.gather [hbm4b:s8+s26], $0x80, v4, vm0, $0xb8;
	[tilespmem:$0x18100] =	vst v63  }
0x1b9: {  	s28 =	simm.s32 $0x7900  }
0x1ba: {  	[tilespmem:s28], [sflag:$0x1] =	stream.indirect_vreg.gather [hbm4b:s1+s26], $0x80, v3, vm0, $0xb8;
	[tilespmem:$0x18100] =	vst v63  }
0x1bb: {  	s28 =	simm.s32 $0x8100  }
0x1bc: {  	[tilespmem:s28], [sflag:$0x1] =	stream.indirect_vreg.gather [hbm4b:s7+s26], $0x80, v3, vm0, $0xb8;
	[tilespmem:$0x18100] =	vst v63  }
0x1bd: {  	s28 =	simm.s32 $0x8900  }
0x1be: {  	[tilespmem:s28], [sflag:$0x1] =	stream.indirect_vreg.gather [hbm4b:s8+s26], $0x80, v3, vm0, $0xb8;
	[tilespmem:$0x18100] =	vst v63  }
0x1bf: {  	v3 =	vld [tilespmem:$0x70];
	_ =	sdelay $0x4  }
0x1c0: {  	v4 =	vshrl.u32 v3, $0x3  }
0x1c1: {  	v4 =	vmul.u32 $0x30, v4  }
0x1c2: {  	v3 =	vand.u32 $0x7, v3  }
0x1c3: {  	v3 =	vor.u32 v3, v4  }
0x1c4: {  	v4 =	vperm.xlane v3, v0;
	_ =	sdelay $0x1  }
0x1c5: {  	v4 =	vadd.s32 v1, v4;
	_ =	sdelay $0x3  }
0x1c6: {  	s28 =	simm.s32 $0x9100;
	v3 =	vperm.xlane v3, v2  }
0x1c7: {  	[tilespmem:s28], [sflag:$0x1] =	stream.indirect_vreg.gather [hbm4b:s1+s26], $0x80, v4, vm0, $0xb8;
	[tilespmem:$0x18100] =	vst v63  }
0x1c8: {  	v3 =	vadd.s32 v1, v3;
	s28 =	simm.s32 $0x9900  }
0x1c9: {  	[tilespmem:s28], [sflag:$0x1] =	stream.indirect_vreg.gather [hbm4b:s7+s26], $0x80, v4, vm0, $0xb8;
	[tilespmem:$0x18100] =	vst v63  }
0x1ca: {  	s28 =	simm.s32 $0xA100  }
0x1cb: {  	[tilespmem:s28], [sflag:$0x1] =	stream.indirect_vreg.gather [hbm4b:s8+s26], $0x80, v4, vm0, $0xb8;
	[tilespmem:$0x18100] =	vst v63  }
0x1cc: {  	s28 =	simm.s32 $0xA900  }
0x1cd: {  	[tilespmem:s28], [sflag:$0x1] =	stream.indirect_vreg.gather [hbm4b:s1+s26], $0x80, v3, vm0, $0xb8;
	[tilespmem:$0x18100] =	vst v63  }
0x1ce: {  	s28 =	simm.s32 $0xB100  }
0x1cf: {  	[tilespmem:s28], [sflag:$0x1] =	stream.indirect_vreg.gather [hbm4b:s7+s26], $0x80, v3, vm0, $0xb8;
	[tilespmem:$0x18100] =	vst v63  }
0x1d0: {  	s28 =	simm.s32 $0xB900  }
0x1d1: {  	[tilespmem:s28], [sflag:$0x1] =	stream.indirect_vreg.gather [hbm4b:s8+s26], $0x80, v3, vm0, $0xb8;
	[tilespmem:$0x18100] =	vst v63  }
0x1d2: {  	v3 =	vld [tilespmem:$0xC0];
	_ =	sdelay $0x4  }
0x1d3: {  	v4 =	vshrl.u32 v3, $0x3  }
0x1d4: {  	v4 =	vmul.u32 $0x30, v4  }
0x1d5: {  	v3 =	vand.u32 $0x7, v3  }
0x1d6: {  	v3 =	vor.u32 v3, v4  }
0x1d7: {  	v4 =	vperm.xlane v3, v0;
	_ =	sdelay $0x1  }
0x1d8: {  	v4 =	vadd.s32 v1, v4;
	_ =	sdelay $0x3  }
0x1d9: {  	s28 =	simm.s32 $0xC100;
	v3 =	vperm.xlane v3, v2  }
0x1da: {  	[tilespmem:s28], [sflag:$0x2] =	stream.indirect_vreg.gather [hbm4b:s4+s26], $0x80, v4, vm0, $0xb8;
	[tilespmem:$0x18100] =	vst v63  }
0x1db: {  	v3 =	vadd.s32 v1, v3;
	s28 =	simm.s32 $0xC900  }
0x1dc: {  	[tilespmem:s28], [sflag:$0x2] =	stream.indirect_vreg.gather [hbm4b:s9+s26], $0x80, v4, vm0, $0xb8;
	[tilespmem:$0x18100] =	vst v63  }
0x1dd: {  	s28 =	simm.s32 $0xD100  }
0x1de: {  	[tilespmem:s28], [sflag:$0x2] =	stream.indirect_vreg.gather [hbm4b:s10+s26], $0x80, v4, vm0, $0xb8;
	[tilespmem:$0x18100] =	vst v63  }
0x1df: {  	s28 =	simm.s32 $0xD900  }
0x1e0: {  	[tilespmem:s28], [sflag:$0x2] =	stream.indirect_vreg.gather [hbm4b:s4+s26], $0x80, v3, vm0, $0xb8;
	[tilespmem:$0x18100] =	vst v63  }
0x1e1: {  	s28 =	simm.s32 $0xE100  }
0x1e2: {  	[tilespmem:s28], [sflag:$0x2] =	stream.indirect_vreg.gather [hbm4b:s9+s26], $0x80, v3, vm0, $0xb8;
	[tilespmem:$0x18100] =	vst v63  }
0x1e3: {  	s28 =	simm.s32 $0xE900  }
0x1e4: {  	[tilespmem:s28], [sflag:$0x2] =	stream.indirect_vreg.gather [hbm4b:s10+s26], $0x80, v3, vm0, $0xb8;
	[tilespmem:$0x18100] =	vst v63  }
0x1e5: {  	v3 =	vld [tilespmem:$0xD0];
	_ =	sdelay $0x4  }
0x1e6: {  	v4 =	vshrl.u32 v3, $0x3  }
0x1e7: {  	v4 =	vmul.u32 $0x30, v4  }
0x1e8: {  	v3 =	vand.u32 $0x7, v3  }
0x1e9: {  	v3 =	vor.u32 v3, v4  }
0x1ea: {  	v4 =	vperm.xlane v3, v0;
	_ =	sdelay $0x1  }
0x1eb: {  	v4 =	vadd.s32 v1, v4;
	_ =	sdelay $0x3  }
0x1ec: {  	s28 =	simm.s32 $0xF100;
	v3 =	vperm.xlane v3, v2  }
0x1ed: {  	[tilespmem:s28], [sflag:$0x2] =	stream.indirect_vreg.gather [hbm4b:s4+s26], $0x80, v4, vm0, $0xb8;
	[tilespmem:$0x18100] =	vst v63  }
0x1ee: {  	v3 =	vadd.s32 v1, v3;
	s28 =	simm.s32 $0xF900  }
0x1ef: {  	[tilespmem:s28], [sflag:$0x2] =	stream.indirect_vreg.gather [hbm4b:s9+s26], $0x80, v4, vm0, $0xb8;
	[tilespmem:$0x18100] =	vst v63  }
0x1f0: {  	s28 =	simm.s32 $0x10100  }
0x1f1: {  	[tilespmem:s28], [sflag:$0x2] =	stream.indirect_vreg.gather [hbm4b:s10+s26], $0x80, v4, vm0, $0xb8;
	[tilespmem:$0x18100] =	vst v63  }
0x1f2: {  	s28 =	simm.s32 $0x10900  }
0x1f3: {  	[tilespmem:s28], [sflag:$0x2] =	stream.indirect_vreg.gather [hbm4b:s4+s26], $0x80, v3, vm0, $0xb8;
	[tilespmem:$0x18100] =	vst v63  }
0x1f4: {  	_ = 	snop  }
0x1f5: {  	[tilespmem:s0], [sflag:$0x2] =	stream.indirect_vreg.gather [hbm4b:s9+s26], $0x80, v3, vm0, $0xb8;
	[tilespmem:$0x18100] =	vst v63  }
0x1f6: {  	_ = 	snop  }
0x1f7: {  	[tilespmem:s11], [sflag:$0x2] =	stream.indirect_vreg.gather [hbm4b:s10+s26], $0x80, v3, vm0, $0xb8;
	[tilespmem:$0x18100] =	vst v63  }
0x1f8: {  	v3 =	vld [tilespmem:$0xE0];
	_ =	sdelay $0x4  }
0x1f9: {  	v4 =	vshrl.u32 v3, $0x3  }
0x1fa: {  	v4 =	vmul.u32 $0x30, v4  }
0x1fb: {  	v3 =	vand.u32 $0x7, v3  }
0x1fc: {  	v3 =	vor.u32 v3, v4  }
0x1fd: {  	v4 =	vperm.xlane v3, v0;
	_ =	sdelay $0x1  }
0x1fe: {  	v4 =	vadd.s32 v1, v4;
	_ =	sdelay $0x3  }
0x1ff: {  	v3 =	vperm.xlane v3, v2  }
0x200: {  	[tilespmem:s2], [sflag:$0x2] =	stream.indirect_vreg.gather [hbm4b:s4+s26], $0x80, v4, vm0, $0xb8;
	[tilespmem:$0x18100] =	vst v63  }
0x201: {  	v3 =	vadd.s32 v1, v3  }
0x202: {  	[tilespmem:s12], [sflag:$0x2] =	stream.indirect_vreg.gather [hbm4b:s9+s26], $0x80, v4, vm0, $0xb8;
	[tilespmem:$0x18100] =	vst v63  }
0x203: {  	_ = 	snop  }
0x204: {  	[tilespmem:s15], [sflag:$0x2] =	stream.indirect_vreg.gather [hbm4b:s10+s26], $0x80, v4, vm0, $0xb8;
	[tilespmem:$0x18100] =	vst v63  }
0x205: {  	_ = 	snop  }
0x206: {  	[tilespmem:s13], [sflag:$0x2] =	stream.indirect_vreg.gather [hbm4b:s4+s26], $0x80, v3, vm0, $0xb8;
	[tilespmem:$0x18100] =	vst v63  }
0x207: {  	_ = 	snop  }
0x208: {  	[tilespmem:s17], [sflag:$0x2] =	stream.indirect_vreg.gather [hbm4b:s9+s26], $0x80, v3, vm0, $0xb8;
	[tilespmem:$0x18100] =	vst v63  }
0x209: {  	_ = 	snop  }
0x20a: {  	[tilespmem:s18], [sflag:$0x2] =	stream.indirect_vreg.gather [hbm4b:s10+s26], $0x80, v3, vm0, $0xb8;
	[tilespmem:$0x18100] =	vst v63  }
0x20b: {  	v3 =	vld [tilespmem:$0xF0];
	_ =	sdelay $0x4  }
0x20c: {  	v4 =	vshrl.u32 v3, $0x3  }
0x20d: {  	v4 =	vmul.u32 $0x30, v4  }
0x20e: {  	v3 =	vand.u32 $0x7, v3  }
0x20f: {  	v3 =	vor.u32 v3, v4  }
0x210: {  	v4 =	vperm.xlane v3, v0;
	_ =	sdelay $0x1  }
0x211: {  	v4 =	vadd.s32 v1, v4;
	_ =	sdelay $0x3  }
0x212: {  	v3 =	vperm.xlane v3, v2  }
0x213: {  	[tilespmem:s19], [sflag:$0x2] =	stream.indirect_vreg.gather [hbm4b:s4+s26], $0x80, v4, vm0, $0xb8;
	[tilespmem:$0x18100] =	vst v63  }
0x214: {  	v3 =	vadd.s32 v1, v3  }
0x215: {  	[tilespmem:s20], [sflag:$0x2] =	stream.indirect_vreg.gather [hbm4b:s9+s26], $0x80, v4, vm0, $0xb8;
	[tilespmem:$0x18100] =	vst v63  }
0x216: {  	_ = 	snop  }
0x217: {  	[tilespmem:s21], [sflag:$0x2] =	stream.indirect_vreg.gather [hbm4b:s10+s26], $0x80, v4, vm0, $0xb8;
	[tilespmem:$0x18100] =	vst v63  }
0x218: {  	_ = 	snop  }
0x219: {  	[tilespmem:s22], [sflag:$0x2] =	stream.indirect_vreg.gather [hbm4b:s4+s26], $0x80, v3, vm0, $0xb8;
	[tilespmem:$0x18100] =	vst v63  }
0x21a: {  	_ = 	snop  }
0x21b: {  	[tilespmem:s5], [sflag:$0x2] =	stream.indirect_vreg.gather [hbm4b:s9+s26], $0x80, v3, vm0, $0xb8;
	[tilespmem:$0x18100] =	vst v63  }
0x21c: {  	_ = 	snop  }
0x21d: {  	[tilespmem:s23], [sflag:$0x2] =	stream.indirect_vreg.gather [hbm4b:s10+s26], $0x80, v3, vm0, $0xb8;
	[tilespmem:$0x18100] =	vst v63  }
0x21e: {  	_ =	swait.ge [sflag:s6], $0xC000  }
0x21f: {  	[sflag:s6] =	ssyncset.done $0x0  }
0x220: {  	s28 =	simm.s32 $0x0;
	[sflag:s6] =	ssyncadd.s32 $0xFFFF4000  }
0x221: {  	s28 =	smul.u32 $0x1800, s28;
	_ =	swait.ge [sflag:s24], $0xC000  }
0x222: {  	s29 =	sand.u32 $0x380, s26;
	[sflag:s24] =	ssyncset.done $0x0  }
0x223: {  	s28 =	sor.u32 s29, s28;
	[sflag:s24] =	ssyncadd.s32 $0xFFFF4000  }
0x224: {  	v12 =	vld [tilespmem:s28+$0xC100]  }
0x225: {  	v13 =	vld [tilespmem:s28+$0xC110]  }
0x226: {  	v14 =	vld [tilespmem:s28+$0xC120]  }
0x227: {  	v15 =	vld [tilespmem:s28+$0xC130]  }
0x228: {  	v16 =	vld [tilespmem:s28+$0xC140]  }
0x229: {  	v17 =	vld [tilespmem:s28+$0xC150]  }
0x22a: {  	v18 =	vld [tilespmem:s28+$0xC160]  }
0x22b: {  	v19 =	vld [tilespmem:s28+$0xC170]  }
0x22c: {  	v20 =	vld [tilespmem:s28+$0xC500]  }
0x22d: {  	v21 =	vld [tilespmem:s28+$0xC510]  }
0x22e: {  	v22 =	vld [tilespmem:s28+$0xC520]  }
0x22f: {  	v23 =	vld [tilespmem:s28+$0xC530]  }
0x230: {  	v24 =	vld [tilespmem:s28+$0xC540]  }
0x231: {  	v25 =	vld [tilespmem:s28+$0xC550]  }
0x232: {  	v26 =	vld [tilespmem:s28+$0xC560]  }
0x233: {  	v27 =	vld [tilespmem:s28+$0xC570]  }
0x234: {  	v28 =	vld [tilespmem:s28+$0xC900]  }
0x235: {  	v29 =	vld [tilespmem:s28+$0xC910]  }
0x236: {  	v30 =	vld [tilespmem:s28+$0xC920]  }
0x237: {  	v31 =	vld [tilespmem:s28+$0xC930]  }
0x238: {  	v32 =	vld [tilespmem:s28+$0xC940]  }
0x239: {  	v33 =	vld [tilespmem:s28+$0xC950]  }
0x23a: {  	v34 =	vld [tilespmem:s28+$0xC960]  }
0x23b: {  	v35 =	vld [tilespmem:s28+$0xC970]  }
0x23c: {  	v36 =	vld [tilespmem:s28+$0xCD00]  }
0x23d: {  	v37 =	vld [tilespmem:s28+$0xCD10]  }
0x23e: {  	v38 =	vld [tilespmem:s28+$0xCD20]  }
0x23f: {  	v39 =	vld [tilespmem:s28+$0xCD30]  }
0x240: {  	v40 =	vld [tilespmem:s28+$0xCD40]  }
0x241: {  	v41 =	vld [tilespmem:s28+$0xCD50]  }
0x242: {  	v42 =	vld [tilespmem:s28+$0xCD60]  }
0x243: {  	v43 =	vld [tilespmem:s28+$0xCD70]  }
0x244: {  	v44 =	vld [tilespmem:s28+$0xD100]  }
0x245: {  	v45 =	vld [tilespmem:s28+$0xD110]  }
0x246: {  	v46 =	vld [tilespmem:s28+$0xD120]  }
0x247: {  	v47 =	vld [tilespmem:s28+$0xD130]  }
0x248: {  	v48 =	vld [tilespmem:s28+$0xD140]  }
0x249: {  	v49 =	vld [tilespmem:s28+$0xD150]  }
0x24a: {  	v50 =	vld [tilespmem:s28+$0xD160]  }
0x24b: {  	v11 =	vld [tilespmem:s28+$0xD170]  }
0x24c: {  	v10 =	vld [tilespmem:s28+$0xD500]  }
0x24d: {  	v9 =	vld [tilespmem:s28+$0xD510]  }
0x24e: {  	v8 =	vld [tilespmem:s28+$0xD520]  }
0x24f: {  	v7 =	vld [tilespmem:s28+$0xD530]  }
0x250: {  	v6 =	vld [tilespmem:s28+$0xD540]  }
0x251: {  	v51 =	vld [tilespmem:s28+$0x100]  }
0x252: {  	v52 =	vld [tilespmem:s28+$0x110]  }
0x253: {  	v53 =	vld [tilespmem:s28+$0x120]  }
0x254: {  	v54 =	vld [tilespmem:s28+$0x130]  }
0x255: {  	v55 =	vld [tilespmem:s28+$0x140]  }
0x256: {  	v62 =	vld [tilespmem:s28+$0x150];
	v12 =	vadd.f32 v12, v51  }
0x257: {  	v63 =	vld [tilespmem:s28+$0x160];
	v13 =	vadd.f32 v13, v52  }
0x258: {  	[tilespmem:s28+$0x100] =	vst v12;
	v12 =	vadd.f32 v14, v53;
	v14 =	vld [tilespmem:s28+$0x170]  }
0x259: {  	[tilespmem:s28+$0x110] =	vst v13;
	v13 =	vadd.f32 v15, v54;
	v15 =	vld [tilespmem:s28+$0x500]  }
0x25a: {  	[tilespmem:s28+$0x120] =	vst v12;
	v12 =	vadd.f32 v16, v55;
	v16 =	vld [tilespmem:s28+$0x510]  }
0x25b: {  	[tilespmem:s28+$0x130] =	vst v13;
	v13 =	vadd.f32 v17, v62;
	v17 =	vld [tilespmem:s28+$0x520]  }
0x25c: {  	v5 =	vld [tilespmem:s28+$0xD550]  }
0x25d: {  	[tilespmem:s28+$0x140] =	vst v12;
	v12 =	vadd.f32 v18, v63;
	v18 =	vld [tilespmem:s28+$0x570]  }
0x25e: {  	[tilespmem:s28+$0x150] =	vst v13;
	v13 =	vadd.f32 v19, v14;
	v14 =	vld [tilespmem:s28+$0x530]  }
0x25f: {  	[tilespmem:s28+$0x160] =	vst v12;
	v12 =	vadd.f32 v20, v15;
	v15 =	vld [tilespmem:s28+$0x540]  }
0x260: {  	[tilespmem:s28+$0x170] =	vst v13;
	v13 =	vadd.f32 v21, v16;
	v16 =	vadd.f32 v22, v17;
	v17 =	vld [tilespmem:s28+$0x560]  }
0x261: {  	[tilespmem:s28+$0x500] =	vst v12;
	v12 =	vld [tilespmem:s28+$0x550]  }
0x262: {  	[tilespmem:s28+$0x510] =	vst v13;
	v13 =	vld [tilespmem:s28+$0x900];
	v18 =	vadd.f32 v27, v18  }
0x263: {  	[tilespmem:s28+$0x520] =	vst v16;
	v16 =	vld [tilespmem:s28+$0x910];
	v14 =	vadd.f32 v23, v14  }
0x264: {  	v4 =	vld [tilespmem:s28+$0xD560];
	v15 =	vadd.f32 v24, v15;
	[tilespmem:s28+$0x570] =	vst v18  }
0x265: {  	[tilespmem:s28+$0x530] =	vst v14;
	v14 =	vld [tilespmem:s28+$0x920];
	v17 =	vadd.f32 v26, v17  }
0x266: {  	v12 =	vadd.f32 v25, v12;
	[tilespmem:s28+$0x540] =	vst v15;
	v15 =	vld [tilespmem:s28+$0x930]  }
0x267: {  	v18 =	vld [tilespmem:s28+$0x970];
	[tilespmem:s28+$0x560] =	vst v17;
	v13 =	vadd.f32 v28, v13  }
0x268: {  	v16 =	vadd.f32 v29, v16;
	[tilespmem:s28+$0x550] =	vst v12;
	v12 =	vld [tilespmem:s28+$0x940]  }
0x269: {  	v17 =	vld [tilespmem:s28+$0x950];
	[tilespmem:s28+$0x900] =	vst v13  }
0x26a: {  	[tilespmem:s28+$0x910] =	vst v16;
	v16 =	vld [tilespmem:s28+$0x960];
	v13 =	vadd.f32 v30, v14  }
0x26b: {  	v14 =	vld [tilespmem:s28+$0xD00];
	v15 =	vadd.f32 v31, v15  }
0x26c: {  	[tilespmem:s28+$0x920] =	vst v13;
	v13 =	vld [tilespmem:s28+$0xD10]  }
0x26d: {  	v12 =	vadd.f32 v32, v12;
	[tilespmem:s28+$0x930] =	vst v15;
	v15 =	vld [tilespmem:s28+$0xD20]  }
0x26e: {  	v3 =	vld [tilespmem:s28+$0xD570];
	v17 =	vadd.f32 v33, v17  }
0x26f: {  	v16 =	vadd.f32 v34, v16;
	[tilespmem:s28+$0x940] =	vst v12;
	v12 =	vld [tilespmem:s28+$0xD30]  }
0x270: {  	[tilespmem:s28+$0x950] =	vst v17;
	v17 =	vld [tilespmem:s28+$0xD40];
	v14 =	vadd.f32 v36, v14  }
0x271: {  	v18 =	vadd.f32 v35, v18;
	[tilespmem:s28+$0x960] =	vst v16;
	v16 =	vld [tilespmem:s28+$0xD50]  }
0x272: {  	v13 =	vadd.f32 v37, v13;
	[tilespmem:s28+$0xD00] =	vst v14;
	v14 =	vadd.f32 v38, v15;
	v15 =	vld [tilespmem:s28+$0xD60]  }
0x273: {  	[tilespmem:s28+$0x970] =	vst v18;
	v18 =	vld [tilespmem:s28+$0xD70]  }
0x274: {  	[tilespmem:s28+$0xD10] =	vst v13;
	v13 =	vld [tilespmem:s28+$0x1100];
	v12 =	vadd.f32 v39, v12  }
0x275: {  	v17 =	vadd.f32 v40, v17;
	[tilespmem:s28+$0xD20] =	vst v14;
	v14 =	vld [tilespmem:s28+$0x1110]  }
0x276: {  	v16 =	vadd.f32 v41, v16;
	[tilespmem:s28+$0xD30] =	vst v12;
	v12 =	vld [tilespmem:s28+$0x1120]  }
0x277: {  	[tilespmem:s28+$0xD40] =	vst v17;
	v17 =	vld [tilespmem:s28+$0x1130];
	v15 =	vadd.f32 v42, v15  }
0x278: {  	v19 =	vld [tilespmem:s28+$0x1140];
	[tilespmem:s28+$0xD50] =	vst v16;
	v16 =	vadd.f32 v43, v18  }
0x279: {  	v18 =	vld [tilespmem:s28+$0x1150];
	v13 =	vadd.f32 v44, v13;
	[tilespmem:s28+$0xD60] =	vst v15  }
0x27a: {  	v20 =	vld [tilespmem:s28+$0x1160];
	[tilespmem:s28+$0xD70] =	vst v16;
	v14 =	vadd.f32 v45, v14  }
0x27b: {  	v16 =	vld [tilespmem:s28+$0x1170];
	[tilespmem:s28+$0x1100] =	vst v13;
	v12 =	vadd.f32 v46, v12  }
0x27c: {  	v15 =	vld [tilespmem:s28+$0x1500];
	v13 =	vadd.f32 v47, v17;
	[tilespmem:s28+$0x1110] =	vst v14  }
0x27d: {  	v14 =	vld [tilespmem:s28+$0x1510];
	[tilespmem:s28+$0x1120] =	vst v12;
	v12 =	vadd.f32 v48, v19  }
0x27e: {  	[tilespmem:s28+$0x1130] =	vst v13;
	v13 =	vld [tilespmem:s28+$0x1520];
	v18 =	vadd.f32 v49, v18  }
0x27f: {  	s29 =	simm.s32 $0x1;
	v17 =	vadd.f32 v50, v20;
	[tilespmem:s28+$0x1140] =	vst v12;
	v12 =	vld [tilespmem:s28+$0x1530]  }
.LBB2_4:
0x280: {  	s30 =	sshrl.u32 s29, $0x3;
	p0 =	sne.s32 s29, $0x3F;
	[tilespmem:s28+$0x1150] =	vst v18;
	v11 =	vadd.f32 v11, v16;
	v16 =	vld [tilespmem:s28+$0x1540]  }
0x281: {  	s26 =	sadd.s32 $0x80, s26;
	s30 =	smul.u32 $0x1800, s30;
	[tilespmem:s28+$0x1160] =	vst v17;
	v10 =	vadd.f32 v10, v15;
	v15 =	vld [tilespmem:s28+$0x1550]  }
0x282: {  	s31 =	sand.u32 $0x380, s26;
	[tilespmem:s28+$0x1170] =	vst v11;
	v9 =	vadd.f32 v9, v14;
	v11 =	vld [tilespmem:s28+$0x1560]  }
0x283: {  	s30 =	sor.u32 s31, s30;
	[tilespmem:s28+$0x1500] =	vst v10;
	v8 =	vadd.f32 v8, v13;
	v10 =	vld [tilespmem:s28+$0x1570]  }
0x284: {  	v39 =	vld [tilespmem:s30+$0xC100];
	[tilespmem:s28+$0x1510] =	vst v9;
	v7 =	vadd.f32 v7, v12  }
0x285: {  	v40 =	vld [tilespmem:s30+$0xC110];
	[tilespmem:s28+$0x1520] =	vst v8;
	v6 =	vadd.f32 v6, v16  }
0x286: {  	v41 =	vld [tilespmem:s30+$0xC120];
	[tilespmem:s28+$0x1530] =	vst v7;
	v5 =	vadd.f32 v5, v15  }
0x287: {  	v42 =	vld [tilespmem:s30+$0xC130];
	[tilespmem:s28+$0x1540] =	vst v6;
	v4 =	vadd.f32 v4, v11  }
0x288: {  	v43 =	vld [tilespmem:s30+$0xC140];
	[tilespmem:s28+$0x1550] =	vst v5;
	v3 =	vadd.f32 v3, v10  }
0x289: {  	v44 =	vld [tilespmem:s30+$0xC150];
	[tilespmem:s28+$0x1560] =	vst v4  }
0x28a: {  	v45 =	vld [tilespmem:s30+$0xC160];
	[tilespmem:s28+$0x1570] =	vst v3;
	s28 =	smov.u32 s30  }
0x28b: {  	v46 =	vld [tilespmem:s28+$0xC170]  }
0x28c: {  	v47 =	vld [tilespmem:s28+$0xC500]  }
0x28d: {  	v48 =	vld [tilespmem:s28+$0xC510]  }
0x28e: {  	v49 =	vld [tilespmem:s28+$0xC520]  }
0x28f: {  	v50 =	vld [tilespmem:s28+$0xC530]  }
0x290: {  	v38 =	vld [tilespmem:s28+$0xC540]  }
0x291: {  	v37 =	vld [tilespmem:s28+$0xC550]  }
0x292: {  	v36 =	vld [tilespmem:s28+$0xC560]  }
0x293: {  	v35 =	vld [tilespmem:s28+$0xC570]  }
0x294: {  	v34 =	vld [tilespmem:s28+$0xC900]  }
0x295: {  	v33 =	vld [tilespmem:s28+$0xC910]  }
0x296: {  	v32 =	vld [tilespmem:s28+$0xC920]  }
0x297: {  	v31 =	vld [tilespmem:s28+$0xC930]  }
0x298: {  	v30 =	vld [tilespmem:s28+$0xC940]  }
0x299: {  	v29 =	vld [tilespmem:s28+$0xC950]  }
0x29a: {  	v28 =	vld [tilespmem:s28+$0xC960]  }
0x29b: {  	v27 =	vld [tilespmem:s28+$0xC970]  }
0x29c: {  	v26 =	vld [tilespmem:s28+$0xCD00]  }
0x29d: {  	v25 =	vld [tilespmem:s28+$0xCD10]  }
0x29e: {  	v24 =	vld [tilespmem:s28+$0xCD20]  }
0x29f: {  	v23 =	vld [tilespmem:s28+$0xCD30]  }
0x2a0: {  	v22 =	vld [tilespmem:s28+$0xCD40]  }
0x2a1: {  	v21 =	vld [tilespmem:s28+$0xCD50]  }
0x2a2: {  	v20 =	vld [tilespmem:s28+$0xCD60]  }
0x2a3: {  	v19 =	vld [tilespmem:s28+$0xCD70]  }
0x2a4: {  	v18 =	vld [tilespmem:s28+$0xD100]  }
0x2a5: {  	v17 =	vld [tilespmem:s28+$0xD110]  }
0x2a6: {  	v16 =	vld [tilespmem:s28+$0xD120]  }
0x2a7: {  	v15 =	vld [tilespmem:s28+$0xD130]  }
0x2a8: {  	v14 =	vld [tilespmem:s28+$0xD140]  }
0x2a9: {  	v13 =	vld [tilespmem:s28+$0xD150]  }
0x2aa: {  	v12 =	vld [tilespmem:s28+$0xD160]  }
0x2ab: {  	v11 =	vld [tilespmem:s28+$0xD170]  }
0x2ac: {  	v10 =	vld [tilespmem:s28+$0xD500]  }
0x2ad: {  	v9 =	vld [tilespmem:s28+$0xD510]  }
0x2ae: {  	v8 =	vld [tilespmem:s28+$0xD520]  }
0x2af: {  	v7 =	vld [tilespmem:s28+$0xD530]  }
0x2b0: {  	v6 =	vld [tilespmem:s28+$0xD540]  }
0x2b1: {  	v5 =	vld [tilespmem:s28+$0xD550]  }
0x2b2: {  	v4 =	vld [tilespmem:s28+$0xD560]  }
0x2b3: {  	v3 =	vld [tilespmem:s28+$0xD570]  }
0x2b4: {  	v51 =	vld [tilespmem:s28+$0x100]  }
0x2b5: {  	v52 =	vld [tilespmem:s28+$0x110]  }
0x2b6: {  	v53 =	vld [tilespmem:s28+$0x120]  }
0x2b7: {  	v54 =	vld [tilespmem:s28+$0x130]  }
0x2b8: {  	v55 =	vld [tilespmem:s28+$0x140]  }
0x2b9: {  	v39 =	vadd.f32 v39, v51;
	v51 =	vld [tilespmem:s28+$0x150]  }
0x2ba: {  	v40 =	vadd.f32 v40, v52;
	v52 =	vld [tilespmem:s28+$0x160]  }
0x2bb: {  	[tilespmem:s28+$0x100] =	vst v39;
	v39 =	vadd.f32 v41, v53;
	v41 =	vld [tilespmem:s28+$0x170]  }
0x2bc: {  	[tilespmem:s28+$0x110] =	vst v40;
	v40 =	vadd.f32 v42, v54;
	v42 =	vld [tilespmem:s28+$0x500]  }
0x2bd: {  	[tilespmem:s28+$0x120] =	vst v39;
	v39 =	vadd.f32 v43, v55;
	v43 =	vld [tilespmem:s28+$0x510]  }
0x2be: {  	[tilespmem:s28+$0x130] =	vst v40;
	v40 =	vadd.f32 v44, v51;
	v44 =	vld [tilespmem:s28+$0x520]  }
0x2bf: {  	[tilespmem:s28+$0x140] =	vst v39;
	v39 =	vadd.f32 v45, v52;
	v45 =	vld [tilespmem:s28+$0x530]  }
0x2c0: {  	[tilespmem:s28+$0x150] =	vst v40;
	v40 =	vadd.f32 v46, v41;
	v41 =	vld [tilespmem:s28+$0x540]  }
0x2c1: {  	[tilespmem:s28+$0x160] =	vst v39;
	v39 =	vadd.f32 v47, v42;
	v42 =	vld [tilespmem:s28+$0x550]  }
0x2c2: {  	[tilespmem:s28+$0x170] =	vst v40;
	v40 =	vadd.f32 v48, v43;
	v43 =	vld [tilespmem:s28+$0x560]  }
0x2c3: {  	[tilespmem:s28+$0x500] =	vst v39;
	v39 =	vadd.f32 v49, v44;
	v44 =	vld [tilespmem:s28+$0x570]  }
0x2c4: {  	[tilespmem:s28+$0x510] =	vst v40;
	v40 =	vadd.f32 v50, v45;
	v45 =	vld [tilespmem:s28+$0x900]  }
0x2c5: {  	[tilespmem:s28+$0x520] =	vst v39;
	v38 =	vadd.f32 v38, v41;
	v39 =	vld [tilespmem:s28+$0x910]  }
0x2c6: {  	[tilespmem:s28+$0x530] =	vst v40;
	v37 =	vadd.f32 v37, v42;
	v40 =	vld [tilespmem:s28+$0x920]  }
0x2c7: {  	[tilespmem:s28+$0x540] =	vst v38;
	v36 =	vadd.f32 v36, v43;
	v38 =	vld [tilespmem:s28+$0x930]  }
0x2c8: {  	[tilespmem:s28+$0x550] =	vst v37;
	v35 =	vadd.f32 v35, v44;
	v37 =	vld [tilespmem:s28+$0x940]  }
0x2c9: {  	[tilespmem:s28+$0x560] =	vst v36;
	v34 =	vadd.f32 v34, v45;
	v36 =	vld [tilespmem:s28+$0x950]  }
0x2ca: {  	[tilespmem:s28+$0x570] =	vst v35;
	v33 =	vadd.f32 v33, v39;
	v35 =	vld [tilespmem:s28+$0x960]  }
0x2cb: {  	[tilespmem:s28+$0x900] =	vst v34;
	v32 =	vadd.f32 v32, v40;
	v34 =	vld [tilespmem:s28+$0x970]  }
0x2cc: {  	[tilespmem:s28+$0x910] =	vst v33;
	v31 =	vadd.f32 v31, v38;
	v33 =	vld [tilespmem:s28+$0xD00]  }
0x2cd: {  	[tilespmem:s28+$0x920] =	vst v32;
	v30 =	vadd.f32 v30, v37;
	v32 =	vld [tilespmem:s28+$0xD10]  }
0x2ce: {  	[tilespmem:s28+$0x930] =	vst v31;
	v29 =	vadd.f32 v29, v36;
	v31 =	vld [tilespmem:s28+$0xD20]  }
0x2cf: {  	[tilespmem:s28+$0x940] =	vst v30;
	v28 =	vadd.f32 v28, v35;
	v30 =	vld [tilespmem:s28+$0xD30]  }
0x2d0: {  	[tilespmem:s28+$0x950] =	vst v29;
	v27 =	vadd.f32 v27, v34;
	v29 =	vld [tilespmem:s28+$0xD40]  }
0x2d1: {  	[tilespmem:s28+$0x960] =	vst v28;
	v26 =	vadd.f32 v26, v33;
	v28 =	vld [tilespmem:s28+$0xD50]  }
0x2d2: {  	[tilespmem:s28+$0x970] =	vst v27;
	v25 =	vadd.f32 v25, v32;
	v27 =	vld [tilespmem:s28+$0xD60]  }
0x2d3: {  	[tilespmem:s28+$0xD00] =	vst v26;
	v24 =	vadd.f32 v24, v31;
	v26 =	vld [tilespmem:s28+$0xD70]  }
0x2d4: {  	[tilespmem:s28+$0xD10] =	vst v25;
	v23 =	vadd.f32 v23, v30;
	v25 =	vld [tilespmem:s28+$0x1100]  }
0x2d5: {  	[tilespmem:s28+$0xD20] =	vst v24;
	v22 =	vadd.f32 v22, v29;
	v24 =	vld [tilespmem:s28+$0x1110]  }
0x2d6: {  	[tilespmem:s28+$0xD30] =	vst v23;
	v21 =	vadd.f32 v21, v28;
	v23 =	vld [tilespmem:s28+$0x1120]  }
0x2d7: {  	[tilespmem:s28+$0xD40] =	vst v22;
	v20 =	vadd.f32 v20, v27;
	v22 =	vld [tilespmem:s28+$0x1130]  }
0x2d8: {  	[tilespmem:s28+$0xD50] =	vst v21;
	v19 =	vadd.f32 v19, v26;
	v21 =	vld [tilespmem:s28+$0x1140]  }
0x2d9: {  	[tilespmem:s28+$0xD60] =	vst v20;
	v18 =	vadd.f32 v18, v25;
	v20 =	vld [tilespmem:s28+$0x1150]  }
0x2da: {  	[tilespmem:s28+$0xD70] =	vst v19;
	v17 =	vadd.f32 v17, v24;
	v19 =	vld [tilespmem:s28+$0x1160]  }
.Ltmp1:
0x2db: {  	[tilespmem:s28+$0x1100] =	vst v18;
	v18 =	vadd.f32 v16, v23;
	v16 =	vld [tilespmem:s28+$0x1170];
	(pc) =	sbr.rel @p0 .LBB2_4-.Ltmp1, $4  }
0x2dc: {  	[tilespmem:s28+$0x1110] =	vst v17;
	v17 =	vadd.f32 v15, v22;
	v15 =	vld [tilespmem:s28+$0x1500]  }
0x2dd: {  	[tilespmem:s28+$0x1120] =	vst v18;
	v21 =	vadd.f32 v14, v21;
	v14 =	vld [tilespmem:s28+$0x1510]  }
0x2de: {  	[tilespmem:s28+$0x1130] =	vst v17;
	v18 =	vadd.f32 v13, v20;
	v13 =	vld [tilespmem:s28+$0x1520]  }
0x2df: {  	s29 =	sadd.s32 $0x1, s29;
	[tilespmem:s28+$0x1140] =	vst v21;
	v17 =	vadd.f32 v12, v19;
	v12 =	vld [tilespmem:s28+$0x1530]  }
0x2e0: {  	[tilespmem:s28+$0x1150] =	vst v18;
	v60 =	vld [tilespmem:s28+$0x1540];
	v11 =	vadd.f32 v11, v16  }
0x2e1: {  	v61 =	vld [tilespmem:s28+$0x1550];
	[tilespmem:s28+$0x1160] =	vst v17;
	v10 =	vadd.f32 v10, v15  }
0x2e2: {  	v62 =	vld [tilespmem:s28+$0x1560];
	[tilespmem:s28+$0x1170] =	vst v11;
	v9 =	vadd.f32 v9, v14  }
0x2e3: {  	v63 =	vld [tilespmem:s28+$0x1570];
	[tilespmem:s28+$0x1500] =	vst v10;
	v8 =	vadd.f32 v8, v13  }
0x2e4: {  	[tilespmem:s28+$0x1510] =	vst v9;
	v7 =	vadd.f32 v7, v12  }
0x2e5: {  	[tilespmem:s28+$0x1520] =	vst v8;
	v6 =	vadd.f32 v6, v60  }
0x2e6: {  	v5 =	vadd.f32 v5, v61;
	[tilespmem:s28+$0x1530] =	vst v7  }
0x2e7: {  	v4 =	vadd.f32 v4, v62;
	[tilespmem:s28+$0x1540] =	vst v6  }
0x2e8: {  	v3 =	vadd.f32 v3, v63;
	[tilespmem:s28+$0x1550] =	vst v5  }
0x2e9: {  	[tilespmem:s28+$0x1560] =	vst v4  }
0x2ea: {  	s26 =	rddreg [dreg:$0x6];
	[tilespmem:s28+$0x1570] =	vst v3  }
0x2eb: {  	[hbm4b:s26+s3] =	stream.linear.scatter [tilespmem:s16], [sflag:$0x3], $0xC000, $0x38;
	[tilespmem:$0x18100] =	vst v63  }
0x2ec: {  	_ =	swait.ge [sflag:s14], $0xC000  }
0x2ed: {  	s25 =	sadd.s32 $0x1, s25;
	s31 =	rddreg [dreg:$0x7]  }
0x2ee: {  	p0 =	sne.s32 s25, s31  }
.Ltmp2:
0x2ef: {  	_ = 	snop;
	(pc) =	sbr.rel @p0 .LBB2_1-.Ltmp2, $3  }
0x2f0: {  	_ =	sdelay $0x1  }
0x2f1: {  	[sflag:s14] =	ssyncset.done $0x0  }
0x2f2: {  	[sflag:s14] =	ssyncadd.s32 $0xFFFF4000  }
0x2f3: {  	_ =	sfence.sel $0x180000  }
0x2f4: {  	[bflag:$0x0] =	sbarrier.arrive $0xFFFF  }
0x2f5: {  	_ =	strace $0x9000004D  }
0x2f6: {  	s0 =	stileid.u32;
	[bflag:$0x2] =	sbarrier.arrive $0xFFFF  }
0x2f7: {  	p0 =	sne.s32 s0, $0x0;
	s0 =	rddreg [dreg:$0x2]  }
0x2f8: {  	s0 =	sadd.s32 @!p0 $0x100000, s0  }
0x2f9: {  	[sflag:s0] =	ssyncadd.tile.s32 @!p0 $0x1;
	_ =	shalt  }
.Lfunc_end2:
_tile_overlayer_lowered:
.L_overlay_start_2:
0x2fa: {  	(tag) =	ssettag $0x2  }
0x2fb: {  	s0 =	rddreg [dreg:$0x0];
	s2 =	stileid.u32  }
0x2fc: {  	s1 =	rddreg [dreg:$0x1];
	p0 =	sne.s32 s2, $0x0  }
0x2fd: {  	s3 =	rddreg [dreg:$0x2];
	[bflag:$0x3] =	sbarrier.arrive $0xFFFF;
	s2 =	simm.s32 @!p0 $0x1C03  }
0x2fe: {  	[timem:s3], [sflag:s2] =	dma.local @!p0 [hbm:s0], s1  }
0x2ff: {  	s0 =	simm.s32 @!p0 $0x3  }
0x300: {  	_ =	swait.ge @!p0 [sflag:s0], s1  }
0x301: {  	s1 =	ssub.s32 @!p0 $0x0, s1;
	[sflag:s0] =	ssyncset.done @!p0 $0x0  }
0x302: {  	[sflag:s0] =	ssyncadd.s32 @!p0 s1  }
0x303: {  	[bflag:$0x3] =	sbarrier.arrive $0xFFFF  }
0x304: {  	_ =	shalt  }

// kernel: kernel.8.cloned.1.call-start
scs
__scs_entry_jumppad:
0x0: {  	(pc) =	sbr.rel $0x88, $3  }
0x1: {  	(tag) =	ssettag $0x0;
	lr =	simm.s32 $0x1  }
0x2: {  	[smem:$0x3F9D] =	sst lr;
	_ =	strace $0xD0000000  }
0x3: {  	_ = 	snop  }
0x4: {  	_ = 	snop  }
0x5: {  	_ = 	snop  }
0x6: {  	_ = 	snop  }
0x7: {  	_ = 	snop  }
__scs_overlays_trampoline_lowered:
0x8: {  	[smem:$0x3FAC] =	sst s0  }
0x9: {  	[smem:$0x3FAD] =	sst s1  }
0xa: {  	[smem:$0x3FAE] =	sst s2  }
0xb: {  	[smem:$0x3FAF] =	sst s3  }
0xc: {  	[smem:$0x3FB0] =	sst s4  }
0xd: {  	[smem:$0x3FB1] =	sst s5  }
0xe: {  	[smem:$0x3FB2] =	sst s6  }
0xf: {  	[smem:$0x3FB3] =	sst s7  }
0x10: {  	[smem:$0x3FB4] =	sst s8  }
0x11: {  	[smem:$0x3FB5] =	sst s9;
	s0 =	simm.s32 @!p0 $0x0  }
0x12: {  	s1 =	sld [smem:$0x3F9B];
	s0 =	simm.s32 @p0 $0x1  }
0x13: {  	[smem:$0x3FB6] =	sst s0;
	s0 =	simm.s32 @!p1 $0x0  }
0x14: {  	s2 =	sld [smem:$0x3F9A];
	s0 =	simm.s32 @p1 $0x1  }
0x15: {  	[smem:$0x3FB7] =	sst s0;
	s0 =	simm.s32 @!p2 $0x0  }
0x16: {  	s3 =	sld [smem:$0x3FDB];
	s0 =	simm.s32 @p2 $0x1  }
0x17: {  	s4 =	simm.s32 $0x1BF5;
	[smem:$0x3FB9] =	sst s0  }
0x18: {  	s0 =	sld [smem:$0x3F9C];
	_ =	swait.ge [sflag:s4], $0x0  }
0x19: {  	s7 =	sld [smem:$0x3F9D]  }
0x1a: {  	s8 =	sadd.s32 $0xFFFFE003, lr  }
0x1b: {  	s9 =	sadd.s32 $0xFFFFFEF7, lr;
	s5 =	simm.s32 $0xFFFFFFFF;
	p2 =	slt.u32 s8, $0xFFFFF086  }
0x1c: {  	p1 =	slt.u32 s9, $0xF7A;
	s5 =	simm.s32 @!p2 $0x0  }
0x1d: {  	s5 =	simm.s32 @p1 $0x1;
	p0 =	seq.s32 s7, s2  }
0x1e: {  	s7 =	smul.u32 @!p0 $0xF7A, s2;
	p2 =	seq.s32 @!p0 s5, $0x0  }
0x1f: {  	s9 =	smul.u32 $0xF7A, s1;
	s8 =	simm.s32 @!p0 $0x1BF5;
	p2 =	por !p2, p0  }
0x20: {  	[sflag:s8] =	ssyncset.s32 @!p0 $0xFFFFF086;
	s6 =	sadd.s32 @!p0 s3, s7;
	s7 =	simm.s32 @!p0 $0x108  }
0x21: {  	s3 =	sadd.s32 s3, s9;
	s6 =	sadd.s32 @!p0 $0x88, s6;
	s7 =	simm.s32 @p2 $0x1082  }
0x22: {  	[simem:s7], [sflag:s8] =	dma.local @!p0 [hbm:s6], $0xF7A  }
0x23: {  	s9 =	sor.u32 $0xD0000000, s2;
	s6 =	simm.s32 $0x108;
	_ =	swait.ge @!p0 [sflag:s8], $0x0  }
0x24: {  	s3 =	sadd.s32 $0x88, s3;
	s6 =	simm.s32 @!p1 $0x1082;
	[sflag:s4] =	ssyncset.s32 $0xFFFFF086  }
0x25: {  	[simem:s6], [sflag:s4] =	dma.local [hbm:s3], $0xF7A  }
0x26: {  	[smem:$0x3F9D] =	sst s1;
	(tag) =	ssettag s2;
	_ =	strace s9  }
0x27: {  	s1 =	sld [smem:$0x3FAD]  }
0x28: {  	s2 =	sld [smem:$0x3FAE]  }
0x29: {  	s4 =	sld [smem:$0x3FB0]  }
0x2a: {  	p0 =	seq.s32 s5, $0x0;
	s5 =	sld [smem:$0x3FB1]  }
0x2b: {  	s6 =	sld [smem:$0x3FB2]  }
0x2c: {  	s7 =	sld [smem:$0x3FB3]  }
0x2d: {  	s3 =	simm.s32 $0x108;
	s8 =	sld [smem:$0x3FB4]  }
0x2e: {  	s3 =	simm.s32 @!p0 $0x1082;
	s9 =	sld [smem:$0x3FB5]  }
0x2f: {  	lr =	sadd.s32 s0, s3;
	s0 =	sld [smem:$0x3FAC]  }
0x30: {  	s3 =	sld [smem:$0x3FAF]  }
0x31: {  	[smem:$0x3FB8] =	sst s10  }
0x32: {  	s10 =	sld [smem:$0x3FB6];
	_ =	sdelay $0x3  }
0x33: {  	p0 =	seq.s32 s10, $0x1;
	s10 =	sld [smem:$0x3FB8];
	_ =	sdelay $0x3  }
0x34: {  	[smem:$0x3FB8] =	sst s10  }
0x35: {  	s10 =	sld [smem:$0x3FB7];
	_ =	sdelay $0x3  }
0x36: {  	p1 =	seq.s32 s10, $0x1;
	s10 =	sld [smem:$0x3FB8];
	_ =	sdelay $0x3  }
0x37: {  	[smem:$0x3FB8] =	sst s10  }
0x38: {  	s10 =	sld [smem:$0x3FB9]  }
0x39: {  	_ = 	snop;
	(pc) =	sbr.ind lr, $3  }
0x3a: {  	_ = 	snop  }
0x3b: {  	_ = 	snop  }
0x3c: {  	p2 =	seq.s32 s10, $0x1;
	s10 =	sld [smem:$0x3FB8]  }
0x3d: {  	_ =	shalt  }
0x3e: {  	_ =	shalt  }
0x3f: {  	_ =	shalt  }
0x40: {  	_ =	shalt  }
0x41: {  	_ =	shalt  }
0x42: {  	_ =	shalt  }
0x43: {  	_ =	shalt  }
0x44: {  	_ =	shalt  }
0x45: {  	_ =	shalt  }
0x46: {  	_ =	shalt  }
0x47: {  	_ =	shalt  }
0x48: {  	_ =	shalt  }
0x49: {  	_ =	shalt  }
0x4a: {  	_ =	shalt  }
0x4b: {  	_ =	shalt  }
0x4c: {  	_ =	shalt  }
0x4d: {  	_ =	shalt  }
0x4e: {  	_ =	shalt  }
0x4f: {  	_ =	shalt  }
0x50: {  	_ =	shalt  }
0x51: {  	_ =	shalt  }
0x52: {  	_ =	shalt  }
0x53: {  	_ =	shalt  }
0x54: {  	_ =	shalt  }
0x55: {  	_ =	shalt  }
0x56: {  	_ =	shalt  }
0x57: {  	_ =	shalt  }
0x58: {  	_ =	shalt  }
0x59: {  	_ =	shalt  }
0x5a: {  	_ =	shalt  }
0x5b: {  	_ =	shalt  }
0x5c: {  	_ =	shalt  }
0x5d: {  	_ =	shalt  }
0x5e: {  	_ =	shalt  }
0x5f: {  	_ =	shalt  }
0x60: {  	_ =	shalt  }
0x61: {  	_ =	shalt  }
0x62: {  	_ =	shalt  }
0x63: {  	_ =	shalt  }
0x64: {  	_ =	shalt  }
0x65: {  	_ =	shalt  }
0x66: {  	_ =	shalt  }
0x67: {  	_ =	shalt  }
0x68: {  	_ =	shalt  }
0x69: {  	_ =	shalt  }
0x6a: {  	_ =	shalt  }
0x6b: {  	_ =	shalt  }
0x6c: {  	_ =	shalt  }
0x6d: {  	_ =	shalt  }
0x6e: {  	_ =	shalt  }
0x6f: {  	_ =	shalt  }
0x70: {  	_ =	shalt  }
0x71: {  	_ =	shalt  }
0x72: {  	_ =	shalt  }
0x73: {  	_ =	shalt  }
0x74: {  	_ =	shalt  }
0x75: {  	_ =	shalt  }
0x76: {  	_ =	shalt  }
0x77: {  	_ =	shalt  }
0x78: {  	_ =	shalt  }
0x79: {  	_ =	shalt  }
0x7a: {  	_ =	shalt  }
0x7b: {  	_ =	shalt  }
0x7c: {  	_ =	shalt  }
0x7d: {  	_ =	shalt  }
0x7e: {  	_ =	shalt  }
0x7f: {  	_ =	shalt  }
0x80: {  	_ =	shalt  }
0x81: {  	_ =	shalt  }
0x82: {  	_ =	shalt  }
0x83: {  	_ =	shalt  }
0x84: {  	_ =	shalt  }
0x85: {  	_ =	shalt  }
0x86: {  	_ =	shalt  }
0x87: {  	_ =	shalt  }
.Lfunc_end0:
.L_simem_size_0:
called_computation_lowered:
.L_overlay_start_0:
0x88: {  	s2 =	sld [smem:$0x3FD9]  }
0x89: {  	s3 =	sld [smem:$0x3FFE];
	_ =	sdelay $0x1  }
0x8a: {  	s1 =	srdreg.scid  }
0x8b: {  	s0 =	sand.u32 $0x1, s1  }
0x8c: {  	s17 =	sshll.u32 s0, $0xA;
	s2 =	sadd.s32 s3, s2  }
0x8d: {  	s2 =	sadd.s32 s2, s17  }
0x8e: {  	[smem:$0x3FC4] =	sst s2  }
0x8f: {  	_ = 	snop  }
0x90: {  	s4 =	sld [smem:$0x3FC9]  }
0x91: {  	s5 =	sld [smem:$0x3FC8]  }
0x92: {  	s6 =	sld [smem:$0x3FC7]  }
0x93: {  	s18 =	sld [smem:$0x3FD0];
	(tm) =	ssettm $0x1  }
0x94: {  	s19 =	sld [smem:$0x3FFB];
	_ =	sdelay $0x3  }
0x95: {  	_ =	strace s19  }
0x96: {  	s2 =	sld [smem:$0x3FFC];
	_ =	sdelay $0x3  }
0x97: {  	_ =	strace s2  }
0x98: {  	s2 =	sld [smem:$0x3FFD];
	_ =	sdelay $0x3  }
0x99: {  	_ =	strace s2  }
0x9a: {  	_ =	strace $0x8FFFFFFF  }
0x9b: {  	s20 =	sld [smem:$0x3FDB];
	_ =	sdelay $0x1  }
0x9c: {  	s7 =	simm.s32 $_scs_section_size  }
0x9d: {  	s8 =	simm.s32 $_size__tile_overlayer_lowered;
	s9 =	simm.s32 $_tile_overlayer_lowered  }
0x9e: {  	s10 =	simm.s32 $0x1BFF;
	s21 =	sshll.u32 s9, $0x1;
	s7 =	sadd.s32 s7, s20  }
0x9f: {  	s22 =	simm.s32 $0x0;
	s8 =	sshll.u32 s8, $0x1;
	s9 =	sadd.s32 s21, s7  }
0xa0: {  	[timem:s22], [sflag:s10] =	dma.local [hbm:s9], s8  }
0xa1: {  	_ =	swait.ge [sflag:s10], s8  }
0xa2: {  	s8 =	ssub.s32 $0x0, s8;
	[sflag:s10] =	ssyncset.done $0x0  }
0xa3: {  	[sflag:s10] =	ssyncadd.s32 s8;
	_ =	sdelay $0x1  }
0xa4: {  	s23 =	simm.s32 $0x1B8B  }
0xa5: {  	_ =	swait.ge [sflag:s23], $0x1  }
0xa6: {  	[sflag:s23] =	ssyncset.done $0x0  }
0xa7: {  	[sflag:s23] =	ssyncadd.s32 $0xFFFFFFFF  }
0xa8: {  	s8 =	sld [smem:$0x0]  }
0xa9: {  	s9 =	sand.u32 $0xFFFFFFFE, s1  }
0xaa: {  	p0 =	sne.s32 s1, s9  }
0xab: {  	s9 =	sshll.u32 @p0 s9, $0xE  }
0xac: {  	s9 =	sadd.s32 @p0 $0x11B8D, s9;
	s10 =	sshll.u32 @p0 s8, $0x11  }
0xad: {  	s9 =	sor.u32 @p0 s10, s9  }
0xae: {  	[sflag:s9] =	ssyncadd.remote.s32 @p0 $0x1;
	_ =	sdelay $0x1  }
0xaf: {  	s9 =	simm.s32 @p0 $0x1B8D  }
0xb0: {  	_ =	swait.eq @p0 [sflag:s9], $0x1  }
0xb1: {  	[sflag:s9] =	ssyncadd.s32 @p0 $0xFFFFFFFF  }
0xb2: {  	s10 =	sshll.u32 @!p0 s1, $0xE  }
0xb3: {  	s10 =	sor.u32 @!p0 $0x4000, s10;
	s9 =	simm.s32 @!p0 $0x1B8D  }
0xb4: {  	s8 =	sshll.u32 @!p0 s8, $0x11;
	s10 =	sadd.s32 @!p0 $0x11B8D, s10;
	_ =	swait.eq @!p0 [sflag:s9], $0x1  }
0xb5: {  	s8 =	sor.u32 @!p0 s8, s10;
	[sflag:s9] =	ssyncadd.s32 @!p0 $0xFFFFFFFF  }
0xb6: {  	s25 =	simm.s32 $0x1B8E;
	s24 =	sld [smem:$0x3FFE];
	[sflag:s8] =	ssyncadd.remote.s32 @!p0 $0x1  }
0xb7: {  	s26 =	simm.s32 $execute0_lowered;
	[smem:$0x3FD2] =	sst s25  }
0xb8: {  	s9 =	sshll.u32 s26, $0x1;
	_ =	strace $0x80000049;
	[dreg:$0x1] =	wrdreg $0xFFFFFFFF  }
0xb9: {  	s28 =	simm.s32 $_size_execute0_lowered;
	s7 =	sadd.s32 s7, s9;
	[dreg:$0x0] =	wrdreg $0x0  }
0xba: {  	s9 =	sshll.u32 s28, $0x1;
	[dreg:$0x2] =	wrdreg s7  }
0xbb: {  	[dreg:$0x3] =	wrdreg s9  }
0xbc: {  	[dreg:$0x4] =	wrdreg $0xC0  }
0xbd: {  	_ =	task [dreg:s22], $0x5FFFF  }
0xbe: {  	[dreg:$0x1] =	wrdreg $0xFFFFFFFF  }
0xbf: {  	[dreg:$0x0] =	wrdreg $0x60  }
0xc0: {  	[dreg:$0x2] =	wrdreg s4  }
0xc1: {  	[dreg:$0x3] =	wrdreg s5  }
0xc2: {  	[dreg:$0x4] =	wrdreg s6  }
0xc3: {  	[dreg:$0x5] =	wrdreg s24  }
0xc4: {  	[dreg:$0x6] =	wrdreg s18  }
0xc5: {  	[dreg:$0x7] =	wrdreg $0x9  }
0xc6: {  	_ =	task.clear_ibuf [dreg:s22], $0x8FFFF;
	_ =	strace $0x90000049  }
0xc7: {  	s29 =	simm.s32 $0x9;
	_ =	strace $0x8000004B  }
0xc8: {  	_ =	swait.ge [sflag:s29], $0x1  }
0xc9: {  	[sflag:s29] =	ssyncadd.s32 $0xFFFFFFFF  }
0xca: {  	_ =	strace $0x9000004B  }
0xcb: {  	_ =	sfence  }
0xcc: {  	s30 =	sld [smem:$0x0];
	_ =	sdelay $0x2  }
0xcd: {  	s31 =	sshll.u32 s1, $0xD;
	s1 =	sshrl.u32 s1, $0x2  }
0xce: {  	s4 =	sand.u32 $0x4000, s31;
	s1 =	sadd.s32 s1, s30  }
0xcf: {  	s0 =	sor.u32 s4, s0;
	s1 =	sshll.u32 s1, $0x11  }
0xd0: {  	s0 =	sor.u32 s1, s0  }
0xd1: {  	s0 =	sadd.s32 $0x8F2B, s0  }
0xd2: {  	[sflag:s0] =	ssyncadd.remote.s32 $0x1  }
0xd3: {  	_ =	sfence.sel $0xFFFF  }
0xd4: {  	[dreg:$0x0] =	wrdreg $0xFFFFFFFF;
	(pc) =	sbr.abs _section_cstart, $3  }
0xd5: {  	[dreg:$0x1] =	wrdreg $0xFFFFFFFF  }
0xd6: {  	_ =	task.clear_ibuf [dreg:s22], $0x2FFFF;
	_ =	strace $0x9FFFFFFF  }
0xd7: {  	(tm) =	ssettm $0x7FFFFFFF  }
tec
execute0_lowered:
.L_overlay_start_1:
0x0: {  	(tag) =	ssettag $0x1  }
0x1: {  	s0 =	rddreg [dreg:$0x0]  }
0x2: {  	s1 =	rddreg [dreg:$0x1]  }
0x3: {  	s11 =	rddreg [dreg:$0x2]  }
0x4: {  	s12 =	rddreg [dreg:$0x3];
	s3 =	srdreg.scid  }
0x5: {  	s5 =	stileid.u32;
	s2 =	rddreg [dreg:$0x4];
	s28 =	simm.s32 $0x1  }
0x6: {  	s31 =	simm.s32 $0x900;
	s15 =	simm.s32 $0x2100;
	s16 =	simm.s32 $0x2900  }
0x7: {  	s17 =	simm.s32 $0x3100;
	s18 =	simm.s32 $0x3900;
	s19 =	simm.s32 $0x4100  }
0x8: {  	s21 =	simm.s32 $0x4900;
	s22 =	simm.s32 $0x5100;
	s4 =	sand.u32 $0x1, s3  }
0x9: {  	s5 =	sshll.u32 s5, $0x1;
	s3 =	simm.s32 $0x0;
	s9 =	sadd.s32 $0x121C00, s12  }
0xa: {  	s5 =	sor.u32 s4, s5;
	[smem:$0x7FF] =	sst s3;
	s7 =	ssub.s32 $0x2, s4  }
0xb: {  	s4 =	sadd.s32 $0x121A00, s12;
	s6 =	sshll.u32 s5, $0x5;
	_ =	strace $0x8000004A  }
0xc: {  	s8 =	sshrl.u32 s7, $0x1;
	s10 =	smul.u32 $0x3000, s5;
	s5 =	sadd.s32 $0x181A00, s12  }
0xd: {  	s6 =	sadd.s32 s6, s12;
	s13 =	ssub.s32 s7, s8;
	s7 =	sadd.s32 $0x200, s2  }
0xe: {  	s29 =	simm.s32 $0x2;
	s8 =	sadd.s32 $0x121B00, s12;
	s6 =	sadd.s32 $0x121600, s6  }
0xf: {  	s23 =	sadd.s32 s0, s10;
	s14 =	sadd.s32 $0x1800, s10;
	[dreg:$0x6] =	wrdreg s6  }
0x10: {  	s24 =	sadd.s32 s1, s10;
	s26 =	sadd.s32 s11, s10;
	[dreg:$0x7] =	wrdreg s23  }
0x11: {  	s10 =	sadd.s32 $0x181B00, s12;
	s6 =	sadd.s32 $0x100, s2;
	[dreg:$0x9] =	wrdreg s24  }
0x12: {  	s0 =	sadd.s32 s0, s14;
	s25 =	sadd.s32 s1, s14;
	[dreg:$0xb] =	wrdreg s26  }
0x13: {  	s30 =	sadd.s32 s11, s14;
	s11 =	sadd.s32 $0x181C00, s12;
	s12 =	smax.u32 s13, $0x1  }
0x14: {  	v2 =	vlaneseq.u32;
	s13 =	simm.s32 $0x3;
	s23 =	simm.s32 $0x5900;
	[dreg:$0x8] =	wrdreg s0  }
0x15: {  	vm0 =	vmmov $0xffff;
	v1 =	vshrl.u32 v2, $0x3;
	s24 =	simm.s32 $0x6100;
	s26 =	simm.s32 $0x7100;
	[dreg:$0xa] =	wrdreg s25  }
0x16: {  	v0 =	vand.u32 $0x7, v2;
	v2 =	vor.u32 $0x8, v2;
	v1 =	vmul.u32 $0x8, v1;
	s1 =	simm.s32 $0xB900;
	[dreg:$0xc] =	wrdreg s30;
	s25 =	simm.s32 $0x6900  }
.LBB2_1:
0x17: {  	s30 =	rddreg [dreg:$0x6]  }
0x18: {  	[tilespmem:s3], [sflag:$0x3] =	stream.linear.gather [hbm4b:s30+s3], $0x100, $0x38;
	[tilespmem:$0x18100] =	vst v63  }
0x19: {  	_ =	swait.ge [sflag:s13], $0x100  }
0x1a: {  	[sflag:s13] =	ssyncset.done $0x0  }
0x1b: {  	s20 =	simm.s32 $0x100;
	s0 =	rddreg [dreg:$0x7];
	[sflag:s13] =	ssyncadd.s32 $0xFFFFFF00  }
0x1c: {  	[tilespmem:s20], [sflag:$0x3] =	stream.linear.gather [hbm4b:s0+s3], $0xC000, $0x38;
	[tilespmem:$0x18100] =	vst v63  }
0x1d: {  	_ =	swait.ge [sflag:s13], $0xC000  }
0x1e: {  	[sflag:s13] =	ssyncset.done $0x0  }
0x1f: {  	[sflag:s13] =	ssyncadd.s32 $0xFFFF4000  }
0x20: {  	v3 =	vld [tilespmem:$0x0];
	_ =	sdelay $0x4  }
0x21: {  	v4 =	vshrl.u32 v3, $0x3  }
0x22: {  	v4 =	vmul.u32 $0x30, v4  }
0x23: {  	v3 =	vand.u32 $0x7, v3  }
0x24: {  	v3 =	vor.u32 v3, v4  }
0x25: {  	v4 =	vperm.xlane v3, v0;
	_ =	sdelay $0x1  }
0x26: {  	v4 =	vadd.s32 v1, v4;
	_ =	sdelay $0x3  }
0x27: {  	v3 =	vperm.xlane v3, v2  }
0x28: {  	[hbm4b:s2+s3] =	stream.indirect_vreg.scatter [tilespmem:s20], [sflag:$0x1], $0x80, v4, vm0, $0xb8;
	[tilespmem:$0x18100] =	vst v63  }
0x29: {  	v3 =	vadd.s32 v1, v3  }
0x2a: {  	[hbm4b:s6+s3] =	stream.indirect_vreg.scatter [tilespmem:s31], [sflag:$0x1], $0x80, v4, vm0, $0xb8;
	[tilespmem:$0x18100] =	vst v63  }
0x2b: {  	s0 =	simm.s32 $0x1100  }
0x2c: {  	[hbm4b:s7+s3] =	stream.indirect_vreg.scatter [tilespmem:s0], [sflag:$0x1], $0x80, v4, vm0, $0xb8;
	[tilespmem:$0x18100] =	vst v63  }
0x2d: {  	s14 =	simm.s32 $0x1900  }
0x2e: {  	[hbm4b:s2+s3] =	stream.indirect_vreg.scatter [tilespmem:s14], [sflag:$0x1], $0x80, v3, vm0, $0xb8;
	[tilespmem:$0x18100] =	vst v63  }
0x2f: {  	_ = 	snop  }
0x30: {  	[hbm4b:s6+s3] =	stream.indirect_vreg.scatter [tilespmem:s15], [sflag:$0x1], $0x80, v3, vm0, $0xb8;
	[tilespmem:$0x18100] =	vst v63  }
0x31: {  	_ = 	snop  }
0x32: {  	[hbm4b:s7+s3] =	stream.indirect_vreg.scatter [tilespmem:s16], [sflag:$0x1], $0x80, v3, vm0, $0xb8;
	[tilespmem:$0x18100] =	vst v63  }
0x33: {  	v3 =	vld [tilespmem:$0x10];
	_ =	sdelay $0x4  }
0x34: {  	v41 =	vshrl.u32 v3, $0x3  }
0x35: {  	v4 =	vmul.u32 $0x30, v41  }
0x36: {  	v3 =	vand.u32 $0x7, v3  }
0x37: {  	v3 =	vor.u32 v3, v4  }
0x38: {  	v4 =	vperm.xlane v3, v0;
	_ =	sdelay $0x1  }
0x39: {  	v4 =	vadd.s32 v1, v4;
	_ =	sdelay $0x3  }
0x3a: {  	v3 =	vperm.xlane v3, v2  }
0x3b: {  	[hbm4b:s2+s3] =	stream.indirect_vreg.scatter [tilespmem:s17], [sflag:$0x1], $0x80, v4, vm0, $0xb8;
	[tilespmem:$0x18100] =	vst v63  }
0x3c: {  	v3 =	vadd.s32 v1, v3  }
0x3d: {  	[hbm4b:s6+s3] =	stream.indirect_vreg.scatter [tilespmem:s18], [sflag:$0x1], $0x80, v4, vm0, $0xb8;
	[tilespmem:$0x18100] =	vst v63  }
0x3e: {  	_ = 	snop  }
0x3f: {  	[hbm4b:s7+s3] =	stream.indirect_vreg.scatter [tilespmem:s19], [sflag:$0x1], $0x80, v4, vm0, $0xb8;
	[tilespmem:$0x18100] =	vst v63  }
0x40: {  	_ = 	snop  }
0x41: {  	[hbm4b:s2+s3] =	stream.indirect_vreg.scatter [tilespmem:s21], [sflag:$0x1], $0x80, v3, vm0, $0xb8;
	[tilespmem:$0x18100] =	vst v63  }
0x42: {  	_ = 	snop  }
0x43: {  	[hbm4b:s6+s3] =	stream.indirect_vreg.scatter [tilespmem:s22], [sflag:$0x1], $0x80, v3, vm0, $0xb8;
	[tilespmem:$0x18100] =	vst v63  }
0x44: {  	_ = 	snop  }
0x45: {  	[hbm4b:s7+s3] =	stream.indirect_vreg.scatter [tilespmem:s23], [sflag:$0x1], $0x80, v3, vm0, $0xb8;
	[tilespmem:$0x18100] =	vst v63  }
0x46: {  	v3 =	vld [tilespmem:$0x20];
	_ =	sdelay $0x4  }
0x47: {  	v42 =	vshrl.u32 v3, $0x3  }
0x48: {  	v4 =	vmul.u32 $0x30, v42  }
0x49: {  	v3 =	vand.u32 $0x7, v3  }
0x4a: {  	v3 =	vor.u32 v3, v4  }
0x4b: {  	v4 =	vperm.xlane v3, v0;
	_ =	sdelay $0x1  }
0x4c: {  	v4 =	vadd.s32 v1, v4;
	_ =	sdelay $0x3  }
0x4d: {  	v3 =	vperm.xlane v3, v2  }
0x4e: {  	[hbm4b:s2+s3] =	stream.indirect_vreg.scatter [tilespmem:s24], [sflag:$0x1], $0x80, v4, vm0, $0xb8;
	[tilespmem:$0x18100] =	vst v63  }
0x4f: {  	v3 =	vadd.s32 v1, v3  }
0x50: {  	[hbm4b:s6+s3] =	stream.indirect_vreg.scatter [tilespmem:s25], [sflag:$0x1], $0x80, v4, vm0, $0xb8;
	[tilespmem:$0x18100] =	vst v63  }
0x51: {  	_ = 	snop  }
0x52: {  	[hbm4b:s7+s3] =	stream.indirect_vreg.scatter [tilespmem:s26], [sflag:$0x1], $0x80, v4, vm0, $0xb8;
	[tilespmem:$0x18100] =	vst v63  }
0x53: {  	s14 =	simm.s32 $0x7900  }
0x54: {  	[hbm4b:s2+s3] =	stream.indirect_vreg.scatter [tilespmem:s14], [sflag:$0x1], $0x80, v3, vm0, $0xb8;
	[tilespmem:$0x18100] =	vst v63  }
0x55: {  	s30 =	simm.s32 $0x8100  }
0x56: {  	[hbm4b:s6+s3] =	stream.indirect_vreg.scatter [tilespmem:s30], [sflag:$0x1], $0x80, v3, vm0, $0xb8;
	[tilespmem:$0x18100] =	vst v63  }
0x57: {  	s30 =	simm.s32 $0x8900  }
0x58: {  	[hbm4b:s7+s3] =	stream.indirect_vreg.scatter [tilespmem:s30], [sflag:$0x1], $0x80, v3, vm0, $0xb8;
	[tilespmem:$0x18100] =	vst v63  }
0x59: {  	v3 =	vld [tilespmem:$0x30];
	_ =	sdelay $0x4  }
0x5a: {  	v43 =	vshrl.u32 v3, $0x3  }
0x5b: {  	v4 =	vmul.u32 $0x30, v43  }
0x5c: {  	v3 =	vand.u32 $0x7, v3  }
0x5d: {  	v3 =	vor.u32 v3, v4  }
0x5e: {  	v4 =	vperm.xlane v3, v0;
	_ =	sdelay $0x1  }
0x5f: {  	v4 =	vadd.s32 v1, v4;
	_ =	sdelay $0x3  }
0x60: {  	s30 =	simm.s32 $0x9100;
	v3 =	vperm.xlane v3, v2  }
0x61: {  	[hbm4b:s2+s3] =	stream.indirect_vreg.scatter [tilespmem:s30], [sflag:$0x1], $0x80, v4, vm0, $0xb8;
	[tilespmem:$0x18100] =	vst v63  }
0x62: {  	v3 =	vadd.s32 v1, v3;
	s30 =	simm.s32 $0x9900  }
0x63: {  	[hbm4b:s6+s3] =	stream.indirect_vreg.scatter [tilespmem:s30], [sflag:$0x1], $0x80, v4, vm0, $0xb8;
	[tilespmem:$0x18100] =	vst v63  }
0x64: {  	s30 =	simm.s32 $0xA100  }
0x65: {  	[hbm4b:s7+s3] =	stream.indirect_vreg.scatter [tilespmem:s30], [sflag:$0x1], $0x80, v4, vm0, $0xb8;
	[tilespmem:$0x18100] =	vst v63  }
0x66: {  	s30 =	simm.s32 $0xA900  }
0x67: {  	[hbm4b:s2+s3] =	stream.indirect_vreg.scatter [tilespmem:s30], [sflag:$0x1], $0x80, v3, vm0, $0xb8;
	[tilespmem:$0x18100] =	vst v63  }
0x68: {  	s30 =	simm.s32 $0xB100  }
0x69: {  	[hbm4b:s6+s3] =	stream.indirect_vreg.scatter [tilespmem:s30], [sflag:$0x1], $0x80, v3, vm0, $0xb8;
	[tilespmem:$0x18100] =	vst v63  }
0x6a: {  	_ = 	snop  }
0x6b: {  	[hbm4b:s7+s3] =	stream.indirect_vreg.scatter [tilespmem:s1], [sflag:$0x1], $0x80, v3, vm0, $0xb8;
	[tilespmem:$0x18100] =	vst v63  }
0x6c: {  	s0 =	simm.s32 $0xC100;
	s30 =	rddreg [dreg:$0x8]  }
0x6d: {  	[tilespmem:s0], [sflag:$0x3] =	stream.linear.gather [hbm4b:s30+s3], $0xC000, $0x38;
	[tilespmem:$0x18100] =	vst v63  }
0x6e: {  	_ =	swait.ge [sflag:s13], $0xC000  }
0x6f: {  	[sflag:s13] =	ssyncset.done $0x0  }
0x70: {  	[sflag:s13] =	ssyncadd.s32 $0xFFFF4000  }
0x71: {  	v3 =	vld [tilespmem:$0x80];
	_ =	sdelay $0x4  }
0x72: {  	v44 =	vshrl.u32 v3, $0x3  }
0x73: {  	v4 =	vmul.u32 $0x30, v44  }
0x74: {  	v3 =	vand.u32 $0x7, v3  }
0x75: {  	v3 =	vor.u32 v3, v4  }
0x76: {  	v4 =	vperm.xlane v3, v0;
	_ =	sdelay $0x1  }
0x77: {  	v4 =	vadd.s32 v1, v4;
	_ =	sdelay $0x3  }
0x78: {  	v3 =	vperm.xlane v3, v2  }
0x79: {  	[hbm4b:s2+s3] =	stream.indirect_vreg.scatter [tilespmem:s0], [sflag:$0x2], $0x80, v4, vm0, $0xb8;
	[tilespmem:$0x18100] =	vst v63  }
0x7a: {  	s30 =	simm.s32 $0xC900;
	v3 =	vadd.s32 v1, v3  }
0x7b: {  	[hbm4b:s6+s3] =	stream.indirect_vreg.scatter [tilespmem:s30], [sflag:$0x2], $0x80, v4, vm0, $0xb8;
	[tilespmem:$0x18100] =	vst v63  }
0x7c: {  	s30 =	simm.s32 $0xD100  }
0x7d: {  	[hbm4b:s7+s3] =	stream.indirect_vreg.scatter [tilespmem:s30], [sflag:$0x2], $0x80, v4, vm0, $0xb8;
	[tilespmem:$0x18100] =	vst v63  }
0x7e: {  	s30 =	simm.s32 $0xD900  }
0x7f: {  	[hbm4b:s2+s3] =	stream.indirect_vreg.scatter [tilespmem:s30], [sflag:$0x2], $0x80, v3, vm0, $0xb8;
	[tilespmem:$0x18100] =	vst v63  }
0x80: {  	s30 =	simm.s32 $0xE100  }
0x81: {  	[hbm4b:s6+s3] =	stream.indirect_vreg.scatter [tilespmem:s30], [sflag:$0x2], $0x80, v3, vm0, $0xb8;
	[tilespmem:$0x18100] =	vst v63  }
0x82: {  	s30 =	simm.s32 $0xE900  }
0x83: {  	[hbm4b:s7+s3] =	stream.indirect_vreg.scatter [tilespmem:s30], [sflag:$0x2], $0x80, v3, vm0, $0xb8;
	[tilespmem:$0x18100] =	vst v63  }
0x84: {  	v3 =	vld [tilespmem:$0x90];
	_ =	sdelay $0x4  }
0x85: {  	v45 =	vshrl.u32 v3, $0x3  }
0x86: {  	v4 =	vmul.u32 $0x30, v45  }
0x87: {  	v3 =	vand.u32 $0x7, v3  }
0x88: {  	v3 =	vor.u32 v3, v4  }
0x89: {  	v4 =	vperm.xlane v3, v0;
	_ =	sdelay $0x1  }
0x8a: {  	v4 =	vadd.s32 v1, v4;
	_ =	sdelay $0x3  }
0x8b: {  	s30 =	simm.s32 $0xF100;
	v3 =	vperm.xlane v3, v2  }
0x8c: {  	[hbm4b:s2+s3] =	stream.indirect_vreg.scatter [tilespmem:s30], [sflag:$0x2], $0x80, v4, vm0, $0xb8;
	[tilespmem:$0x18100] =	vst v63  }
0x8d: {  	v3 =	vadd.s32 v1, v3;
	s30 =	simm.s32 $0xF900  }
0x8e: {  	[hbm4b:s6+s3] =	stream.indirect_vreg.scatter [tilespmem:s30], [sflag:$0x2], $0x80, v4, vm0, $0xb8;
	[tilespmem:$0x18100] =	vst v63  }
0x8f: {  	s30 =	simm.s32 $0x10100  }
0x90: {  	[hbm4b:s7+s3] =	stream.indirect_vreg.scatter [tilespmem:s30], [sflag:$0x2], $0x80, v4, vm0, $0xb8;
	[tilespmem:$0x18100] =	vst v63  }
0x91: {  	s30 =	simm.s32 $0x10900  }
0x92: {  	[hbm4b:s2+s3] =	stream.indirect_vreg.scatter [tilespmem:s30], [sflag:$0x2], $0x80, v3, vm0, $0xb8;
	[tilespmem:$0x18100] =	vst v63  }
0x93: {  	s30 =	simm.s32 $0x11100  }
0x94: {  	[hbm4b:s6+s3] =	stream.indirect_vreg.scatter [tilespmem:s30], [sflag:$0x2], $0x80, v3, vm0, $0xb8;
	[tilespmem:$0x18100] =	vst v63  }
0x95: {  	s30 =	simm.s32 $0x11900  }
0x96: {  	[hbm4b:s7+s3] =	stream.indirect_vreg.scatter [tilespmem:s30], [sflag:$0x2], $0x80, v3, vm0, $0xb8;
	[tilespmem:$0x18100] =	vst v63  }
0x97: {  	v3 =	vld [tilespmem:$0xA0];
	_ =	sdelay $0x4  }
0x98: {  	v46 =	vshrl.u32 v3, $0x3  }
0x99: {  	v4 =	vmul.u32 $0x30, v46  }
0x9a: {  	v3 =	vand.u32 $0x7, v3  }
0x9b: {  	v3 =	vor.u32 v3, v4  }
0x9c: {  	v4 =	vperm.xlane v3, v0;
	_ =	sdelay $0x1  }
0x9d: {  	v4 =	vadd.s32 v1, v4;
	_ =	sdelay $0x3  }
0x9e: {  	s30 =	simm.s32 $0x12100;
	v3 =	vperm.xlane v3, v2  }
0x9f: {  	[hbm4b:s2+s3] =	stream.indirect_vreg.scatter [tilespmem:s30], [sflag:$0x2], $0x80, v4, vm0, $0xb8;
	[tilespmem:$0x18100] =	vst v63  }
0xa0: {  	v3 =	vadd.s32 v1, v3;
	s30 =	simm.s32 $0x12900  }
0xa1: {  	[hbm4b:s6+s3] =	stream.indirect_vreg.scatter [tilespmem:s30], [sflag:$0x2], $0x80, v4, vm0, $0xb8;
	[tilespmem:$0x18100] =	vst v63  }
0xa2: {  	s30 =	simm.s32 $0x13100  }
0xa3: {  	[hbm4b:s7+s3] =	stream.indirect_vreg.scatter [tilespmem:s30], [sflag:$0x2], $0x80, v4, vm0, $0xb8;
	[tilespmem:$0x18100] =	vst v63  }
0xa4: {  	s30 =	simm.s32 $0x13900  }
0xa5: {  	[hbm4b:s2+s3] =	stream.indirect_vreg.scatter [tilespmem:s30], [sflag:$0x2], $0x80, v3, vm0, $0xb8;
	[tilespmem:$0x18100] =	vst v63  }
0xa6: {  	s30 =	simm.s32 $0x14100  }
0xa7: {  	[hbm4b:s6+s3] =	stream.indirect_vreg.scatter [tilespmem:s30], [sflag:$0x2], $0x80, v3, vm0, $0xb8;
	[tilespmem:$0x18100] =	vst v63  }
0xa8: {  	s30 =	simm.s32 $0x14900  }
0xa9: {  	[hbm4b:s7+s3] =	stream.indirect_vreg.scatter [tilespmem:s30], [sflag:$0x2], $0x80, v3, vm0, $0xb8;
	[tilespmem:$0x18100] =	vst v63  }
0xaa: {  	v3 =	vld [tilespmem:$0xB0];
	_ =	sdelay $0x4  }
0xab: {  	v47 =	vshrl.u32 v3, $0x3  }
0xac: {  	v4 =	vmul.u32 $0x30, v47  }
0xad: {  	v3 =	vand.u32 $0x7, v3  }
0xae: {  	v3 =	vor.u32 v3, v4  }
0xaf: {  	v4 =	vperm.xlane v3, v0;
	_ =	sdelay $0x1  }
0xb0: {  	v4 =	vadd.s32 v1, v4;
	_ =	sdelay $0x3  }
0xb1: {  	s30 =	simm.s32 $0x15100;
	v3 =	vperm.xlane v3, v2  }
0xb2: {  	[hbm4b:s2+s3] =	stream.indirect_vreg.scatter [tilespmem:s30], [sflag:$0x2], $0x80, v4, vm0, $0xb8;
	[tilespmem:$0x18100] =	vst v63  }
0xb3: {  	v3 =	vadd.s32 v1, v3;
	s30 =	simm.s32 $0x15900  }
0xb4: {  	[hbm4b:s6+s3] =	stream.indirect_vreg.scatter [tilespmem:s30], [sflag:$0x2], $0x80, v4, vm0, $0xb8;
	[tilespmem:$0x18100] =	vst v63  }
0xb5: {  	s30 =	simm.s32 $0x16100  }
0xb6: {  	[hbm4b:s7+s3] =	stream.indirect_vreg.scatter [tilespmem:s30], [sflag:$0x2], $0x80, v4, vm0, $0xb8;
	[tilespmem:$0x18100] =	vst v63  }
0xb7: {  	s30 =	simm.s32 $0x16900  }
0xb8: {  	[hbm4b:s2+s3] =	stream.indirect_vreg.scatter [tilespmem:s30], [sflag:$0x2], $0x80, v3, vm0, $0xb8;
	[tilespmem:$0x18100] =	vst v63  }
0xb9: {  	s30 =	simm.s32 $0x17100  }
0xba: {  	[hbm4b:s6+s3] =	stream.indirect_vreg.scatter [tilespmem:s30], [sflag:$0x2], $0x80, v3, vm0, $0xb8;
	[tilespmem:$0x18100] =	vst v63  }
0xbb: {  	s30 =	simm.s32 $0x17900  }
0xbc: {  	[hbm4b:s7+s3] =	stream.indirect_vreg.scatter [tilespmem:s30], [sflag:$0x2], $0x80, v3, vm0, $0xb8;
	[tilespmem:$0x18100] =	vst v63  }
0xbd: {  	_ =	swait.ge [sflag:s28], $0xC000  }
0xbe: {  	[sflag:s28] =	ssyncset.done $0x0  }
0xbf: {  	s30 =	rddreg [dreg:$0x9];
	[sflag:s28] =	ssyncadd.s32 $0xFFFF4000  }
0xc0: {  	[tilespmem:s20], [sflag:$0x3] =	stream.linear.gather [hbm4b:s30+s3], $0xC000, $0x38;
	[tilespmem:$0x18100] =	vst v63  }
0xc1: {  	_ =	swait.ge [sflag:s13], $0xC000  }
0xc2: {  	[sflag:s13] =	ssyncset.done $0x0  }
0xc3: {  	[sflag:s13] =	ssyncadd.s32 $0xFFFF4000  }
0xc4: {  	v3 =	vld [tilespmem:$0x0];
	_ =	sdelay $0x4  }
0xc5: {  	v48 =	vshrl.u32 v3, $0x3  }
0xc6: {  	v4 =	vmul.u32 $0x30, v48  }
0xc7: {  	v3 =	vand.u32 $0x7, v3  }
0xc8: {  	v3 =	vor.u32 v3, v4  }
0xc9: {  	v4 =	vperm.xlane v3, v0;
	_ =	sdelay $0x1  }
0xca: {  	v4 =	vadd.s32 v1, v4;
	_ =	sdelay $0x3  }
0xcb: {  	v3 =	vperm.xlane v3, v2  }
0xcc: {  	[hbm4b:s4+s3] =	stream.indirect_vreg.scatter [tilespmem:s20], [sflag:$0x1], $0x80, v4, vm0, $0xb8;
	[tilespmem:$0x18100] =	vst v63  }
0xcd: {  	v3 =	vadd.s32 v1, v3  }
0xce: {  	[hbm4b:s8+s3] =	stream.indirect_vreg.scatter [tilespmem:s31], [sflag:$0x1], $0x80, v4, vm0, $0xb8;
	[tilespmem:$0x18100] =	vst v63  }
0xcf: {  	s30 =	simm.s32 $0x1100  }
0xd0: {  	[hbm4b:s9+s3] =	stream.indirect_vreg.scatter [tilespmem:s30], [sflag:$0x1], $0x80, v4, vm0, $0xb8;
	[tilespmem:$0x18100] =	vst v63  }
0xd1: {  	s30 =	simm.s32 $0x1900  }
0xd2: {  	[hbm4b:s4+s3] =	stream.indirect_vreg.scatter [tilespmem:s30], [sflag:$0x1], $0x80, v3, vm0, $0xb8;
	[tilespmem:$0x18100] =	vst v63  }
0xd3: {  	_ = 	snop  }
0xd4: {  	[hbm4b:s8+s3] =	stream.indirect_vreg.scatter [tilespmem:s15], [sflag:$0x1], $0x80, v3, vm0, $0xb8;
	[tilespmem:$0x18100] =	vst v63  }
0xd5: {  	_ = 	snop  }
0xd6: {  	[hbm4b:s9+s3] =	stream.indirect_vreg.scatter [tilespmem:s16], [sflag:$0x1], $0x80, v3, vm0, $0xb8;
	[tilespmem:$0x18100] =	vst v63  }
0xd7: {  	v3 =	vld [tilespmem:$0x10];
	_ =	sdelay $0x4  }
0xd8: {  	v49 =	vshrl.u32 v3, $0x3  }
0xd9: {  	v4 =	vmul.u32 $0x30, v49  }
0xda: {  	v3 =	vand.u32 $0x7, v3  }
0xdb: {  	v3 =	vor.u32 v3, v4  }
0xdc: {  	v4 =	vperm.xlane v3, v0;
	_ =	sdelay $0x1  }
0xdd: {  	v4 =	vadd.s32 v1, v4;
	_ =	sdelay $0x3  }
0xde: {  	v3 =	vperm.xlane v3, v2  }
0xdf: {  	[hbm4b:s4+s3] =	stream.indirect_vreg.scatter [tilespmem:s17], [sflag:$0x1], $0x80, v4, vm0, $0xb8;
	[tilespmem:$0x18100] =	vst v63  }
0xe0: {  	v3 =	vadd.s32 v1, v3  }
0xe1: {  	[hbm4b:s8+s3] =	stream.indirect_vreg.scatter [tilespmem:s18], [sflag:$0x1], $0x80, v4, vm0, $0xb8;
	[tilespmem:$0x18100] =	vst v63  }
0xe2: {  	_ = 	snop  }
0xe3: {  	[hbm4b:s9+s3] =	stream.indirect_vreg.scatter [tilespmem:s19], [sflag:$0x1], $0x80, v4, vm0, $0xb8;
	[tilespmem:$0x18100] =	vst v63  }
0xe4: {  	_ = 	snop  }
0xe5: {  	[hbm4b:s4+s3] =	stream.indirect_vreg.scatter [tilespmem:s21], [sflag:$0x1], $0x80, v3, vm0, $0xb8;
	[tilespmem:$0x18100] =	vst v63  }
0xe6: {  	_ = 	snop  }
0xe7: {  	[hbm4b:s8+s3] =	stream.indirect_vreg.scatter [tilespmem:s22], [sflag:$0x1], $0x80, v3, vm0, $0xb8;
	[tilespmem:$0x18100] =	vst v63  }
0xe8: {  	_ = 	snop  }
0xe9: {  	[hbm4b:s9+s3] =	stream.indirect_vreg.scatter [tilespmem:s23], [sflag:$0x1], $0x80, v3, vm0, $0xb8;
	[tilespmem:$0x18100] =	vst v63  }
0xea: {  	v3 =	vld [tilespmem:$0x20];
	_ =	sdelay $0x4  }
0xeb: {  	v50 =	vshrl.u32 v3, $0x3  }
0xec: {  	v4 =	vmul.u32 $0x30, v50  }
0xed: {  	v3 =	vand.u32 $0x7, v3  }
0xee: {  	v3 =	vor.u32 v3, v4  }
0xef: {  	v4 =	vperm.xlane v3, v0;
	_ =	sdelay $0x1  }
0xf0: {  	v4 =	vadd.s32 v1, v4;
	_ =	sdelay $0x3  }
0xf1: {  	v3 =	vperm.xlane v3, v2  }
0xf2: {  	[hbm4b:s4+s3] =	stream.indirect_vreg.scatter [tilespmem:s24], [sflag:$0x1], $0x80, v4, vm0, $0xb8;
	[tilespmem:$0x18100] =	vst v63  }
0xf3: {  	v3 =	vadd.s32 v1, v3  }
0xf4: {  	[hbm4b:s8+s3] =	stream.indirect_vreg.scatter [tilespmem:s25], [sflag:$0x1], $0x80, v4, vm0, $0xb8;
	[tilespmem:$0x18100] =	vst v63  }
0xf5: {  	_ = 	snop  }
0xf6: {  	[hbm4b:s9+s3] =	stream.indirect_vreg.scatter [tilespmem:s26], [sflag:$0x1], $0x80, v4, vm0, $0xb8;
	[tilespmem:$0x18100] =	vst v63  }
0xf7: {  	_ = 	snop  }
0xf8: {  	[hbm4b:s4+s3] =	stream.indirect_vreg.scatter [tilespmem:s14], [sflag:$0x1], $0x80, v3, vm0, $0xb8;
	[tilespmem:$0x18100] =	vst v63  }
0xf9: {  	s30 =	simm.s32 $0x8100  }
0xfa: {  	[hbm4b:s8+s3] =	stream.indirect_vreg.scatter [tilespmem:s30], [sflag:$0x1], $0x80, v3, vm0, $0xb8;
	[tilespmem:$0x18100] =	vst v63  }
0xfb: {  	s30 =	simm.s32 $0x8900  }
0xfc: {  	[hbm4b:s9+s3] =	stream.indirect_vreg.scatter [tilespmem:s30], [sflag:$0x1], $0x80, v3, vm0, $0xb8;
	[tilespmem:$0x18100] =	vst v63  }
0xfd: {  	v3 =	vld [tilespmem:$0x30];
	_ =	sdelay $0x4  }
0xfe: {  	v51 =	vshrl.u32 v3, $0x3  }
0xff: {  	v4 =	vmul.u32 $0x30, v51  }
0x100: {  	v3 =	vand.u32 $0x7, v3  }
0x101: {  	v3 =	vor.u32 v3, v4  }
0x102: {  	v4 =	vperm.xlane v3, v0;
	_ =	sdelay $0x1  }
0x103: {  	v4 =	vadd.s32 v1, v4;
	_ =	sdelay $0x3  }
0x104: {  	s30 =	simm.s32 $0x9100;
	v3 =	vperm.xlane v3, v2  }
0x105: {  	[hbm4b:s4+s3] =	stream.indirect_vreg.scatter [tilespmem:s30], [sflag:$0x1], $0x80, v4, vm0, $0xb8;
	[tilespmem:$0x18100] =	vst v63  }
0x106: {  	v3 =	vadd.s32 v1, v3;
	s30 =	simm.s32 $0x9900  }
0x107: {  	[hbm4b:s8+s3] =	stream.indirect_vreg.scatter [tilespmem:s30], [sflag:$0x1], $0x80, v4, vm0, $0xb8;
	[tilespmem:$0x18100] =	vst v63  }
0x108: {  	s30 =	simm.s32 $0xA100  }
0x109: {  	[hbm4b:s9+s3] =	stream.indirect_vreg.scatter [tilespmem:s30], [sflag:$0x1], $0x80, v4, vm0, $0xb8;
	[tilespmem:$0x18100] =	vst v63  }
0x10a: {  	s30 =	simm.s32 $0xA900  }
0x10b: {  	[hbm4b:s4+s3] =	stream.indirect_vreg.scatter [tilespmem:s30], [sflag:$0x1], $0x80, v3, vm0, $0xb8;
	[tilespmem:$0x18100] =	vst v63  }
0x10c: {  	s30 =	simm.s32 $0xB100  }
0x10d: {  	[hbm4b:s8+s3] =	stream.indirect_vreg.scatter [tilespmem:s30], [sflag:$0x1], $0x80, v3, vm0, $0xb8;
	[tilespmem:$0x18100] =	vst v63  }
0x10e: {  	_ = 	snop  }
0x10f: {  	[hbm4b:s9+s3] =	stream.indirect_vreg.scatter [tilespmem:s1], [sflag:$0x1], $0x80, v3, vm0, $0xb8;
	[tilespmem:$0x18100] =	vst v63  }
0x110: {  	_ =	swait.ge [sflag:s29], $0xC000  }
0x111: {  	[sflag:s29] =	ssyncset.done $0x0  }
0x112: {  	s30 =	rddreg [dreg:$0xa];
	[sflag:s29] =	ssyncadd.s32 $0xFFFF4000  }
0x113: {  	[tilespmem:s0], [sflag:$0x3] =	stream.linear.gather [hbm4b:s30+s3], $0xC000, $0x38;
	[tilespmem:$0x18100] =	vst v63  }
0x114: {  	_ =	swait.ge [sflag:s13], $0xC000  }
0x115: {  	[sflag:s13] =	ssyncset.done $0x0  }
0x116: {  	[sflag:s13] =	ssyncadd.s32 $0xFFFF4000  }
0x117: {  	v3 =	vld [tilespmem:$0x80];
	_ =	sdelay $0x4  }
0x118: {  	v52 =	vshrl.u32 v3, $0x3  }
0x119: {  	v4 =	vmul.u32 $0x30, v52  }
0x11a: {  	v3 =	vand.u32 $0x7, v3  }
0x11b: {  	v3 =	vor.u32 v3, v4  }
0x11c: {  	v4 =	vperm.xlane v3, v0;
	_ =	sdelay $0x1  }
0x11d: {  	v4 =	vadd.s32 v1, v4;
	_ =	sdelay $0x3  }
0x11e: {  	v3 =	vperm.xlane v3, v2  }
0x11f: {  	[hbm4b:s4+s3] =	stream.indirect_vreg.scatter [tilespmem:s0], [sflag:$0x2], $0x80, v4, vm0, $0xb8;
	[tilespmem:$0x18100] =	vst v63  }
0x120: {  	s30 =	simm.s32 $0xC900;
	v3 =	vadd.s32 v1, v3  }
0x121: {  	[hbm4b:s8+s3] =	stream.indirect_vreg.scatter [tilespmem:s30], [sflag:$0x2], $0x80, v4, vm0, $0xb8;
	[tilespmem:$0x18100] =	vst v63  }
0x122: {  	s30 =	simm.s32 $0xD100  }
0x123: {  	[hbm4b:s9+s3] =	stream.indirect_vreg.scatter [tilespmem:s30], [sflag:$0x2], $0x80, v4, vm0, $0xb8;
	[tilespmem:$0x18100] =	vst v63  }
0x124: {  	s30 =	simm.s32 $0xD900  }
0x125: {  	[hbm4b:s4+s3] =	stream.indirect_vreg.scatter [tilespmem:s30], [sflag:$0x2], $0x80, v3, vm0, $0xb8;
	[tilespmem:$0x18100] =	vst v63  }
0x126: {  	s30 =	simm.s32 $0xE100  }
0x127: {  	[hbm4b:s8+s3] =	stream.indirect_vreg.scatter [tilespmem:s30], [sflag:$0x2], $0x80, v3, vm0, $0xb8;
	[tilespmem:$0x18100] =	vst v63  }
0x128: {  	s30 =	simm.s32 $0xE900  }
0x129: {  	[hbm4b:s9+s3] =	stream.indirect_vreg.scatter [tilespmem:s30], [sflag:$0x2], $0x80, v3, vm0, $0xb8;
	[tilespmem:$0x18100] =	vst v63  }
0x12a: {  	v3 =	vld [tilespmem:$0x90];
	_ =	sdelay $0x4  }
0x12b: {  	v53 =	vshrl.u32 v3, $0x3  }
0x12c: {  	v4 =	vmul.u32 $0x30, v53  }
0x12d: {  	v3 =	vand.u32 $0x7, v3  }
0x12e: {  	v3 =	vor.u32 v3, v4  }
0x12f: {  	v4 =	vperm.xlane v3, v0;
	_ =	sdelay $0x1  }
0x130: {  	v4 =	vadd.s32 v1, v4;
	_ =	sdelay $0x3  }
0x131: {  	s30 =	simm.s32 $0xF100;
	v3 =	vperm.xlane v3, v2  }
0x132: {  	[hbm4b:s4+s3] =	stream.indirect_vreg.scatter [tilespmem:s30], [sflag:$0x2], $0x80, v4, vm0, $0xb8;
	[tilespmem:$0x18100] =	vst v63  }
0x133: {  	v3 =	vadd.s32 v1, v3;
	s30 =	simm.s32 $0xF900  }
0x134: {  	[hbm4b:s8+s3] =	stream.indirect_vreg.scatter [tilespmem:s30], [sflag:$0x2], $0x80, v4, vm0, $0xb8;
	[tilespmem:$0x18100] =	vst v63  }
0x135: {  	s30 =	simm.s32 $0x10100  }
0x136: {  	[hbm4b:s9+s3] =	stream.indirect_vreg.scatter [tilespmem:s30], [sflag:$0x2], $0x80, v4, vm0, $0xb8;
	[tilespmem:$0x18100] =	vst v63  }
0x137: {  	s30 =	simm.s32 $0x10900  }
0x138: {  	[hbm4b:s4+s3] =	stream.indirect_vreg.scatter [tilespmem:s30], [sflag:$0x2], $0x80, v3, vm0, $0xb8;
	[tilespmem:$0x18100] =	vst v63  }
0x139: {  	s30 =	simm.s32 $0x11100  }
0x13a: {  	[hbm4b:s8+s3] =	stream.indirect_vreg.scatter [tilespmem:s30], [sflag:$0x2], $0x80, v3, vm0, $0xb8;
	[tilespmem:$0x18100] =	vst v63  }
0x13b: {  	s30 =	simm.s32 $0x11900  }
0x13c: {  	[hbm4b:s9+s3] =	stream.indirect_vreg.scatter [tilespmem:s30], [sflag:$0x2], $0x80, v3, vm0, $0xb8;
	[tilespmem:$0x18100] =	vst v63  }
0x13d: {  	v3 =	vld [tilespmem:$0xA0];
	_ =	sdelay $0x4  }
0x13e: {  	v54 =	vshrl.u32 v3, $0x3  }
0x13f: {  	v4 =	vmul.u32 $0x30, v54  }
0x140: {  	v3 =	vand.u32 $0x7, v3  }
0x141: {  	v3 =	vor.u32 v3, v4  }
0x142: {  	v4 =	vperm.xlane v3, v0;
	_ =	sdelay $0x1  }
0x143: {  	v4 =	vadd.s32 v1, v4;
	_ =	sdelay $0x3  }
0x144: {  	s30 =	simm.s32 $0x12100;
	v3 =	vperm.xlane v3, v2  }
0x145: {  	[hbm4b:s4+s3] =	stream.indirect_vreg.scatter [tilespmem:s30], [sflag:$0x2], $0x80, v4, vm0, $0xb8;
	[tilespmem:$0x18100] =	vst v63  }
0x146: {  	v3 =	vadd.s32 v1, v3;
	s30 =	simm.s32 $0x12900  }
0x147: {  	[hbm4b:s8+s3] =	stream.indirect_vreg.scatter [tilespmem:s30], [sflag:$0x2], $0x80, v4, vm0, $0xb8;
	[tilespmem:$0x18100] =	vst v63  }
0x148: {  	s30 =	simm.s32 $0x13100  }
0x149: {  	[hbm4b:s9+s3] =	stream.indirect_vreg.scatter [tilespmem:s30], [sflag:$0x2], $0x80, v4, vm0, $0xb8;
	[tilespmem:$0x18100] =	vst v63  }
0x14a: {  	s30 =	simm.s32 $0x13900  }
0x14b: {  	[hbm4b:s4+s3] =	stream.indirect_vreg.scatter [tilespmem:s30], [sflag:$0x2], $0x80, v3, vm0, $0xb8;
	[tilespmem:$0x18100] =	vst v63  }
0x14c: {  	s30 =	simm.s32 $0x14100  }
0x14d: {  	[hbm4b:s8+s3] =	stream.indirect_vreg.scatter [tilespmem:s30], [sflag:$0x2], $0x80, v3, vm0, $0xb8;
	[tilespmem:$0x18100] =	vst v63  }
0x14e: {  	s30 =	simm.s32 $0x14900  }
0x14f: {  	[hbm4b:s9+s3] =	stream.indirect_vreg.scatter [tilespmem:s30], [sflag:$0x2], $0x80, v3, vm0, $0xb8;
	[tilespmem:$0x18100] =	vst v63  }
0x150: {  	v3 =	vld [tilespmem:$0xB0];
	_ =	sdelay $0x4  }
0x151: {  	v55 =	vshrl.u32 v3, $0x3  }
0x152: {  	v4 =	vmul.u32 $0x30, v55  }
0x153: {  	v3 =	vand.u32 $0x7, v3  }
0x154: {  	v3 =	vor.u32 v3, v4  }
0x155: {  	v4 =	vperm.xlane v3, v0;
	_ =	sdelay $0x1  }
0x156: {  	v4 =	vadd.s32 v1, v4;
	_ =	sdelay $0x3  }
0x157: {  	s30 =	simm.s32 $0x15100;
	v3 =	vperm.xlane v3, v2  }
0x158: {  	[hbm4b:s4+s3] =	stream.indirect_vreg.scatter [tilespmem:s30], [sflag:$0x2], $0x80, v4, vm0, $0xb8;
	[tilespmem:$0x18100] =	vst v63  }
0x159: {  	v3 =	vadd.s32 v1, v3;
	s30 =	simm.s32 $0x15900  }
0x15a: {  	[hbm4b:s8+s3] =	stream.indirect_vreg.scatter [tilespmem:s30], [sflag:$0x2], $0x80, v4, vm0, $0xb8;
	[tilespmem:$0x18100] =	vst v63  }
0x15b: {  	s30 =	simm.s32 $0x16100  }
0x15c: {  	[hbm4b:s9+s3] =	stream.indirect_vreg.scatter [tilespmem:s30], [sflag:$0x2], $0x80, v4, vm0, $0xb8;
	[tilespmem:$0x18100] =	vst v63  }
0x15d: {  	s30 =	simm.s32 $0x16900  }
0x15e: {  	[hbm4b:s4+s3] =	stream.indirect_vreg.scatter [tilespmem:s30], [sflag:$0x2], $0x80, v3, vm0, $0xb8;
	[tilespmem:$0x18100] =	vst v63  }
0x15f: {  	s30 =	simm.s32 $0x17100  }
0x160: {  	[hbm4b:s8+s3] =	stream.indirect_vreg.scatter [tilespmem:s30], [sflag:$0x2], $0x80, v3, vm0, $0xb8;
	[tilespmem:$0x18100] =	vst v63  }
0x161: {  	s30 =	simm.s32 $0x17900  }
0x162: {  	[hbm4b:s9+s3] =	stream.indirect_vreg.scatter [tilespmem:s30], [sflag:$0x2], $0x80, v3, vm0, $0xb8;
	[tilespmem:$0x18100] =	vst v63  }
0x163: {  	_ =	swait.ge [sflag:s28], $0xC000  }
0x164: {  	[sflag:s28] =	ssyncset.done $0x0  }
0x165: {  	s30 =	rddreg [dreg:$0xb];
	[sflag:s28] =	ssyncadd.s32 $0xFFFF4000  }
0x166: {  	[tilespmem:s20], [sflag:$0x3] =	stream.linear.gather [hbm4b:s30+s3], $0xC000, $0x38;
	[tilespmem:$0x18100] =	vst v63  }
0x167: {  	_ =	swait.ge [sflag:s13], $0xC000  }
0x168: {  	[sflag:s13] =	ssyncset.done $0x0  }
0x169: {  	[sflag:s13] =	ssyncadd.s32 $0xFFFF4000  }
0x16a: {  	v3 =	vld [tilespmem:$0x0];
	_ =	sdelay $0x4  }
0x16b: {  	v56 =	vshrl.u32 v3, $0x3  }
0x16c: {  	v4 =	vmul.u32 $0x30, v56  }
0x16d: {  	v3 =	vand.u32 $0x7, v3  }
0x16e: {  	v3 =	vor.u32 v3, v4  }
0x16f: {  	v4 =	vperm.xlane v3, v0;
	_ =	sdelay $0x1  }
0x170: {  	v4 =	vadd.s32 v1, v4;
	_ =	sdelay $0x3  }
0x171: {  	v3 =	vperm.xlane v3, v2  }
0x172: {  	[hbm4b:s5+s3] =	stream.indirect_vreg.scatter [tilespmem:s20], [sflag:$0x1], $0x80, v4, vm0, $0xb8;
	[tilespmem:$0x18100] =	vst v63  }
0x173: {  	v3 =	vadd.s32 v1, v3  }
0x174: {  	[hbm4b:s10+s3] =	stream.indirect_vreg.scatter [tilespmem:s31], [sflag:$0x1], $0x80, v4, vm0, $0xb8;
	[tilespmem:$0x18100] =	vst v63  }
0x175: {  	s30 =	simm.s32 $0x1100  }
0x176: {  	[hbm4b:s11+s3] =	stream.indirect_vreg.scatter [tilespmem:s30], [sflag:$0x1], $0x80, v4, vm0, $0xb8;
	[tilespmem:$0x18100] =	vst v63  }
0x177: {  	s30 =	simm.s32 $0x1900  }
0x178: {  	[hbm4b:s5+s3] =	stream.indirect_vreg.scatter [tilespmem:s30], [sflag:$0x1], $0x80, v3, vm0, $0xb8;
	[tilespmem:$0x18100] =	vst v63  }
0x179: {  	_ = 	snop  }
0x17a: {  	[hbm4b:s10+s3] =	stream.indirect_vreg.scatter [tilespmem:s15], [sflag:$0x1], $0x80, v3, vm0, $0xb8;
	[tilespmem:$0x18100] =	vst v63  }
0x17b: {  	_ = 	snop  }
0x17c: {  	[hbm4b:s11+s3] =	stream.indirect_vreg.scatter [tilespmem:s16], [sflag:$0x1], $0x80, v3, vm0, $0xb8;
	[tilespmem:$0x18100] =	vst v63  }
0x17d: {  	v3 =	vld [tilespmem:$0x10];
	_ =	sdelay $0x4  }
0x17e: {  	v57 =	vshrl.u32 v3, $0x3  }
0x17f: {  	v4 =	vmul.u32 $0x30, v57  }
0x180: {  	v3 =	vand.u32 $0x7, v3  }
0x181: {  	v3 =	vor.u32 v3, v4  }
0x182: {  	v4 =	vperm.xlane v3, v0;
	_ =	sdelay $0x1  }
0x183: {  	v4 =	vadd.s32 v1, v4;
	_ =	sdelay $0x3  }
0x184: {  	v3 =	vperm.xlane v3, v2  }
0x185: {  	[hbm4b:s5+s3] =	stream.indirect_vreg.scatter [tilespmem:s17], [sflag:$0x1], $0x80, v4, vm0, $0xb8;
	[tilespmem:$0x18100] =	vst v63  }
0x186: {  	v3 =	vadd.s32 v1, v3  }
0x187: {  	[hbm4b:s10+s3] =	stream.indirect_vreg.scatter [tilespmem:s18], [sflag:$0x1], $0x80, v4, vm0, $0xb8;
	[tilespmem:$0x18100] =	vst v63  }
0x188: {  	_ = 	snop  }
0x189: {  	[hbm4b:s11+s3] =	stream.indirect_vreg.scatter [tilespmem:s19], [sflag:$0x1], $0x80, v4, vm0, $0xb8;
	[tilespmem:$0x18100] =	vst v63  }
0x18a: {  	_ = 	snop  }
0x18b: {  	[hbm4b:s5+s3] =	stream.indirect_vreg.scatter [tilespmem:s21], [sflag:$0x1], $0x80, v3, vm0, $0xb8;
	[tilespmem:$0x18100] =	vst v63  }
0x18c: {  	_ = 	snop  }
0x18d: {  	[hbm4b:s10+s3] =	stream.indirect_vreg.scatter [tilespmem:s22], [sflag:$0x1], $0x80, v3, vm0, $0xb8;
	[tilespmem:$0x18100] =	vst v63  }
0x18e: {  	_ = 	snop  }
0x18f: {  	[hbm4b:s11+s3] =	stream.indirect_vreg.scatter [tilespmem:s23], [sflag:$0x1], $0x80, v3, vm0, $0xb8;
	[tilespmem:$0x18100] =	vst v63  }
0x190: {  	v3 =	vld [tilespmem:$0x20];
	_ =	sdelay $0x4  }
0x191: {  	v58 =	vshrl.u32 v3, $0x3  }
0x192: {  	v4 =	vmul.u32 $0x30, v58  }
0x193: {  	v3 =	vand.u32 $0x7, v3  }
0x194: {  	v3 =	vor.u32 v3, v4  }
0x195: {  	v4 =	vperm.xlane v3, v0;
	_ =	sdelay $0x1  }
0x196: {  	v4 =	vadd.s32 v1, v4;
	_ =	sdelay $0x3  }
0x197: {  	v3 =	vperm.xlane v3, v2  }
0x198: {  	[hbm4b:s5+s3] =	stream.indirect_vreg.scatter [tilespmem:s24], [sflag:$0x1], $0x80, v4, vm0, $0xb8;
	[tilespmem:$0x18100] =	vst v63  }
0x199: {  	v3 =	vadd.s32 v1, v3  }
0x19a: {  	[hbm4b:s10+s3] =	stream.indirect_vreg.scatter [tilespmem:s25], [sflag:$0x1], $0x80, v4, vm0, $0xb8;
	[tilespmem:$0x18100] =	vst v63  }
0x19b: {  	_ = 	snop  }
0x19c: {  	[hbm4b:s11+s3] =	stream.indirect_vreg.scatter [tilespmem:s26], [sflag:$0x1], $0x80, v4, vm0, $0xb8;
	[tilespmem:$0x18100] =	vst v63  }
0x19d: {  	_ = 	snop  }
0x19e: {  	[hbm4b:s5+s3] =	stream.indirect_vreg.scatter [tilespmem:s14], [sflag:$0x1], $0x80, v3, vm0, $0xb8;
	[tilespmem:$0x18100] =	vst v63  }
0x19f: {  	s30 =	simm.s32 $0x8100  }
0x1a0: {  	[hbm4b:s10+s3] =	stream.indirect_vreg.scatter [tilespmem:s30], [sflag:$0x1], $0x80, v3, vm0, $0xb8;
	[tilespmem:$0x18100] =	vst v63  }
0x1a1: {  	s20 =	simm.s32 $0x8900  }
0x1a2: {  	[hbm4b:s11+s3] =	stream.indirect_vreg.scatter [tilespmem:s20], [sflag:$0x1], $0x80, v3, vm0, $0xb8;
	[tilespmem:$0x18100] =	vst v63  }
0x1a3: {  	v3 =	vld [tilespmem:$0x30];
	_ =	sdelay $0x4  }
0x1a4: {  	v59 =	vshrl.u32 v3, $0x3  }
0x1a5: {  	v4 =	vmul.u32 $0x30, v59  }
0x1a6: {  	v3 =	vand.u32 $0x7, v3  }
0x1a7: {  	v3 =	vor.u32 v3, v4  }
0x1a8: {  	v4 =	vperm.xlane v3, v0;
	_ =	sdelay $0x1  }
0x1a9: {  	v4 =	vadd.s32 v1, v4;
	_ =	sdelay $0x3  }
0x1aa: {  	s30 =	simm.s32 $0x9100;
	v3 =	vperm.xlane v3, v2  }
0x1ab: {  	[hbm4b:s5+s3] =	stream.indirect_vreg.scatter [tilespmem:s30], [sflag:$0x1], $0x80, v4, vm0, $0xb8;
	[tilespmem:$0x18100] =	vst v63  }
0x1ac: {  	s20 =	simm.s32 $0x9900;
	v3 =	vadd.s32 v1, v3  }
0x1ad: {  	[hbm4b:s10+s3] =	stream.indirect_vreg.scatter [tilespmem:s20], [sflag:$0x1], $0x80, v4, vm0, $0xb8;
	[tilespmem:$0x18100] =	vst v63  }
0x1ae: {  	s30 =	simm.s32 $0xA100  }
0x1af: {  	[hbm4b:s11+s3] =	stream.indirect_vreg.scatter [tilespmem:s30], [sflag:$0x1], $0x80, v4, vm0, $0xb8;
	[tilespmem:$0x18100] =	vst v63  }
0x1b0: {  	s20 =	simm.s32 $0xA900  }
0x1b1: {  	[hbm4b:s5+s3] =	stream.indirect_vreg.scatter [tilespmem:s20], [sflag:$0x1], $0x80, v3, vm0, $0xb8;
	[tilespmem:$0x18100] =	vst v63  }
0x1b2: {  	s30 =	simm.s32 $0xB100  }
0x1b3: {  	[hbm4b:s10+s3] =	stream.indirect_vreg.scatter [tilespmem:s30], [sflag:$0x1], $0x80, v3, vm0, $0xb8;
	[tilespmem:$0x18100] =	vst v63  }
0x1b4: {  	_ = 	snop  }
0x1b5: {  	[hbm4b:s11+s3] =	stream.indirect_vreg.scatter [tilespmem:s1], [sflag:$0x1], $0x80, v3, vm0, $0xb8;
	[tilespmem:$0x18100] =	vst v63  }
0x1b6: {  	_ =	swait.ge [sflag:s29], $0xC000  }
0x1b7: {  	[sflag:s29] =	ssyncset.done $0x0  }
0x1b8: {  	s14 =	rddreg [dreg:$0xc];
	[sflag:s29] =	ssyncadd.s32 $0xFFFF4000  }
0x1b9: {  	[tilespmem:s0], [sflag:$0x3] =	stream.linear.gather [hbm4b:s14+s3], $0xC000, $0x38;
	[tilespmem:$0x18100] =	vst v63  }
0x1ba: {  	_ =	swait.ge [sflag:s13], $0xC000  }
0x1bb: {  	[sflag:s13] =	ssyncset.done $0x0  }
0x1bc: {  	[sflag:s13] =	ssyncadd.s32 $0xFFFF4000  }
0x1bd: {  	v3 =	vld [tilespmem:$0x80];
	_ =	sdelay $0x4  }
0x1be: {  	v60 =	vshrl.u32 v3, $0x3  }
0x1bf: {  	v4 =	vmul.u32 $0x30, v60  }
0x1c0: {  	v3 =	vand.u32 $0x7, v3  }
0x1c1: {  	v3 =	vor.u32 v3, v4  }
0x1c2: {  	v4 =	vperm.xlane v3, v0;
	_ =	sdelay $0x1  }
0x1c3: {  	v4 =	vadd.s32 v1, v4;
	_ =	sdelay $0x3  }
0x1c4: {  	v3 =	vperm.xlane v3, v2  }
0x1c5: {  	[hbm4b:s5+s3] =	stream.indirect_vreg.scatter [tilespmem:s0], [sflag:$0x2], $0x80, v4, vm0, $0xb8;
	[tilespmem:$0x18100] =	vst v63  }
0x1c6: {  	s20 =	simm.s32 $0xC900;
	v3 =	vadd.s32 v1, v3  }
0x1c7: {  	[hbm4b:s10+s3] =	stream.indirect_vreg.scatter [tilespmem:s20], [sflag:$0x2], $0x80, v4, vm0, $0xb8;
	[tilespmem:$0x18100] =	vst v63  }
0x1c8: {  	s30 =	simm.s32 $0xD100  }
0x1c9: {  	[hbm4b:s11+s3] =	stream.indirect_vreg.scatter [tilespmem:s30], [sflag:$0x2], $0x80, v4, vm0, $0xb8;
	[tilespmem:$0x18100] =	vst v63  }
0x1ca: {  	s14 =	simm.s32 $0xD900  }
0x1cb: {  	[hbm4b:s5+s3] =	stream.indirect_vreg.scatter [tilespmem:s14], [sflag:$0x2], $0x80, v3, vm0, $0xb8;
	[tilespmem:$0x18100] =	vst v63  }
0x1cc: {  	s20 =	simm.s32 $0xE100  }
0x1cd: {  	[hbm4b:s10+s3] =	stream.indirect_vreg.scatter [tilespmem:s20], [sflag:$0x2], $0x80, v3, vm0, $0xb8;
	[tilespmem:$0x18100] =	vst v63  }
0x1ce: {  	s30 =	simm.s32 $0xE900  }
0x1cf: {  	[hbm4b:s11+s3] =	stream.indirect_vreg.scatter [tilespmem:s30], [sflag:$0x2], $0x80, v3, vm0, $0xb8;
	[tilespmem:$0x18100] =	vst v63  }
0x1d0: {  	v3 =	vld [tilespmem:$0x90];
	_ =	sdelay $0x4  }
0x1d1: {  	v61 =	vshrl.u32 v3, $0x3  }
0x1d2: {  	v4 =	vmul.u32 $0x30, v61  }
0x1d3: {  	v3 =	vand.u32 $0x7, v3  }
0x1d4: {  	v3 =	vor.u32 v3, v4  }
0x1d5: {  	v4 =	vperm.xlane v3, v0;
	_ =	sdelay $0x1  }
0x1d6: {  	v4 =	vadd.s32 v1, v4;
	_ =	sdelay $0x3  }
0x1d7: {  	s14 =	simm.s32 $0xF100;
	v3 =	vperm.xlane v3, v2  }
0x1d8: {  	[hbm4b:s5+s3] =	stream.indirect_vreg.scatter [tilespmem:s14], [sflag:$0x2], $0x80, v4, vm0, $0xb8;
	[tilespmem:$0x18100] =	vst v63  }
0x1d9: {  	s20 =	simm.s32 $0xF900;
	v3 =	vadd.s32 v1, v3  }
0x1da: {  	[hbm4b:s10+s3] =	stream.indirect_vreg.scatter [tilespmem:s20], [sflag:$0x2], $0x80, v4, vm0, $0xb8;
	[tilespmem:$0x18100] =	vst v63  }
0x1db: {  	s30 =	simm.s32 $0x10100  }
0x1dc: {  	[hbm4b:s11+s3] =	stream.indirect_vreg.scatter [tilespmem:s30], [sflag:$0x2], $0x80, v4, vm0, $0xb8;
	[tilespmem:$0x18100] =	vst v63  }
0x1dd: {  	s14 =	simm.s32 $0x10900  }
0x1de: {  	[hbm4b:s5+s3] =	stream.indirect_vreg.scatter [tilespmem:s14], [sflag:$0x2], $0x80, v3, vm0, $0xb8;
	[tilespmem:$0x18100] =	vst v63  }
0x1df: {  	s20 =	simm.s32 $0x11100  }
0x1e0: {  	[hbm4b:s10+s3] =	stream.indirect_vreg.scatter [tilespmem:s20], [sflag:$0x2], $0x80, v3, vm0, $0xb8;
	[tilespmem:$0x18100] =	vst v63  }
0x1e1: {  	s30 =	simm.s32 $0x11900  }
0x1e2: {  	[hbm4b:s11+s3] =	stream.indirect_vreg.scatter [tilespmem:s30], [sflag:$0x2], $0x80, v3, vm0, $0xb8;
	[tilespmem:$0x18100] =	vst v63  }
0x1e3: {  	v3 =	vld [tilespmem:$0xA0];
	_ =	sdelay $0x4  }
0x1e4: {  	v62 =	vshrl.u32 v3, $0x3  }
0x1e5: {  	v4 =	vmul.u32 $0x30, v62  }
0x1e6: {  	v3 =	vand.u32 $0x7, v3  }
0x1e7: {  	v3 =	vor.u32 v3, v4  }
0x1e8: {  	v4 =	vperm.xlane v3, v0;
	_ =	sdelay $0x1  }
0x1e9: {  	v4 =	vadd.s32 v1, v4;
	_ =	sdelay $0x3  }
0x1ea: {  	s14 =	simm.s32 $0x12100;
	v3 =	vperm.xlane v3, v2  }
0x1eb: {  	[hbm4b:s5+s3] =	stream.indirect_vreg.scatter [tilespmem:s14], [sflag:$0x2], $0x80, v4, vm0, $0xb8;
	[tilespmem:$0x18100] =	vst v63  }
0x1ec: {  	s20 =	simm.s32 $0x12900;
	v3 =	vadd.s32 v1, v3  }
0x1ed: {  	[hbm4b:s10+s3] =	stream.indirect_vreg.scatter [tilespmem:s20], [sflag:$0x2], $0x80, v4, vm0, $0xb8;
	[tilespmem:$0x18100] =	vst v63  }
0x1ee: {  	s30 =	simm.s32 $0x13100  }
0x1ef: {  	[hbm4b:s11+s3] =	stream.indirect_vreg.scatter [tilespmem:s30], [sflag:$0x2], $0x80, v4, vm0, $0xb8;
	[tilespmem:$0x18100] =	vst v63  }
0x1f0: {  	s14 =	simm.s32 $0x13900  }
0x1f1: {  	[hbm4b:s5+s3] =	stream.indirect_vreg.scatter [tilespmem:s14], [sflag:$0x2], $0x80, v3, vm0, $0xb8;
	[tilespmem:$0x18100] =	vst v63  }
0x1f2: {  	s20 =	simm.s32 $0x14100  }
0x1f3: {  	[hbm4b:s10+s3] =	stream.indirect_vreg.scatter [tilespmem:s20], [sflag:$0x2], $0x80, v3, vm0, $0xb8;
	[tilespmem:$0x18100] =	vst v63  }
0x1f4: {  	s30 =	simm.s32 $0x14900  }
0x1f5: {  	[hbm4b:s11+s3] =	stream.indirect_vreg.scatter [tilespmem:s30], [sflag:$0x2], $0x80, v3, vm0, $0xb8;
	[tilespmem:$0x18100] =	vst v63  }
0x1f6: {  	v3 =	vld [tilespmem:$0xB0];
	_ =	sdelay $0x4  }
0x1f7: {  	v63 =	vshrl.u32 v3, $0x3  }
0x1f8: {  	v4 =	vmul.u32 $0x30, v63  }
0x1f9: {  	v3 =	vand.u32 $0x7, v3  }
0x1fa: {  	v3 =	vor.u32 v3, v4  }
0x1fb: {  	v4 =	vperm.xlane v3, v0;
	_ =	sdelay $0x1  }
0x1fc: {  	v4 =	vadd.s32 v1, v4;
	_ =	sdelay $0x3  }
0x1fd: {  	s14 =	simm.s32 $0x15100;
	v3 =	vperm.xlane v3, v2  }
0x1fe: {  	[hbm4b:s5+s3] =	stream.indirect_vreg.scatter [tilespmem:s14], [sflag:$0x2], $0x80, v4, vm0, $0xb8;
	[tilespmem:$0x18100] =	vst v63  }
0x1ff: {  	s20 =	simm.s32 $0x15900;
	v3 =	vadd.s32 v1, v3  }
0x200: {  	[hbm4b:s10+s3] =	stream.indirect_vreg.scatter [tilespmem:s20], [sflag:$0x2], $0x80, v4, vm0, $0xb8;
	[tilespmem:$0x18100] =	vst v63  }
0x201: {  	s30 =	simm.s32 $0x16100  }
0x202: {  	[hbm4b:s11+s3] =	stream.indirect_vreg.scatter [tilespmem:s30], [sflag:$0x2], $0x80, v4, vm0, $0xb8;
	[tilespmem:$0x18100] =	vst v63  }
0x203: {  	s14 =	simm.s32 $0x16900  }
0x204: {  	[hbm4b:s5+s3] =	stream.indirect_vreg.scatter [tilespmem:s14], [sflag:$0x2], $0x80, v3, vm0, $0xb8;
	[tilespmem:$0x18100] =	vst v63  }
0x205: {  	s20 =	simm.s32 $0x17100  }
0x206: {  	[hbm4b:s10+s3] =	stream.indirect_vreg.scatter [tilespmem:s20], [sflag:$0x2], $0x80, v3, vm0, $0xb8;
	[tilespmem:$0x18100] =	vst v63  }
0x207: {  	s30 =	simm.s32 $0x17900  }
0x208: {  	[hbm4b:s11+s3] =	stream.indirect_vreg.scatter [tilespmem:s30], [sflag:$0x2], $0x80, v3, vm0, $0xb8;
	[tilespmem:$0x18100] =	vst v63  }
0x209: {  	p0 =	sne.s32 s12, $0x1;
	_ =	swait.ge [sflag:s28], $0xC000  }
.Ltmp0:
0x20a: {  	[sflag:s28] =	ssyncset.done $0x0;
	(pc) =	sbr.rel @p0 .LBB2_1-.Ltmp0, $4  }
0x20b: {  	[sflag:s28] =	ssyncadd.s32 $0xFFFF4000  }
0x20c: {  	_ =	swait.ge [sflag:s29], $0xC000  }
0x20d: {  	[sflag:s29] =	ssyncset.done $0x0  }
0x20e: {  	s12 =	sadd.s32 $0xFFFFFFFF, s12;
	[sflag:s29] =	ssyncadd.s32 $0xFFFF4000  }
0x20f: {  	_ =	sfence.sel $0x180000  }
0x210: {  	[bflag:$0x0] =	sbarrier.arrive $0xFFFF  }
0x211: {  	_ =	strace $0x9000004A  }
0x212: {  	s0 =	stileid.u32;
	[bflag:$0x2] =	sbarrier.arrive $0xFFFF  }
0x213: {  	p0 =	sne.s32 s0, $0x0;
	s0 =	rddreg [dreg:$0x5]  }
0x214: {  	s0 =	sadd.s32 @!p0 $0x100000, s0  }
0x215: {  	[sflag:s0] =	ssyncadd.tile.s32 @!p0 $0x1;
	_ =	shalt  }
.Lfunc_end2:
_tile_overlayer_lowered:
.L_overlay_start_2:
0x216: {  	(tag) =	ssettag $0x2  }
0x217: {  	s0 =	rddreg [dreg:$0x0];
	s2 =	stileid.u32  }
0x218: {  	s1 =	rddreg [dreg:$0x1];
	p0 =	sne.s32 s2, $0x0  }
0x219: {  	s3 =	rddreg [dreg:$0x2];
	[bflag:$0x3] =	sbarrier.arrive $0xFFFF;
	s2 =	simm.s32 @!p0 $0x1C03  }
0x21a: {  	[timem:s3], [sflag:s2] =	dma.local @!p0 [hbm:s0], s1  }
0x21b: {  	s0 =	simm.s32 @!p0 $0x3  }
0x21c: {  	_ =	swait.ge @!p0 [sflag:s0], s1  }
0x21d: {  	s1 =	ssub.s32 @!p0 $0x0, s1;
	[sflag:s0] =	ssyncset.done @!p0 $0x0  }
0x21e: {  	[sflag:s0] =	ssyncadd.s32 @!p0 s1  }
0x21f: {  	[bflag:$0x3] =	sbarrier.arrive $0xFFFF  }
0x220: {  	_ =	shalt  }

</sc_bundles>
